<compile_context>
chip_gen: v7x
topology: tpu7x:2x2x1
jax: 0.10.2.dev20260603
libtpu: 0.0.44.dev20260713+nightly
codegen_flags: <defaults>
</compile_context>

<pallas_src>
import functools

import jax
import jax.numpy as jnp
from jax import lax
from jax.experimental import pallas as pl
from jax.experimental.pallas import tpu as pltpu
from jax.experimental.pallas import tpu_sc as plsc

N = 10000
P = 10240
D = 128
H1 = 128
H2 = 64
E = 320000
NC = 2
NS = 16
NW = NC * NS
CH = 128
NCHUNK = 80
E_PAD = NW * NCHUNK * CH
RPT = P // NS
DEG_W = 16

_MESH = plsc.VectorSubcoreMesh(
    core_axis_name="c", subcore_axis_name="s", num_cores=NC, num_subcores=NS)
@functools.partial(
    pl.kernel,
    out_type=jax.ShapeDtypeStruct((NC, P, DEG_W), jnp.float32),
    mesh=_MESH,
    scratch_types=[
        pltpu.VMEM((5, NCHUNK // 5, CH), jnp.int32),
        pltpu.VMEM((CH, DEG_W), jnp.float32),
        pltpu.VMEM((16, DEG_W), jnp.float32),
        pltpu.VMEM_SHARED((P, DEG_W), jnp.float32),
        pltpu.SemaphoreType.DMA,
    ],
)
def _deg_kernel(dst_hbm, deg_out, dst_v, ones_v, z_v, deg_sh, sem):
    c = lax.axis_index("c")
    s = lax.axis_index("s")
    wid = c * NS + s
    J = NCHUNK // 5
    zv = jnp.zeros((16,), jnp.float32)
    for r in range(16):
        z_v[r, :] = zv
    lane = lax.iota(jnp.int32, 16)
    onev = jnp.where(lane == 0, 1.0, 0.0).astype(jnp.float32)
    for r in range(CH):
        ones_v[r, :] = onev
    base = s * RPT
    def zero_body(t, carry):
        pltpu.sync_copy(z_v, deg_sh.at[pl.ds(base + 16 * t, 16)])
        return carry
    lax.fori_loop(0, RPT // 16, zero_body, 0)
    for g in range(5):
        pltpu.async_copy(dst_hbm.at[wid, pl.ds(g * J, J)], dst_v.at[g],
                         sem).wait()
    plsc.subcore_barrier()
    def body(g, carry):
        def inner(j, carry2):
            pltpu.sync_copy(ones_v, deg_sh.at[dst_v.at[g, j]], add=True)
            return carry2
        lax.fori_loop(0, J, inner, 0)
        return carry
    lax.fori_loop(0, 5, body, 0)
    plsc.subcore_barrier()
    pltpu.sync_copy(deg_sh.at[pl.ds(base, RPT)], deg_out.at[c, pl.ds(base, RPT)])


G = 16
NGRP = NCHUNK // G


@functools.partial(
    pl.kernel,
    out_type=jax.ShapeDtypeStruct((NC, P, D), jnp.float32),
    mesh=_MESH,
    scratch_types=[
        pltpu.VMEM((2, G, CH), jnp.int32),
        pltpu.VMEM((2, G, CH), jnp.int32),
        pltpu.VMEM((2, CH, D), jnp.float32),
        pltpu.VMEM((16, D), jnp.float32),
        pltpu.VMEM_SHARED((P, D), jnp.float32),
        pltpu.SemaphoreType.DMA,
        pltpu.SemaphoreType.DMA,
        pltpu.SemaphoreType.DMA((2,)),
        pltpu.SemaphoreType.DMA,
    ],
)
def _scatter_kernel(y_hbm, src_hbm, dst_hbm, acc_out,
                    src_v, dst_v, rows_v, z_v, acc_sh, isem_a, isem_b, gsem,
                    zsem):
    c = lax.axis_index("c")
    s = lax.axis_index("s")
    wid = c * NS + s
    zv = jnp.zeros((16,), jnp.float32)
    for r in range(16):
        for k in range(D // 16):
            z_v[r, pl.ds(16 * k, 16)] = zv
    base = s * RPT
    def zero_body(t, carry):
        pltpu.sync_copy(z_v, acc_sh.at[pl.ds(base + 16 * t, 16)])
        return carry
    lax.fori_loop(0, RPT // 16, zero_body, 0)
    pltpu.async_copy(src_hbm.at[wid, pl.ds(0, G)], src_v.at[0], isem_a).wait()
    pltpu.async_copy(dst_hbm.at[wid, pl.ds(0, G)], dst_v.at[0], isem_b).wait()
    plsc.subcore_barrier()

    def group(g, carry):
        gp = lax.rem(g, 2)
        gq = 1 - gp
        @pl.when(g + 1 < NGRP)
        def _():
            pltpu.async_copy(src_hbm.at[wid, pl.ds((g + 1) * G, G)],
                             src_v.at[gq], isem_a)
            pltpu.async_copy(dst_hbm.at[wid, pl.ds((g + 1) * G, G)],
                             dst_v.at[gq], isem_b)
        pltpu.async_copy(y_hbm.at[src_v.at[gp, 0]], rows_v.at[0], gsem.at[0])
        def body(j, carry2):
            p = lax.rem(j, 2)
            q = 1 - p
            @pl.when(j + 1 < G)
            def _():
                pltpu.async_copy(y_hbm.at[src_v.at[gp, j + 1]], rows_v.at[q],
                                 gsem.at[q])
            pltpu.make_async_copy(y_hbm.at[src_v.at[gp, j]], rows_v.at[p],
                                  gsem.at[p]).wait()
            pltpu.sync_copy(rows_v.at[p], acc_sh.at[dst_v.at[gp, j]], add=True)
            return carry2
        lax.fori_loop(0, G, body, 0)
        @pl.when(g + 1 < NGRP)
        def _():
            pltpu.make_async_copy(src_hbm.at[wid, pl.ds((g + 1) * G, G)],
                                  src_v.at[gq], isem_a).wait()
            pltpu.make_async_copy(dst_hbm.at[wid, pl.ds((g + 1) * G, G)],
                                  dst_v.at[gq], isem_b).wait()
        return carry
    lax.fori_loop(0, NGRP, group, 0)
    plsc.subcore_barrier()
    pltpu.sync_copy(acc_sh.at[pl.ds(base, RPT)], acc_out.at[c, pl.ds(base, RPT)])


_BLK = 2000


def _xw_body(x_ref, w_ref, deg_ref, y_ref, dinv_ref):
    deg = deg_ref[0, :, 0:1] + deg_ref[1, :, 0:1] + 1.0
    dinv = lax.rsqrt(deg)
    xw = jnp.dot(x_ref[...], w_ref[...], preferred_element_type=jnp.float32)
    y_ref[...] = xw * dinv
    dinv_ref[...] = dinv


def _xw_call(x, w, deg_parts):
    return pl.pallas_call(
        _xw_body,
        grid=(N // _BLK,),
        in_specs=[
            pl.BlockSpec((_BLK, D), lambda r: (r, 0)),
            pl.BlockSpec((D, D), lambda r: (0, 0)),
            pl.BlockSpec((NC, _BLK, DEG_W), lambda r: (0, r, 0)),
        ],
        out_specs=[
            pl.BlockSpec((_BLK, D), lambda r: (r, 0)),
            pl.BlockSpec((_BLK, 1), lambda r: (r, 0)),
        ],
        out_shape=[
            jax.ShapeDtypeStruct((N, D), jnp.float32),
            jax.ShapeDtypeStruct((N, 1), jnp.float32),
        ],
    )(x, w, deg_parts)


def _head_body(acc_ref, y_ref, dinv_ref, bconv_ref,
               w1_ref, b1_ref, w2_ref, b2_ref, w3_ref, b3_ref,
               out_ref, hacc):
    r = pl.program_id(0)
    @pl.when(r == 0)
    def _():
        hacc[...] = jnp.zeros_like(hacc)
    rows = (acc_ref[0] + acc_ref[1] + y_ref[...]) * dinv_ref[...]
    rows = jnp.maximum(rows + bconv_ref[...], 0.0)
    psum = jnp.sum(rows, axis=0, keepdims=True)
    hacc[...] += jnp.broadcast_to(psum, (8, D))
    @pl.when(r == N // _BLK - 1)
    def _():
        h = hacc[...]
        h1 = jnp.maximum(
            jnp.dot(h, w1_ref[...], preferred_element_type=jnp.float32)
            + b1_ref[...], 0.0)
        h2 = jnp.maximum(
            jnp.dot(h1, w2_ref[...], preferred_element_type=jnp.float32)
            + b2_ref[...], 0.0)
        h3 = jnp.dot(h2, w3_ref[...], preferred_element_type=jnp.float32)
        out_ref[...] = h3[0:1, :] + b3_ref[...]


def _head_call(acc_parts, y, dinv, b_conv, W1, b1, W2, b2, W3, b3):
    return pl.pallas_call(
        _head_body,
        grid=(N // _BLK,),
        in_specs=[
            pl.BlockSpec((NC, _BLK, D), lambda r: (0, r, 0)),
            pl.BlockSpec((_BLK, D), lambda r: (r, 0)),
            pl.BlockSpec((_BLK, 1), lambda r: (r, 0)),
            pl.BlockSpec((1, D), lambda r: (0, 0)),
            pl.BlockSpec((H1, H1), lambda r: (0, 0)),
            pl.BlockSpec((1, H1), lambda r: (0, 0)),
            pl.BlockSpec((H1, H2), lambda r: (0, 0)),
            pl.BlockSpec((1, H2), lambda r: (0, 0)),
            pl.BlockSpec((H2, 1), lambda r: (0, 0)),
            pl.BlockSpec((1, 1), lambda r: (0, 0)),
        ],
        out_specs=pl.BlockSpec((1, 1), lambda r: (0, 0)),
        out_shape=jax.ShapeDtypeStruct((1, 1), jnp.float32),
        scratch_shapes=[pltpu.VMEM((8, D), jnp.float32)],
    )(acc_parts, y, dinv, b_conv, W1, b1, W2, b2, W3, b3)


def kernel(x, edge_index, W_conv, b_conv, W1, b1, W2, b2, W3, b3):
    ei = edge_index.astype(jnp.int32)
    pad = E_PAD - E
    ar = jnp.arange(pad, dtype=jnp.int32)
    pad_src = (ar * 97) % N
    pad_dst = N + ar % (P - N)
    src = jnp.concatenate([ei[0], pad_src]).reshape(NW, NCHUNK, CH)
    dst = jnp.concatenate([ei[1], pad_dst]).reshape(NW, NCHUNK, CH)

    deg_parts = _deg_kernel(dst)
    y, dinv = _xw_call(x, W_conv, deg_parts)
    acc_parts = _scatter_kernel(y, src, dst)
    out = _head_call(acc_parts, y, dinv,
                     b_conv.reshape(1, D), W1, b1.reshape(1, H1),
                     W2, b2.reshape(1, H2), W3, b3.reshape(1, 1))
    return out.reshape(1)

# --- scband reference (transcript-rebuilt; emitter-appended) ---
"""Pipeline reference for scband-critic-network-35167192219768 (READ-ONLY COPY).

The authoritative reference and input builder live on the scoring server;
editing this copy changes nothing except your own understanding.
"""

import jax, jax.numpy as jnp
import numpy as np

N_NODES = 10000
D_FEAT = 128
H1 = 128
H2 = 64
N_EDGES = 320000


def setup_inputs(seed: int = 0) -> dict:
    key = jax.random.key(seed)
    ks = jax.random.split(key, 10)
    x = jax.random.normal(ks[0], (N_NODES, D_FEAT), dtype=jnp.float32)
    edge_index = jax.random.randint(ks[1], (2, N_EDGES), 0, N_NODES, dtype=jnp.int64)
    # GCNConv params (glorot-style scale)
    W_conv = jax.random.normal(ks[2], (D_FEAT, H1), dtype=jnp.float32) * (1.0 / np.sqrt(D_FEAT))
    b_conv = jnp.zeros((H1,), dtype=jnp.float32)
    # Linear layers stored as [in, out]
    W1 = jax.random.normal(ks[3], (H1, H1), dtype=jnp.float32) * (1.0 / np.sqrt(H1))
    b1 = jax.random.normal(ks[4], (H1,), dtype=jnp.float32) * 0.01
    W2 = jax.random.normal(ks[5], (H1, H2), dtype=jnp.float32) * (1.0 / np.sqrt(H1))
    b2 = jax.random.normal(ks[6], (H2,), dtype=jnp.float32) * 0.01
    W3 = jax.random.normal(ks[7], (H2, 1), dtype=jnp.float32) * (1.0 / np.sqrt(H2))
    b3 = jax.random.normal(ks[8], (1,), dtype=jnp.float32) * 0.01
    return {"x": x, "edge_index": edge_index, "W_conv": W_conv, "b_conv": b_conv,
            "W1": W1, "b1": b1, "W2": W2, "b2": b2, "W3": W3, "b3": b3}


def _gcn_conv(x, edge_index, W, b):
    n = x.shape[0]
    # add self loops (PyG GCNConv default)
    loop = jnp.arange(n, dtype=edge_index.dtype)
    src = jnp.concatenate([edge_index[0], loop])
    dst = jnp.concatenate([edge_index[1], loop])
    deg = jnp.zeros((n,), dtype=x.dtype).at[dst].add(1.0)
    deg_inv_sqrt = jnp.where(deg > 0, deg ** -0.5, 0.0)
    norm = deg_inv_sqrt[src] * deg_inv_sqrt[dst]
    xw = x @ W
    msg = xw[src] * norm[:, None]
    out = jnp.zeros((n, W.shape[1]), dtype=x.dtype).at[dst].add(msg)
    return out + b


def reference(x, edge_index, W_conv, b_conv, W1, b1, W2, b2, W3, b3):
    out = jax.nn.relu(_gcn_conv(x, edge_index, W_conv, b_conv))
    h = jnp.sum(out, axis=0)
    h = jax.nn.relu(h @ W1 + b1)
    h = jax.nn.relu(h @ W2 + b2)
    h = h @ W3 + b3
    return h

if __name__ == "__main__":
    import jax
    _d = setup_inputs()
    print(jax.jit(kernel)(*tuple(_d.values())))

</pallas_src>

<mosaic_0001>
#map = affine_map<(d0, d1) -> (0, 0)>
#map1 = affine_map<(d0, d1) -> (0, 0, 0)>
module attributes {stable_mosaic.version = 14 : i64} {
  func.func @_scatter_kernel(%arg0: i32, %arg1: i32, %arg2: memref<10000x128xf32, #tpu.memory_space<hbm>>, %arg3: memref<32x80x128xi32, #tpu.memory_space<hbm>>, %arg4: memref<32x80x128xi32, #tpu.memory_space<hbm>>, %arg5: memref<2x10240x128xf32, #tpu.memory_space<hbm>>, %arg6: memref<2x16x128xi32, #tpu.memory_space<vmem>>, %arg7: memref<2x16x128xi32, #tpu.memory_space<vmem>>, %arg8: memref<2x128x128xf32, #tpu.memory_space<vmem>>, %arg9: memref<16x128xf32, #tpu.memory_space<vmem>>, %arg10: memref<10240x128xf32, #tpu.memory_space<vmem_shared>>, %arg11: memref<!tpu.dma_semaphore, #tpu.memory_space<semaphore_mem>>, %arg12: memref<!tpu.dma_semaphore, #tpu.memory_space<semaphore_mem>>, %arg13: memref<2x!tpu.dma_semaphore, #tpu.memory_space<semaphore_mem>>, %arg14: memref<!tpu.dma_semaphore, #tpu.memory_space<semaphore_mem>>) attributes {dimension_semantics = [#tpu.dimension_semantics<core_parallel>, #tpu.dimension_semantics<subcore_parallel>], iteration_bounds = array<i64: 2, 16>, scalar_prefetch = 0 : i64, scratch_operands = 9 : i64, tpu.core_type = #tpu.core_type<sc_vector_subcore>, window_params = [{transform_indices = #map}, {transform_indices = #map1}, {transform_indices = #map1}, {transform_indices = #map1}]} {
    %mul3A = arith.constant 16 : i32
    %mul3A_0 = arith.muli %arg0, %mul3A : i32
    %add3A = arith.addi %mul3A_0, %arg1 : i32
    %broadcast_in_dim3A = arith.constant 0.000000e+00 : f32
    %broadcast_in_dim3A_1 = vector.broadcast %broadcast_in_dim3A : f32 to vector<16xf32>
    %swap3A = arith.constant 0 : i32
    %swap3A_2 = arith.index_cast %swap3A : i32 to index
    %swap3A_3 = arith.constant 0 : index
    %swap3A_4 = tpu.vector_load %arg9[%swap3A_2, %swap3A_3] {strides = array<i32>} : memref<16x128xf32, #tpu.memory_space<vmem>>, vector<1x16xf32>,
    %swap3A_5 = vector.shape_cast %swap3A_4 : vector<1x16xf32> to vector<16xf32>
    %swap3A_6 = vector.shape_cast %broadcast_in_dim3A_1 : vector<16xf32> to vector<1x16xf32>
    tpu.vector_store %arg9[%swap3A_2, %swap3A_3], %swap3A_6 {strides = array<i32>} : memref<16x128xf32, #tpu.memory_space<vmem>>, vector<1x16xf32>,
    %swap3A_7 = arith.constant 0 : i32
    %swap3A_8 = arith.index_cast %swap3A_7 : i32 to index
    %swap3A_9 = arith.constant 16 : index
    %swap3A_10 = tpu.vector_load %arg9[%swap3A_8, %swap3A_9] {strides = array<i32>} : memref<16x128xf32, #tpu.memory_space<vmem>>, vector<1x16xf32>,
    %swap3A_11 = vector.shape_cast %swap3A_10 : vector<1x16xf32> to vector<16xf32>
    %swap3A_12 = vector.shape_cast %broadcast_in_dim3A_1 : vector<16xf32> to vector<1x16xf32>
    tpu.vector_store %arg9[%swap3A_8, %swap3A_9], %swap3A_12 {strides = array<i32>} : memref<16x128xf32, #tpu.memory_space<vmem>>, vector<1x16xf32>,
    %swap3A_13 = arith.constant 0 : i32
    %swap3A_14 = arith.index_cast %swap3A_13 : i32 to index
    %swap3A_15 = arith.constant 32 : index
    %swap3A_16 = tpu.vector_load %arg9[%swap3A_14, %swap3A_15] {strides = array<i32>} : memref<16x128xf32, #tpu.memory_space<vmem>>, vector<1x16xf32>,
    %swap3A_17 = vector.shape_cast %swap3A_16 : vector<1x16xf32> to vector<16xf32>
    %swap3A_18 = vector.shape_cast %broadcast_in_dim3A_1 : vector<16xf32> to vector<1x16xf32>
    tpu.vector_store %arg9[%swap3A_14, %swap3A_15], %swap3A_18 {strides = array<i32>} : memref<16x128xf32, #tpu.memory_space<vmem>>, vector<1x16xf32>,
    %swap3A_19 = arith.constant 0 : i32
    %swap3A_20 = arith.index_cast %swap3A_19 : i32 to index
    %swap3A_21 = arith.constant 48 : index
    %swap3A_22 = tpu.vector_load %arg9[%swap3A_20, %swap3A_21] {strides = array<i32>} : memref<16x128xf32, #tpu.memory_space<vmem>>, vector<1x16xf32>,
    %swap3A_23 = vector.shape_cast %swap3A_22 : vector<1x16xf32> to vector<16xf32>
    %swap3A_24 = vector.shape_cast %broadcast_in_dim3A_1 : vector<16xf32> to vector<1x16xf32>
    tpu.vector_store %arg9[%swap3A_20, %swap3A_21], %swap3A_24 {strides = array<i32>} : memref<16x128xf32, #tpu.memory_space<vmem>>, vector<1x16xf32>,
    %swap3A_25 = arith.constant 0 : i32
    %swap3A_26 = arith.index_cast %swap3A_25 : i32 to index
    %swap3A_27 = arith.constant 64 : index
    %swap3A_28 = tpu.vector_load %arg9[%swap3A_26, %swap3A_27] {strides = array<i32>} : memref<16x128xf32, #tpu.memory_space<vmem>>, vector<1x16xf32>,
    %swap3A_29 = vector.shape_cast %swap3A_28 : vector<1x16xf32> to vector<16xf32>
    %swap3A_30 = vector.shape_cast %broadcast_in_dim3A_1 : vector<16xf32> to vector<1x16xf32>
    tpu.vector_store %arg9[%swap3A_26, %swap3A_27], %swap3A_30 {strides = array<i32>} : memref<16x128xf32, #tpu.memory_space<vmem>>, vector<1x16xf32>,
    %swap3A_31 = arith.constant 0 : i32
    %swap3A_32 = arith.index_cast %swap3A_31 : i32 to index
    %swap3A_33 = arith.constant 80 : index
    %swap3A_34 = tpu.vector_load %arg9[%swap3A_32, %swap3A_33] {strides = array<i32>} : memref<16x128xf32, #tpu.memory_space<vmem>>, vector<1x16xf32>,
    %swap3A_35 = vector.shape_cast %swap3A_34 : vector<1x16xf32> to vector<16xf32>
    %swap3A_36 = vector.shape_cast %broadcast_in_dim3A_1 : vector<16xf32> to vector<1x16xf32>
    tpu.vector_store %arg9[%swap3A_32, %swap3A_33], %swap3A_36 {strides = array<i32>} : memref<16x128xf32, #tpu.memory_space<vmem>>, vector<1x16xf32>,
    %swap3A_37 = arith.constant 0 : i32
    %swap3A_38 = arith.index_cast %swap3A_37 : i32 to index
    %swap3A_39 = arith.constant 96 : index
    %swap3A_40 = tpu.vector_load %arg9[%swap3A_38, %swap3A_39] {strides = array<i32>} : memref<16x128xf32, #tpu.memory_space<vmem>>, vector<1x16xf32>,
    %swap3A_41 = vector.shape_cast %swap3A_40 : vector<1x16xf32> to vector<16xf32>
    %swap3A_42 = vector.shape_cast %broadcast_in_dim3A_1 : vector<16xf32> to vector<1x16xf32>
    tpu.vector_store %arg9[%swap3A_38, %swap3A_39], %swap3A_42 {strides = array<i32>} : memref<16x128xf32, #tpu.memory_space<vmem>>, vector<1x16xf32>,
    %swap3A_43 = arith.constant 0 : i32
    %swap3A_44 = arith.index_cast %swap3A_43 : i32 to index
    %swap3A_45 = arith.constant 112 : index
    %swap3A_46 = tpu.vector_load %arg9[%swap3A_44, %swap3A_45] {strides = array<i32>} : memref<16x128xf32, #tpu.memory_space<vmem>>, vector<1x16xf32>,
    %swap3A_47 = vector.shape_cast %swap3A_46 : vector<1x16xf32> to vector<16xf32>
    %swap3A_48 = vector.shape_cast %broadcast_in_dim3A_1 : vector<16xf32> to vector<1x16xf32>
    tpu.vector_store %arg9[%swap3A_44, %swap3A_45], %swap3A_48 {strides = array<i32>} : memref<16x128xf32, #tpu.memory_space<vmem>>, vector<1x16xf32>,
    %swap3A_49 = arith.constant 1 : i32
    %swap3A_50 = arith.index_cast %swap3A_49 : i32 to index
    %swap3A_51 = arith.constant 0 : index
    %swap3A_52 = tpu.vector_load %arg9[%swap3A_50, %swap3A_51] {strides = array<i32>} : memref<16x128xf32, #tpu.memory_space<vmem>>, vector<1x16xf32>,
    %swap3A_53 = vector.shape_cast %swap3A_52 : vector<1x16xf32> to vector<16xf32>
    %swap3A_54 = vector.shape_cast %broadcast_in_dim3A_1 : vector<16xf32> to vector<1x16xf32>
    tpu.vector_store %arg9[%swap3A_50, %swap3A_51], %swap3A_54 {strides = array<i32>} : memref<16x128xf32, #tpu.memory_space<vmem>>, vector<1x16xf32>,
    %swap3A_55 = arith.constant 1 : i32
    %swap3A_56 = arith.index_cast %swap3A_55 : i32 to index
    %swap3A_57 = arith.constant 16 : index
    %swap3A_58 = tpu.vector_load %arg9[%swap3A_56, %swap3A_57] {strides = array<i32>} : memref<16x128xf32, #tpu.memory_space<vmem>>, vector<1x16xf32>,
    %swap3A_59 = vector.shape_cast %swap3A_58 : vector<1x16xf32> to vector<16xf32>
    %swap3A_60 = vector.shape_cast %broadcast_in_dim3A_1 : vector<16xf32> to vector<1x16xf32>
    tpu.vector_store %arg9[%swap3A_56, %swap3A_57], %swap3A_60 {strides = array<i32>} : memref<16x128xf32, #tpu.memory_space<vmem>>, vector<1x16xf32>,
    %swap3A_61 = arith.constant 1 : i32
    %swap3A_62 = arith.index_cast %swap3A_61 : i32 to index
    %swap3A_63 = arith.constant 32 : index
    %swap3A_64 = tpu.vector_load %arg9[%swap3A_62, %swap3A_63] {strides = array<i32>} : memref<16x128xf32, #tpu.memory_space<vmem>>, vector<1x16xf32>,
    %swap3A_65 = vector.shape_cast %swap3A_64 : vector<1x16xf32> to vector<16xf32>
    %swap3A_66 = vector.shape_cast %broadcast_in_dim3A_1 : vector<16xf32> to vector<1x16xf32>
    tpu.vector_store %arg9[%swap3A_62, %swap3A_63], %swap3A_66 {strides = array<i32>} : memref<16x128xf32, #tpu.memory_space<vmem>>, vector<1x16xf32>,
    %swap3A_67 = arith.constant 1 : i32
    %swap3A_68 = arith.index_cast %swap3A_67 : i32 to index
    %swap3A_69 = arith.constant 48 : index
    %swap3A_70 = tpu.vector_load %arg9[%swap3A_68, %swap3A_69] {strides = array<i32>} : memref<16x128xf32, #tpu.memory_space<vmem>>, vector<1x16xf32>,
    %swap3A_71 = vector.shape_cast %swap3A_70 : vector<1x16xf32> to vector<16xf32>
    %swap3A_72 = vector.shape_cast %broadcast_in_dim3A_1 : vector<16xf32> to vector<1x16xf32>
    tpu.vector_store %arg9[%swap3A_68, %swap3A_69], %swap3A_72 {strides = array<i32>} : memref<16x128xf32, #tpu.memory_space<vmem>>, vector<1x16xf32>,
    %swap3A_73 = arith.constant 1 : i32
    %swap3A_74 = arith.index_cast %swap3A_73 : i32 to index
    %swap3A_75 = arith.constant 64 : index
    %swap3A_76 = tpu.vector_load %arg9[%swap3A_74, %swap3A_75] {strides = array<i32>} : memref<16x128xf32, #tpu.memory_space<vmem>>, vector<1x16xf32>,
    %swap3A_77 = vector.shape_cast %swap3A_76 : vector<1x16xf32> to vector<16xf32>
    %swap3A_78 = vector.shape_cast %broadcast_in_dim3A_1 : vector<16xf32> to vector<1x16xf32>
    tpu.vector_store %arg9[%swap3A_74, %swap3A_75], %swap3A_78 {strides = array<i32>} : memref<16x128xf32, #tpu.memory_space<vmem>>, vector<1x16xf32>,
    %swap3A_79 = arith.constant 1 : i32
    %swap3A_80 = arith.index_cast %swap3A_79 : i32 to index
    %swap3A_81 = arith.constant 80 : index
    %swap3A_82 = tpu.vector_load %arg9[%swap3A_80, %swap3A_81] {strides = array<i32>} : memref<16x128xf32, #tpu.memory_space<vmem>>, vector<1x16xf32>,
    %swap3A_83 = vector.shape_cast %swap3A_82 : vector<1x16xf32> to vector<16xf32>
    %swap3A_84 = vector.shape_cast %broadcast_in_dim3A_1 : vector<16xf32> to vector<1x16xf32>
    tpu.vector_store %arg9[%swap3A_80, %swap3A_81], %swap3A_84 {strides = array<i32>} : memref<16x128xf32, #tpu.memory_space<vmem>>, vector<1x16xf32>,
    %swap3A_85 = arith.constant 1 : i32
    %swap3A_86 = arith.index_cast %swap3A_85 : i32 to index
    %swap3A_87 = arith.constant 96 : index
    %swap3A_88 = tpu.vector_load %arg9[%swap3A_86, %swap3A_87] {strides = array<i32>} : memref<16x128xf32, #tpu.memory_space<vmem>>, vector<1x16xf32>,
    %swap3A_89 = vector.shape_cast %swap3A_88 : vector<1x16xf32> to vector<16xf32>
    %swap3A_90 = vector.shape_cast %broadcast_in_dim3A_1 : vector<16xf32> to vector<1x16xf32>
    tpu.vector_store %arg9[%swap3A_86, %swap3A_87], %swap3A_90 {strides = array<i32>} : memref<16x128xf32, #tpu.memory_space<vmem>>, vector<1x16xf32>,
    %swap3A_91 = arith.constant 1 : i32
    %swap3A_92 = arith.index_cast %swap3A_91 : i32 to index
    %swap3A_93 = arith.constant 112 : index
    %swap3A_94 = tpu.vector_load %arg9[%swap3A_92, %swap3A_93] {strides = array<i32>} : memref<16x128xf32, #tpu.memory_space<vmem>>, vector<1x16xf32>,
    %swap3A_95 = vector.shape_cast %swap3A_94 : vector<1x16xf32> to vector<16xf32>
    %swap3A_96 = vector.shape_cast %broadcast_in_dim3A_1 : vector<16xf32> to vector<1x16xf32>
    tpu.vector_store %arg9[%swap3A_92, %swap3A_93], %swap3A_96 {strides = array<i32>} : memref<16x128xf32, #tpu.memory_space<vmem>>, vector<1x16xf32>,
    %swap3A_97 = arith.constant 2 : i32
    %swap3A_98 = arith.index_cast %swap3A_97 : i32 to index
    %swap3A_99 = arith.constant 0 : index
    %swap3A_100 = tpu.vector_load %arg9[%swap3A_98, %swap3A_99] {strides = array<i32>} : memref<16x128xf32, #tpu.memory_space<vmem>>, vector<1x16xf32>,
    %swap3A_101 = vector.shape_cast %swap3A_100 : vector<1x16xf32> to vector<16xf32>
    %swap3A_102 = vector.shape_cast %broadcast_in_dim3A_1 : vector<16xf32> to vector<1x16xf32>
    tpu.vector_store %arg9[%swap3A_98, %swap3A_99], %swap3A_102 {strides = array<i32>} : memref<16x128xf32, #tpu.memory_space<vmem>>, vector<1x16xf32>,
    %swap3A_103 = arith.constant 2 : i32
    %swap3A_104 = arith.index_cast %swap3A_103 : i32 to index
    %swap3A_105 = arith.constant 16 : index
    %swap3A_106 = tpu.vector_load %arg9[%swap3A_104, %swap3A_105] {strides = array<i32>} : memref<16x128xf32, #tpu.memory_space<vmem>>, vector<1x16xf32>,
    %swap3A_107 = vector.shape_cast %swap3A_106 : vector<1x16xf32> to vector<16xf32>
    %swap3A_108 = vector.shape_cast %broadcast_in_dim3A_1 : vector<16xf32> to vector<1x16xf32>
    tpu.vector_store %arg9[%swap3A_104, %swap3A_105], %swap3A_108 {strides = array<i32>} : memref<16x128xf32, #tpu.memory_space<vmem>>, vector<1x16xf32>,
    %swap3A_109 = arith.constant 2 : i32
    %swap3A_110 = arith.index_cast %swap3A_109 : i32 to index
    %swap3A_111 = arith.constant 32 : index
    %swap3A_112 = tpu.vector_load %arg9[%swap3A_110, %swap3A_111] {strides = array<i32>} : memref<16x128xf32, #tpu.memory_space<vmem>>, vector<1x16xf32>,
    %swap3A_113 = vector.shape_cast %swap3A_112 : vector<1x16xf32> to vector<16xf32>
    %swap3A_114 = vector.shape_cast %broadcast_in_dim3A_1 : vector<16xf32> to vector<1x16xf32>
    tpu.vector_store %arg9[%swap3A_110, %swap3A_111], %swap3A_114 {strides = array<i32>} : memref<16x128xf32, #tpu.memory_space<vmem>>, vector<1x16xf32>,
    %swap3A_115 = arith.constant 2 : i32
    %swap3A_116 = arith.index_cast %swap3A_115 : i32 to index
    %swap3A_117 = arith.constant 48 : index
    %swap3A_118 = tpu.vector_load %arg9[%swap3A_116, %swap3A_117] {strides = array<i32>} : memref<16x128xf32, #tpu.memory_space<vmem>>, vector<1x16xf32>,
    %swap3A_119 = vector.shape_cast %swap3A_118 : vector<1x16xf32> to vector<16xf32>
    %swap3A_120 = vector.shape_cast %broadcast_in_dim3A_1 : vector<16xf32> to vector<1x16xf32>
    tpu.vector_store %arg9[%swap3A_116, %swap3A_117], %swap3A_120 {strides = array<i32>} : memref<16x128xf32, #tpu.memory_space<vmem>>, vector<1x16xf32>,
    %swap3A_121 = arith.constant 2 : i32
    %swap3A_122 = arith.index_cast %swap3A_121 : i32 to index
    %swap3A_123 = arith.constant 64 : index
    %swap3A_124 = tpu.vector_load %arg9[%swap3A_122, %swap3A_123] {strides = array<i32>} : memref<16x128xf32, #tpu.memory_space<vmem>>, vector<1x16xf32>,
    %swap3A_125 = vector.shape_cast %swap3A_124 : vector<1x16xf32> to vector<16xf32>
    %swap3A_126 = vector.shape_cast %broadcast_in_dim3A_1 : vector<16xf32> to vector<1x16xf32>
    tpu.vector_store %arg9[%swap3A_122, %swap3A_123], %swap3A_126 {strides = array<i32>} : memref<16x128xf32, #tpu.memory_space<vmem>>, vector<1x16xf32>,
    %swap3A_127 = arith.constant 2 : i32
    %swap3A_128 = arith.index_cast %swap3A_127 : i32 to index
    %swap3A_129 = arith.constant 80 : index
    %swap3A_130 = tpu.vector_load %arg9[%swap3A_128, %swap3A_129] {strides = array<i32>} : memref<16x128xf32, #tpu.memory_space<vmem>>, vector<1x16xf32>,
    %swap3A_131 = vector.shape_cast %swap3A_130 : vector<1x16xf32> to vector<16xf32>
    %swap3A_132 = vector.shape_cast %broadcast_in_dim3A_1 : vector<16xf32> to vector<1x16xf32>
    tpu.vector_store %arg9[%swap3A_128, %swap3A_129], %swap3A_132 {strides = array<i32>} : memref<16x128xf32, #tpu.memory_space<vmem>>, vector<1x16xf32>,
    %swap3A_133 = arith.constant 2 : i32
    %swap3A_134 = arith.index_cast %swap3A_133 : i32 to index
    %swap3A_135 = arith.constant 96 : index
    %swap3A_136 = tpu.vector_load %arg9[%swap3A_134, %swap3A_135] {strides = array<i32>} : memref<16x128xf32, #tpu.memory_space<vmem>>, vector<1x16xf32>,
    %swap3A_137 = vector.shape_cast %swap3A_136 : vector<1x16xf32> to vector<16xf32>
    %swap3A_138 = vector.shape_cast %broadcast_in_dim3A_1 : vector<16xf32> to vector<1x16xf32>
    tpu.vector_store %arg9[%swap3A_134, %swap3A_135], %swap3A_138 {strides = array<i32>} : memref<16x128xf32, #tpu.memory_space<vmem>>, vector<1x16xf32>,
    %swap3A_139 = arith.constant 2 : i32
    %swap3A_140 = arith.index_cast %swap3A_139 : i32 to index
    %swap3A_141 = arith.constant 112 : index
    %swap3A_142 = tpu.vector_load %arg9[%swap3A_140, %swap3A_141] {strides = array<i32>} : memref<16x128xf32, #tpu.memory_space<vmem>>, vector<1x16xf32>,
    %swap3A_143 = vector.shape_cast %swap3A_142 : vector<1x16xf32> to vector<16xf32>
    %swap3A_144 = vector.shape_cast %broadcast_in_dim3A_1 : vector<16xf32> to vector<1x16xf32>
    tpu.vector_store %arg9[%swap3A_140, %swap3A_141], %swap3A_144 {strides = array<i32>} : memref<16x128xf32, #tpu.memory_space<vmem>>, vector<1x16xf32>,
    %swap3A_145 = arith.constant 3 : i32
    %swap3A_146 = arith.index_cast %swap3A_145 : i32 to index
    %swap3A_147 = arith.constant 0 : index
    %swap3A_148 = tpu.vector_load %arg9[%swap3A_146, %swap3A_147] {strides = array<i32>} : memref<16x128xf32, #tpu.memory_space<vmem>>, vector<1x16xf32>,
    %swap3A_149 = vector.shape_cast %swap3A_148 : vector<1x16xf32> to vector<16xf32>
    %swap3A_150 = vector.shape_cast %broadcast_in_dim3A_1 : vector<16xf32> to vector<1x16xf32>
    tpu.vector_store %arg9[%swap3A_146, %swap3A_147], %swap3A_150 {strides = array<i32>} : memref<16x128xf32, #tpu.memory_space<vmem>>, vector<1x16xf32>,
    %swap3A_151 = arith.constant 3 : i32
    %swap3A_152 = arith.index_cast %swap3A_151 : i32 to index
    %swap3A_153 = arith.constant 16 : index
    %swap3A_154 = tpu.vector_load %arg9[%swap3A_152, %swap3A_153] {strides = array<i32>} : memref<16x128xf32, #tpu.memory_space<vmem>>, vector<1x16xf32>,
    %swap3A_155 = vector.shape_cast %swap3A_154 : vector<1x16xf32> to vector<16xf32>
    %swap3A_156 = vector.shape_cast %broadcast_in_dim3A_1 : vector<16xf32> to vector<1x16xf32>
    tpu.vector_store %arg9[%swap3A_152, %swap3A_153], %swap3A_156 {strides = array<i32>} : memref<16x128xf32, #tpu.memory_space<vmem>>, vector<1x16xf32>,
    %swap3A_157 = arith.constant 3 : i32
    %swap3A_158 = arith.index_cast %swap3A_157 : i32 to index
    %swap3A_159 = arith.constant 32 : index
    %swap3A_160 = tpu.vector_load %arg9[%swap3A_158, %swap3A_159] {strides = array<i32>} : memref<16x128xf32, #tpu.memory_space<vmem>>, vector<1x16xf32>,
    %swap3A_161 = vector.shape_cast %swap3A_160 : vector<1x16xf32> to vector<16xf32>
    %swap3A_162 = vector.shape_cast %broadcast_in_dim3A_1 : vector<16xf32> to vector<1x16xf32>
    tpu.vector_store %arg9[%swap3A_158, %swap3A_159], %swap3A_162 {strides = array<i32>} : memref<16x128xf32, #tpu.memory_space<vmem>>, vector<1x16xf32>,
    %swap3A_163 = arith.constant 3 : i32
    %swap3A_164 = arith.index_cast %swap3A_163 : i32 to index
    %swap3A_165 = arith.constant 48 : index
    %swap3A_166 = tpu.vector_load %arg9[%swap3A_164, %swap3A_165] {strides = array<i32>} : memref<16x128xf32, #tpu.memory_space<vmem>>, vector<1x16xf32>,
    %swap3A_167 = vector.shape_cast %swap3A_166 : vector<1x16xf32> to vector<16xf32>
    %swap3A_168 = vector.shape_cast %broadcast_in_dim3A_1 : vector<16xf32> to vector<1x16xf32>
    tpu.vector_store %arg9[%swap3A_164, %swap3A_165], %swap3A_168 {strides = array<i32>} : memref<16x128xf32, #tpu.memory_space<vmem>>, vector<1x16xf32>,
    %swap3A_169 = arith.constant 3 : i32
    %swap3A_170 = arith.index_cast %swap3A_169 : i32 to index
    %swap3A_171 = arith.constant 64 : index
    %swap3A_172 = tpu.vector_load %arg9[%swap3A_170, %swap3A_171] {strides = array<i32>} : memref<16x128xf32, #tpu.memory_space<vmem>>, vector<1x16xf32>,
    %swap3A_173 = vector.shape_cast %swap3A_172 : vector<1x16xf32> to vector<16xf32>
    %swap3A_174 = vector.shape_cast %broadcast_in_dim3A_1 : vector<16xf32> to vector<1x16xf32>
    tpu.vector_store %arg9[%swap3A_170, %swap3A_171], %swap3A_174 {strides = array<i32>} : memref<16x128xf32, #tpu.memory_space<vmem>>, vector<1x16xf32>,
    %swap3A_175 = arith.constant 3 : i32
    %swap3A_176 = arith.index_cast %swap3A_175 : i32 to index
    %swap3A_177 = arith.constant 80 : index
    %swap3A_178 = tpu.vector_load %arg9[%swap3A_176, %swap3A_177] {strides = array<i32>} : memref<16x128xf32, #tpu.memory_space<vmem>>, vector<1x16xf32>,
    %swap3A_179 = vector.shape_cast %swap3A_178 : vector<1x16xf32> to vector<16xf32>
    %swap3A_180 = vector.shape_cast %broadcast_in_dim3A_1 : vector<16xf32> to vector<1x16xf32>
    tpu.vector_store %arg9[%swap3A_176, %swap3A_177], %swap3A_180 {strides = array<i32>} : memref<16x128xf32, #tpu.memory_space<vmem>>, vector<1x16xf32>,
    %swap3A_181 = arith.constant 3 : i32
    %swap3A_182 = arith.index_cast %swap3A_181 : i32 to index
    %swap3A_183 = arith.constant 96 : index
    %swap3A_184 = tpu.vector_load %arg9[%swap3A_182, %swap3A_183] {strides = array<i32>} : memref<16x128xf32, #tpu.memory_space<vmem>>, vector<1x16xf32>,
    %swap3A_185 = vector.shape_cast %swap3A_184 : vector<1x16xf32> to vector<16xf32>
    %swap3A_186 = vector.shape_cast %broadcast_in_dim3A_1 : vector<16xf32> to vector<1x16xf32>
    tpu.vector_store %arg9[%swap3A_182, %swap3A_183], %swap3A_186 {strides = array<i32>} : memref<16x128xf32, #tpu.memory_space<vmem>>, vector<1x16xf32>,
    %swap3A_187 = arith.constant 3 : i32
    %swap3A_188 = arith.index_cast %swap3A_187 : i32 to index
    %swap3A_189 = arith.constant 112 : index
    %swap3A_190 = tpu.vector_load %arg9[%swap3A_188, %swap3A_189] {strides = array<i32>} : memref<16x128xf32, #tpu.memory_space<vmem>>, vector<1x16xf32>,
    %swap3A_191 = vector.shape_cast %swap3A_190 : vector<1x16xf32> to vector<16xf32>
    %swap3A_192 = vector.shape_cast %broadcast_in_dim3A_1 : vector<16xf32> to vector<1x16xf32>
    tpu.vector_store %arg9[%swap3A_188, %swap3A_189], %swap3A_192 {strides = array<i32>} : memref<16x128xf32, #tpu.memory_space<vmem>>, vector<1x16xf32>,
    %swap3A_193 = arith.constant 4 : i32
    %swap3A_194 = arith.index_cast %swap3A_193 : i32 to index
    %swap3A_195 = arith.constant 0 : index
    %swap3A_196 = tpu.vector_load %arg9[%swap3A_194, %swap3A_195] {strides = array<i32>} : memref<16x128xf32, #tpu.memory_space<vmem>>, vector<1x16xf32>,
    %swap3A_197 = vector.shape_cast %swap3A_196 : vector<1x16xf32> to vector<16xf32>
    %swap3A_198 = vector.shape_cast %broadcast_in_dim3A_1 : vector<16xf32> to vector<1x16xf32>
    tpu.vector_store %arg9[%swap3A_194, %swap3A_195], %swap3A_198 {strides = array<i32>} : memref<16x128xf32, #tpu.memory_space<vmem>>, vector<1x16xf32>,
    %swap3A_199 = arith.constant 4 : i32
    %swap3A_200 = arith.index_cast %swap3A_199 : i32 to index
    %swap3A_201 = arith.constant 16 : index
    %swap3A_202 = tpu.vector_load %arg9[%swap3A_200, %swap3A_201] {strides = array<i32>} : memref<16x128xf32, #tpu.memory_space<vmem>>, vector<1x16xf32>,
    %swap3A_203 = vector.shape_cast %swap3A_202 : vector<1x16xf32> to vector<16xf32>
    %swap3A_204 = vector.shape_cast %broadcast_in_dim3A_1 : vector<16xf32> to vector<1x16xf32>
    tpu.vector_store %arg9[%swap3A_200, %swap3A_201], %swap3A_204 {strides = array<i32>} : memref<16x128xf32, #tpu.memory_space<vmem>>, vector<1x16xf32>,
    %swap3A_205 = arith.constant 4 : i32
    %swap3A_206 = arith.index_cast %swap3A_205 : i32 to index
    %swap3A_207 = arith.constant 32 : index
    %swap3A_208 = tpu.vector_load %arg9[%swap3A_206, %swap3A_207] {strides = array<i32>} : memref<16x128xf32, #tpu.memory_space<vmem>>, vector<1x16xf32>,
    %swap3A_209 = vector.shape_cast %swap3A_208 : vector<1x16xf32> to vector<16xf32>
    %swap3A_210 = vector.shape_cast %broadcast_in_dim3A_1 : vector<16xf32> to vector<1x16xf32>
    tpu.vector_store %arg9[%swap3A_206, %swap3A_207], %swap3A_210 {strides = array<i32>} : memref<16x128xf32, #tpu.memory_space<vmem>>, vector<1x16xf32>,
    %swap3A_211 = arith.constant 4 : i32
    %swap3A_212 = arith.index_cast %swap3A_211 : i32 to index
    %swap3A_213 = arith.constant 48 : index
    %swap3A_214 = tpu.vector_load %arg9[%swap3A_212, %swap3A_213] {strides = array<i32>} : memref<16x128xf32, #tpu.memory_space<vmem>>, vector<1x16xf32>,
    %swap3A_215 = vector.shape_cast %swap3A_214 : vector<1x16xf32> to vector<16xf32>
    %swap3A_216 = vector.shape_cast %broadcast_in_dim3A_1 : vector<16xf32> to vector<1x16xf32>
    tpu.vector_store %arg9[%swap3A_212, %swap3A_213], %swap3A_216 {strides = array<i32>} : memref<16x128xf32, #tpu.memory_space<vmem>>, vector<1x16xf32>,
    %swap3A_217 = arith.constant 4 : i32
    %swap3A_218 = arith.index_cast %swap3A_217 : i32 to index
    %swap3A_219 = arith.constant 64 : index
    %swap3A_220 = tpu.vector_load %arg9[%swap3A_218, %swap3A_219] {strides = array<i32>} : memref<16x128xf32, #tpu.memory_space<vmem>>, vector<1x16xf32>,
    %swap3A_221 = vector.shape_cast %swap3A_220 : vector<1x16xf32> to vector<16xf32>
    %swap3A_222 = vector.shape_cast %broadcast_in_dim3A_1 : vector<16xf32> to vector<1x16xf32>
    tpu.vector_store %arg9[%swap3A_218, %swap3A_219], %swap3A_222 {strides = array<i32>} : memref<16x128xf32, #tpu.memory_space<vmem>>, vector<1x16xf32>,
    %swap3A_223 = arith.constant 4 : i32
    %swap3A_224 = arith.index_cast %swap3A_223 : i32 to index
    %swap3A_225 = arith.constant 80 : index
    %swap3A_226 = tpu.vector_load %arg9[%swap3A_224, %swap3A_225] {strides = array<i32>} : memref<16x128xf32, #tpu.memory_space<vmem>>, vector<1x16xf32>,
    %swap3A_227 = vector.shape_cast %swap3A_226 : vector<1x16xf32> to vector<16xf32>
    %swap3A_228 = vector.shape_cast %broadcast_in_dim3A_1 : vector<16xf32> to vector<1x16xf32>
    tpu.vector_store %arg9[%swap3A_224, %swap3A_225], %swap3A_228 {strides = array<i32>} : memref<16x128xf32, #tpu.memory_space<vmem>>, vector<1x16xf32>,
    %swap3A_229 = arith.constant 4 : i32
    %swap3A_230 = arith.index_cast %swap3A_229 : i32 to index
    %swap3A_231 = arith.constant 96 : index
    %swap3A_232 = tpu.vector_load %arg9[%swap3A_230, %swap3A_231] {strides = array<i32>} : memref<16x128xf32, #tpu.memory_space<vmem>>, vector<1x16xf32>,
    %swap3A_233 = vector.shape_cast %swap3A_232 : vector<1x16xf32> to vector<16xf32>
    %swap3A_234 = vector.shape_cast %broadcast_in_dim3A_1 : vector<16xf32> to vector<1x16xf32>
    tpu.vector_store %arg9[%swap3A_230, %swap3A_231], %swap3A_234 {strides = array<i32>} : memref<16x128xf32, #tpu.memory_space<vmem>>, vector<1x16xf32>,
    %swap3A_235 = arith.constant 4 : i32
    %swap3A_236 = arith.index_cast %swap3A_235 : i32 to index
    %swap3A_237 = arith.constant 112 : index
    %swap3A_238 = tpu.vector_load %arg9[%swap3A_236, %swap3A_237] {strides = array<i32>} : memref<16x128xf32, #tpu.memory_space<vmem>>, vector<1x16xf32>,
    %swap3A_239 = vector.shape_cast %swap3A_238 : vector<1x16xf32> to vector<16xf32>
    %swap3A_240 = vector.shape_cast %broadcast_in_dim3A_1 : vector<16xf32> to vector<1x16xf32>
    tpu.vector_store %arg9[%swap3A_236, %swap3A_237], %swap3A_240 {strides = array<i32>} : memref<16x128xf32, #tpu.memory_space<vmem>>, vector<1x16xf32>,
    %swap3A_241 = arith.constant 5 : i32
    %swap3A_242 = arith.index_cast %swap3A_241 : i32 to index
    %swap3A_243 = arith.constant 0 : index
    %swap3A_244 = tpu.vector_load %arg9[%swap3A_242, %swap3A_243] {strides = array<i32>} : memref<16x128xf32, #tpu.memory_space<vmem>>, vector<1x16xf32>,
    %swap3A_245 = vector.shape_cast %swap3A_244 : vector<1x16xf32> to vector<16xf32>
    %swap3A_246 = vector.shape_cast %broadcast_in_dim3A_1 : vector<16xf32> to vector<1x16xf32>
    tpu.vector_store %arg9[%swap3A_242, %swap3A_243], %swap3A_246 {strides = array<i32>} : memref<16x128xf32, #tpu.memory_space<vmem>>, vector<1x16xf32>,
    %swap3A_247 = arith.constant 5 : i32
    %swap3A_248 = arith.index_cast %swap3A_247 : i32 to index
    %swap3A_249 = arith.constant 16 : index
    %swap3A_250 = tpu.vector_load %arg9[%swap3A_248, %swap3A_249] {strides = array<i32>} : memref<16x128xf32, #tpu.memory_space<vmem>>, vector<1x16xf32>,
    %swap3A_251 = vector.shape_cast %swap3A_250 : vector<1x16xf32> to vector<16xf32>
    %swap3A_252 = vector.shape_cast %broadcast_in_dim3A_1 : vector<16xf32> to vector<1x16xf32>
    tpu.vector_store %arg9[%swap3A_248, %swap3A_249], %swap3A_252 {strides = array<i32>} : memref<16x128xf32, #tpu.memory_space<vmem>>, vector<1x16xf32>,
    %swap3A_253 = arith.constant 5 : i32
    %swap3A_254 = arith.index_cast %swap3A_253 : i32 to index
    %swap3A_255 = arith.constant 32 : index
    %swap3A_256 = tpu.vector_load %arg9[%swap3A_254, %swap3A_255] {strides = array<i32>} : memref<16x128xf32, #tpu.memory_space<vmem>>, vector<1x16xf32>,
    %swap3A_257 = vector.shape_cast %swap3A_256 : vector<1x16xf32> to vector<16xf32>
    %swap3A_258 = vector.shape_cast %broadcast_in_dim3A_1 : vector<16xf32> to vector<1x16xf32>
    tpu.vector_store %arg9[%swap3A_254, %swap3A_255], %swap3A_258 {strides = array<i32>} : memref<16x128xf32, #tpu.memory_space<vmem>>, vector<1x16xf32>,
    %swap3A_259 = arith.constant 5 : i32
    %swap3A_260 = arith.index_cast %swap3A_259 : i32 to index
    %swap3A_261 = arith.constant 48 : index
    %swap3A_262 = tpu.vector_load %arg9[%swap3A_260, %swap3A_261] {strides = array<i32>} : memref<16x128xf32, #tpu.memory_space<vmem>>, vector<1x16xf32>,
    %swap3A_263 = vector.shape_cast %swap3A_262 : vector<1x16xf32> to vector<16xf32>
    %swap3A_264 = vector.shape_cast %broadcast_in_dim3A_1 : vector<16xf32> to vector<1x16xf32>
    tpu.vector_store %arg9[%swap3A_260, %swap3A_261], %swap3A_264 {strides = array<i32>} : memref<16x128xf32, #tpu.memory_space<vmem>>, vector<1x16xf32>,
    %swap3A_265 = arith.constant 5 : i32
    %swap3A_266 = arith.index_cast %swap3A_265 : i32 to index
    %swap3A_267 = arith.constant 64 : index
    %swap3A_268 = tpu.vector_load %arg9[%swap3A_266, %swap3A_267] {strides = array<i32>} : memref<16x128xf32, #tpu.memory_space<vmem>>, vector<1x16xf32>,
    %swap3A_269 = vector.shape_cast %swap3A_268 : vector<1x16xf32> to vector<16xf32>
    %swap3A_270 = vector.shape_cast %broadcast_in_dim3A_1 : vector<16xf32> to vector<1x16xf32>
    tpu.vector_store %arg9[%swap3A_266, %swap3A_267], %swap3A_270 {strides = array<i32>} : memref<16x128xf32, #tpu.memory_space<vmem>>, vector<1x16xf32>,
    %swap3A_271 = arith.constant 5 : i32
    %swap3A_272 = arith.index_cast %swap3A_271 : i32 to index
    %swap3A_273 = arith.constant 80 : index
    %swap3A_274 = tpu.vector_load %arg9[%swap3A_272, %swap3A_273] {strides = array<i32>} : memref<16x128xf32, #tpu.memory_space<vmem>>, vector<1x16xf32>,
    %swap3A_275 = vector.shape_cast %swap3A_274 : vector<1x16xf32> to vector<16xf32>
    %swap3A_276 = vector.shape_cast %broadcast_in_dim3A_1 : vector<16xf32> to vector<1x16xf32>
    tpu.vector_store %arg9[%swap3A_272, %swap3A_273], %swap3A_276 {strides = array<i32>} : memref<16x128xf32, #tpu.memory_space<vmem>>, vector<1x16xf32>,
    %swap3A_277 = arith.constant 5 : i32
    %swap3A_278 = arith.index_cast %swap3A_277 : i32 to index
    %swap3A_279 = arith.constant 96 : index
    %swap3A_280 = tpu.vector_load %arg9[%swap3A_278, %swap3A_279] {strides = array<i32>} : memref<16x128xf32, #tpu.memory_space<vmem>>, vector<1x16xf32>,
    %swap3A_281 = vector.shape_cast %swap3A_280 : vector<1x16xf32> to vector<16xf32>
    %swap3A_282 = vector.shape_cast %broadcast_in_dim3A_1 : vector<16xf32> to vector<1x16xf32>
    tpu.vector_store %arg9[%swap3A_278, %swap3A_279], %swap3A_282 {strides = array<i32>} : memref<16x128xf32, #tpu.memory_space<vmem>>, vector<1x16xf32>,
    %swap3A_283 = arith.constant 5 : i32
    %swap3A_284 = arith.index_cast %swap3A_283 : i32 to index
    %swap3A_285 = arith.constant 112 : index
    %swap3A_286 = tpu.vector_load %arg9[%swap3A_284, %swap3A_285] {strides = array<i32>} : memref<16x128xf32, #tpu.memory_space<vmem>>, vector<1x16xf32>,
    %swap3A_287 = vector.shape_cast %swap3A_286 : vector<1x16xf32> to vector<16xf32>
    %swap3A_288 = vector.shape_cast %broadcast_in_dim3A_1 : vector<16xf32> to vector<1x16xf32>
    tpu.vector_store %arg9[%swap3A_284, %swap3A_285], %swap3A_288 {strides = array<i32>} : memref<16x128xf32, #tpu.memory_space<vmem>>, vector<1x16xf32>,
    %swap3A_289 = arith.constant 6 : i32
    %swap3A_290 = arith.index_cast %swap3A_289 : i32 to index
    %swap3A_291 = arith.constant 0 : index
    %swap3A_292 = tpu.vector_load %arg9[%swap3A_290, %swap3A_291] {strides = array<i32>} : memref<16x128xf32, #tpu.memory_space<vmem>>, vector<1x16xf32>,
    %swap3A_293 = vector.shape_cast %swap3A_292 : vector<1x16xf32> to vector<16xf32>
    %swap3A_294 = vector.shape_cast %broadcast_in_dim3A_1 : vector<16xf32> to vector<1x16xf32>
    tpu.vector_store %arg9[%swap3A_290, %swap3A_291], %swap3A_294 {strides = array<i32>} : memref<16x128xf32, #tpu.memory_space<vmem>>, vector<1x16xf32>,
    %swap3A_295 = arith.constant 6 : i32
    %swap3A_296 = arith.index_cast %swap3A_295 : i32 to index
    %swap3A_297 = arith.constant 16 : index
    %swap3A_298 = tpu.vector_load %arg9[%swap3A_296, %swap3A_297] {strides = array<i32>} : memref<16x128xf32, #tpu.memory_space<vmem>>, vector<1x16xf32>,
    %swap3A_299 = vector.shape_cast %swap3A_298 : vector<1x16xf32> to vector<16xf32>
    %swap3A_300 = vector.shape_cast %broadcast_in_dim3A_1 : vector<16xf32> to vector<1x16xf32>
    tpu.vector_store %arg9[%swap3A_296, %swap3A_297], %swap3A_300 {strides = array<i32>} : memref<16x128xf32, #tpu.memory_space<vmem>>, vector<1x16xf32>,
    %swap3A_301 = arith.constant 6 : i32
    %swap3A_302 = arith.index_cast %swap3A_301 : i32 to index
    %swap3A_303 = arith.constant 32 : index
    %swap3A_304 = tpu.vector_load %arg9[%swap3A_302, %swap3A_303] {strides = array<i32>} : memref<16x128xf32, #tpu.memory_space<vmem>>, vector<1x16xf32>,
    %swap3A_305 = vector.shape_cast %swap3A_304 : vector<1x16xf32> to vector<16xf32>
    %swap3A_306 = vector.shape_cast %broadcast_in_dim3A_1 : vector<16xf32> to vector<1x16xf32>
    tpu.vector_store %arg9[%swap3A_302, %swap3A_303], %swap3A_306 {strides = array<i32>} : memref<16x128xf32, #tpu.memory_space<vmem>>, vector<1x16xf32>,
    %swap3A_307 = arith.constant 6 : i32
    %swap3A_308 = arith.index_cast %swap3A_307 : i32 to index
    %swap3A_309 = arith.constant 48 : index
    %swap3A_310 = tpu.vector_load %arg9[%swap3A_308, %swap3A_309] {strides = array<i32>} : memref<16x128xf32, #tpu.memory_space<vmem>>, vector<1x16xf32>,
    %swap3A_311 = vector.shape_cast %swap3A_310 : vector<1x16xf32> to vector<16xf32>
    %swap3A_312 = vector.shape_cast %broadcast_in_dim3A_1 : vector<16xf32> to vector<1x16xf32>
    tpu.vector_store %arg9[%swap3A_308, %swap3A_309], %swap3A_312 {strides = array<i32>} : memref<16x128xf32, #tpu.memory_space<vmem>>, vector<1x16xf32>,
    %swap3A_313 = arith.constant 6 : i32
    %swap3A_314 = arith.index_cast %swap3A_313 : i32 to index
    %swap3A_315 = arith.constant 64 : index
    %swap3A_316 = tpu.vector_load %arg9[%swap3A_314, %swap3A_315] {strides = array<i32>} : memref<16x128xf32, #tpu.memory_space<vmem>>, vector<1x16xf32>,
    %swap3A_317 = vector.shape_cast %swap3A_316 : vector<1x16xf32> to vector<16xf32>
    %swap3A_318 = vector.shape_cast %broadcast_in_dim3A_1 : vector<16xf32> to vector<1x16xf32>
    tpu.vector_store %arg9[%swap3A_314, %swap3A_315], %swap3A_318 {strides = array<i32>} : memref<16x128xf32, #tpu.memory_space<vmem>>, vector<1x16xf32>,
    %swap3A_319 = arith.constant 6 : i32
    %swap3A_320 = arith.index_cast %swap3A_319 : i32 to index
    %swap3A_321 = arith.constant 80 : index
    %swap3A_322 = tpu.vector_load %arg9[%swap3A_320, %swap3A_321] {strides = array<i32>} : memref<16x128xf32, #tpu.memory_space<vmem>>, vector<1x16xf32>,
    %swap3A_323 = vector.shape_cast %swap3A_322 : vector<1x16xf32> to vector<16xf32>
    %swap3A_324 = vector.shape_cast %broadcast_in_dim3A_1 : vector<16xf32> to vector<1x16xf32>
    tpu.vector_store %arg9[%swap3A_320, %swap3A_321], %swap3A_324 {strides = array<i32>} : memref<16x128xf32, #tpu.memory_space<vmem>>, vector<1x16xf32>,
    %swap3A_325 = arith.constant 6 : i32
    %swap3A_326 = arith.index_cast %swap3A_325 : i32 to index
    %swap3A_327 = arith.constant 96 : index
    %swap3A_328 = tpu.vector_load %arg9[%swap3A_326, %swap3A_327] {strides = array<i32>} : memref<16x128xf32, #tpu.memory_space<vmem>>, vector<1x16xf32>,
    %swap3A_329 = vector.shape_cast %swap3A_328 : vector<1x16xf32> to vector<16xf32>
    %swap3A_330 = vector.shape_cast %broadcast_in_dim3A_1 : vector<16xf32> to vector<1x16xf32>
    tpu.vector_store %arg9[%swap3A_326, %swap3A_327], %swap3A_330 {strides = array<i32>} : memref<16x128xf32, #tpu.memory_space<vmem>>, vector<1x16xf32>,
    %swap3A_331 = arith.constant 6 : i32
    %swap3A_332 = arith.index_cast %swap3A_331 : i32 to index
    %swap3A_333 = arith.constant 112 : index
    %swap3A_334 = tpu.vector_load %arg9[%swap3A_332, %swap3A_333] {strides = array<i32>} : memref<16x128xf32, #tpu.memory_space<vmem>>, vector<1x16xf32>,
    %swap3A_335 = vector.shape_cast %swap3A_334 : vector<1x16xf32> to vector<16xf32>
    %swap3A_336 = vector.shape_cast %broadcast_in_dim3A_1 : vector<16xf32> to vector<1x16xf32>
    tpu.vector_store %arg9[%swap3A_332, %swap3A_333], %swap3A_336 {strides = array<i32>} : memref<16x128xf32, #tpu.memory_space<vmem>>, vector<1x16xf32>,
    %swap3A_337 = arith.constant 7 : i32
    %swap3A_338 = arith.index_cast %swap3A_337 : i32 to index
    %swap3A_339 = arith.constant 0 : index
    %swap3A_340 = tpu.vector_load %arg9[%swap3A_338, %swap3A_339] {strides = array<i32>} : memref<16x128xf32, #tpu.memory_space<vmem>>, vector<1x16xf32>,
    %swap3A_341 = vector.shape_cast %swap3A_340 : vector<1x16xf32> to vector<16xf32>
    %swap3A_342 = vector.shape_cast %broadcast_in_dim3A_1 : vector<16xf32> to vector<1x16xf32>
    tpu.vector_store %arg9[%swap3A_338, %swap3A_339], %swap3A_342 {strides = array<i32>} : memref<16x128xf32, #tpu.memory_space<vmem>>, vector<1x16xf32>,
    %swap3A_343 = arith.constant 7 : i32
    %swap3A_344 = arith.index_cast %swap3A_343 : i32 to index
    %swap3A_345 = arith.constant 16 : index
    %swap3A_346 = tpu.vector_load %arg9[%swap3A_344, %swap3A_345] {strides = array<i32>} : memref<16x128xf32, #tpu.memory_space<vmem>>, vector<1x16xf32>,
    %swap3A_347 = vector.shape_cast %swap3A_346 : vector<1x16xf32> to vector<16xf32>
    %swap3A_348 = vector.shape_cast %broadcast_in_dim3A_1 : vector<16xf32> to vector<1x16xf32>
    tpu.vector_store %arg9[%swap3A_344, %swap3A_345], %swap3A_348 {strides = array<i32>} : memref<16x128xf32, #tpu.memory_space<vmem>>, vector<1x16xf32>,
    %swap3A_349 = arith.constant 7 : i32
    %swap3A_350 = arith.index_cast %swap3A_349 : i32 to index
    %swap3A_351 = arith.constant 32 : index
    %swap3A_352 = tpu.vector_load %arg9[%swap3A_350, %swap3A_351] {strides = array<i32>} : memref<16x128xf32, #tpu.memory_space<vmem>>, vector<1x16xf32>,
    %swap3A_353 = vector.shape_cast %swap3A_352 : vector<1x16xf32> to vector<16xf32>
    %swap3A_354 = vector.shape_cast %broadcast_in_dim3A_1 : vector<16xf32> to vector<1x16xf32>
    tpu.vector_store %arg9[%swap3A_350, %swap3A_351], %swap3A_354 {strides = array<i32>} : memref<16x128xf32, #tpu.memory_space<vmem>>, vector<1x16xf32>,
    %swap3A_355 = arith.constant 7 : i32
    %swap3A_356 = arith.index_cast %swap3A_355 : i32 to index
    %swap3A_357 = arith.constant 48 : index
    %swap3A_358 = tpu.vector_load %arg9[%swap3A_356, %swap3A_357] {strides = array<i32>} : memref<16x128xf32, #tpu.memory_space<vmem>>, vector<1x16xf32>,
    %swap3A_359 = vector.shape_cast %swap3A_358 : vector<1x16xf32> to vector<16xf32>
    %swap3A_360 = vector.shape_cast %broadcast_in_dim3A_1 : vector<16xf32> to vector<1x16xf32>
    tpu.vector_store %arg9[%swap3A_356, %swap3A_357], %swap3A_360 {strides = array<i32>} : memref<16x128xf32, #tpu.memory_space<vmem>>, vector<1x16xf32>,
    %swap3A_361 = arith.constant 7 : i32
    %swap3A_362 = arith.index_cast %swap3A_361 : i32 to index
    %swap3A_363 = arith.constant 64 : index
    %swap3A_364 = tpu.vector_load %arg9[%swap3A_362, %swap3A_363] {strides = array<i32>} : memref<16x128xf32, #tpu.memory_space<vmem>>, vector<1x16xf32>,
    %swap3A_365 = vector.shape_cast %swap3A_364 : vector<1x16xf32> to vector<16xf32>
    %swap3A_366 = vector.shape_cast %broadcast_in_dim3A_1 : vector<16xf32> to vector<1x16xf32>
    tpu.vector_store %arg9[%swap3A_362, %swap3A_363], %swap3A_366 {strides = array<i32>} : memref<16x128xf32, #tpu.memory_space<vmem>>, vector<1x16xf32>,
    %swap3A_367 = arith.constant 7 : i32
    %swap3A_368 = arith.index_cast %swap3A_367 : i32 to index
    %swap3A_369 = arith.constant 80 : index
    %swap3A_370 = tpu.vector_load %arg9[%swap3A_368, %swap3A_369] {strides = array<i32>} : memref<16x128xf32, #tpu.memory_space<vmem>>, vector<1x16xf32>,
    %swap3A_371 = vector.shape_cast %swap3A_370 : vector<1x16xf32> to vector<16xf32>
    %swap3A_372 = vector.shape_cast %broadcast_in_dim3A_1 : vector<16xf32> to vector<1x16xf32>
    tpu.vector_store %arg9[%swap3A_368, %swap3A_369], %swap3A_372 {strides = array<i32>} : memref<16x128xf32, #tpu.memory_space<vmem>>, vector<1x16xf32>,
    %swap3A_373 = arith.constant 7 : i32
    %swap3A_374 = arith.index_cast %swap3A_373 : i32 to index
    %swap3A_375 = arith.constant 96 : index
    %swap3A_376 = tpu.vector_load %arg9[%swap3A_374, %swap3A_375] {strides = array<i32>} : memref<16x128xf32, #tpu.memory_space<vmem>>, vector<1x16xf32>,
    %swap3A_377 = vector.shape_cast %swap3A_376 : vector<1x16xf32> to vector<16xf32>
    %swap3A_378 = vector.shape_cast %broadcast_in_dim3A_1 : vector<16xf32> to vector<1x16xf32>
    tpu.vector_store %arg9[%swap3A_374, %swap3A_375], %swap3A_378 {strides = array<i32>} : memref<16x128xf32, #tpu.memory_space<vmem>>, vector<1x16xf32>,
    %swap3A_379 = arith.constant 7 : i32
    %swap3A_380 = arith.index_cast %swap3A_379 : i32 to index
    %swap3A_381 = arith.constant 112 : index
    %swap3A_382 = tpu.vector_load %arg9[%swap3A_380, %swap3A_381] {strides = array<i32>} : memref<16x128xf32, #tpu.memory_space<vmem>>, vector<1x16xf32>,
    %swap3A_383 = vector.shape_cast %swap3A_382 : vector<1x16xf32> to vector<16xf32>
    %swap3A_384 = vector.shape_cast %broadcast_in_dim3A_1 : vector<16xf32> to vector<1x16xf32>
    tpu.vector_store %arg9[%swap3A_380, %swap3A_381], %swap3A_384 {strides = array<i32>} : memref<16x128xf32, #tpu.memory_space<vmem>>, vector<1x16xf32>,
    %swap3A_385 = arith.constant 8 : i32
    %swap3A_386 = arith.index_cast %swap3A_385 : i32 to index
    %swap3A_387 = arith.constant 0 : index
    %swap3A_388 = tpu.vector_load %arg9[%swap3A_386, %swap3A_387] {strides = array<i32>} : memref<16x128xf32, #tpu.memory_space<vmem>>, vector<1x16xf32>,
    %swap3A_389 = vector.shape_cast %swap3A_388 : vector<1x16xf32> to vector<16xf32>
    %swap3A_390 = vector.shape_cast %broadcast_in_dim3A_1 : vector<16xf32> to vector<1x16xf32>
    tpu.vector_store %arg9[%swap3A_386, %swap3A_387], %swap3A_390 {strides = array<i32>} : memref<16x128xf32, #tpu.memory_space<vmem>>, vector<1x16xf32>,
    %swap3A_391 = arith.constant 8 : i32
    %swap3A_392 = arith.index_cast %swap3A_391 : i32 to index
    %swap3A_393 = arith.constant 16 : index
    %swap3A_394 = tpu.vector_load %arg9[%swap3A_392, %swap3A_393] {strides = array<i32>} : memref<16x128xf32, #tpu.memory_space<vmem>>, vector<1x16xf32>,
    %swap3A_395 = vector.shape_cast %swap3A_394 : vector<1x16xf32> to vector<16xf32>
    %swap3A_396 = vector.shape_cast %broadcast_in_dim3A_1 : vector<16xf32> to vector<1x16xf32>
    tpu.vector_store %arg9[%swap3A_392, %swap3A_393], %swap3A_396 {strides = array<i32>} : memref<16x128xf32, #tpu.memory_space<vmem>>, vector<1x16xf32>,
    %swap3A_397 = arith.constant 8 : i32
    %swap3A_398 = arith.index_cast %swap3A_397 : i32 to index
    %swap3A_399 = arith.constant 32 : index
    %swap3A_400 = tpu.vector_load %arg9[%swap3A_398, %swap3A_399] {strides = array<i32>} : memref<16x128xf32, #tpu.memory_space<vmem>>, vector<1x16xf32>,
    %swap3A_401 = vector.shape_cast %swap3A_400 : vector<1x16xf32> to vector<16xf32>
    %swap3A_402 = vector.shape_cast %broadcast_in_dim3A_1 : vector<16xf32> to vector<1x16xf32>
    tpu.vector_store %arg9[%swap3A_398, %swap3A_399], %swap3A_402 {strides = array<i32>} : memref<16x128xf32, #tpu.memory_space<vmem>>, vector<1x16xf32>,
    %swap3A_403 = arith.constant 8 : i32
    %swap3A_404 = arith.index_cast %swap3A_403 : i32 to index
    %swap3A_405 = arith.constant 48 : index
    %swap3A_406 = tpu.vector_load %arg9[%swap3A_404, %swap3A_405] {strides = array<i32>} : memref<16x128xf32, #tpu.memory_space<vmem>>, vector<1x16xf32>,
    %swap3A_407 = vector.shape_cast %swap3A_406 : vector<1x16xf32> to vector<16xf32>
    %swap3A_408 = vector.shape_cast %broadcast_in_dim3A_1 : vector<16xf32> to vector<1x16xf32>
    tpu.vector_store %arg9[%swap3A_404, %swap3A_405], %swap3A_408 {strides = array<i32>} : memref<16x128xf32, #tpu.memory_space<vmem>>, vector<1x16xf32>,
    %swap3A_409 = arith.constant 8 : i32
    %swap3A_410 = arith.index_cast %swap3A_409 : i32 to index
    %swap3A_411 = arith.constant 64 : index
    %swap3A_412 = tpu.vector_load %arg9[%swap3A_410, %swap3A_411] {strides = array<i32>} : memref<16x128xf32, #tpu.memory_space<vmem>>, vector<1x16xf32>,
    %swap3A_413 = vector.shape_cast %swap3A_412 : vector<1x16xf32> to vector<16xf32>
    %swap3A_414 = vector.shape_cast %broadcast_in_dim3A_1 : vector<16xf32> to vector<1x16xf32>
    tpu.vector_store %arg9[%swap3A_410, %swap3A_411], %swap3A_414 {strides = array<i32>} : memref<16x128xf32, #tpu.memory_space<vmem>>, vector<1x16xf32>,
    %swap3A_415 = arith.constant 8 : i32
    %swap3A_416 = arith.index_cast %swap3A_415 : i32 to index
    %swap3A_417 = arith.constant 80 : index
    %swap3A_418 = tpu.vector_load %arg9[%swap3A_416, %swap3A_417] {strides = array<i32>} : memref<16x128xf32, #tpu.memory_space<vmem>>, vector<1x16xf32>,
    %swap3A_419 = vector.shape_cast %swap3A_418 : vector<1x16xf32> to vector<16xf32>
    %swap3A_420 = vector.shape_cast %broadcast_in_dim3A_1 : vector<16xf32> to vector<1x16xf32>
    tpu.vector_store %arg9[%swap3A_416, %swap3A_417], %swap3A_420 {strides = array<i32>} : memref<16x128xf32, #tpu.memory_space<vmem>>, vector<1x16xf32>,
    %swap3A_421 = arith.constant 8 : i32
    %swap3A_422 = arith.index_cast %swap3A_421 : i32 to index
    %swap3A_423 = arith.constant 96 : index
    %swap3A_424 = tpu.vector_load %arg9[%swap3A_422, %swap3A_423] {strides = array<i32>} : memref<16x128xf32, #tpu.memory_space<vmem>>, vector<1x16xf32>,
    %swap3A_425 = vector.shape_cast %swap3A_424 : vector<1x16xf32> to vector<16xf32>
    %swap3A_426 = vector.shape_cast %broadcast_in_dim3A_1 : vector<16xf32> to vector<1x16xf32>
    tpu.vector_store %arg9[%swap3A_422, %swap3A_423], %swap3A_426 {strides = array<i32>} : memref<16x128xf32, #tpu.memory_space<vmem>>, vector<1x16xf32>,
    %swap3A_427 = arith.constant 8 : i32
    %swap3A_428 = arith.index_cast %swap3A_427 : i32 to index
    %swap3A_429 = arith.constant 112 : index
    %swap3A_430 = tpu.vector_load %arg9[%swap3A_428, %swap3A_429] {strides = array<i32>} : memref<16x128xf32, #tpu.memory_space<vmem>>, vector<1x16xf32>,
    %swap3A_431 = vector.shape_cast %swap3A_430 : vector<1x16xf32> to vector<16xf32>
    %swap3A_432 = vector.shape_cast %broadcast_in_dim3A_1 : vector<16xf32> to vector<1x16xf32>
    tpu.vector_store %arg9[%swap3A_428, %swap3A_429], %swap3A_432 {strides = array<i32>} : memref<16x128xf32, #tpu.memory_space<vmem>>, vector<1x16xf32>,
    %swap3A_433 = arith.constant 9 : i32
    %swap3A_434 = arith.index_cast %swap3A_433 : i32 to index
    %swap3A_435 = arith.constant 0 : index
    %swap3A_436 = tpu.vector_load %arg9[%swap3A_434, %swap3A_435] {strides = array<i32>} : memref<16x128xf32, #tpu.memory_space<vmem>>, vector<1x16xf32>,
    %swap3A_437 = vector.shape_cast %swap3A_436 : vector<1x16xf32> to vector<16xf32>
    %swap3A_438 = vector.shape_cast %broadcast_in_dim3A_1 : vector<16xf32> to vector<1x16xf32>
    tpu.vector_store %arg9[%swap3A_434, %swap3A_435], %swap3A_438 {strides = array<i32>} : memref<16x128xf32, #tpu.memory_space<vmem>>, vector<1x16xf32>,
    %swap3A_439 = arith.constant 9 : i32
    %swap3A_440 = arith.index_cast %swap3A_439 : i32 to index
    %swap3A_441 = arith.constant 16 : index
    %swap3A_442 = tpu.vector_load %arg9[%swap3A_440, %swap3A_441] {strides = array<i32>} : memref<16x128xf32, #tpu.memory_space<vmem>>, vector<1x16xf32>,
    %swap3A_443 = vector.shape_cast %swap3A_442 : vector<1x16xf32> to vector<16xf32>
    %swap3A_444 = vector.shape_cast %broadcast_in_dim3A_1 : vector<16xf32> to vector<1x16xf32>
    tpu.vector_store %arg9[%swap3A_440, %swap3A_441], %swap3A_444 {strides = array<i32>} : memref<16x128xf32, #tpu.memory_space<vmem>>, vector<1x16xf32>,
    %swap3A_445 = arith.constant 9 : i32
    %swap3A_446 = arith.index_cast %swap3A_445 : i32 to index
    %swap3A_447 = arith.constant 32 : index
    %swap3A_448 = tpu.vector_load %arg9[%swap3A_446, %swap3A_447] {strides = array<i32>} : memref<16x128xf32, #tpu.memory_space<vmem>>, vector<1x16xf32>,
    %swap3A_449 = vector.shape_cast %swap3A_448 : vector<1x16xf32> to vector<16xf32>
    %swap3A_450 = vector.shape_cast %broadcast_in_dim3A_1 : vector<16xf32> to vector<1x16xf32>
    tpu.vector_store %arg9[%swap3A_446, %swap3A_447], %swap3A_450 {strides = array<i32>} : memref<16x128xf32, #tpu.memory_space<vmem>>, vector<1x16xf32>,
    %swap3A_451 = arith.constant 9 : i32
    %swap3A_452 = arith.index_cast %swap3A_451 : i32 to index
    %swap3A_453 = arith.constant 48 : index
    %swap3A_454 = tpu.vector_load %arg9[%swap3A_452, %swap3A_453] {strides = array<i32>} : memref<16x128xf32, #tpu.memory_space<vmem>>, vector<1x16xf32>,
    %swap3A_455 = vector.shape_cast %swap3A_454 : vector<1x16xf32> to vector<16xf32>
    %swap3A_456 = vector.shape_cast %broadcast_in_dim3A_1 : vector<16xf32> to vector<1x16xf32>
    tpu.vector_store %arg9[%swap3A_452, %swap3A_453], %swap3A_456 {strides = array<i32>} : memref<16x128xf32, #tpu.memory_space<vmem>>, vector<1x16xf32>,
    %swap3A_457 = arith.constant 9 : i32
    %swap3A_458 = arith.index_cast %swap3A_457 : i32 to index
    %swap3A_459 = arith.constant 64 : index
    %swap3A_460 = tpu.vector_load %arg9[%swap3A_458, %swap3A_459] {strides = array<i32>} : memref<16x128xf32, #tpu.memory_space<vmem>>, vector<1x16xf32>,
    %swap3A_461 = vector.shape_cast %swap3A_460 : vector<1x16xf32> to vector<16xf32>
    %swap3A_462 = vector.shape_cast %broadcast_in_dim3A_1 : vector<16xf32> to vector<1x16xf32>
    tpu.vector_store %arg9[%swap3A_458, %swap3A_459], %swap3A_462 {strides = array<i32>} : memref<16x128xf32, #tpu.memory_space<vmem>>, vector<1x16xf32>,
    %swap3A_463 = arith.constant 9 : i32
    %swap3A_464 = arith.index_cast %swap3A_463 : i32 to index
    %swap3A_465 = arith.constant 80 : index
    %swap3A_466 = tpu.vector_load %arg9[%swap3A_464, %swap3A_465] {strides = array<i32>} : memref<16x128xf32, #tpu.memory_space<vmem>>, vector<1x16xf32>,
    %swap3A_467 = vector.shape_cast %swap3A_466 : vector<1x16xf32> to vector<16xf32>
    %swap3A_468 = vector.shape_cast %broadcast_in_dim3A_1 : vector<16xf32> to vector<1x16xf32>
    tpu.vector_store %arg9[%swap3A_464, %swap3A_465], %swap3A_468 {strides = array<i32>} : memref<16x128xf32, #tpu.memory_space<vmem>>, vector<1x16xf32>,
    %swap3A_469 = arith.constant 9 : i32
    %swap3A_470 = arith.index_cast %swap3A_469 : i32 to index
    %swap3A_471 = arith.constant 96 : index
    %swap3A_472 = tpu.vector_load %arg9[%swap3A_470, %swap3A_471] {strides = array<i32>} : memref<16x128xf32, #tpu.memory_space<vmem>>, vector<1x16xf32>,
    %swap3A_473 = vector.shape_cast %swap3A_472 : vector<1x16xf32> to vector<16xf32>
    %swap3A_474 = vector.shape_cast %broadcast_in_dim3A_1 : vector<16xf32> to vector<1x16xf32>
    tpu.vector_store %arg9[%swap3A_470, %swap3A_471], %swap3A_474 {strides = array<i32>} : memref<16x128xf32, #tpu.memory_space<vmem>>, vector<1x16xf32>,
    %swap3A_475 = arith.constant 9 : i32
    %swap3A_476 = arith.index_cast %swap3A_475 : i32 to index
    %swap3A_477 = arith.constant 112 : index
    %swap3A_478 = tpu.vector_load %arg9[%swap3A_476, %swap3A_477] {strides = array<i32>} : memref<16x128xf32, #tpu.memory_space<vmem>>, vector<1x16xf32>,
    %swap3A_479 = vector.shape_cast %swap3A_478 : vector<1x16xf32> to vector<16xf32>
    %swap3A_480 = vector.shape_cast %broadcast_in_dim3A_1 : vector<16xf32> to vector<1x16xf32>
    tpu.vector_store %arg9[%swap3A_476, %swap3A_477], %swap3A_480 {strides = array<i32>} : memref<16x128xf32, #tpu.memory_space<vmem>>, vector<1x16xf32>,
    %swap3A_481 = arith.constant 10 : i32
    %swap3A_482 = arith.index_cast %swap3A_481 : i32 to index
    %swap3A_483 = arith.constant 0 : index
    %swap3A_484 = tpu.vector_load %arg9[%swap3A_482, %swap3A_483] {strides = array<i32>} : memref<16x128xf32, #tpu.memory_space<vmem>>, vector<1x16xf32>,
    %swap3A_485 = vector.shape_cast %swap3A_484 : vector<1x16xf32> to vector<16xf32>
    %swap3A_486 = vector.shape_cast %broadcast_in_dim3A_1 : vector<16xf32> to vector<1x16xf32>
    tpu.vector_store %arg9[%swap3A_482, %swap3A_483], %swap3A_486 {strides = array<i32>} : memref<16x128xf32, #tpu.memory_space<vmem>>, vector<1x16xf32>,
    %swap3A_487 = arith.constant 10 : i32
    %swap3A_488 = arith.index_cast %swap3A_487 : i32 to index
    %swap3A_489 = arith.constant 16 : index
    %swap3A_490 = tpu.vector_load %arg9[%swap3A_488, %swap3A_489] {strides = array<i32>} : memref<16x128xf32, #tpu.memory_space<vmem>>, vector<1x16xf32>,
    %swap3A_491 = vector.shape_cast %swap3A_490 : vector<1x16xf32> to vector<16xf32>
    %swap3A_492 = vector.shape_cast %broadcast_in_dim3A_1 : vector<16xf32> to vector<1x16xf32>
    tpu.vector_store %arg9[%swap3A_488, %swap3A_489], %swap3A_492 {strides = array<i32>} : memref<16x128xf32, #tpu.memory_space<vmem>>, vector<1x16xf32>,
    %swap3A_493 = arith.constant 10 : i32
    %swap3A_494 = arith.index_cast %swap3A_493 : i32 to index
    %swap3A_495 = arith.constant 32 : index
    %swap3A_496 = tpu.vector_load %arg9[%swap3A_494, %swap3A_495] {strides = array<i32>} : memref<16x128xf32, #tpu.memory_space<vmem>>, vector<1x16xf32>,
    %swap3A_497 = vector.shape_cast %swap3A_496 : vector<1x16xf32> to vector<16xf32>
    %swap3A_498 = vector.shape_cast %broadcast_in_dim3A_1 : vector<16xf32> to vector<1x16xf32>
    tpu.vector_store %arg9[%swap3A_494, %swap3A_495], %swap3A_498 {strides = array<i32>} : memref<16x128xf32, #tpu.memory_space<vmem>>, vector<1x16xf32>,
    %swap3A_499 = arith.constant 10 : i32
    %swap3A_500 = arith.index_cast %swap3A_499 : i32 to index
    %swap3A_501 = arith.constant 48 : index
    %swap3A_502 = tpu.vector_load %arg9[%swap3A_500, %swap3A_501] {strides = array<i32>} : memref<16x128xf32, #tpu.memory_space<vmem>>, vector<1x16xf32>,
    %swap3A_503 = vector.shape_cast %swap3A_502 : vector<1x16xf32> to vector<16xf32>
    %swap3A_504 = vector.shape_cast %broadcast_in_dim3A_1 : vector<16xf32> to vector<1x16xf32>
    tpu.vector_store %arg9[%swap3A_500, %swap3A_501], %swap3A_504 {strides = array<i32>} : memref<16x128xf32, #tpu.memory_space<vmem>>, vector<1x16xf32>,
    %swap3A_505 = arith.constant 10 : i32
    %swap3A_506 = arith.index_cast %swap3A_505 : i32 to index
    %swap3A_507 = arith.constant 64 : index
    %swap3A_508 = tpu.vector_load %arg9[%swap3A_506, %swap3A_507] {strides = array<i32>} : memref<16x128xf32, #tpu.memory_space<vmem>>, vector<1x16xf32>,
    %swap3A_509 = vector.shape_cast %swap3A_508 : vector<1x16xf32> to vector<16xf32>
    %swap3A_510 = vector.shape_cast %broadcast_in_dim3A_1 : vector<16xf32> to vector<1x16xf32>
    tpu.vector_store %arg9[%swap3A_506, %swap3A_507], %swap3A_510 {strides = array<i32>} : memref<16x128xf32, #tpu.memory_space<vmem>>, vector<1x16xf32>,
    %swap3A_511 = arith.constant 10 : i32
    %swap3A_512 = arith.index_cast %swap3A_511 : i32 to index
    %swap3A_513 = arith.constant 80 : index
    %swap3A_514 = tpu.vector_load %arg9[%swap3A_512, %swap3A_513] {strides = array<i32>} : memref<16x128xf32, #tpu.memory_space<vmem>>, vector<1x16xf32>,
    %swap3A_515 = vector.shape_cast %swap3A_514 : vector<1x16xf32> to vector<16xf32>
    %swap3A_516 = vector.shape_cast %broadcast_in_dim3A_1 : vector<16xf32> to vector<1x16xf32>
    tpu.vector_store %arg9[%swap3A_512, %swap3A_513], %swap3A_516 {strides = array<i32>} : memref<16x128xf32, #tpu.memory_space<vmem>>, vector<1x16xf32>,
    %swap3A_517 = arith.constant 10 : i32
    %swap3A_518 = arith.index_cast %swap3A_517 : i32 to index
    %swap3A_519 = arith.constant 96 : index
    %swap3A_520 = tpu.vector_load %arg9[%swap3A_518, %swap3A_519] {strides = array<i32>} : memref<16x128xf32, #tpu.memory_space<vmem>>, vector<1x16xf32>,
    %swap3A_521 = vector.shape_cast %swap3A_520 : vector<1x16xf32> to vector<16xf32>
    %swap3A_522 = vector.shape_cast %broadcast_in_dim3A_1 : vector<16xf32> to vector<1x16xf32>
    tpu.vector_store %arg9[%swap3A_518, %swap3A_519], %swap3A_522 {strides = array<i32>} : memref<16x128xf32, #tpu.memory_space<vmem>>, vector<1x16xf32>,
    %swap3A_523 = arith.constant 10 : i32
    %swap3A_524 = arith.index_cast %swap3A_523 : i32 to index
    %swap3A_525 = arith.constant 112 : index
    %swap3A_526 = tpu.vector_load %arg9[%swap3A_524, %swap3A_525] {strides = array<i32>} : memref<16x128xf32, #tpu.memory_space<vmem>>, vector<1x16xf32>,
    %swap3A_527 = vector.shape_cast %swap3A_526 : vector<1x16xf32> to vector<16xf32>
    %swap3A_528 = vector.shape_cast %broadcast_in_dim3A_1 : vector<16xf32> to vector<1x16xf32>
    tpu.vector_store %arg9[%swap3A_524, %swap3A_525], %swap3A_528 {strides = array<i32>} : memref<16x128xf32, #tpu.memory_space<vmem>>, vector<1x16xf32>,
    %swap3A_529 = arith.constant 11 : i32
    %swap3A_530 = arith.index_cast %swap3A_529 : i32 to index
    %swap3A_531 = arith.constant 0 : index
    %swap3A_532 = tpu.vector_load %arg9[%swap3A_530, %swap3A_531] {strides = array<i32>} : memref<16x128xf32, #tpu.memory_space<vmem>>, vector<1x16xf32>,
    %swap3A_533 = vector.shape_cast %swap3A_532 : vector<1x16xf32> to vector<16xf32>
    %swap3A_534 = vector.shape_cast %broadcast_in_dim3A_1 : vector<16xf32> to vector<1x16xf32>
    tpu.vector_store %arg9[%swap3A_530, %swap3A_531], %swap3A_534 {strides = array<i32>} : memref<16x128xf32, #tpu.memory_space<vmem>>, vector<1x16xf32>,
    %swap3A_535 = arith.constant 11 : i32
    %swap3A_536 = arith.index_cast %swap3A_535 : i32 to index
    %swap3A_537 = arith.constant 16 : index
    %swap3A_538 = tpu.vector_load %arg9[%swap3A_536, %swap3A_537] {strides = array<i32>} : memref<16x128xf32, #tpu.memory_space<vmem>>, vector<1x16xf32>,
    %swap3A_539 = vector.shape_cast %swap3A_538 : vector<1x16xf32> to vector<16xf32>
    %swap3A_540 = vector.shape_cast %broadcast_in_dim3A_1 : vector<16xf32> to vector<1x16xf32>
    tpu.vector_store %arg9[%swap3A_536, %swap3A_537], %swap3A_540 {strides = array<i32>} : memref<16x128xf32, #tpu.memory_space<vmem>>, vector<1x16xf32>,
    %swap3A_541 = arith.constant 11 : i32
    %swap3A_542 = arith.index_cast %swap3A_541 : i32 to index
    %swap3A_543 = arith.constant 32 : index
    %swap3A_544 = tpu.vector_load %arg9[%swap3A_542, %swap3A_543] {strides = array<i32>} : memref<16x128xf32, #tpu.memory_space<vmem>>, vector<1x16xf32>,
    %swap3A_545 = vector.shape_cast %swap3A_544 : vector<1x16xf32> to vector<16xf32>
    %swap3A_546 = vector.shape_cast %broadcast_in_dim3A_1 : vector<16xf32> to vector<1x16xf32>
    tpu.vector_store %arg9[%swap3A_542, %swap3A_543], %swap3A_546 {strides = array<i32>} : memref<16x128xf32, #tpu.memory_space<vmem>>, vector<1x16xf32>,
    %swap3A_547 = arith.constant 11 : i32
    %swap3A_548 = arith.index_cast %swap3A_547 : i32 to index
    %swap3A_549 = arith.constant 48 : index
    %swap3A_550 = tpu.vector_load %arg9[%swap3A_548, %swap3A_549] {strides = array<i32>} : memref<16x128xf32, #tpu.memory_space<vmem>>, vector<1x16xf32>,
    %swap3A_551 = vector.shape_cast %swap3A_550 : vector<1x16xf32> to vector<16xf32>
    %swap3A_552 = vector.shape_cast %broadcast_in_dim3A_1 : vector<16xf32> to vector<1x16xf32>
    tpu.vector_store %arg9[%swap3A_548, %swap3A_549], %swap3A_552 {strides = array<i32>} : memref<16x128xf32, #tpu.memory_space<vmem>>, vector<1x16xf32>,
    %swap3A_553 = arith.constant 11 : i32
    %swap3A_554 = arith.index_cast %swap3A_553 : i32 to index
    %swap3A_555 = arith.constant 64 : index
    %swap3A_556 = tpu.vector_load %arg9[%swap3A_554, %swap3A_555] {strides = array<i32>} : memref<16x128xf32, #tpu.memory_space<vmem>>, vector<1x16xf32>,
    %swap3A_557 = vector.shape_cast %swap3A_556 : vector<1x16xf32> to vector<16xf32>
    %swap3A_558 = vector.shape_cast %broadcast_in_dim3A_1 : vector<16xf32> to vector<1x16xf32>
    tpu.vector_store %arg9[%swap3A_554, %swap3A_555], %swap3A_558 {strides = array<i32>} : memref<16x128xf32, #tpu.memory_space<vmem>>, vector<1x16xf32>,
    %swap3A_559 = arith.constant 11 : i32
    %swap3A_560 = arith.index_cast %swap3A_559 : i32 to index
    %swap3A_561 = arith.constant 80 : index
    %swap3A_562 = tpu.vector_load %arg9[%swap3A_560, %swap3A_561] {strides = array<i32>} : memref<16x128xf32, #tpu.memory_space<vmem>>, vector<1x16xf32>,
    %swap3A_563 = vector.shape_cast %swap3A_562 : vector<1x16xf32> to vector<16xf32>
    %swap3A_564 = vector.shape_cast %broadcast_in_dim3A_1 : vector<16xf32> to vector<1x16xf32>
    tpu.vector_store %arg9[%swap3A_560, %swap3A_561], %swap3A_564 {strides = array<i32>} : memref<16x128xf32, #tpu.memory_space<vmem>>, vector<1x16xf32>,
    %swap3A_565 = arith.constant 11 : i32
    %swap3A_566 = arith.index_cast %swap3A_565 : i32 to index
    %swap3A_567 = arith.constant 96 : index
    %swap3A_568 = tpu.vector_load %arg9[%swap3A_566, %swap3A_567] {strides = array<i32>} : memref<16x128xf32, #tpu.memory_space<vmem>>, vector<1x16xf32>,
    %swap3A_569 = vector.shape_cast %swap3A_568 : vector<1x16xf32> to vector<16xf32>
    %swap3A_570 = vector.shape_cast %broadcast_in_dim3A_1 : vector<16xf32> to vector<1x16xf32>
    tpu.vector_store %arg9[%swap3A_566, %swap3A_567], %swap3A_570 {strides = array<i32>} : memref<16x128xf32, #tpu.memory_space<vmem>>, vector<1x16xf32>,
    %swap3A_571 = arith.constant 11 : i32
    %swap3A_572 = arith.index_cast %swap3A_571 : i32 to index
    %swap3A_573 = arith.constant 112 : index
    %swap3A_574 = tpu.vector_load %arg9[%swap3A_572, %swap3A_573] {strides = array<i32>} : memref<16x128xf32, #tpu.memory_space<vmem>>, vector<1x16xf32>,
    %swap3A_575 = vector.shape_cast %swap3A_574 : vector<1x16xf32> to vector<16xf32>
    %swap3A_576 = vector.shape_cast %broadcast_in_dim3A_1 : vector<16xf32> to vector<1x16xf32>
    tpu.vector_store %arg9[%swap3A_572, %swap3A_573], %swap3A_576 {strides = array<i32>} : memref<16x128xf32, #tpu.memory_space<vmem>>, vector<1x16xf32>,
    %swap3A_577 = arith.constant 12 : i32
    %swap3A_578 = arith.index_cast %swap3A_577 : i32 to index
    %swap3A_579 = arith.constant 0 : index
    %swap3A_580 = tpu.vector_load %arg9[%swap3A_578, %swap3A_579] {strides = array<i32>} : memref<16x128xf32, #tpu.memory_space<vmem>>, vector<1x16xf32>,
    %swap3A_581 = vector.shape_cast %swap3A_580 : vector<1x16xf32> to vector<16xf32>
    %swap3A_582 = vector.shape_cast %broadcast_in_dim3A_1 : vector<16xf32> to vector<1x16xf32>
    tpu.vector_store %arg9[%swap3A_578, %swap3A_579], %swap3A_582 {strides = array<i32>} : memref<16x128xf32, #tpu.memory_space<vmem>>, vector<1x16xf32>,
    %swap3A_583 = arith.constant 12 : i32
    %swap3A_584 = arith.index_cast %swap3A_583 : i32 to index
    %swap3A_585 = arith.constant 16 : index
    %swap3A_586 = tpu.vector_load %arg9[%swap3A_584, %swap3A_585] {strides = array<i32>} : memref<16x128xf32, #tpu.memory_space<vmem>>, vector<1x16xf32>,
    %swap3A_587 = vector.shape_cast %swap3A_586 : vector<1x16xf32> to vector<16xf32>
    %swap3A_588 = vector.shape_cast %broadcast_in_dim3A_1 : vector<16xf32> to vector<1x16xf32>
    tpu.vector_store %arg9[%swap3A_584, %swap3A_585], %swap3A_588 {strides = array<i32>} : memref<16x128xf32, #tpu.memory_space<vmem>>, vector<1x16xf32>,
    %swap3A_589 = arith.constant 12 : i32
    %swap3A_590 = arith.index_cast %swap3A_589 : i32 to index
    %swap3A_591 = arith.constant 32 : index
    %swap3A_592 = tpu.vector_load %arg9[%swap3A_590, %swap3A_591] {strides = array<i32>} : memref<16x128xf32, #tpu.memory_space<vmem>>, vector<1x16xf32>,
    %swap3A_593 = vector.shape_cast %swap3A_592 : vector<1x16xf32> to vector<16xf32>
    %swap3A_594 = vector.shape_cast %broadcast_in_dim3A_1 : vector<16xf32> to vector<1x16xf32>
    tpu.vector_store %arg9[%swap3A_590, %swap3A_591], %swap3A_594 {strides = array<i32>} : memref<16x128xf32, #tpu.memory_space<vmem>>, vector<1x16xf32>,
    %swap3A_595 = arith.constant 12 : i32
    %swap3A_596 = arith.index_cast %swap3A_595 : i32 to index
    %swap3A_597 = arith.constant 48 : index
    %swap3A_598 = tpu.vector_load %arg9[%swap3A_596, %swap3A_597] {strides = array<i32>} : memref<16x128xf32, #tpu.memory_space<vmem>>, vector<1x16xf32>,
    %swap3A_599 = vector.shape_cast %swap3A_598 : vector<1x16xf32> to vector<16xf32>
    %swap3A_600 = vector.shape_cast %broadcast_in_dim3A_1 : vector<16xf32> to vector<1x16xf32>
    tpu.vector_store %arg9[%swap3A_596, %swap3A_597], %swap3A_600 {strides = array<i32>} : memref<16x128xf32, #tpu.memory_space<vmem>>, vector<1x16xf32>,
    %swap3A_601 = arith.constant 12 : i32
    %swap3A_602 = arith.index_cast %swap3A_601 : i32 to index
    %swap3A_603 = arith.constant 64 : index
    %swap3A_604 = tpu.vector_load %arg9[%swap3A_602, %swap3A_603] {strides = array<i32>} : memref<16x128xf32, #tpu.memory_space<vmem>>, vector<1x16xf32>,
    %swap3A_605 = vector.shape_cast %swap3A_604 : vector<1x16xf32> to vector<16xf32>
    %swap3A_606 = vector.shape_cast %broadcast_in_dim3A_1 : vector<16xf32> to vector<1x16xf32>
    tpu.vector_store %arg9[%swap3A_602, %swap3A_603], %swap3A_606 {strides = array<i32>} : memref<16x128xf32, #tpu.memory_space<vmem>>, vector<1x16xf32>,
    %swap3A_607 = arith.constant 12 : i32
    %swap3A_608 = arith.index_cast %swap3A_607 : i32 to index
    %swap3A_609 = arith.constant 80 : index
    %swap3A_610 = tpu.vector_load %arg9[%swap3A_608, %swap3A_609] {strides = array<i32>} : memref<16x128xf32, #tpu.memory_space<vmem>>, vector<1x16xf32>,
    %swap3A_611 = vector.shape_cast %swap3A_610 : vector<1x16xf32> to vector<16xf32>
    %swap3A_612 = vector.shape_cast %broadcast_in_dim3A_1 : vector<16xf32> to vector<1x16xf32>
    tpu.vector_store %arg9[%swap3A_608, %swap3A_609], %swap3A_612 {strides = array<i32>} : memref<16x128xf32, #tpu.memory_space<vmem>>, vector<1x16xf32>,
    %swap3A_613 = arith.constant 12 : i32
    %swap3A_614 = arith.index_cast %swap3A_613 : i32 to index
    %swap3A_615 = arith.constant 96 : index
    %swap3A_616 = tpu.vector_load %arg9[%swap3A_614, %swap3A_615] {strides = array<i32>} : memref<16x128xf32, #tpu.memory_space<vmem>>, vector<1x16xf32>,
    %swap3A_617 = vector.shape_cast %swap3A_616 : vector<1x16xf32> to vector<16xf32>
    %swap3A_618 = vector.shape_cast %broadcast_in_dim3A_1 : vector<16xf32> to vector<1x16xf32>
    tpu.vector_store %arg9[%swap3A_614, %swap3A_615], %swap3A_618 {strides = array<i32>} : memref<16x128xf32, #tpu.memory_space<vmem>>, vector<1x16xf32>,
    %swap3A_619 = arith.constant 12 : i32
    %swap3A_620 = arith.index_cast %swap3A_619 : i32 to index
    %swap3A_621 = arith.constant 112 : index
    %swap3A_622 = tpu.vector_load %arg9[%swap3A_620, %swap3A_621] {strides = array<i32>} : memref<16x128xf32, #tpu.memory_space<vmem>>, vector<1x16xf32>,
    %swap3A_623 = vector.shape_cast %swap3A_622 : vector<1x16xf32> to vector<16xf32>
    %swap3A_624 = vector.shape_cast %broadcast_in_dim3A_1 : vector<16xf32> to vector<1x16xf32>
    tpu.vector_store %arg9[%swap3A_620, %swap3A_621], %swap3A_624 {strides = array<i32>} : memref<16x128xf32, #tpu.memory_space<vmem>>, vector<1x16xf32>,
    %swap3A_625 = arith.constant 13 : i32
    %swap3A_626 = arith.index_cast %swap3A_625 : i32 to index
    %swap3A_627 = arith.constant 0 : index
    %swap3A_628 = tpu.vector_load %arg9[%swap3A_626, %swap3A_627] {strides = array<i32>} : memref<16x128xf32, #tpu.memory_space<vmem>>, vector<1x16xf32>,
    %swap3A_629 = vector.shape_cast %swap3A_628 : vector<1x16xf32> to vector<16xf32>
    %swap3A_630 = vector.shape_cast %broadcast_in_dim3A_1 : vector<16xf32> to vector<1x16xf32>
    tpu.vector_store %arg9[%swap3A_626, %swap3A_627], %swap3A_630 {strides = array<i32>} : memref<16x128xf32, #tpu.memory_space<vmem>>, vector<1x16xf32>,
    %swap3A_631 = arith.constant 13 : i32
    %swap3A_632 = arith.index_cast %swap3A_631 : i32 to index
    %swap3A_633 = arith.constant 16 : index
    %swap3A_634 = tpu.vector_load %arg9[%swap3A_632, %swap3A_633] {strides = array<i32>} : memref<16x128xf32, #tpu.memory_space<vmem>>, vector<1x16xf32>,
    %swap3A_635 = vector.shape_cast %swap3A_634 : vector<1x16xf32> to vector<16xf32>
    %swap3A_636 = vector.shape_cast %broadcast_in_dim3A_1 : vector<16xf32> to vector<1x16xf32>
    tpu.vector_store %arg9[%swap3A_632, %swap3A_633], %swap3A_636 {strides = array<i32>} : memref<16x128xf32, #tpu.memory_space<vmem>>, vector<1x16xf32>,
    %swap3A_637 = arith.constant 13 : i32
    %swap3A_638 = arith.index_cast %swap3A_637 : i32 to index
    %swap3A_639 = arith.constant 32 : index
    %swap3A_640 = tpu.vector_load %arg9[%swap3A_638, %swap3A_639] {strides = array<i32>} : memref<16x128xf32, #tpu.memory_space<vmem>>, vector<1x16xf32>,
    %swap3A_641 = vector.shape_cast %swap3A_640 : vector<1x16xf32> to vector<16xf32>
    %swap3A_642 = vector.shape_cast %broadcast_in_dim3A_1 : vector<16xf32> to vector<1x16xf32>
    tpu.vector_store %arg9[%swap3A_638, %swap3A_639], %swap3A_642 {strides = array<i32>} : memref<16x128xf32, #tpu.memory_space<vmem>>, vector<1x16xf32>,
    %swap3A_643 = arith.constant 13 : i32
    %swap3A_644 = arith.index_cast %swap3A_643 : i32 to index
    %swap3A_645 = arith.constant 48 : index
    %swap3A_646 = tpu.vector_load %arg9[%swap3A_644, %swap3A_645] {strides = array<i32>} : memref<16x128xf32, #tpu.memory_space<vmem>>, vector<1x16xf32>,
    %swap3A_647 = vector.shape_cast %swap3A_646 : vector<1x16xf32> to vector<16xf32>
    %swap3A_648 = vector.shape_cast %broadcast_in_dim3A_1 : vector<16xf32> to vector<1x16xf32>
    tpu.vector_store %arg9[%swap3A_644, %swap3A_645], %swap3A_648 {strides = array<i32>} : memref<16x128xf32, #tpu.memory_space<vmem>>, vector<1x16xf32>,
    %swap3A_649 = arith.constant 13 : i32
    %swap3A_650 = arith.index_cast %swap3A_649 : i32 to index
    %swap3A_651 = arith.constant 64 : index
    %swap3A_652 = tpu.vector_load %arg9[%swap3A_650, %swap3A_651] {strides = array<i32>} : memref<16x128xf32, #tpu.memory_space<vmem>>, vector<1x16xf32>,
    %swap3A_653 = vector.shape_cast %swap3A_652 : vector<1x16xf32> to vector<16xf32>
    %swap3A_654 = vector.shape_cast %broadcast_in_dim3A_1 : vector<16xf32> to vector<1x16xf32>
    tpu.vector_store %arg9[%swap3A_650, %swap3A_651], %swap3A_654 {strides = array<i32>} : memref<16x128xf32, #tpu.memory_space<vmem>>, vector<1x16xf32>,
    %swap3A_655 = arith.constant 13 : i32
    %swap3A_656 = arith.index_cast %swap3A_655 : i32 to index
    %swap3A_657 = arith.constant 80 : index
    %swap3A_658 = tpu.vector_load %arg9[%swap3A_656, %swap3A_657] {strides = array<i32>} : memref<16x128xf32, #tpu.memory_space<vmem>>, vector<1x16xf32>,
    %swap3A_659 = vector.shape_cast %swap3A_658 : vector<1x16xf32> to vector<16xf32>
    %swap3A_660 = vector.shape_cast %broadcast_in_dim3A_1 : vector<16xf32> to vector<1x16xf32>
    tpu.vector_store %arg9[%swap3A_656, %swap3A_657], %swap3A_660 {strides = array<i32>} : memref<16x128xf32, #tpu.memory_space<vmem>>, vector<1x16xf32>,
    %swap3A_661 = arith.constant 13 : i32
    %swap3A_662 = arith.index_cast %swap3A_661 : i32 to index
    %swap3A_663 = arith.constant 96 : index
    %swap3A_664 = tpu.vector_load %arg9[%swap3A_662, %swap3A_663] {strides = array<i32>} : memref<16x128xf32, #tpu.memory_space<vmem>>, vector<1x16xf32>,
    %swap3A_665 = vector.shape_cast %swap3A_664 : vector<1x16xf32> to vector<16xf32>
    %swap3A_666 = vector.shape_cast %broadcast_in_dim3A_1 : vector<16xf32> to vector<1x16xf32>
    tpu.vector_store %arg9[%swap3A_662, %swap3A_663], %swap3A_666 {strides = array<i32>} : memref<16x128xf32, #tpu.memory_space<vmem>>, vector<1x16xf32>,
    %swap3A_667 = arith.constant 13 : i32
    %swap3A_668 = arith.index_cast %swap3A_667 : i32 to index
    %swap3A_669 = arith.constant 112 : index
    %swap3A_670 = tpu.vector_load %arg9[%swap3A_668, %swap3A_669] {strides = array<i32>} : memref<16x128xf32, #tpu.memory_space<vmem>>, vector<1x16xf32>,
    %swap3A_671 = vector.shape_cast %swap3A_670 : vector<1x16xf32> to vector<16xf32>
    %swap3A_672 = vector.shape_cast %broadcast_in_dim3A_1 : vector<16xf32> to vector<1x16xf32>
    tpu.vector_store %arg9[%swap3A_668, %swap3A_669], %swap3A_672 {strides = array<i32>} : memref<16x128xf32, #tpu.memory_space<vmem>>, vector<1x16xf32>,
    %swap3A_673 = arith.constant 14 : i32
    %swap3A_674 = arith.index_cast %swap3A_673 : i32 to index
    %swap3A_675 = arith.constant 0 : index
    %swap3A_676 = tpu.vector_load %arg9[%swap3A_674, %swap3A_675] {strides = array<i32>} : memref<16x128xf32, #tpu.memory_space<vmem>>, vector<1x16xf32>,
    %swap3A_677 = vector.shape_cast %swap3A_676 : vector<1x16xf32> to vector<16xf32>
    %swap3A_678 = vector.shape_cast %broadcast_in_dim3A_1 : vector<16xf32> to vector<1x16xf32>
    tpu.vector_store %arg9[%swap3A_674, %swap3A_675], %swap3A_678 {strides = array<i32>} : memref<16x128xf32, #tpu.memory_space<vmem>>, vector<1x16xf32>,
    %swap3A_679 = arith.constant 14 : i32
    %swap3A_680 = arith.index_cast %swap3A_679 : i32 to index
    %swap3A_681 = arith.constant 16 : index
    %swap3A_682 = tpu.vector_load %arg9[%swap3A_680, %swap3A_681] {strides = array<i32>} : memref<16x128xf32, #tpu.memory_space<vmem>>, vector<1x16xf32>,
    %swap3A_683 = vector.shape_cast %swap3A_682 : vector<1x16xf32> to vector<16xf32>
    %swap3A_684 = vector.shape_cast %broadcast_in_dim3A_1 : vector<16xf32> to vector<1x16xf32>
    tpu.vector_store %arg9[%swap3A_680, %swap3A_681], %swap3A_684 {strides = array<i32>} : memref<16x128xf32, #tpu.memory_space<vmem>>, vector<1x16xf32>,
    %swap3A_685 = arith.constant 14 : i32
    %swap3A_686 = arith.index_cast %swap3A_685 : i32 to index
    %swap3A_687 = arith.constant 32 : index
    %swap3A_688 = tpu.vector_load %arg9[%swap3A_686, %swap3A_687] {strides = array<i32>} : memref<16x128xf32, #tpu.memory_space<vmem>>, vector<1x16xf32>,
    %swap3A_689 = vector.shape_cast %swap3A_688 : vector<1x16xf32> to vector<16xf32>
    %swap3A_690 = vector.shape_cast %broadcast_in_dim3A_1 : vector<16xf32> to vector<1x16xf32>
    tpu.vector_store %arg9[%swap3A_686, %swap3A_687], %swap3A_690 {strides = array<i32>} : memref<16x128xf32, #tpu.memory_space<vmem>>, vector<1x16xf32>,
    %swap3A_691 = arith.constant 14 : i32
    %swap3A_692 = arith.index_cast %swap3A_691 : i32 to index
    %swap3A_693 = arith.constant 48 : index
    %swap3A_694 = tpu.vector_load %arg9[%swap3A_692, %swap3A_693] {strides = array<i32>} : memref<16x128xf32, #tpu.memory_space<vmem>>, vector<1x16xf32>,
    %swap3A_695 = vector.shape_cast %swap3A_694 : vector<1x16xf32> to vector<16xf32>
    %swap3A_696 = vector.shape_cast %broadcast_in_dim3A_1 : vector<16xf32> to vector<1x16xf32>
    tpu.vector_store %arg9[%swap3A_692, %swap3A_693], %swap3A_696 {strides = array<i32>} : memref<16x128xf32, #tpu.memory_space<vmem>>, vector<1x16xf32>,
    %swap3A_697 = arith.constant 14 : i32
    %swap3A_698 = arith.index_cast %swap3A_697 : i32 to index
    %swap3A_699 = arith.constant 64 : index
    %swap3A_700 = tpu.vector_load %arg9[%swap3A_698, %swap3A_699] {strides = array<i32>} : memref<16x128xf32, #tpu.memory_space<vmem>>, vector<1x16xf32>,
    %swap3A_701 = vector.shape_cast %swap3A_700 : vector<1x16xf32> to vector<16xf32>
    %swap3A_702 = vector.shape_cast %broadcast_in_dim3A_1 : vector<16xf32> to vector<1x16xf32>
    tpu.vector_store %arg9[%swap3A_698, %swap3A_699], %swap3A_702 {strides = array<i32>} : memref<16x128xf32, #tpu.memory_space<vmem>>, vector<1x16xf32>,
    %swap3A_703 = arith.constant 14 : i32
    %swap3A_704 = arith.index_cast %swap3A_703 : i32 to index
    %swap3A_705 = arith.constant 80 : index
    %swap3A_706 = tpu.vector_load %arg9[%swap3A_704, %swap3A_705] {strides = array<i32>} : memref<16x128xf32, #tpu.memory_space<vmem>>, vector<1x16xf32>,
    %swap3A_707 = vector.shape_cast %swap3A_706 : vector<1x16xf32> to vector<16xf32>
    %swap3A_708 = vector.shape_cast %broadcast_in_dim3A_1 : vector<16xf32> to vector<1x16xf32>
    tpu.vector_store %arg9[%swap3A_704, %swap3A_705], %swap3A_708 {strides = array<i32>} : memref<16x128xf32, #tpu.memory_space<vmem>>, vector<1x16xf32>,
    %swap3A_709 = arith.constant 14 : i32
    %swap3A_710 = arith.index_cast %swap3A_709 : i32 to index
    %swap3A_711 = arith.constant 96 : index
    %swap3A_712 = tpu.vector_load %arg9[%swap3A_710, %swap3A_711] {strides = array<i32>} : memref<16x128xf32, #tpu.memory_space<vmem>>, vector<1x16xf32>,
    %swap3A_713 = vector.shape_cast %swap3A_712 : vector<1x16xf32> to vector<16xf32>
    %swap3A_714 = vector.shape_cast %broadcast_in_dim3A_1 : vector<16xf32> to vector<1x16xf32>
    tpu.vector_store %arg9[%swap3A_710, %swap3A_711], %swap3A_714 {strides = array<i32>} : memref<16x128xf32, #tpu.memory_space<vmem>>, vector<1x16xf32>,
    %swap3A_715 = arith.constant 14 : i32
    %swap3A_716 = arith.index_cast %swap3A_715 : i32 to index
    %swap3A_717 = arith.constant 112 : index
    %swap3A_718 = tpu.vector_load %arg9[%swap3A_716, %swap3A_717] {strides = array<i32>} : memref<16x128xf32, #tpu.memory_space<vmem>>, vector<1x16xf32>,
    %swap3A_719 = vector.shape_cast %swap3A_718 : vector<1x16xf32> to vector<16xf32>
    %swap3A_720 = vector.shape_cast %broadcast_in_dim3A_1 : vector<16xf32> to vector<1x16xf32>
    tpu.vector_store %arg9[%swap3A_716, %swap3A_717], %swap3A_720 {strides = array<i32>} : memref<16x128xf32, #tpu.memory_space<vmem>>, vector<1x16xf32>,
    %swap3A_721 = arith.constant 15 : i32
    %swap3A_722 = arith.index_cast %swap3A_721 : i32 to index
    %swap3A_723 = arith.constant 0 : index
    %swap3A_724 = tpu.vector_load %arg9[%swap3A_722, %swap3A_723] {strides = array<i32>} : memref<16x128xf32, #tpu.memory_space<vmem>>, vector<1x16xf32>,
    %swap3A_725 = vector.shape_cast %swap3A_724 : vector<1x16xf32> to vector<16xf32>
    %swap3A_726 = vector.shape_cast %broadcast_in_dim3A_1 : vector<16xf32> to vector<1x16xf32>
    tpu.vector_store %arg9[%swap3A_722, %swap3A_723], %swap3A_726 {strides = array<i32>} : memref<16x128xf32, #tpu.memory_space<vmem>>, vector<1x16xf32>,
    %swap3A_727 = arith.constant 15 : i32
    %swap3A_728 = arith.index_cast %swap3A_727 : i32 to index
    %swap3A_729 = arith.constant 16 : index
    %swap3A_730 = tpu.vector_load %arg9[%swap3A_728, %swap3A_729] {strides = array<i32>} : memref<16x128xf32, #tpu.memory_space<vmem>>, vector<1x16xf32>,
    %swap3A_731 = vector.shape_cast %swap3A_730 : vector<1x16xf32> to vector<16xf32>
    %swap3A_732 = vector.shape_cast %broadcast_in_dim3A_1 : vector<16xf32> to vector<1x16xf32>
    tpu.vector_store %arg9[%swap3A_728, %swap3A_729], %swap3A_732 {strides = array<i32>} : memref<16x128xf32, #tpu.memory_space<vmem>>, vector<1x16xf32>,
    %swap3A_733 = arith.constant 15 : i32
    %swap3A_734 = arith.index_cast %swap3A_733 : i32 to index
    %swap3A_735 = arith.constant 32 : index
    %swap3A_736 = tpu.vector_load %arg9[%swap3A_734, %swap3A_735] {strides = array<i32>} : memref<16x128xf32, #tpu.memory_space<vmem>>, vector<1x16xf32>,
    %swap3A_737 = vector.shape_cast %swap3A_736 : vector<1x16xf32> to vector<16xf32>
    %swap3A_738 = vector.shape_cast %broadcast_in_dim3A_1 : vector<16xf32> to vector<1x16xf32>
    tpu.vector_store %arg9[%swap3A_734, %swap3A_735], %swap3A_738 {strides = array<i32>} : memref<16x128xf32, #tpu.memory_space<vmem>>, vector<1x16xf32>,
    %swap3A_739 = arith.constant 15 : i32
    %swap3A_740 = arith.index_cast %swap3A_739 : i32 to index
    %swap3A_741 = arith.constant 48 : index
    %swap3A_742 = tpu.vector_load %arg9[%swap3A_740, %swap3A_741] {strides = array<i32>} : memref<16x128xf32, #tpu.memory_space<vmem>>, vector<1x16xf32>,
    %swap3A_743 = vector.shape_cast %swap3A_742 : vector<1x16xf32> to vector<16xf32>
    %swap3A_744 = vector.shape_cast %broadcast_in_dim3A_1 : vector<16xf32> to vector<1x16xf32>
    tpu.vector_store %arg9[%swap3A_740, %swap3A_741], %swap3A_744 {strides = array<i32>} : memref<16x128xf32, #tpu.memory_space<vmem>>, vector<1x16xf32>,
    %swap3A_745 = arith.constant 15 : i32
    %swap3A_746 = arith.index_cast %swap3A_745 : i32 to index
    %swap3A_747 = arith.constant 64 : index
    %swap3A_748 = tpu.vector_load %arg9[%swap3A_746, %swap3A_747] {strides = array<i32>} : memref<16x128xf32, #tpu.memory_space<vmem>>, vector<1x16xf32>,
    %swap3A_749 = vector.shape_cast %swap3A_748 : vector<1x16xf32> to vector<16xf32>
    %swap3A_750 = vector.shape_cast %broadcast_in_dim3A_1 : vector<16xf32> to vector<1x16xf32>
    tpu.vector_store %arg9[%swap3A_746, %swap3A_747], %swap3A_750 {strides = array<i32>} : memref<16x128xf32, #tpu.memory_space<vmem>>, vector<1x16xf32>,
    %swap3A_751 = arith.constant 15 : i32
    %swap3A_752 = arith.index_cast %swap3A_751 : i32 to index
    %swap3A_753 = arith.constant 80 : index
    %swap3A_754 = tpu.vector_load %arg9[%swap3A_752, %swap3A_753] {strides = array<i32>} : memref<16x128xf32, #tpu.memory_space<vmem>>, vector<1x16xf32>,
    %swap3A_755 = vector.shape_cast %swap3A_754 : vector<1x16xf32> to vector<16xf32>
    %swap3A_756 = vector.shape_cast %broadcast_in_dim3A_1 : vector<16xf32> to vector<1x16xf32>
    tpu.vector_store %arg9[%swap3A_752, %swap3A_753], %swap3A_756 {strides = array<i32>} : memref<16x128xf32, #tpu.memory_space<vmem>>, vector<1x16xf32>,
    %swap3A_757 = arith.constant 15 : i32
    %swap3A_758 = arith.index_cast %swap3A_757 : i32 to index
    %swap3A_759 = arith.constant 96 : index
    %swap3A_760 = tpu.vector_load %arg9[%swap3A_758, %swap3A_759] {strides = array<i32>} : memref<16x128xf32, #tpu.memory_space<vmem>>, vector<1x16xf32>,
    %swap3A_761 = vector.shape_cast %swap3A_760 : vector<1x16xf32> to vector<16xf32>
    %swap3A_762 = vector.shape_cast %broadcast_in_dim3A_1 : vector<16xf32> to vector<1x16xf32>
    tpu.vector_store %arg9[%swap3A_758, %swap3A_759], %swap3A_762 {strides = array<i32>} : memref<16x128xf32, #tpu.memory_space<vmem>>, vector<1x16xf32>,
    %swap3A_763 = arith.constant 15 : i32
    %swap3A_764 = arith.index_cast %swap3A_763 : i32 to index
    %swap3A_765 = arith.constant 112 : index
    %swap3A_766 = tpu.vector_load %arg9[%swap3A_764, %swap3A_765] {strides = array<i32>} : memref<16x128xf32, #tpu.memory_space<vmem>>, vector<1x16xf32>,
    %swap3A_767 = vector.shape_cast %swap3A_766 : vector<1x16xf32> to vector<16xf32>
    %swap3A_768 = vector.shape_cast %broadcast_in_dim3A_1 : vector<16xf32> to vector<1x16xf32>
    tpu.vector_store %arg9[%swap3A_764, %swap3A_765], %swap3A_768 {strides = array<i32>} : memref<16x128xf32, #tpu.memory_space<vmem>>, vector<1x16xf32>,
    %mul3A_769 = arith.constant 640 : i32
    %mul3A_770 = arith.muli %arg1, %mul3A_769 : i32
    %scan3A = arith.constant 0 : i32
    %scan3A_771 = arith.constant 0 : i32
    %scan3A_772 = arith.constant 40 : i32
    %scan3A_773 = arith.addi %scan3A_771, %scan3A_772 : i32
    %scan3A_774 = arith.constant 1 : i32
    scf.for %scan3A_849 = %scan3A_771 to %scan3A_773 step %scan3A_774  : i32 {
      %mul3A_850 = arith.constant 16 : i32
      %mul3A_851 = arith.muli %mul3A_850, %scan3A_849 : i32
      %add3A_852 = arith.addi %mul3A_770, %mul3A_851 : i32
      "tpu.region"() ({
        %run_scoped3A = tpu.sem_alloc : memref<!tpu.dma_semaphore, #tpu.memory_space<semaphore_mem>>
        %dma_start3A_853 = arith.constant 0 : i32
        %dma_start3A_854 = tpu.memref_slice %arg10[%add3A_852, %dma_start3A_853] : memref<10240x128xf32, #tpu.memory_space<vmem_shared>> -> memref<16x128xf32, #tpu.memory_space<vmem_shared>>
        %dma_start3A_855 = arith.constant 0 : i32
        %dma_start3A_856 = tpu.memref_slice %arg10[%add3A_852, %dma_start3A_855] : memref<10240x128xf32, #tpu.memory_space<vmem_shared>> -> memref<16x128xf32, #tpu.memory_space<vmem_shared>>
        tpu.enqueue_dma source(%arg9 : memref<16x128xf32, #tpu.memory_space<vmem>>) target(%dma_start3A_856 : memref<16x128xf32, #tpu.memory_space<vmem_shared>>) target_semaphore(%run_scoped3A : memref<!tpu.dma_semaphore, #tpu.memory_space<semaphore_mem>>)
        %dma_wait3A_857 = arith.constant 0 : i32
        %dma_wait3A_858 = tpu.memref_slice %arg10[%add3A_852, %dma_wait3A_857] : memref<10240x128xf32, #tpu.memory_space<vmem_shared>> -> memref<16x128xf32, #tpu.memory_space<vmem_shared>>
        %dma_wait3A_859 = arith.constant 0 : i32
        %dma_wait3A_860 = tpu.memref_slice %arg10[%add3A_852, %dma_wait3A_859] : memref<10240x128xf32, #tpu.memory_space<vmem_shared>> -> memref<16x128xf32, #tpu.memory_space<vmem_shared>>
        tpu.wait_dma2 semaphore(%run_scoped3A : memref<!tpu.dma_semaphore, #tpu.memory_space<semaphore_mem>>) src(%arg9 : memref<16x128xf32, #tpu.memory_space<vmem>>) dst(%dma_wait3A_860 : memref<16x128xf32, #tpu.memory_space<vmem_shared>>)
        tpu.yield
      }) : () -> ()
    }
    %scan3A_775 = arith.constant 40 : i32
    %dma_start3A = arith.constant 0 : i32
    %dma_start3A_776 = arith.constant 0 : i32
    %dma_start3A_777 = arith.constant 0 : i32
    %dma_start3A_778 = tpu.memref_slice %arg6[%dma_start3A, %dma_start3A_776, %dma_start3A_777] : memref<2x16x128xi32, #tpu.memory_space<vmem>> -> memref<1x16x128xi32, #tpu.memory_space<vmem>>
    %dma_start3A_779 = tpu.memref_squeeze %dma_start3A_778 : memref<1x16x128xi32, #tpu.memory_space<vmem>> -> memref<16x128xi32, #tpu.memory_space<vmem>>
    %dma_start3A_780 = arith.constant 0 : i32
    %dma_start3A_781 = arith.constant 0 : i32
    %dma_start3A_782 = tpu.memref_slice %arg3[%add3A, %dma_start3A_780, %dma_start3A_781] : memref<32x80x128xi32, #tpu.memory_space<hbm>> -> memref<1x16x128xi32, #tpu.memory_space<hbm>>
    %dma_start3A_783 = tpu.memref_squeeze %dma_start3A_782 : memref<1x16x128xi32, #tpu.memory_space<hbm>> -> memref<16x128xi32, #tpu.memory_space<hbm>>
    %dma_start3A_784 = arith.constant 0 : i32
    %dma_start3A_785 = arith.constant 0 : i32
    %dma_start3A_786 = tpu.memref_slice %arg6[%dma_start3A, %dma_start3A_784, %dma_start3A_785] : memref<2x16x128xi32, #tpu.memory_space<vmem>> -> memref<1x16x128xi32, #tpu.memory_space<vmem>>
    %dma_start3A_787 = tpu.memref_squeeze %dma_start3A_786 : memref<1x16x128xi32, #tpu.memory_space<vmem>> -> memref<16x128xi32, #tpu.memory_space<vmem>>
    %dma_start3A_788 = arith.constant 0 : i32
    %dma_start3A_789 = arith.constant 0 : i32
    %dma_start3A_790 = tpu.memref_slice %arg3[%add3A, %dma_start3A_788, %dma_start3A_789] : memref<32x80x128xi32, #tpu.memory_space<hbm>> -> memref<1x16x128xi32, #tpu.memory_space<hbm>>
    %dma_start3A_791 = tpu.memref_squeeze %dma_start3A_790 : memref<1x16x128xi32, #tpu.memory_space<hbm>> -> memref<16x128xi32, #tpu.memory_space<hbm>>
    tpu.enqueue_dma source(%dma_start3A_791 : memref<16x128xi32, #tpu.memory_space<hbm>>) target(%dma_start3A_787 : memref<16x128xi32, #tpu.memory_space<vmem>>) target_semaphore(%arg11 : memref<!tpu.dma_semaphore, #tpu.memory_space<semaphore_mem>>)
    %dma_wait3A = arith.constant 0 : i32
    %dma_wait3A_792 = arith.constant 0 : i32
    %dma_wait3A_793 = arith.constant 0 : i32
    %dma_wait3A_794 = tpu.memref_slice %arg6[%dma_wait3A, %dma_wait3A_792, %dma_wait3A_793] : memref<2x16x128xi32, #tpu.memory_space<vmem>> -> memref<1x16x128xi32, #tpu.memory_space<vmem>>
    %dma_wait3A_795 = tpu.memref_squeeze %dma_wait3A_794 : memref<1x16x128xi32, #tpu.memory_space<vmem>> -> memref<16x128xi32, #tpu.memory_space<vmem>>
    %dma_wait3A_796 = arith.constant 0 : i32
    %dma_wait3A_797 = arith.constant 0 : i32
    %dma_wait3A_798 = tpu.memref_slice %arg3[%add3A, %dma_wait3A_796, %dma_wait3A_797] : memref<32x80x128xi32, #tpu.memory_space<hbm>> -> memref<1x16x128xi32, #tpu.memory_space<hbm>>
    %dma_wait3A_799 = tpu.memref_squeeze %dma_wait3A_798 : memref<1x16x128xi32, #tpu.memory_space<hbm>> -> memref<16x128xi32, #tpu.memory_space<hbm>>
    %dma_wait3A_800 = arith.constant 0 : i32
    %dma_wait3A_801 = arith.constant 0 : i32
    %dma_wait3A_802 = tpu.memref_slice %arg6[%dma_wait3A, %dma_wait3A_800, %dma_wait3A_801] : memref<2x16x128xi32, #tpu.memory_space<vmem>> -> memref<1x16x128xi32, #tpu.memory_space<vmem>>
    %dma_wait3A_803 = tpu.memref_squeeze %dma_wait3A_802 : memref<1x16x128xi32, #tpu.memory_space<vmem>> -> memref<16x128xi32, #tpu.memory_space<vmem>>
    %dma_wait3A_804 = arith.constant 0 : i32
    %dma_wait3A_805 = arith.constant 0 : i32
    %dma_wait3A_806 = tpu.memref_slice %arg3[%add3A, %dma_wait3A_804, %dma_wait3A_805] : memref<32x80x128xi32, #tpu.memory_space<hbm>> -> memref<1x16x128xi32, #tpu.memory_space<hbm>>
    %dma_wait3A_807 = tpu.memref_squeeze %dma_wait3A_806 : memref<1x16x128xi32, #tpu.memory_space<hbm>> -> memref<16x128xi32, #tpu.memory_space<hbm>>
    tpu.wait_dma2 semaphore(%arg11 : memref<!tpu.dma_semaphore, #tpu.memory_space<semaphore_mem>>) src(%dma_wait3A_807 : memref<16x128xi32, #tpu.memory_space<hbm>>) dst(%dma_wait3A_803 : memref<16x128xi32, #tpu.memory_space<vmem>>)
    %dma_start3A_808 = arith.constant 0 : i32
    %dma_start3A_809 = arith.constant 0 : i32
    %dma_start3A_810 = arith.constant 0 : i32
    %dma_start3A_811 = tpu.memref_slice %arg7[%dma_start3A_808, %dma_start3A_809, %dma_start3A_810] : memref<2x16x128xi32, #tpu.memory_space<vmem>> -> memref<1x16x128xi32, #tpu.memory_space<vmem>>
    %dma_start3A_812 = tpu.memref_squeeze %dma_start3A_811 : memref<1x16x128xi32, #tpu.memory_space<vmem>> -> memref<16x128xi32, #tpu.memory_space<vmem>>
    %dma_start3A_813 = arith.constant 0 : i32
    %dma_start3A_814 = arith.constant 0 : i32
    %dma_start3A_815 = tpu.memref_slice %arg4[%add3A, %dma_start3A_813, %dma_start3A_814] : memref<32x80x128xi32, #tpu.memory_space<hbm>> -> memref<1x16x128xi32, #tpu.memory_space<hbm>>
    %dma_start3A_816 = tpu.memref_squeeze %dma_start3A_815 : memref<1x16x128xi32, #tpu.memory_space<hbm>> -> memref<16x128xi32, #tpu.memory_space<hbm>>
    %dma_start3A_817 = arith.constant 0 : i32
    %dma_start3A_818 = arith.constant 0 : i32
    %dma_start3A_819 = tpu.memref_slice %arg7[%dma_start3A_808, %dma_start3A_817, %dma_start3A_818] : memref<2x16x128xi32, #tpu.memory_space<vmem>> -> memref<1x16x128xi32, #tpu.memory_space<vmem>>
    %dma_start3A_820 = tpu.memref_squeeze %dma_start3A_819 : memref<1x16x128xi32, #tpu.memory_space<vmem>> -> memref<16x128xi32, #tpu.memory_space<vmem>>
    %dma_start3A_821 = arith.constant 0 : i32
    %dma_start3A_822 = arith.constant 0 : i32
    %dma_start3A_823 = tpu.memref_slice %arg4[%add3A, %dma_start3A_821, %dma_start3A_822] : memref<32x80x128xi32, #tpu.memory_space<hbm>> -> memref<1x16x128xi32, #tpu.memory_space<hbm>>
    %dma_start3A_824 = tpu.memref_squeeze %dma_start3A_823 : memref<1x16x128xi32, #tpu.memory_space<hbm>> -> memref<16x128xi32, #tpu.memory_space<hbm>>
    tpu.enqueue_dma source(%dma_start3A_824 : memref<16x128xi32, #tpu.memory_space<hbm>>) target(%dma_start3A_820 : memref<16x128xi32, #tpu.memory_space<vmem>>) target_semaphore(%arg12 : memref<!tpu.dma_semaphore, #tpu.memory_space<semaphore_mem>>)
    %dma_wait3A_825 = arith.constant 0 : i32
    %dma_wait3A_826 = arith.constant 0 : i32
    %dma_wait3A_827 = arith.constant 0 : i32
    %dma_wait3A_828 = tpu.memref_slice %arg7[%dma_wait3A_825, %dma_wait3A_826, %dma_wait3A_827] : memref<2x16x128xi32, #tpu.memory_space<vmem>> -> memref<1x16x128xi32, #tpu.memory_space<vmem>>
    %dma_wait3A_829 = tpu.memref_squeeze %dma_wait3A_828 : memref<1x16x128xi32, #tpu.memory_space<vmem>> -> memref<16x128xi32, #tpu.memory_space<vmem>>
    %dma_wait3A_830 = arith.constant 0 : i32
    %dma_wait3A_831 = arith.constant 0 : i32
    %dma_wait3A_832 = tpu.memref_slice %arg4[%add3A, %dma_wait3A_830, %dma_wait3A_831] : memref<32x80x128xi32, #tpu.memory_space<hbm>> -> memref<1x16x128xi32, #tpu.memory_space<hbm>>
    %dma_wait3A_833 = tpu.memref_squeeze %dma_wait3A_832 : memref<1x16x128xi32, #tpu.memory_space<hbm>> -> memref<16x128xi32, #tpu.memory_space<hbm>>
    %dma_wait3A_834 = arith.constant 0 : i32
    %dma_wait3A_835 = arith.constant 0 : i32
    %dma_wait3A_836 = tpu.memref_slice %arg7[%dma_wait3A_825, %dma_wait3A_834, %dma_wait3A_835] : memref<2x16x128xi32, #tpu.memory_space<vmem>> -> memref<1x16x128xi32, #tpu.memory_space<vmem>>
    %dma_wait3A_837 = tpu.memref_squeeze %dma_wait3A_836 : memref<1x16x128xi32, #tpu.memory_space<vmem>> -> memref<16x128xi32, #tpu.memory_space<vmem>>
    %dma_wait3A_838 = arith.constant 0 : i32
    %dma_wait3A_839 = arith.constant 0 : i32
    %dma_wait3A_840 = tpu.memref_slice %arg4[%add3A, %dma_wait3A_838, %dma_wait3A_839] : memref<32x80x128xi32, #tpu.memory_space<hbm>> -> memref<1x16x128xi32, #tpu.memory_space<hbm>>
    %dma_wait3A_841 = tpu.memref_squeeze %dma_wait3A_840 : memref<1x16x128xi32, #tpu.memory_space<hbm>> -> memref<16x128xi32, #tpu.memory_space<hbm>>
    tpu.wait_dma2 semaphore(%arg12 : memref<!tpu.dma_semaphore, #tpu.memory_space<semaphore_mem>>) src(%dma_wait3A_841 : memref<16x128xi32, #tpu.memory_space<hbm>>) dst(%dma_wait3A_837 : memref<16x128xi32, #tpu.memory_space<vmem>>)
    %barrier3A = arith.constant 0 : index
    tpu.barrier barrier_id(%barrier3A)
    %scan3A_842 = arith.constant 0 : i32
    %scan3A_843 = arith.constant 0 : i32
    %scan3A_844 = arith.constant 5 : i32
    %scan3A_845 = arith.addi %scan3A_843, %scan3A_844 : i32
    %scan3A_846 = arith.constant 1 : i32
    scf.for %scan3A_849 = %scan3A_843 to %scan3A_845 step %scan3A_846  : i32 {
      %rem3A = arith.constant 2 : i32
      %rem3A_850 = arith.remsi %scan3A_849, %rem3A : i32
      %sub3A = arith.constant 1 : i32
      %sub3A_851 = arith.subi %sub3A, %rem3A_850 : i32
      %add3A_852 = arith.constant 1 : i32
      %add3A_853 = arith.addi %scan3A_849, %add3A_852 : i32
      %lt3A = arith.constant 5 : i32
      %lt3A_854 = arith.cmpi slt, %add3A_853, %lt3A : i32
      %convert_element_type3A = arith.extui %lt3A_854 : i1 to i32
      %cond3A = arith.constant 0 : i32
      %cond3A_855 = arith.cmpi ne, %convert_element_type3A, %cond3A : i32
      scf.if %cond3A_855 {
        %add3A_884 = arith.constant 1 : i32
        %add3A_885 = arith.addi %scan3A_849, %add3A_884 : i32
        %mul3A_886 = arith.constant 16 : i32
        %mul3A_887 = arith.muli %add3A_885, %mul3A_886 : i32
        %dma_start3A_888 = arith.constant 0 : i32
        %dma_start3A_889 = arith.constant 0 : i32
        %dma_start3A_890 = tpu.memref_slice %arg6[%sub3A_851, %dma_start3A_888, %dma_start3A_889] : memref<2x16x128xi32, #tpu.memory_space<vmem>> -> memref<1x16x128xi32, #tpu.memory_space<vmem>>
        %dma_start3A_891 = tpu.memref_squeeze %dma_start3A_890 : memref<1x16x128xi32, #tpu.memory_space<vmem>> -> memref<16x128xi32, #tpu.memory_space<vmem>>
        %dma_start3A_892 = arith.constant 0 : i32
        %dma_start3A_893 = tpu.memref_slice %arg3[%add3A, %mul3A_887, %dma_start3A_892] : memref<32x80x128xi32, #tpu.memory_space<hbm>> -> memref<1x16x128xi32, #tpu.memory_space<hbm>>
        %dma_start3A_894 = tpu.memref_squeeze %dma_start3A_893 : memref<1x16x128xi32, #tpu.memory_space<hbm>> -> memref<16x128xi32, #tpu.memory_space<hbm>>
        %dma_start3A_895 = arith.constant 0 : i32
        %dma_start3A_896 = arith.constant 0 : i32
        %dma_start3A_897 = tpu.memref_slice %arg6[%sub3A_851, %dma_start3A_895, %dma_start3A_896] : memref<2x16x128xi32, #tpu.memory_space<vmem>> -> memref<1x16x128xi32, #tpu.memory_space<vmem>>
        %dma_start3A_898 = tpu.memref_squeeze %dma_start3A_897 : memref<1x16x128xi32, #tpu.memory_space<vmem>> -> memref<16x128xi32, #tpu.memory_space<vmem>>
        %dma_start3A_899 = arith.constant 0 : i32
        %dma_start3A_900 = tpu.memref_slice %arg3[%add3A, %mul3A_887, %dma_start3A_899] : memref<32x80x128xi32, #tpu.memory_space<hbm>> -> memref<1x16x128xi32, #tpu.memory_space<hbm>>
        %dma_start3A_901 = tpu.memref_squeeze %dma_start3A_900 : memref<1x16x128xi32, #tpu.memory_space<hbm>> -> memref<16x128xi32, #tpu.memory_space<hbm>>
        tpu.enqueue_dma source(%dma_start3A_901 : memref<16x128xi32, #tpu.memory_space<hbm>>) target(%dma_start3A_898 : memref<16x128xi32, #tpu.memory_space<vmem>>) target_semaphore(%arg11 : memref<!tpu.dma_semaphore, #tpu.memory_space<semaphore_mem>>)
        %add3A_902 = arith.constant 1 : i32
        %add3A_903 = arith.addi %scan3A_849, %add3A_902 : i32
        %mul3A_904 = arith.constant 16 : i32
        %mul3A_905 = arith.muli %add3A_903, %mul3A_904 : i32
        %dma_start3A_906 = arith.constant 0 : i32
        %dma_start3A_907 = arith.constant 0 : i32
        %dma_start3A_908 = tpu.memref_slice %arg7[%sub3A_851, %dma_start3A_906, %dma_start3A_907] : memref<2x16x128xi32, #tpu.memory_space<vmem>> -> memref<1x16x128xi32, #tpu.memory_space<vmem>>
        %dma_start3A_909 = tpu.memref_squeeze %dma_start3A_908 : memref<1x16x128xi32, #tpu.memory_space<vmem>> -> memref<16x128xi32, #tpu.memory_space<vmem>>
        %dma_start3A_910 = arith.constant 0 : i32
        %dma_start3A_911 = tpu.memref_slice %arg4[%add3A, %mul3A_905, %dma_start3A_910] : memref<32x80x128xi32, #tpu.memory_space<hbm>> -> memref<1x16x128xi32, #tpu.memory_space<hbm>>
        %dma_start3A_912 = tpu.memref_squeeze %dma_start3A_911 : memref<1x16x128xi32, #tpu.memory_space<hbm>> -> memref<16x128xi32, #tpu.memory_space<hbm>>
        %dma_start3A_913 = arith.constant 0 : i32
        %dma_start3A_914 = arith.constant 0 : i32
        %dma_start3A_915 = tpu.memref_slice %arg7[%sub3A_851, %dma_start3A_913, %dma_start3A_914] : memref<2x16x128xi32, #tpu.memory_space<vmem>> -> memref<1x16x128xi32, #tpu.memory_space<vmem>>
        %dma_start3A_916 = tpu.memref_squeeze %dma_start3A_915 : memref<1x16x128xi32, #tpu.memory_space<vmem>> -> memref<16x128xi32, #tpu.memory_space<vmem>>
        %dma_start3A_917 = arith.constant 0 : i32
        %dma_start3A_918 = tpu.memref_slice %arg4[%add3A, %mul3A_905, %dma_start3A_917] : memref<32x80x128xi32, #tpu.memory_space<hbm>> -> memref<1x16x128xi32, #tpu.memory_space<hbm>>
        %dma_start3A_919 = tpu.memref_squeeze %dma_start3A_918 : memref<1x16x128xi32, #tpu.memory_space<hbm>> -> memref<16x128xi32, #tpu.memory_space<hbm>>
        tpu.enqueue_dma source(%dma_start3A_919 : memref<16x128xi32, #tpu.memory_space<hbm>>) target(%dma_start3A_916 : memref<16x128xi32, #tpu.memory_space<vmem>>) target_semaphore(%arg12 : memref<!tpu.dma_semaphore, #tpu.memory_space<semaphore_mem>>)
      } else {
      }
      %dma_start3A_856 = arith.constant 0 : i32
      %dma_start3A_857 = arith.constant 0 : i32
      %dma_start3A_858 = arith.constant 0 : i32
      %dma_start3A_859 = arith.constant 0 : i32
      %dma_start3A_860 = arith.constant 0 : i32
      %dma_start3A_861 = tpu.memref_slice %arg8[%dma_start3A_857, %dma_start3A_859, %dma_start3A_860] : memref<2x128x128xf32, #tpu.memory_space<vmem>> -> memref<1x128x128xf32, #tpu.memory_space<vmem>>
      %dma_start3A_862 = tpu.memref_squeeze %dma_start3A_861 : memref<1x128x128xf32, #tpu.memory_space<vmem>> -> memref<128x128xf32, #tpu.memory_space<vmem>>
      %dma_start3A_863 = arith.constant 0 : i32
      %dma_start3A_864 = tpu.memref_slice %arg6[%rem3A_850, %dma_start3A_856, %dma_start3A_863] : memref<2x16x128xi32, #tpu.memory_space<vmem>> -> memref<1x1x128xi32, #tpu.memory_space<vmem>>
      %dma_start3A_865 = tpu.memref_squeeze %dma_start3A_864 : memref<1x1x128xi32, #tpu.memory_space<vmem>> -> memref<128xi32, #tpu.memory_space<vmem>>
      %dma_start3A_866 = arith.constant 0 : i32
      %dma_start3A_867 = arith.constant 0 : i32
      %dma_start3A_868 = tpu.memref_slice %arg2[%dma_start3A_866, %dma_start3A_867] : memref<10000x128xf32, #tpu.memory_space<hbm>> -> memref<10000x128xf32, #tpu.memory_space<hbm>>
      %dma_start3A_869 = tpu.memref_slice %arg13[%dma_start3A_858] : memref<2x!tpu.dma_semaphore, #tpu.memory_space<semaphore_mem>> -> memref<1x!tpu.dma_semaphore, #tpu.memory_space<semaphore_mem>>
      %dma_start3A_870 = tpu.memref_squeeze %dma_start3A_869 : memref<1x!tpu.dma_semaphore, #tpu.memory_space<semaphore_mem>> -> memref<!tpu.dma_semaphore, #tpu.memory_space<semaphore_mem>>
      tpu.enqueue_indirect_dma source(%dma_start3A_868 : memref<10000x128xf32, #tpu.memory_space<hbm>>) target(%dma_start3A_862 : memref<128x128xf32, #tpu.memory_space<vmem>>) offsets(%dma_start3A_865 : memref<128xi32, #tpu.memory_space<vmem>>) semaphore(%dma_start3A_870 : memref<!tpu.dma_semaphore, #tpu.memory_space<semaphore_mem>>)
      %scan3A_871 = arith.constant 0 : i32
      %scan3A_872 = arith.constant 0 : i32
      %scan3A_873 = arith.constant 16 : i32
      %scan3A_874 = arith.addi %scan3A_872, %scan3A_873 : i32
      %scan3A_875 = arith.constant 1 : i32
      scf.for %scan3A_884 = %scan3A_872 to %scan3A_874 step %scan3A_875  : i32 {
        %rem3A_885 = arith.constant 2 : i32
        %rem3A_886 = arith.remsi %scan3A_884, %rem3A_885 : i32
        %sub3A_887 = arith.constant 1 : i32
        %sub3A_888 = arith.subi %sub3A_887, %rem3A_886 : i32
        %add3A_889 = arith.constant 1 : i32
        %add3A_890 = arith.addi %scan3A_884, %add3A_889 : i32
        %lt3A_891 = arith.constant 16 : i32
        %lt3A_892 = arith.cmpi slt, %add3A_890, %lt3A_891 : i32
        %convert_element_type3A_893 = arith.extui %lt3A_892 : i1 to i32
        %cond3A_894 = arith.constant 0 : i32
        %cond3A_895 = arith.cmpi ne, %convert_element_type3A_893, %cond3A_894 : i32
        scf.if %cond3A_895 {
          %add3A_908 = arith.constant 1 : i32
          %add3A_909 = arith.addi %scan3A_884, %add3A_908 : i32
          %dma_start3A_910 = arith.constant 0 : i32
          %dma_start3A_911 = arith.constant 0 : i32
          %dma_start3A_912 = tpu.memref_slice %arg8[%sub3A_888, %dma_start3A_910, %dma_start3A_911] : memref<2x128x128xf32, #tpu.memory_space<vmem>> -> memref<1x128x128xf32, #tpu.memory_space<vmem>>
          %dma_start3A_913 = tpu.memref_squeeze %dma_start3A_912 : memref<1x128x128xf32, #tpu.memory_space<vmem>> -> memref<128x128xf32, #tpu.memory_space<vmem>>
          %dma_start3A_914 = arith.constant 0 : i32
          %dma_start3A_915 = tpu.memref_slice %arg6[%rem3A_850, %add3A_909, %dma_start3A_914] : memref<2x16x128xi32, #tpu.memory_space<vmem>> -> memref<1x1x128xi32, #tpu.memory_space<vmem>>
          %dma_start3A_916 = tpu.memref_squeeze %dma_start3A_915 : memref<1x1x128xi32, #tpu.memory_space<vmem>> -> memref<128xi32, #tpu.memory_space<vmem>>
          %dma_start3A_917 = arith.constant 0 : i32
          %dma_start3A_918 = arith.constant 0 : i32
          %dma_start3A_919 = tpu.memref_slice %arg2[%dma_start3A_917, %dma_start3A_918] : memref<10000x128xf32, #tpu.memory_space<hbm>> -> memref<10000x128xf32, #tpu.memory_space<hbm>>
          %dma_start3A_920 = tpu.memref_slice %arg13[%sub3A_888] : memref<2x!tpu.dma_semaphore, #tpu.memory_space<semaphore_mem>> -> memref<1x!tpu.dma_semaphore, #tpu.memory_space<semaphore_mem>>
          %dma_start3A_921 = tpu.memref_squeeze %dma_start3A_920 : memref<1x!tpu.dma_semaphore, #tpu.memory_space<semaphore_mem>> -> memref<!tpu.dma_semaphore, #tpu.memory_space<semaphore_mem>>
          tpu.enqueue_indirect_dma source(%dma_start3A_919 : memref<10000x128xf32, #tpu.memory_space<hbm>>) target(%dma_start3A_913 : memref<128x128xf32, #tpu.memory_space<vmem>>) offsets(%dma_start3A_916 : memref<128xi32, #tpu.memory_space<vmem>>) semaphore(%dma_start3A_921 : memref<!tpu.dma_semaphore, #tpu.memory_space<semaphore_mem>>)
        } else {
        }
        %dma_wait3A_896 = arith.constant 0 : i32
        %dma_wait3A_897 = arith.constant 0 : i32
        %dma_wait3A_898 = tpu.memref_slice %arg8[%rem3A_886, %dma_wait3A_896, %dma_wait3A_897] : memref<2x128x128xf32, #tpu.memory_space<vmem>> -> memref<1x128x128xf32, #tpu.memory_space<vmem>>
        %dma_wait3A_899 = tpu.memref_squeeze %dma_wait3A_898 : memref<1x128x128xf32, #tpu.memory_space<vmem>> -> memref<128x128xf32, #tpu.memory_space<vmem>>
        %dma_wait3A_900 = arith.constant 0 : i32
        %dma_wait3A_901 = tpu.memref_slice %arg6[%rem3A_850, %scan3A_884, %dma_wait3A_900] : memref<2x16x128xi32, #tpu.memory_space<vmem>> -> memref<1x1x128xi32, #tpu.memory_space<vmem>>
        %dma_wait3A_902 = tpu.memref_squeeze %dma_wait3A_901 : memref<1x1x128xi32, #tpu.memory_space<vmem>> -> memref<128xi32, #tpu.memory_space<vmem>>
        %dma_wait3A_903 = arith.constant 0 : i32
        %dma_wait3A_904 = arith.constant 0 : i32
        %dma_wait3A_905 = tpu.memref_slice %arg2[%dma_wait3A_903, %dma_wait3A_904] : memref<10000x128xf32, #tpu.memory_space<hbm>> -> memref<10000x128xf32, #tpu.memory_space<hbm>>
        %dma_wait3A_906 = tpu.memref_slice %arg13[%rem3A_886] : memref<2x!tpu.dma_semaphore, #tpu.memory_space<semaphore_mem>> -> memref<1x!tpu.dma_semaphore, #tpu.memory_space<semaphore_mem>>
        %dma_wait3A_907 = tpu.memref_squeeze %dma_wait3A_906 : memref<1x!tpu.dma_semaphore, #tpu.memory_space<semaphore_mem>> -> memref<!tpu.dma_semaphore, #tpu.memory_space<semaphore_mem>>
        tpu.wait_indirect_dma semaphore(%dma_wait3A_907 : memref<!tpu.dma_semaphore, #tpu.memory_space<semaphore_mem>>) src(%dma_wait3A_905 : memref<10000x128xf32, #tpu.memory_space<hbm>>) dst(%dma_wait3A_899 : memref<128x128xf32, #tpu.memory_space<vmem>>)
        "tpu.region"() ({
          %run_scoped3A = tpu.sem_alloc : memref<!tpu.dma_semaphore, #tpu.memory_space<semaphore_mem>>
          %dma_start3A_908 = arith.constant 0 : i32
          %dma_start3A_909 = arith.constant 0 : i32
          %dma_start3A_910 = tpu.memref_slice %arg8[%rem3A_886, %dma_start3A_908, %dma_start3A_909] : memref<2x128x128xf32, #tpu.memory_space<vmem>> -> memref<1x128x128xf32, #tpu.memory_space<vmem>>
          %dma_start3A_911 = tpu.memref_squeeze %dma_start3A_910 : memref<1x128x128xf32, #tpu.memory_space<vmem>> -> memref<128x128xf32, #tpu.memory_space<vmem>>
          %dma_start3A_912 = arith.constant 0 : i32
          %dma_start3A_913 = tpu.memref_slice %arg7[%rem3A_850, %scan3A_884, %dma_start3A_912] : memref<2x16x128xi32, #tpu.memory_space<vmem>> -> memref<1x1x128xi32, #tpu.memory_space<vmem>>
          %dma_start3A_914 = tpu.memref_squeeze %dma_start3A_913 : memref<1x1x128xi32, #tpu.memory_space<vmem>> -> memref<128xi32, #tpu.memory_space<vmem>>
          %dma_start3A_915 = arith.constant 0 : i32
          %dma_start3A_916 = arith.constant 0 : i32
          %dma_start3A_917 = tpu.memref_slice %arg10[%dma_start3A_915, %dma_start3A_916] : memref<10240x128xf32, #tpu.memory_space<vmem_shared>> -> memref<10240x128xf32, #tpu.memory_space<vmem_shared>>
          tpu.enqueue_indirect_dma source(%dma_start3A_911 : memref<128x128xf32, #tpu.memory_space<vmem>>) target(%dma_start3A_917 : memref<10240x128xf32, #tpu.memory_space<vmem_shared>>) offsets(%dma_start3A_914 : memref<128xi32, #tpu.memory_space<vmem>>) semaphore(%run_scoped3A : memref<!tpu.dma_semaphore, #tpu.memory_space<semaphore_mem>>) {add = true}
          %dma_wait3A_918 = arith.constant 0 : i32
          %dma_wait3A_919 = arith.constant 0 : i32
          %dma_wait3A_920 = tpu.memref_slice %arg8[%rem3A_886, %dma_wait3A_918, %dma_wait3A_919] : memref<2x128x128xf32, #tpu.memory_space<vmem>> -> memref<1x128x128xf32, #tpu.memory_space<vmem>>
          %dma_wait3A_921 = tpu.memref_squeeze %dma_wait3A_920 : memref<1x128x128xf32, #tpu.memory_space<vmem>> -> memref<128x128xf32, #tpu.memory_space<vmem>>
          %dma_wait3A_922 = arith.constant 0 : i32
          %dma_wait3A_923 = tpu.memref_slice %arg7[%rem3A_850, %scan3A_884, %dma_wait3A_922] : memref<2x16x128xi32, #tpu.memory_space<vmem>> -> memref<1x1x128xi32, #tpu.memory_space<vmem>>
          %dma_wait3A_924 = tpu.memref_squeeze %dma_wait3A_923 : memref<1x1x128xi32, #tpu.memory_space<vmem>> -> memref<128xi32, #tpu.memory_space<vmem>>
          %dma_wait3A_925 = arith.constant 0 : i32
          %dma_wait3A_926 = arith.constant 0 : i32
          %dma_wait3A_927 = tpu.memref_slice %arg10[%dma_wait3A_925, %dma_wait3A_926] : memref<10240x128xf32, #tpu.memory_space<vmem_shared>> -> memref<10240x128xf32, #tpu.memory_space<vmem_shared>>
          tpu.wait_indirect_dma semaphore(%run_scoped3A : memref<!tpu.dma_semaphore, #tpu.memory_space<semaphore_mem>>) src(%dma_wait3A_921 : memref<128x128xf32, #tpu.memory_space<vmem>>) dst(%dma_wait3A_927 : memref<10240x128xf32, #tpu.memory_space<vmem_shared>>)
          tpu.yield
        }) : () -> ()
      }
      %scan3A_876 = arith.constant 16 : i32
      %add3A_877 = arith.constant 1 : i32
      %add3A_878 = arith.addi %scan3A_849, %add3A_877 : i32
      %lt3A_879 = arith.constant 5 : i32
      %lt3A_880 = arith.cmpi slt, %add3A_878, %lt3A_879 : i32
      %convert_element_type3A_881 = arith.extui %lt3A_880 : i1 to i32
      %cond3A_882 = arith.constant 0 : i32
      %cond3A_883 = arith.cmpi ne, %convert_element_type3A_881, %cond3A_882 : i32
      scf.if %cond3A_883 {
        %add3A_884 = arith.constant 1 : i32
        %add3A_885 = arith.addi %scan3A_849, %add3A_884 : i32
        %mul3A_886 = arith.constant 16 : i32
        %mul3A_887 = arith.muli %add3A_885, %mul3A_886 : i32
        %dma_wait3A_888 = arith.constant 0 : i32
        %dma_wait3A_889 = arith.constant 0 : i32
        %dma_wait3A_890 = tpu.memref_slice %arg6[%sub3A_851, %dma_wait3A_888, %dma_wait3A_889] : memref<2x16x128xi32, #tpu.memory_space<vmem>> -> memref<1x16x128xi32, #tpu.memory_space<vmem>>
        %dma_wait3A_891 = tpu.memref_squeeze %dma_wait3A_890 : memref<1x16x128xi32, #tpu.memory_space<vmem>> -> memref<16x128xi32, #tpu.memory_space<vmem>>
        %dma_wait3A_892 = arith.constant 0 : i32
        %dma_wait3A_893 = tpu.memref_slice %arg3[%add3A, %mul3A_887, %dma_wait3A_892] : memref<32x80x128xi32, #tpu.memory_space<hbm>> -> memref<1x16x128xi32, #tpu.memory_space<hbm>>
        %dma_wait3A_894 = tpu.memref_squeeze %dma_wait3A_893 : memref<1x16x128xi32, #tpu.memory_space<hbm>> -> memref<16x128xi32, #tpu.memory_space<hbm>>
        %dma_wait3A_895 = arith.constant 0 : i32
        %dma_wait3A_896 = arith.constant 0 : i32
        %dma_wait3A_897 = tpu.memref_slice %arg6[%sub3A_851, %dma_wait3A_895, %dma_wait3A_896] : memref<2x16x128xi32, #tpu.memory_space<vmem>> -> memref<1x16x128xi32, #tpu.memory_space<vmem>>
        %dma_wait3A_898 = tpu.memref_squeeze %dma_wait3A_897 : memref<1x16x128xi32, #tpu.memory_space<vmem>> -> memref<16x128xi32, #tpu.memory_space<vmem>>
        %dma_wait3A_899 = arith.constant 0 : i32
        %dma_wait3A_900 = tpu.memref_slice %arg3[%add3A, %mul3A_887, %dma_wait3A_899] : memref<32x80x128xi32, #tpu.memory_space<hbm>> -> memref<1x16x128xi32, #tpu.memory_space<hbm>>
        %dma_wait3A_901 = tpu.memref_squeeze %dma_wait3A_900 : memref<1x16x128xi32, #tpu.memory_space<hbm>> -> memref<16x128xi32, #tpu.memory_space<hbm>>
        tpu.wait_dma2 semaphore(%arg11 : memref<!tpu.dma_semaphore, #tpu.memory_space<semaphore_mem>>) src(%dma_wait3A_901 : memref<16x128xi32, #tpu.memory_space<hbm>>) dst(%dma_wait3A_898 : memref<16x128xi32, #tpu.memory_space<vmem>>)
        %add3A_902 = arith.constant 1 : i32
        %add3A_903 = arith.addi %scan3A_849, %add3A_902 : i32
        %mul3A_904 = arith.constant 16 : i32
        %mul3A_905 = arith.muli %add3A_903, %mul3A_904 : i32
        %dma_wait3A_906 = arith.constant 0 : i32
        %dma_wait3A_907 = arith.constant 0 : i32
        %dma_wait3A_908 = tpu.memref_slice %arg7[%sub3A_851, %dma_wait3A_906, %dma_wait3A_907] : memref<2x16x128xi32, #tpu.memory_space<vmem>> -> memref<1x16x128xi32, #tpu.memory_space<vmem>>
        %dma_wait3A_909 = tpu.memref_squeeze %dma_wait3A_908 : memref<1x16x128xi32, #tpu.memory_space<vmem>> -> memref<16x128xi32, #tpu.memory_space<vmem>>
        %dma_wait3A_910 = arith.constant 0 : i32
        %dma_wait3A_911 = tpu.memref_slice %arg4[%add3A, %mul3A_905, %dma_wait3A_910] : memref<32x80x128xi32, #tpu.memory_space<hbm>> -> memref<1x16x128xi32, #tpu.memory_space<hbm>>
        %dma_wait3A_912 = tpu.memref_squeeze %dma_wait3A_911 : memref<1x16x128xi32, #tpu.memory_space<hbm>> -> memref<16x128xi32, #tpu.memory_space<hbm>>
        %dma_wait3A_913 = arith.constant 0 : i32
        %dma_wait3A_914 = arith.constant 0 : i32
        %dma_wait3A_915 = tpu.memref_slice %arg7[%sub3A_851, %dma_wait3A_913, %dma_wait3A_914] : memref<2x16x128xi32, #tpu.memory_space<vmem>> -> memref<1x16x128xi32, #tpu.memory_space<vmem>>
        %dma_wait3A_916 = tpu.memref_squeeze %dma_wait3A_915 : memref<1x16x128xi32, #tpu.memory_space<vmem>> -> memref<16x128xi32, #tpu.memory_space<vmem>>
        %dma_wait3A_917 = arith.constant 0 : i32
        %dma_wait3A_918 = tpu.memref_slice %arg4[%add3A, %mul3A_905, %dma_wait3A_917] : memref<32x80x128xi32, #tpu.memory_space<hbm>> -> memref<1x16x128xi32, #tpu.memory_space<hbm>>
        %dma_wait3A_919 = tpu.memref_squeeze %dma_wait3A_918 : memref<1x16x128xi32, #tpu.memory_space<hbm>> -> memref<16x128xi32, #tpu.memory_space<hbm>>
        tpu.wait_dma2 semaphore(%arg12 : memref<!tpu.dma_semaphore, #tpu.memory_space<semaphore_mem>>) src(%dma_wait3A_919 : memref<16x128xi32, #tpu.memory_space<hbm>>) dst(%dma_wait3A_916 : memref<16x128xi32, #tpu.memory_space<vmem>>)
      } else {
      }
    }
    %scan3A_847 = arith.constant 5 : i32
    %barrier3A_848 = arith.constant 0 : index
    tpu.barrier barrier_id(%barrier3A_848)
    "tpu.region"() ({
      %run_scoped3A = tpu.sem_alloc : memref<!tpu.dma_semaphore, #tpu.memory_space<semaphore_mem>>
      %dma_start3A_849 = arith.constant 0 : i32
      %dma_start3A_850 = tpu.memref_slice %arg5[%arg0, %mul3A_770, %dma_start3A_849] : memref<2x10240x128xf32, #tpu.memory_space<hbm>> -> memref<1x640x128xf32, #tpu.memory_space<hbm>>
      %dma_start3A_851 = tpu.memref_squeeze %dma_start3A_850 : memref<1x640x128xf32, #tpu.memory_space<hbm>> -> memref<640x128xf32, #tpu.memory_space<hbm>>
      %dma_start3A_852 = arith.constant 0 : i32
      %dma_start3A_853 = tpu.memref_slice %arg10[%mul3A_770, %dma_start3A_852] : memref<10240x128xf32, #tpu.memory_space<vmem_shared>> -> memref<640x128xf32, #tpu.memory_space<vmem_shared>>
      tpu.enqueue_dma source(%dma_start3A_853 : memref<640x128xf32, #tpu.memory_space<vmem_shared>>) target(%dma_start3A_851 : memref<640x128xf32, #tpu.memory_space<hbm>>) target_semaphore(%run_scoped3A : memref<!tpu.dma_semaphore, #tpu.memory_space<semaphore_mem>>)
      %dma_wait3A_854 = arith.constant 0 : i32
      %dma_wait3A_855 = tpu.memref_slice %arg5[%arg0, %mul3A_770, %dma_wait3A_854] : memref<2x10240x128xf32, #tpu.memory_space<hbm>> -> memref<1x640x128xf32, #tpu.memory_space<hbm>>
      %dma_wait3A_856 = tpu.memref_squeeze %dma_wait3A_855 : memref<1x640x128xf32, #tpu.memory_space<hbm>> -> memref<640x128xf32, #tpu.memory_space<hbm>>
      %dma_wait3A_857 = arith.constant 0 : i32
      %dma_wait3A_858 = tpu.memref_slice %arg10[%mul3A_770, %dma_wait3A_857] : memref<10240x128xf32, #tpu.memory_space<vmem_shared>> -> memref<640x128xf32, #tpu.memory_space<vmem_shared>>
      tpu.wait_dma2 semaphore(%run_scoped3A : memref<!tpu.dma_semaphore, #tpu.memory_space<semaphore_mem>>) src(%dma_wait3A_858 : memref<640x128xf32, #tpu.memory_space<vmem_shared>>) dst(%dma_wait3A_856 : memref<640x128xf32, #tpu.memory_space<hbm>>)
      tpu.yield
    }) : () -> ()
    return
  }
}

#map = affine_map<(d0, d1) -> (0, 0, 0)>
module attributes {stable_mosaic.version = 14 : i64} {
  func.func @_deg_kernel(%arg0: i32, %arg1: i32, %arg2: memref<32x80x128xi32, #tpu.memory_space<hbm>>, %arg3: memref<2x10240x16xf32, #tpu.memory_space<hbm>>, %arg4: memref<5x16x128xi32, #tpu.memory_space<vmem>>, %arg5: memref<128x16xf32, #tpu.memory_space<vmem>>, %arg6: memref<16x16xf32, #tpu.memory_space<vmem>>, %arg7: memref<10240x16xf32, #tpu.memory_space<vmem_shared>>, %arg8: memref<!tpu.dma_semaphore, #tpu.memory_space<semaphore_mem>>) attributes {dimension_semantics = [#tpu.dimension_semantics<core_parallel>, #tpu.dimension_semantics<subcore_parallel>], iteration_bounds = array<i64: 2, 16>, scalar_prefetch = 0 : i64, scratch_operands = 5 : i64, tpu.core_type = #tpu.core_type<sc_vector_subcore>, window_params = [{transform_indices = #map}, {transform_indices = #map}]} {
    %mul3A = arith.constant 16 : i32
    %mul3A_0 = arith.muli %arg0, %mul3A : i32
    %add3A = arith.addi %mul3A_0, %arg1 : i32
    %broadcast_in_dim3A = arith.constant 0.000000e+00 : f32
    %broadcast_in_dim3A_1 = vector.broadcast %broadcast_in_dim3A : f32 to vector<16xf32>
    %swap3A = arith.constant 0 : i32
    %swap3A_2 = arith.index_cast %swap3A : i32 to index
    %swap3A_3 = arith.constant 0 : index
    %swap3A_4 = tpu.vector_load %arg6[%swap3A_2, %swap3A_3] {strides = array<i32>} : memref<16x16xf32, #tpu.memory_space<vmem>>, vector<1x16xf32>,
    %swap3A_5 = vector.shape_cast %swap3A_4 : vector<1x16xf32> to vector<16xf32>
    %swap3A_6 = vector.shape_cast %broadcast_in_dim3A_1 : vector<16xf32> to vector<1x16xf32>
    tpu.vector_store %arg6[%swap3A_2, %swap3A_3], %swap3A_6 {strides = array<i32>} : memref<16x16xf32, #tpu.memory_space<vmem>>, vector<1x16xf32>,
    %swap3A_7 = arith.constant 1 : i32
    %swap3A_8 = arith.index_cast %swap3A_7 : i32 to index
    %swap3A_9 = arith.constant 0 : index
    %swap3A_10 = tpu.vector_load %arg6[%swap3A_8, %swap3A_9] {strides = array<i32>} : memref<16x16xf32, #tpu.memory_space<vmem>>, vector<1x16xf32>,
    %swap3A_11 = vector.shape_cast %swap3A_10 : vector<1x16xf32> to vector<16xf32>
    %swap3A_12 = vector.shape_cast %broadcast_in_dim3A_1 : vector<16xf32> to vector<1x16xf32>
    tpu.vector_store %arg6[%swap3A_8, %swap3A_9], %swap3A_12 {strides = array<i32>} : memref<16x16xf32, #tpu.memory_space<vmem>>, vector<1x16xf32>,
    %swap3A_13 = arith.constant 2 : i32
    %swap3A_14 = arith.index_cast %swap3A_13 : i32 to index
    %swap3A_15 = arith.constant 0 : index
    %swap3A_16 = tpu.vector_load %arg6[%swap3A_14, %swap3A_15] {strides = array<i32>} : memref<16x16xf32, #tpu.memory_space<vmem>>, vector<1x16xf32>,
    %swap3A_17 = vector.shape_cast %swap3A_16 : vector<1x16xf32> to vector<16xf32>
    %swap3A_18 = vector.shape_cast %broadcast_in_dim3A_1 : vector<16xf32> to vector<1x16xf32>
    tpu.vector_store %arg6[%swap3A_14, %swap3A_15], %swap3A_18 {strides = array<i32>} : memref<16x16xf32, #tpu.memory_space<vmem>>, vector<1x16xf32>,
    %swap3A_19 = arith.constant 3 : i32
    %swap3A_20 = arith.index_cast %swap3A_19 : i32 to index
    %swap3A_21 = arith.constant 0 : index
    %swap3A_22 = tpu.vector_load %arg6[%swap3A_20, %swap3A_21] {strides = array<i32>} : memref<16x16xf32, #tpu.memory_space<vmem>>, vector<1x16xf32>,
    %swap3A_23 = vector.shape_cast %swap3A_22 : vector<1x16xf32> to vector<16xf32>
    %swap3A_24 = vector.shape_cast %broadcast_in_dim3A_1 : vector<16xf32> to vector<1x16xf32>
    tpu.vector_store %arg6[%swap3A_20, %swap3A_21], %swap3A_24 {strides = array<i32>} : memref<16x16xf32, #tpu.memory_space<vmem>>, vector<1x16xf32>,
    %swap3A_25 = arith.constant 4 : i32
    %swap3A_26 = arith.index_cast %swap3A_25 : i32 to index
    %swap3A_27 = arith.constant 0 : index
    %swap3A_28 = tpu.vector_load %arg6[%swap3A_26, %swap3A_27] {strides = array<i32>} : memref<16x16xf32, #tpu.memory_space<vmem>>, vector<1x16xf32>,
    %swap3A_29 = vector.shape_cast %swap3A_28 : vector<1x16xf32> to vector<16xf32>
    %swap3A_30 = vector.shape_cast %broadcast_in_dim3A_1 : vector<16xf32> to vector<1x16xf32>
    tpu.vector_store %arg6[%swap3A_26, %swap3A_27], %swap3A_30 {strides = array<i32>} : memref<16x16xf32, #tpu.memory_space<vmem>>, vector<1x16xf32>,
    %swap3A_31 = arith.constant 5 : i32
    %swap3A_32 = arith.index_cast %swap3A_31 : i32 to index
    %swap3A_33 = arith.constant 0 : index
    %swap3A_34 = tpu.vector_load %arg6[%swap3A_32, %swap3A_33] {strides = array<i32>} : memref<16x16xf32, #tpu.memory_space<vmem>>, vector<1x16xf32>,
    %swap3A_35 = vector.shape_cast %swap3A_34 : vector<1x16xf32> to vector<16xf32>
    %swap3A_36 = vector.shape_cast %broadcast_in_dim3A_1 : vector<16xf32> to vector<1x16xf32>
    tpu.vector_store %arg6[%swap3A_32, %swap3A_33], %swap3A_36 {strides = array<i32>} : memref<16x16xf32, #tpu.memory_space<vmem>>, vector<1x16xf32>,
    %swap3A_37 = arith.constant 6 : i32
    %swap3A_38 = arith.index_cast %swap3A_37 : i32 to index
    %swap3A_39 = arith.constant 0 : index
    %swap3A_40 = tpu.vector_load %arg6[%swap3A_38, %swap3A_39] {strides = array<i32>} : memref<16x16xf32, #tpu.memory_space<vmem>>, vector<1x16xf32>,
    %swap3A_41 = vector.shape_cast %swap3A_40 : vector<1x16xf32> to vector<16xf32>
    %swap3A_42 = vector.shape_cast %broadcast_in_dim3A_1 : vector<16xf32> to vector<1x16xf32>
    tpu.vector_store %arg6[%swap3A_38, %swap3A_39], %swap3A_42 {strides = array<i32>} : memref<16x16xf32, #tpu.memory_space<vmem>>, vector<1x16xf32>,
    %swap3A_43 = arith.constant 7 : i32
    %swap3A_44 = arith.index_cast %swap3A_43 : i32 to index
    %swap3A_45 = arith.constant 0 : index
    %swap3A_46 = tpu.vector_load %arg6[%swap3A_44, %swap3A_45] {strides = array<i32>} : memref<16x16xf32, #tpu.memory_space<vmem>>, vector<1x16xf32>,
    %swap3A_47 = vector.shape_cast %swap3A_46 : vector<1x16xf32> to vector<16xf32>
    %swap3A_48 = vector.shape_cast %broadcast_in_dim3A_1 : vector<16xf32> to vector<1x16xf32>
    tpu.vector_store %arg6[%swap3A_44, %swap3A_45], %swap3A_48 {strides = array<i32>} : memref<16x16xf32, #tpu.memory_space<vmem>>, vector<1x16xf32>,
    %swap3A_49 = arith.constant 8 : i32
    %swap3A_50 = arith.index_cast %swap3A_49 : i32 to index
    %swap3A_51 = arith.constant 0 : index
    %swap3A_52 = tpu.vector_load %arg6[%swap3A_50, %swap3A_51] {strides = array<i32>} : memref<16x16xf32, #tpu.memory_space<vmem>>, vector<1x16xf32>,
    %swap3A_53 = vector.shape_cast %swap3A_52 : vector<1x16xf32> to vector<16xf32>
    %swap3A_54 = vector.shape_cast %broadcast_in_dim3A_1 : vector<16xf32> to vector<1x16xf32>
    tpu.vector_store %arg6[%swap3A_50, %swap3A_51], %swap3A_54 {strides = array<i32>} : memref<16x16xf32, #tpu.memory_space<vmem>>, vector<1x16xf32>,
    %swap3A_55 = arith.constant 9 : i32
    %swap3A_56 = arith.index_cast %swap3A_55 : i32 to index
    %swap3A_57 = arith.constant 0 : index
    %swap3A_58 = tpu.vector_load %arg6[%swap3A_56, %swap3A_57] {strides = array<i32>} : memref<16x16xf32, #tpu.memory_space<vmem>>, vector<1x16xf32>,
    %swap3A_59 = vector.shape_cast %swap3A_58 : vector<1x16xf32> to vector<16xf32>
    %swap3A_60 = vector.shape_cast %broadcast_in_dim3A_1 : vector<16xf32> to vector<1x16xf32>
    tpu.vector_store %arg6[%swap3A_56, %swap3A_57], %swap3A_60 {strides = array<i32>} : memref<16x16xf32, #tpu.memory_space<vmem>>, vector<1x16xf32>,
    %swap3A_61 = arith.constant 10 : i32
    %swap3A_62 = arith.index_cast %swap3A_61 : i32 to index
    %swap3A_63 = arith.constant 0 : index
    %swap3A_64 = tpu.vector_load %arg6[%swap3A_62, %swap3A_63] {strides = array<i32>} : memref<16x16xf32, #tpu.memory_space<vmem>>, vector<1x16xf32>,
    %swap3A_65 = vector.shape_cast %swap3A_64 : vector<1x16xf32> to vector<16xf32>
    %swap3A_66 = vector.shape_cast %broadcast_in_dim3A_1 : vector<16xf32> to vector<1x16xf32>
    tpu.vector_store %arg6[%swap3A_62, %swap3A_63], %swap3A_66 {strides = array<i32>} : memref<16x16xf32, #tpu.memory_space<vmem>>, vector<1x16xf32>,
    %swap3A_67 = arith.constant 11 : i32
    %swap3A_68 = arith.index_cast %swap3A_67 : i32 to index
    %swap3A_69 = arith.constant 0 : index
    %swap3A_70 = tpu.vector_load %arg6[%swap3A_68, %swap3A_69] {strides = array<i32>} : memref<16x16xf32, #tpu.memory_space<vmem>>, vector<1x16xf32>,
    %swap3A_71 = vector.shape_cast %swap3A_70 : vector<1x16xf32> to vector<16xf32>
    %swap3A_72 = vector.shape_cast %broadcast_in_dim3A_1 : vector<16xf32> to vector<1x16xf32>
    tpu.vector_store %arg6[%swap3A_68, %swap3A_69], %swap3A_72 {strides = array<i32>} : memref<16x16xf32, #tpu.memory_space<vmem>>, vector<1x16xf32>,
    %swap3A_73 = arith.constant 12 : i32
    %swap3A_74 = arith.index_cast %swap3A_73 : i32 to index
    %swap3A_75 = arith.constant 0 : index
    %swap3A_76 = tpu.vector_load %arg6[%swap3A_74, %swap3A_75] {strides = array<i32>} : memref<16x16xf32, #tpu.memory_space<vmem>>, vector<1x16xf32>,
    %swap3A_77 = vector.shape_cast %swap3A_76 : vector<1x16xf32> to vector<16xf32>
    %swap3A_78 = vector.shape_cast %broadcast_in_dim3A_1 : vector<16xf32> to vector<1x16xf32>
    tpu.vector_store %arg6[%swap3A_74, %swap3A_75], %swap3A_78 {strides = array<i32>} : memref<16x16xf32, #tpu.memory_space<vmem>>, vector<1x16xf32>,
    %swap3A_79 = arith.constant 13 : i32
    %swap3A_80 = arith.index_cast %swap3A_79 : i32 to index
    %swap3A_81 = arith.constant 0 : index
    %swap3A_82 = tpu.vector_load %arg6[%swap3A_80, %swap3A_81] {strides = array<i32>} : memref<16x16xf32, #tpu.memory_space<vmem>>, vector<1x16xf32>,
    %swap3A_83 = vector.shape_cast %swap3A_82 : vector<1x16xf32> to vector<16xf32>
    %swap3A_84 = vector.shape_cast %broadcast_in_dim3A_1 : vector<16xf32> to vector<1x16xf32>
    tpu.vector_store %arg6[%swap3A_80, %swap3A_81], %swap3A_84 {strides = array<i32>} : memref<16x16xf32, #tpu.memory_space<vmem>>, vector<1x16xf32>,
    %swap3A_85 = arith.constant 14 : i32
    %swap3A_86 = arith.index_cast %swap3A_85 : i32 to index
    %swap3A_87 = arith.constant 0 : index
    %swap3A_88 = tpu.vector_load %arg6[%swap3A_86, %swap3A_87] {strides = array<i32>} : memref<16x16xf32, #tpu.memory_space<vmem>>, vector<1x16xf32>,
    %swap3A_89 = vector.shape_cast %swap3A_88 : vector<1x16xf32> to vector<16xf32>
    %swap3A_90 = vector.shape_cast %broadcast_in_dim3A_1 : vector<16xf32> to vector<1x16xf32>
    tpu.vector_store %arg6[%swap3A_86, %swap3A_87], %swap3A_90 {strides = array<i32>} : memref<16x16xf32, #tpu.memory_space<vmem>>, vector<1x16xf32>,
    %swap3A_91 = arith.constant 15 : i32
    %swap3A_92 = arith.index_cast %swap3A_91 : i32 to index
    %swap3A_93 = arith.constant 0 : index
    %swap3A_94 = tpu.vector_load %arg6[%swap3A_92, %swap3A_93] {strides = array<i32>} : memref<16x16xf32, #tpu.memory_space<vmem>>, vector<1x16xf32>,
    %swap3A_95 = vector.shape_cast %swap3A_94 : vector<1x16xf32> to vector<16xf32>
    %swap3A_96 = vector.shape_cast %broadcast_in_dim3A_1 : vector<16xf32> to vector<1x16xf32>
    tpu.vector_store %arg6[%swap3A_92, %swap3A_93], %swap3A_96 {strides = array<i32>} : memref<16x16xf32, #tpu.memory_space<vmem>>, vector<1x16xf32>,
    %iota3A = tpu.iota {dimensions = array<i32: 0>} : vector<16xi32>
    %eq3A = arith.constant 0 : i32
    %eq3A_97 = vector.broadcast %eq3A : i32 to vector<16xi32>
    %eq3A_98 = arith.cmpi eq, %iota3A, %eq3A_97 : vector<16xi32>
    %jit3A = arith.constant 1.000000e+00 : f32
    %jit3A_99 = arith.constant 0.000000e+00 : f32
    %broadcast_in_dim3A_100 = vector.broadcast %jit3A : f32 to vector<16xf32>
    %broadcast_in_dim3A_101 = vector.broadcast %jit3A_99 : f32 to vector<16xf32>
    %select_n3A = arith.select %eq3A_98, %broadcast_in_dim3A_100, %broadcast_in_dim3A_101 : vector<16xi1>, vector<16xf32>
    %swap3A_102 = arith.constant 0 : i32
    %swap3A_103 = arith.index_cast %swap3A_102 : i32 to index
    %swap3A_104 = arith.constant 0 : index
    %swap3A_105 = tpu.vector_load %arg5[%swap3A_103, %swap3A_104] {strides = array<i32>} : memref<128x16xf32, #tpu.memory_space<vmem>>, vector<1x16xf32>,
    %swap3A_106 = vector.shape_cast %swap3A_105 : vector<1x16xf32> to vector<16xf32>
    %swap3A_107 = vector.shape_cast %select_n3A : vector<16xf32> to vector<1x16xf32>
    tpu.vector_store %arg5[%swap3A_103, %swap3A_104], %swap3A_107 {strides = array<i32>} : memref<128x16xf32, #tpu.memory_space<vmem>>, vector<1x16xf32>,
    %swap3A_108 = arith.constant 1 : i32
    %swap3A_109 = arith.index_cast %swap3A_108 : i32 to index
    %swap3A_110 = arith.constant 0 : index
    %swap3A_111 = tpu.vector_load %arg5[%swap3A_109, %swap3A_110] {strides = array<i32>} : memref<128x16xf32, #tpu.memory_space<vmem>>, vector<1x16xf32>,
    %swap3A_112 = vector.shape_cast %swap3A_111 : vector<1x16xf32> to vector<16xf32>
    %swap3A_113 = vector.shape_cast %select_n3A : vector<16xf32> to vector<1x16xf32>
    tpu.vector_store %arg5[%swap3A_109, %swap3A_110], %swap3A_113 {strides = array<i32>} : memref<128x16xf32, #tpu.memory_space<vmem>>, vector<1x16xf32>,
    %swap3A_114 = arith.constant 2 : i32
    %swap3A_115 = arith.index_cast %swap3A_114 : i32 to index
    %swap3A_116 = arith.constant 0 : index
    %swap3A_117 = tpu.vector_load %arg5[%swap3A_115, %swap3A_116] {strides = array<i32>} : memref<128x16xf32, #tpu.memory_space<vmem>>, vector<1x16xf32>,
    %swap3A_118 = vector.shape_cast %swap3A_117 : vector<1x16xf32> to vector<16xf32>
    %swap3A_119 = vector.shape_cast %select_n3A : vector<16xf32> to vector<1x16xf32>
    tpu.vector_store %arg5[%swap3A_115, %swap3A_116], %swap3A_119 {strides = array<i32>} : memref<128x16xf32, #tpu.memory_space<vmem>>, vector<1x16xf32>,
    %swap3A_120 = arith.constant 3 : i32
    %swap3A_121 = arith.index_cast %swap3A_120 : i32 to index
    %swap3A_122 = arith.constant 0 : index
    %swap3A_123 = tpu.vector_load %arg5[%swap3A_121, %swap3A_122] {strides = array<i32>} : memref<128x16xf32, #tpu.memory_space<vmem>>, vector<1x16xf32>,
    %swap3A_124 = vector.shape_cast %swap3A_123 : vector<1x16xf32> to vector<16xf32>
    %swap3A_125 = vector.shape_cast %select_n3A : vector<16xf32> to vector<1x16xf32>
    tpu.vector_store %arg5[%swap3A_121, %swap3A_122], %swap3A_125 {strides = array<i32>} : memref<128x16xf32, #tpu.memory_space<vmem>>, vector<1x16xf32>,
    %swap3A_126 = arith.constant 4 : i32
    %swap3A_127 = arith.index_cast %swap3A_126 : i32 to index
    %swap3A_128 = arith.constant 0 : index
    %swap3A_129 = tpu.vector_load %arg5[%swap3A_127, %swap3A_128] {strides = array<i32>} : memref<128x16xf32, #tpu.memory_space<vmem>>, vector<1x16xf32>,
    %swap3A_130 = vector.shape_cast %swap3A_129 : vector<1x16xf32> to vector<16xf32>
    %swap3A_131 = vector.shape_cast %select_n3A : vector<16xf32> to vector<1x16xf32>
    tpu.vector_store %arg5[%swap3A_127, %swap3A_128], %swap3A_131 {strides = array<i32>} : memref<128x16xf32, #tpu.memory_space<vmem>>, vector<1x16xf32>,
    %swap3A_132 = arith.constant 5 : i32
    %swap3A_133 = arith.index_cast %swap3A_132 : i32 to index
    %swap3A_134 = arith.constant 0 : index
    %swap3A_135 = tpu.vector_load %arg5[%swap3A_133, %swap3A_134] {strides = array<i32>} : memref<128x16xf32, #tpu.memory_space<vmem>>, vector<1x16xf32>,
    %swap3A_136 = vector.shape_cast %swap3A_135 : vector<1x16xf32> to vector<16xf32>
    %swap3A_137 = vector.shape_cast %select_n3A : vector<16xf32> to vector<1x16xf32>
    tpu.vector_store %arg5[%swap3A_133, %swap3A_134], %swap3A_137 {strides = array<i32>} : memref<128x16xf32, #tpu.memory_space<vmem>>, vector<1x16xf32>,
    %swap3A_138 = arith.constant 6 : i32
    %swap3A_139 = arith.index_cast %swap3A_138 : i32 to index
    %swap3A_140 = arith.constant 0 : index
    %swap3A_141 = tpu.vector_load %arg5[%swap3A_139, %swap3A_140] {strides = array<i32>} : memref<128x16xf32, #tpu.memory_space<vmem>>, vector<1x16xf32>,
    %swap3A_142 = vector.shape_cast %swap3A_141 : vector<1x16xf32> to vector<16xf32>
    %swap3A_143 = vector.shape_cast %select_n3A : vector<16xf32> to vector<1x16xf32>
    tpu.vector_store %arg5[%swap3A_139, %swap3A_140], %swap3A_143 {strides = array<i32>} : memref<128x16xf32, #tpu.memory_space<vmem>>, vector<1x16xf32>,
    %swap3A_144 = arith.constant 7 : i32
    %swap3A_145 = arith.index_cast %swap3A_144 : i32 to index
    %swap3A_146 = arith.constant 0 : index
    %swap3A_147 = tpu.vector_load %arg5[%swap3A_145, %swap3A_146] {strides = array<i32>} : memref<128x16xf32, #tpu.memory_space<vmem>>, vector<1x16xf32>,
    %swap3A_148 = vector.shape_cast %swap3A_147 : vector<1x16xf32> to vector<16xf32>
    %swap3A_149 = vector.shape_cast %select_n3A : vector<16xf32> to vector<1x16xf32>
    tpu.vector_store %arg5[%swap3A_145, %swap3A_146], %swap3A_149 {strides = array<i32>} : memref<128x16xf32, #tpu.memory_space<vmem>>, vector<1x16xf32>,
    %swap3A_150 = arith.constant 8 : i32
    %swap3A_151 = arith.index_cast %swap3A_150 : i32 to index
    %swap3A_152 = arith.constant 0 : index
    %swap3A_153 = tpu.vector_load %arg5[%swap3A_151, %swap3A_152] {strides = array<i32>} : memref<128x16xf32, #tpu.memory_space<vmem>>, vector<1x16xf32>,
    %swap3A_154 = vector.shape_cast %swap3A_153 : vector<1x16xf32> to vector<16xf32>
    %swap3A_155 = vector.shape_cast %select_n3A : vector<16xf32> to vector<1x16xf32>
    tpu.vector_store %arg5[%swap3A_151, %swap3A_152], %swap3A_155 {strides = array<i32>} : memref<128x16xf32, #tpu.memory_space<vmem>>, vector<1x16xf32>,
    %swap3A_156 = arith.constant 9 : i32
    %swap3A_157 = arith.index_cast %swap3A_156 : i32 to index
    %swap3A_158 = arith.constant 0 : index
    %swap3A_159 = tpu.vector_load %arg5[%swap3A_157, %swap3A_158] {strides = array<i32>} : memref<128x16xf32, #tpu.memory_space<vmem>>, vector<1x16xf32>,
    %swap3A_160 = vector.shape_cast %swap3A_159 : vector<1x16xf32> to vector<16xf32>
    %swap3A_161 = vector.shape_cast %select_n3A : vector<16xf32> to vector<1x16xf32>
    tpu.vector_store %arg5[%swap3A_157, %swap3A_158], %swap3A_161 {strides = array<i32>} : memref<128x16xf32, #tpu.memory_space<vmem>>, vector<1x16xf32>,
    %swap3A_162 = arith.constant 10 : i32
    %swap3A_163 = arith.index_cast %swap3A_162 : i32 to index
    %swap3A_164 = arith.constant 0 : index
    %swap3A_165 = tpu.vector_load %arg5[%swap3A_163, %swap3A_164] {strides = array<i32>} : memref<128x16xf32, #tpu.memory_space<vmem>>, vector<1x16xf32>,
    %swap3A_166 = vector.shape_cast %swap3A_165 : vector<1x16xf32> to vector<16xf32>
    %swap3A_167 = vector.shape_cast %select_n3A : vector<16xf32> to vector<1x16xf32>
    tpu.vector_store %arg5[%swap3A_163, %swap3A_164], %swap3A_167 {strides = array<i32>} : memref<128x16xf32, #tpu.memory_space<vmem>>, vector<1x16xf32>,
    %swap3A_168 = arith.constant 11 : i32
    %swap3A_169 = arith.index_cast %swap3A_168 : i32 to index
    %swap3A_170 = arith.constant 0 : index
    %swap3A_171 = tpu.vector_load %arg5[%swap3A_169, %swap3A_170] {strides = array<i32>} : memref<128x16xf32, #tpu.memory_space<vmem>>, vector<1x16xf32>,
    %swap3A_172 = vector.shape_cast %swap3A_171 : vector<1x16xf32> to vector<16xf32>
    %swap3A_173 = vector.shape_cast %select_n3A : vector<16xf32> to vector<1x16xf32>
    tpu.vector_store %arg5[%swap3A_169, %swap3A_170], %swap3A_173 {strides = array<i32>} : memref<128x16xf32, #tpu.memory_space<vmem>>, vector<1x16xf32>,
    %swap3A_174 = arith.constant 12 : i32
    %swap3A_175 = arith.index_cast %swap3A_174 : i32 to index
    %swap3A_176 = arith.constant 0 : index
    %swap3A_177 = tpu.vector_load %arg5[%swap3A_175, %swap3A_176] {strides = array<i32>} : memref<128x16xf32, #tpu.memory_space<vmem>>, vector<1x16xf32>,
    %swap3A_178 = vector.shape_cast %swap3A_177 : vector<1x16xf32> to vector<16xf32>
    %swap3A_179 = vector.shape_cast %select_n3A : vector<16xf32> to vector<1x16xf32>
    tpu.vector_store %arg5[%swap3A_175, %swap3A_176], %swap3A_179 {strides = array<i32>} : memref<128x16xf32, #tpu.memory_space<vmem>>, vector<1x16xf32>,
    %swap3A_180 = arith.constant 13 : i32
    %swap3A_181 = arith.index_cast %swap3A_180 : i32 to index
    %swap3A_182 = arith.constant 0 : index
    %swap3A_183 = tpu.vector_load %arg5[%swap3A_181, %swap3A_182] {strides = array<i32>} : memref<128x16xf32, #tpu.memory_space<vmem>>, vector<1x16xf32>,
    %swap3A_184 = vector.shape_cast %swap3A_183 : vector<1x16xf32> to vector<16xf32>
    %swap3A_185 = vector.shape_cast %select_n3A : vector<16xf32> to vector<1x16xf32>
    tpu.vector_store %arg5[%swap3A_181, %swap3A_182], %swap3A_185 {strides = array<i32>} : memref<128x16xf32, #tpu.memory_space<vmem>>, vector<1x16xf32>,
    %swap3A_186 = arith.constant 14 : i32
    %swap3A_187 = arith.index_cast %swap3A_186 : i32 to index
    %swap3A_188 = arith.constant 0 : index
    %swap3A_189 = tpu.vector_load %arg5[%swap3A_187, %swap3A_188] {strides = array<i32>} : memref<128x16xf32, #tpu.memory_space<vmem>>, vector<1x16xf32>,
    %swap3A_190 = vector.shape_cast %swap3A_189 : vector<1x16xf32> to vector<16xf32>
    %swap3A_191 = vector.shape_cast %select_n3A : vector<16xf32> to vector<1x16xf32>
    tpu.vector_store %arg5[%swap3A_187, %swap3A_188], %swap3A_191 {strides = array<i32>} : memref<128x16xf32, #tpu.memory_space<vmem>>, vector<1x16xf32>,
    %swap3A_192 = arith.constant 15 : i32
    %swap3A_193 = arith.index_cast %swap3A_192 : i32 to index
    %swap3A_194 = arith.constant 0 : index
    %swap3A_195 = tpu.vector_load %arg5[%swap3A_193, %swap3A_194] {strides = array<i32>} : memref<128x16xf32, #tpu.memory_space<vmem>>, vector<1x16xf32>,
    %swap3A_196 = vector.shape_cast %swap3A_195 : vector<1x16xf32> to vector<16xf32>
    %swap3A_197 = vector.shape_cast %select_n3A : vector<16xf32> to vector<1x16xf32>
    tpu.vector_store %arg5[%swap3A_193, %swap3A_194], %swap3A_197 {strides = array<i32>} : memref<128x16xf32, #tpu.memory_space<vmem>>, vector<1x16xf32>,
    %swap3A_198 = arith.constant 16 : i32
    %swap3A_199 = arith.index_cast %swap3A_198 : i32 to index
    %swap3A_200 = arith.constant 0 : index
    %swap3A_201 = tpu.vector_load %arg5[%swap3A_199, %swap3A_200] {strides = array<i32>} : memref<128x16xf32, #tpu.memory_space<vmem>>, vector<1x16xf32>,
    %swap3A_202 = vector.shape_cast %swap3A_201 : vector<1x16xf32> to vector<16xf32>
    %swap3A_203 = vector.shape_cast %select_n3A : vector<16xf32> to vector<1x16xf32>
    tpu.vector_store %arg5[%swap3A_199, %swap3A_200], %swap3A_203 {strides = array<i32>} : memref<128x16xf32, #tpu.memory_space<vmem>>, vector<1x16xf32>,
    %swap3A_204 = arith.constant 17 : i32
    %swap3A_205 = arith.index_cast %swap3A_204 : i32 to index
    %swap3A_206 = arith.constant 0 : index
    %swap3A_207 = tpu.vector_load %arg5[%swap3A_205, %swap3A_206] {strides = array<i32>} : memref<128x16xf32, #tpu.memory_space<vmem>>, vector<1x16xf32>,
    %swap3A_208 = vector.shape_cast %swap3A_207 : vector<1x16xf32> to vector<16xf32>
    %swap3A_209 = vector.shape_cast %select_n3A : vector<16xf32> to vector<1x16xf32>
    tpu.vector_store %arg5[%swap3A_205, %swap3A_206], %swap3A_209 {strides = array<i32>} : memref<128x16xf32, #tpu.memory_space<vmem>>, vector<1x16xf32>,
    %swap3A_210 = arith.constant 18 : i32
    %swap3A_211 = arith.index_cast %swap3A_210 : i32 to index
    %swap3A_212 = arith.constant 0 : index
    %swap3A_213 = tpu.vector_load %arg5[%swap3A_211, %swap3A_212] {strides = array<i32>} : memref<128x16xf32, #tpu.memory_space<vmem>>, vector<1x16xf32>,
    %swap3A_214 = vector.shape_cast %swap3A_213 : vector<1x16xf32> to vector<16xf32>
    %swap3A_215 = vector.shape_cast %select_n3A : vector<16xf32> to vector<1x16xf32>
    tpu.vector_store %arg5[%swap3A_211, %swap3A_212], %swap3A_215 {strides = array<i32>} : memref<128x16xf32, #tpu.memory_space<vmem>>, vector<1x16xf32>,
    %swap3A_216 = arith.constant 19 : i32
    %swap3A_217 = arith.index_cast %swap3A_216 : i32 to index
    %swap3A_218 = arith.constant 0 : index
    %swap3A_219 = tpu.vector_load %arg5[%swap3A_217, %swap3A_218] {strides = array<i32>} : memref<128x16xf32, #tpu.memory_space<vmem>>, vector<1x16xf32>,
    %swap3A_220 = vector.shape_cast %swap3A_219 : vector<1x16xf32> to vector<16xf32>
    %swap3A_221 = vector.shape_cast %select_n3A : vector<16xf32> to vector<1x16xf32>
    tpu.vector_store %arg5[%swap3A_217, %swap3A_218], %swap3A_221 {strides = array<i32>} : memref<128x16xf32, #tpu.memory_space<vmem>>, vector<1x16xf32>,
    %swap3A_222 = arith.constant 20 : i32
    %swap3A_223 = arith.index_cast %swap3A_222 : i32 to index
    %swap3A_224 = arith.constant 0 : index
    %swap3A_225 = tpu.vector_load %arg5[%swap3A_223, %swap3A_224] {strides = array<i32>} : memref<128x16xf32, #tpu.memory_space<vmem>>, vector<1x16xf32>,
    %swap3A_226 = vector.shape_cast %swap3A_225 : vector<1x16xf32> to vector<16xf32>
    %swap3A_227 = vector.shape_cast %select_n3A : vector<16xf32> to vector<1x16xf32>
    tpu.vector_store %arg5[%swap3A_223, %swap3A_224], %swap3A_227 {strides = array<i32>} : memref<128x16xf32, #tpu.memory_space<vmem>>, vector<1x16xf32>,
    %swap3A_228 = arith.constant 21 : i32
    %swap3A_229 = arith.index_cast %swap3A_228 : i32 to index
    %swap3A_230 = arith.constant 0 : index
    %swap3A_231 = tpu.vector_load %arg5[%swap3A_229, %swap3A_230] {strides = array<i32>} : memref<128x16xf32, #tpu.memory_space<vmem>>, vector<1x16xf32>,
    %swap3A_232 = vector.shape_cast %swap3A_231 : vector<1x16xf32> to vector<16xf32>
    %swap3A_233 = vector.shape_cast %select_n3A : vector<16xf32> to vector<1x16xf32>
    tpu.vector_store %arg5[%swap3A_229, %swap3A_230], %swap3A_233 {strides = array<i32>} : memref<128x16xf32, #tpu.memory_space<vmem>>, vector<1x16xf32>,
    %swap3A_234 = arith.constant 22 : i32
    %swap3A_235 = arith.index_cast %swap3A_234 : i32 to index
    %swap3A_236 = arith.constant 0 : index
    %swap3A_237 = tpu.vector_load %arg5[%swap3A_235, %swap3A_236] {strides = array<i32>} : memref<128x16xf32, #tpu.memory_space<vmem>>, vector<1x16xf32>,
    %swap3A_238 = vector.shape_cast %swap3A_237 : vector<1x16xf32> to vector<16xf32>
    %swap3A_239 = vector.shape_cast %select_n3A : vector<16xf32> to vector<1x16xf32>
    tpu.vector_store %arg5[%swap3A_235, %swap3A_236], %swap3A_239 {strides = array<i32>} : memref<128x16xf32, #tpu.memory_space<vmem>>, vector<1x16xf32>,
    %swap3A_240 = arith.constant 23 : i32
    %swap3A_241 = arith.index_cast %swap3A_240 : i32 to index
    %swap3A_242 = arith.constant 0 : index
    %swap3A_243 = tpu.vector_load %arg5[%swap3A_241, %swap3A_242] {strides = array<i32>} : memref<128x16xf32, #tpu.memory_space<vmem>>, vector<1x16xf32>,
    %swap3A_244 = vector.shape_cast %swap3A_243 : vector<1x16xf32> to vector<16xf32>
    %swap3A_245 = vector.shape_cast %select_n3A : vector<16xf32> to vector<1x16xf32>
    tpu.vector_store %arg5[%swap3A_241, %swap3A_242], %swap3A_245 {strides = array<i32>} : memref<128x16xf32, #tpu.memory_space<vmem>>, vector<1x16xf32>,
    %swap3A_246 = arith.constant 24 : i32
    %swap3A_247 = arith.index_cast %swap3A_246 : i32 to index
    %swap3A_248 = arith.constant 0 : index
    %swap3A_249 = tpu.vector_load %arg5[%swap3A_247, %swap3A_248] {strides = array<i32>} : memref<128x16xf32, #tpu.memory_space<vmem>>, vector<1x16xf32>,
    %swap3A_250 = vector.shape_cast %swap3A_249 : vector<1x16xf32> to vector<16xf32>
    %swap3A_251 = vector.shape_cast %select_n3A : vector<16xf32> to vector<1x16xf32>
    tpu.vector_store %arg5[%swap3A_247, %swap3A_248], %swap3A_251 {strides = array<i32>} : memref<128x16xf32, #tpu.memory_space<vmem>>, vector<1x16xf32>,
    %swap3A_252 = arith.constant 25 : i32
    %swap3A_253 = arith.index_cast %swap3A_252 : i32 to index
    %swap3A_254 = arith.constant 0 : index
    %swap3A_255 = tpu.vector_load %arg5[%swap3A_253, %swap3A_254] {strides = array<i32>} : memref<128x16xf32, #tpu.memory_space<vmem>>, vector<1x16xf32>,
    %swap3A_256 = vector.shape_cast %swap3A_255 : vector<1x16xf32> to vector<16xf32>
    %swap3A_257 = vector.shape_cast %select_n3A : vector<16xf32> to vector<1x16xf32>
    tpu.vector_store %arg5[%swap3A_253, %swap3A_254], %swap3A_257 {strides = array<i32>} : memref<128x16xf32, #tpu.memory_space<vmem>>, vector<1x16xf32>,
    %swap3A_258 = arith.constant 26 : i32
    %swap3A_259 = arith.index_cast %swap3A_258 : i32 to index
    %swap3A_260 = arith.constant 0 : index
    %swap3A_261 = tpu.vector_load %arg5[%swap3A_259, %swap3A_260] {strides = array<i32>} : memref<128x16xf32, #tpu.memory_space<vmem>>, vector<1x16xf32>,
    %swap3A_262 = vector.shape_cast %swap3A_261 : vector<1x16xf32> to vector<16xf32>
    %swap3A_263 = vector.shape_cast %select_n3A : vector<16xf32> to vector<1x16xf32>
    tpu.vector_store %arg5[%swap3A_259, %swap3A_260], %swap3A_263 {strides = array<i32>} : memref<128x16xf32, #tpu.memory_space<vmem>>, vector<1x16xf32>,
    %swap3A_264 = arith.constant 27 : i32
    %swap3A_265 = arith.index_cast %swap3A_264 : i32 to index
    %swap3A_266 = arith.constant 0 : index
    %swap3A_267 = tpu.vector_load %arg5[%swap3A_265, %swap3A_266] {strides = array<i32>} : memref<128x16xf32, #tpu.memory_space<vmem>>, vector<1x16xf32>,
    %swap3A_268 = vector.shape_cast %swap3A_267 : vector<1x16xf32> to vector<16xf32>
    %swap3A_269 = vector.shape_cast %select_n3A : vector<16xf32> to vector<1x16xf32>
    tpu.vector_store %arg5[%swap3A_265, %swap3A_266], %swap3A_269 {strides = array<i32>} : memref<128x16xf32, #tpu.memory_space<vmem>>, vector<1x16xf32>,
    %swap3A_270 = arith.constant 28 : i32
    %swap3A_271 = arith.index_cast %swap3A_270 : i32 to index
    %swap3A_272 = arith.constant 0 : index
    %swap3A_273 = tpu.vector_load %arg5[%swap3A_271, %swap3A_272] {strides = array<i32>} : memref<128x16xf32, #tpu.memory_space<vmem>>, vector<1x16xf32>,
    %swap3A_274 = vector.shape_cast %swap3A_273 : vector<1x16xf32> to vector<16xf32>
    %swap3A_275 = vector.shape_cast %select_n3A : vector<16xf32> to vector<1x16xf32>
    tpu.vector_store %arg5[%swap3A_271, %swap3A_272], %swap3A_275 {strides = array<i32>} : memref<128x16xf32, #tpu.memory_space<vmem>>, vector<1x16xf32>,
    %swap3A_276 = arith.constant 29 : i32
    %swap3A_277 = arith.index_cast %swap3A_276 : i32 to index
    %swap3A_278 = arith.constant 0 : index
    %swap3A_279 = tpu.vector_load %arg5[%swap3A_277, %swap3A_278] {strides = array<i32>} : memref<128x16xf32, #tpu.memory_space<vmem>>, vector<1x16xf32>,
    %swap3A_280 = vector.shape_cast %swap3A_279 : vector<1x16xf32> to vector<16xf32>
    %swap3A_281 = vector.shape_cast %select_n3A : vector<16xf32> to vector<1x16xf32>
    tpu.vector_store %arg5[%swap3A_277, %swap3A_278], %swap3A_281 {strides = array<i32>} : memref<128x16xf32, #tpu.memory_space<vmem>>, vector<1x16xf32>,
    %swap3A_282 = arith.constant 30 : i32
    %swap3A_283 = arith.index_cast %swap3A_282 : i32 to index
    %swap3A_284 = arith.constant 0 : index
    %swap3A_285 = tpu.vector_load %arg5[%swap3A_283, %swap3A_284] {strides = array<i32>} : memref<128x16xf32, #tpu.memory_space<vmem>>, vector<1x16xf32>,
    %swap3A_286 = vector.shape_cast %swap3A_285 : vector<1x16xf32> to vector<16xf32>
    %swap3A_287 = vector.shape_cast %select_n3A : vector<16xf32> to vector<1x16xf32>
    tpu.vector_store %arg5[%swap3A_283, %swap3A_284], %swap3A_287 {strides = array<i32>} : memref<128x16xf32, #tpu.memory_space<vmem>>, vector<1x16xf32>,
    %swap3A_288 = arith.constant 31 : i32
    %swap3A_289 = arith.index_cast %swap3A_288 : i32 to index
    %swap3A_290 = arith.constant 0 : index
    %swap3A_291 = tpu.vector_load %arg5[%swap3A_289, %swap3A_290] {strides = array<i32>} : memref<128x16xf32, #tpu.memory_space<vmem>>, vector<1x16xf32>,
    %swap3A_292 = vector.shape_cast %swap3A_291 : vector<1x16xf32> to vector<16xf32>
    %swap3A_293 = vector.shape_cast %select_n3A : vector<16xf32> to vector<1x16xf32>
    tpu.vector_store %arg5[%swap3A_289, %swap3A_290], %swap3A_293 {strides = array<i32>} : memref<128x16xf32, #tpu.memory_space<vmem>>, vector<1x16xf32>,
    %swap3A_294 = arith.constant 32 : i32
    %swap3A_295 = arith.index_cast %swap3A_294 : i32 to index
    %swap3A_296 = arith.constant 0 : index
    %swap3A_297 = tpu.vector_load %arg5[%swap3A_295, %swap3A_296] {strides = array<i32>} : memref<128x16xf32, #tpu.memory_space<vmem>>, vector<1x16xf32>,
    %swap3A_298 = vector.shape_cast %swap3A_297 : vector<1x16xf32> to vector<16xf32>
    %swap3A_299 = vector.shape_cast %select_n3A : vector<16xf32> to vector<1x16xf32>
    tpu.vector_store %arg5[%swap3A_295, %swap3A_296], %swap3A_299 {strides = array<i32>} : memref<128x16xf32, #tpu.memory_space<vmem>>, vector<1x16xf32>,
    %swap3A_300 = arith.constant 33 : i32
    %swap3A_301 = arith.index_cast %swap3A_300 : i32 to index
    %swap3A_302 = arith.constant 0 : index
    %swap3A_303 = tpu.vector_load %arg5[%swap3A_301, %swap3A_302] {strides = array<i32>} : memref<128x16xf32, #tpu.memory_space<vmem>>, vector<1x16xf32>,
    %swap3A_304 = vector.shape_cast %swap3A_303 : vector<1x16xf32> to vector<16xf32>
    %swap3A_305 = vector.shape_cast %select_n3A : vector<16xf32> to vector<1x16xf32>
    tpu.vector_store %arg5[%swap3A_301, %swap3A_302], %swap3A_305 {strides = array<i32>} : memref<128x16xf32, #tpu.memory_space<vmem>>, vector<1x16xf32>,
    %swap3A_306 = arith.constant 34 : i32
    %swap3A_307 = arith.index_cast %swap3A_306 : i32 to index
    %swap3A_308 = arith.constant 0 : index
    %swap3A_309 = tpu.vector_load %arg5[%swap3A_307, %swap3A_308] {strides = array<i32>} : memref<128x16xf32, #tpu.memory_space<vmem>>, vector<1x16xf32>,
    %swap3A_310 = vector.shape_cast %swap3A_309 : vector<1x16xf32> to vector<16xf32>
    %swap3A_311 = vector.shape_cast %select_n3A : vector<16xf32> to vector<1x16xf32>
    tpu.vector_store %arg5[%swap3A_307, %swap3A_308], %swap3A_311 {strides = array<i32>} : memref<128x16xf32, #tpu.memory_space<vmem>>, vector<1x16xf32>,
    %swap3A_312 = arith.constant 35 : i32
    %swap3A_313 = arith.index_cast %swap3A_312 : i32 to index
    %swap3A_314 = arith.constant 0 : index
    %swap3A_315 = tpu.vector_load %arg5[%swap3A_313, %swap3A_314] {strides = array<i32>} : memref<128x16xf32, #tpu.memory_space<vmem>>, vector<1x16xf32>,
    %swap3A_316 = vector.shape_cast %swap3A_315 : vector<1x16xf32> to vector<16xf32>
    %swap3A_317 = vector.shape_cast %select_n3A : vector<16xf32> to vector<1x16xf32>
    tpu.vector_store %arg5[%swap3A_313, %swap3A_314], %swap3A_317 {strides = array<i32>} : memref<128x16xf32, #tpu.memory_space<vmem>>, vector<1x16xf32>,
    %swap3A_318 = arith.constant 36 : i32
    %swap3A_319 = arith.index_cast %swap3A_318 : i32 to index
    %swap3A_320 = arith.constant 0 : index
    %swap3A_321 = tpu.vector_load %arg5[%swap3A_319, %swap3A_320] {strides = array<i32>} : memref<128x16xf32, #tpu.memory_space<vmem>>, vector<1x16xf32>,
    %swap3A_322 = vector.shape_cast %swap3A_321 : vector<1x16xf32> to vector<16xf32>
    %swap3A_323 = vector.shape_cast %select_n3A : vector<16xf32> to vector<1x16xf32>
    tpu.vector_store %arg5[%swap3A_319, %swap3A_320], %swap3A_323 {strides = array<i32>} : memref<128x16xf32, #tpu.memory_space<vmem>>, vector<1x16xf32>,
    %swap3A_324 = arith.constant 37 : i32
    %swap3A_325 = arith.index_cast %swap3A_324 : i32 to index
    %swap3A_326 = arith.constant 0 : index
    %swap3A_327 = tpu.vector_load %arg5[%swap3A_325, %swap3A_326] {strides = array<i32>} : memref<128x16xf32, #tpu.memory_space<vmem>>, vector<1x16xf32>,
    %swap3A_328 = vector.shape_cast %swap3A_327 : vector<1x16xf32> to vector<16xf32>
    %swap3A_329 = vector.shape_cast %select_n3A : vector<16xf32> to vector<1x16xf32>
    tpu.vector_store %arg5[%swap3A_325, %swap3A_326], %swap3A_329 {strides = array<i32>} : memref<128x16xf32, #tpu.memory_space<vmem>>, vector<1x16xf32>,
    %swap3A_330 = arith.constant 38 : i32
    %swap3A_331 = arith.index_cast %swap3A_330 : i32 to index
    %swap3A_332 = arith.constant 0 : index
    %swap3A_333 = tpu.vector_load %arg5[%swap3A_331, %swap3A_332] {strides = array<i32>} : memref<128x16xf32, #tpu.memory_space<vmem>>, vector<1x16xf32>,
    %swap3A_334 = vector.shape_cast %swap3A_333 : vector<1x16xf32> to vector<16xf32>
    %swap3A_335 = vector.shape_cast %select_n3A : vector<16xf32> to vector<1x16xf32>
    tpu.vector_store %arg5[%swap3A_331, %swap3A_332], %swap3A_335 {strides = array<i32>} : memref<128x16xf32, #tpu.memory_space<vmem>>, vector<1x16xf32>,
    %swap3A_336 = arith.constant 39 : i32
    %swap3A_337 = arith.index_cast %swap3A_336 : i32 to index
    %swap3A_338 = arith.constant 0 : index
    %swap3A_339 = tpu.vector_load %arg5[%swap3A_337, %swap3A_338] {strides = array<i32>} : memref<128x16xf32, #tpu.memory_space<vmem>>, vector<1x16xf32>,
    %swap3A_340 = vector.shape_cast %swap3A_339 : vector<1x16xf32> to vector<16xf32>
    %swap3A_341 = vector.shape_cast %select_n3A : vector<16xf32> to vector<1x16xf32>
    tpu.vector_store %arg5[%swap3A_337, %swap3A_338], %swap3A_341 {strides = array<i32>} : memref<128x16xf32, #tpu.memory_space<vmem>>, vector<1x16xf32>,
    %swap3A_342 = arith.constant 40 : i32
    %swap3A_343 = arith.index_cast %swap3A_342 : i32 to index
    %swap3A_344 = arith.constant 0 : index
    %swap3A_345 = tpu.vector_load %arg5[%swap3A_343, %swap3A_344] {strides = array<i32>} : memref<128x16xf32, #tpu.memory_space<vmem>>, vector<1x16xf32>,
    %swap3A_346 = vector.shape_cast %swap3A_345 : vector<1x16xf32> to vector<16xf32>
    %swap3A_347 = vector.shape_cast %select_n3A : vector<16xf32> to vector<1x16xf32>
    tpu.vector_store %arg5[%swap3A_343, %swap3A_344], %swap3A_347 {strides = array<i32>} : memref<128x16xf32, #tpu.memory_space<vmem>>, vector<1x16xf32>,
    %swap3A_348 = arith.constant 41 : i32
    %swap3A_349 = arith.index_cast %swap3A_348 : i32 to index
    %swap3A_350 = arith.constant 0 : index
    %swap3A_351 = tpu.vector_load %arg5[%swap3A_349, %swap3A_350] {strides = array<i32>} : memref<128x16xf32, #tpu.memory_space<vmem>>, vector<1x16xf32>,
    %swap3A_352 = vector.shape_cast %swap3A_351 : vector<1x16xf32> to vector<16xf32>
    %swap3A_353 = vector.shape_cast %select_n3A : vector<16xf32> to vector<1x16xf32>
    tpu.vector_store %arg5[%swap3A_349, %swap3A_350], %swap3A_353 {strides = array<i32>} : memref<128x16xf32, #tpu.memory_space<vmem>>, vector<1x16xf32>,
    %swap3A_354 = arith.constant 42 : i32
    %swap3A_355 = arith.index_cast %swap3A_354 : i32 to index
    %swap3A_356 = arith.constant 0 : index
    %swap3A_357 = tpu.vector_load %arg5[%swap3A_355, %swap3A_356] {strides = array<i32>} : memref<128x16xf32, #tpu.memory_space<vmem>>, vector<1x16xf32>,
    %swap3A_358 = vector.shape_cast %swap3A_357 : vector<1x16xf32> to vector<16xf32>
    %swap3A_359 = vector.shape_cast %select_n3A : vector<16xf32> to vector<1x16xf32>
    tpu.vector_store %arg5[%swap3A_355, %swap3A_356], %swap3A_359 {strides = array<i32>} : memref<128x16xf32, #tpu.memory_space<vmem>>, vector<1x16xf32>,
    %swap3A_360 = arith.constant 43 : i32
    %swap3A_361 = arith.index_cast %swap3A_360 : i32 to index
    %swap3A_362 = arith.constant 0 : index
    %swap3A_363 = tpu.vector_load %arg5[%swap3A_361, %swap3A_362] {strides = array<i32>} : memref<128x16xf32, #tpu.memory_space<vmem>>, vector<1x16xf32>,
    %swap3A_364 = vector.shape_cast %swap3A_363 : vector<1x16xf32> to vector<16xf32>
    %swap3A_365 = vector.shape_cast %select_n3A : vector<16xf32> to vector<1x16xf32>
    tpu.vector_store %arg5[%swap3A_361, %swap3A_362], %swap3A_365 {strides = array<i32>} : memref<128x16xf32, #tpu.memory_space<vmem>>, vector<1x16xf32>,
    %swap3A_366 = arith.constant 44 : i32
    %swap3A_367 = arith.index_cast %swap3A_366 : i32 to index
    %swap3A_368 = arith.constant 0 : index
    %swap3A_369 = tpu.vector_load %arg5[%swap3A_367, %swap3A_368] {strides = array<i32>} : memref<128x16xf32, #tpu.memory_space<vmem>>, vector<1x16xf32>,
    %swap3A_370 = vector.shape_cast %swap3A_369 : vector<1x16xf32> to vector<16xf32>
    %swap3A_371 = vector.shape_cast %select_n3A : vector<16xf32> to vector<1x16xf32>
    tpu.vector_store %arg5[%swap3A_367, %swap3A_368], %swap3A_371 {strides = array<i32>} : memref<128x16xf32, #tpu.memory_space<vmem>>, vector<1x16xf32>,
    %swap3A_372 = arith.constant 45 : i32
    %swap3A_373 = arith.index_cast %swap3A_372 : i32 to index
    %swap3A_374 = arith.constant 0 : index
    %swap3A_375 = tpu.vector_load %arg5[%swap3A_373, %swap3A_374] {strides = array<i32>} : memref<128x16xf32, #tpu.memory_space<vmem>>, vector<1x16xf32>,
    %swap3A_376 = vector.shape_cast %swap3A_375 : vector<1x16xf32> to vector<16xf32>
    %swap3A_377 = vector.shape_cast %select_n3A : vector<16xf32> to vector<1x16xf32>
    tpu.vector_store %arg5[%swap3A_373, %swap3A_374], %swap3A_377 {strides = array<i32>} : memref<128x16xf32, #tpu.memory_space<vmem>>, vector<1x16xf32>,
    %swap3A_378 = arith.constant 46 : i32
    %swap3A_379 = arith.index_cast %swap3A_378 : i32 to index
    %swap3A_380 = arith.constant 0 : index
    %swap3A_381 = tpu.vector_load %arg5[%swap3A_379, %swap3A_380] {strides = array<i32>} : memref<128x16xf32, #tpu.memory_space<vmem>>, vector<1x16xf32>,
    %swap3A_382 = vector.shape_cast %swap3A_381 : vector<1x16xf32> to vector<16xf32>
    %swap3A_383 = vector.shape_cast %select_n3A : vector<16xf32> to vector<1x16xf32>
    tpu.vector_store %arg5[%swap3A_379, %swap3A_380], %swap3A_383 {strides = array<i32>} : memref<128x16xf32, #tpu.memory_space<vmem>>, vector<1x16xf32>,
    %swap3A_384 = arith.constant 47 : i32
    %swap3A_385 = arith.index_cast %swap3A_384 : i32 to index
    %swap3A_386 = arith.constant 0 : index
    %swap3A_387 = tpu.vector_load %arg5[%swap3A_385, %swap3A_386] {strides = array<i32>} : memref<128x16xf32, #tpu.memory_space<vmem>>, vector<1x16xf32>,
    %swap3A_388 = vector.shape_cast %swap3A_387 : vector<1x16xf32> to vector<16xf32>
    %swap3A_389 = vector.shape_cast %select_n3A : vector<16xf32> to vector<1x16xf32>
    tpu.vector_store %arg5[%swap3A_385, %swap3A_386], %swap3A_389 {strides = array<i32>} : memref<128x16xf32, #tpu.memory_space<vmem>>, vector<1x16xf32>,
    %swap3A_390 = arith.constant 48 : i32
    %swap3A_391 = arith.index_cast %swap3A_390 : i32 to index
    %swap3A_392 = arith.constant 0 : index
    %swap3A_393 = tpu.vector_load %arg5[%swap3A_391, %swap3A_392] {strides = array<i32>} : memref<128x16xf32, #tpu.memory_space<vmem>>, vector<1x16xf32>,
    %swap3A_394 = vector.shape_cast %swap3A_393 : vector<1x16xf32> to vector<16xf32>
    %swap3A_395 = vector.shape_cast %select_n3A : vector<16xf32> to vector<1x16xf32>
    tpu.vector_store %arg5[%swap3A_391, %swap3A_392], %swap3A_395 {strides = array<i32>} : memref<128x16xf32, #tpu.memory_space<vmem>>, vector<1x16xf32>,
    %swap3A_396 = arith.constant 49 : i32
    %swap3A_397 = arith.index_cast %swap3A_396 : i32 to index
    %swap3A_398 = arith.constant 0 : index
    %swap3A_399 = tpu.vector_load %arg5[%swap3A_397, %swap3A_398] {strides = array<i32>} : memref<128x16xf32, #tpu.memory_space<vmem>>, vector<1x16xf32>,
    %swap3A_400 = vector.shape_cast %swap3A_399 : vector<1x16xf32> to vector<16xf32>
    %swap3A_401 = vector.shape_cast %select_n3A : vector<16xf32> to vector<1x16xf32>
    tpu.vector_store %arg5[%swap3A_397, %swap3A_398], %swap3A_401 {strides = array<i32>} : memref<128x16xf32, #tpu.memory_space<vmem>>, vector<1x16xf32>,
    %swap3A_402 = arith.constant 50 : i32
    %swap3A_403 = arith.index_cast %swap3A_402 : i32 to index
    %swap3A_404 = arith.constant 0 : index
    %swap3A_405 = tpu.vector_load %arg5[%swap3A_403, %swap3A_404] {strides = array<i32>} : memref<128x16xf32, #tpu.memory_space<vmem>>, vector<1x16xf32>,
    %swap3A_406 = vector.shape_cast %swap3A_405 : vector<1x16xf32> to vector<16xf32>
    %swap3A_407 = vector.shape_cast %select_n3A : vector<16xf32> to vector<1x16xf32>
    tpu.vector_store %arg5[%swap3A_403, %swap3A_404], %swap3A_407 {strides = array<i32>} : memref<128x16xf32, #tpu.memory_space<vmem>>, vector<1x16xf32>,
    %swap3A_408 = arith.constant 51 : i32
    %swap3A_409 = arith.index_cast %swap3A_408 : i32 to index
    %swap3A_410 = arith.constant 0 : index
    %swap3A_411 = tpu.vector_load %arg5[%swap3A_409, %swap3A_410] {strides = array<i32>} : memref<128x16xf32, #tpu.memory_space<vmem>>, vector<1x16xf32>,
    %swap3A_412 = vector.shape_cast %swap3A_411 : vector<1x16xf32> to vector<16xf32>
    %swap3A_413 = vector.shape_cast %select_n3A : vector<16xf32> to vector<1x16xf32>
    tpu.vector_store %arg5[%swap3A_409, %swap3A_410], %swap3A_413 {strides = array<i32>} : memref<128x16xf32, #tpu.memory_space<vmem>>, vector<1x16xf32>,
    %swap3A_414 = arith.constant 52 : i32
    %swap3A_415 = arith.index_cast %swap3A_414 : i32 to index
    %swap3A_416 = arith.constant 0 : index
    %swap3A_417 = tpu.vector_load %arg5[%swap3A_415, %swap3A_416] {strides = array<i32>} : memref<128x16xf32, #tpu.memory_space<vmem>>, vector<1x16xf32>,
    %swap3A_418 = vector.shape_cast %swap3A_417 : vector<1x16xf32> to vector<16xf32>
    %swap3A_419 = vector.shape_cast %select_n3A : vector<16xf32> to vector<1x16xf32>
    tpu.vector_store %arg5[%swap3A_415, %swap3A_416], %swap3A_419 {strides = array<i32>} : memref<128x16xf32, #tpu.memory_space<vmem>>, vector<1x16xf32>,
    %swap3A_420 = arith.constant 53 : i32
    %swap3A_421 = arith.index_cast %swap3A_420 : i32 to index
    %swap3A_422 = arith.constant 0 : index
    %swap3A_423 = tpu.vector_load %arg5[%swap3A_421, %swap3A_422] {strides = array<i32>} : memref<128x16xf32, #tpu.memory_space<vmem>>, vector<1x16xf32>,
    %swap3A_424 = vector.shape_cast %swap3A_423 : vector<1x16xf32> to vector<16xf32>
    %swap3A_425 = vector.shape_cast %select_n3A : vector<16xf32> to vector<1x16xf32>
    tpu.vector_store %arg5[%swap3A_421, %swap3A_422], %swap3A_425 {strides = array<i32>} : memref<128x16xf32, #tpu.memory_space<vmem>>, vector<1x16xf32>,
    %swap3A_426 = arith.constant 54 : i32
    %swap3A_427 = arith.index_cast %swap3A_426 : i32 to index
    %swap3A_428 = arith.constant 0 : index
    %swap3A_429 = tpu.vector_load %arg5[%swap3A_427, %swap3A_428] {strides = array<i32>} : memref<128x16xf32, #tpu.memory_space<vmem>>, vector<1x16xf32>,
    %swap3A_430 = vector.shape_cast %swap3A_429 : vector<1x16xf32> to vector<16xf32>
    %swap3A_431 = vector.shape_cast %select_n3A : vector<16xf32> to vector<1x16xf32>
    tpu.vector_store %arg5[%swap3A_427, %swap3A_428], %swap3A_431 {strides = array<i32>} : memref<128x16xf32, #tpu.memory_space<vmem>>, vector<1x16xf32>,
    %swap3A_432 = arith.constant 55 : i32
    %swap3A_433 = arith.index_cast %swap3A_432 : i32 to index
    %swap3A_434 = arith.constant 0 : index
    %swap3A_435 = tpu.vector_load %arg5[%swap3A_433, %swap3A_434] {strides = array<i32>} : memref<128x16xf32, #tpu.memory_space<vmem>>, vector<1x16xf32>,
    %swap3A_436 = vector.shape_cast %swap3A_435 : vector<1x16xf32> to vector<16xf32>
    %swap3A_437 = vector.shape_cast %select_n3A : vector<16xf32> to vector<1x16xf32>
    tpu.vector_store %arg5[%swap3A_433, %swap3A_434], %swap3A_437 {strides = array<i32>} : memref<128x16xf32, #tpu.memory_space<vmem>>, vector<1x16xf32>,
    %swap3A_438 = arith.constant 56 : i32
    %swap3A_439 = arith.index_cast %swap3A_438 : i32 to index
    %swap3A_440 = arith.constant 0 : index
    %swap3A_441 = tpu.vector_load %arg5[%swap3A_439, %swap3A_440] {strides = array<i32>} : memref<128x16xf32, #tpu.memory_space<vmem>>, vector<1x16xf32>,
    %swap3A_442 = vector.shape_cast %swap3A_441 : vector<1x16xf32> to vector<16xf32>
    %swap3A_443 = vector.shape_cast %select_n3A : vector<16xf32> to vector<1x16xf32>
    tpu.vector_store %arg5[%swap3A_439, %swap3A_440], %swap3A_443 {strides = array<i32>} : memref<128x16xf32, #tpu.memory_space<vmem>>, vector<1x16xf32>,
    %swap3A_444 = arith.constant 57 : i32
    %swap3A_445 = arith.index_cast %swap3A_444 : i32 to index
    %swap3A_446 = arith.constant 0 : index
    %swap3A_447 = tpu.vector_load %arg5[%swap3A_445, %swap3A_446] {strides = array<i32>} : memref<128x16xf32, #tpu.memory_space<vmem>>, vector<1x16xf32>,
    %swap3A_448 = vector.shape_cast %swap3A_447 : vector<1x16xf32> to vector<16xf32>
    %swap3A_449 = vector.shape_cast %select_n3A : vector<16xf32> to vector<1x16xf32>
    tpu.vector_store %arg5[%swap3A_445, %swap3A_446], %swap3A_449 {strides = array<i32>} : memref<128x16xf32, #tpu.memory_space<vmem>>, vector<1x16xf32>,
    %swap3A_450 = arith.constant 58 : i32
    %swap3A_451 = arith.index_cast %swap3A_450 : i32 to index
    %swap3A_452 = arith.constant 0 : index
    %swap3A_453 = tpu.vector_load %arg5[%swap3A_451, %swap3A_452] {strides = array<i32>} : memref<128x16xf32, #tpu.memory_space<vmem>>, vector<1x16xf32>,
    %swap3A_454 = vector.shape_cast %swap3A_453 : vector<1x16xf32> to vector<16xf32>
    %swap3A_455 = vector.shape_cast %select_n3A : vector<16xf32> to vector<1x16xf32>
    tpu.vector_store %arg5[%swap3A_451, %swap3A_452], %swap3A_455 {strides = array<i32>} : memref<128x16xf32, #tpu.memory_space<vmem>>, vector<1x16xf32>,
    %swap3A_456 = arith.constant 59 : i32
    %swap3A_457 = arith.index_cast %swap3A_456 : i32 to index
    %swap3A_458 = arith.constant 0 : index
    %swap3A_459 = tpu.vector_load %arg5[%swap3A_457, %swap3A_458] {strides = array<i32>} : memref<128x16xf32, #tpu.memory_space<vmem>>, vector<1x16xf32>,
    %swap3A_460 = vector.shape_cast %swap3A_459 : vector<1x16xf32> to vector<16xf32>
    %swap3A_461 = vector.shape_cast %select_n3A : vector<16xf32> to vector<1x16xf32>
    tpu.vector_store %arg5[%swap3A_457, %swap3A_458], %swap3A_461 {strides = array<i32>} : memref<128x16xf32, #tpu.memory_space<vmem>>, vector<1x16xf32>,
    %swap3A_462 = arith.constant 60 : i32
    %swap3A_463 = arith.index_cast %swap3A_462 : i32 to index
    %swap3A_464 = arith.constant 0 : index
    %swap3A_465 = tpu.vector_load %arg5[%swap3A_463, %swap3A_464] {strides = array<i32>} : memref<128x16xf32, #tpu.memory_space<vmem>>, vector<1x16xf32>,
    %swap3A_466 = vector.shape_cast %swap3A_465 : vector<1x16xf32> to vector<16xf32>
    %swap3A_467 = vector.shape_cast %select_n3A : vector<16xf32> to vector<1x16xf32>
    tpu.vector_store %arg5[%swap3A_463, %swap3A_464], %swap3A_467 {strides = array<i32>} : memref<128x16xf32, #tpu.memory_space<vmem>>, vector<1x16xf32>,
    %swap3A_468 = arith.constant 61 : i32
    %swap3A_469 = arith.index_cast %swap3A_468 : i32 to index
    %swap3A_470 = arith.constant 0 : index
    %swap3A_471 = tpu.vector_load %arg5[%swap3A_469, %swap3A_470] {strides = array<i32>} : memref<128x16xf32, #tpu.memory_space<vmem>>, vector<1x16xf32>,
    %swap3A_472 = vector.shape_cast %swap3A_471 : vector<1x16xf32> to vector<16xf32>
    %swap3A_473 = vector.shape_cast %select_n3A : vector<16xf32> to vector<1x16xf32>
    tpu.vector_store %arg5[%swap3A_469, %swap3A_470], %swap3A_473 {strides = array<i32>} : memref<128x16xf32, #tpu.memory_space<vmem>>, vector<1x16xf32>,
    %swap3A_474 = arith.constant 62 : i32
    %swap3A_475 = arith.index_cast %swap3A_474 : i32 to index
    %swap3A_476 = arith.constant 0 : index
    %swap3A_477 = tpu.vector_load %arg5[%swap3A_475, %swap3A_476] {strides = array<i32>} : memref<128x16xf32, #tpu.memory_space<vmem>>, vector<1x16xf32>,
    %swap3A_478 = vector.shape_cast %swap3A_477 : vector<1x16xf32> to vector<16xf32>
    %swap3A_479 = vector.shape_cast %select_n3A : vector<16xf32> to vector<1x16xf32>
    tpu.vector_store %arg5[%swap3A_475, %swap3A_476], %swap3A_479 {strides = array<i32>} : memref<128x16xf32, #tpu.memory_space<vmem>>, vector<1x16xf32>,
    %swap3A_480 = arith.constant 63 : i32
    %swap3A_481 = arith.index_cast %swap3A_480 : i32 to index
    %swap3A_482 = arith.constant 0 : index
    %swap3A_483 = tpu.vector_load %arg5[%swap3A_481, %swap3A_482] {strides = array<i32>} : memref<128x16xf32, #tpu.memory_space<vmem>>, vector<1x16xf32>,
    %swap3A_484 = vector.shape_cast %swap3A_483 : vector<1x16xf32> to vector<16xf32>
    %swap3A_485 = vector.shape_cast %select_n3A : vector<16xf32> to vector<1x16xf32>
    tpu.vector_store %arg5[%swap3A_481, %swap3A_482], %swap3A_485 {strides = array<i32>} : memref<128x16xf32, #tpu.memory_space<vmem>>, vector<1x16xf32>,
    %swap3A_486 = arith.constant 64 : i32
    %swap3A_487 = arith.index_cast %swap3A_486 : i32 to index
    %swap3A_488 = arith.constant 0 : index
    %swap3A_489 = tpu.vector_load %arg5[%swap3A_487, %swap3A_488] {strides = array<i32>} : memref<128x16xf32, #tpu.memory_space<vmem>>, vector<1x16xf32>,
    %swap3A_490 = vector.shape_cast %swap3A_489 : vector<1x16xf32> to vector<16xf32>
    %swap3A_491 = vector.shape_cast %select_n3A : vector<16xf32> to vector<1x16xf32>
    tpu.vector_store %arg5[%swap3A_487, %swap3A_488], %swap3A_491 {strides = array<i32>} : memref<128x16xf32, #tpu.memory_space<vmem>>, vector<1x16xf32>,
    %swap3A_492 = arith.constant 65 : i32
    %swap3A_493 = arith.index_cast %swap3A_492 : i32 to index
    %swap3A_494 = arith.constant 0 : index
    %swap3A_495 = tpu.vector_load %arg5[%swap3A_493, %swap3A_494] {strides = array<i32>} : memref<128x16xf32, #tpu.memory_space<vmem>>, vector<1x16xf32>,
    %swap3A_496 = vector.shape_cast %swap3A_495 : vector<1x16xf32> to vector<16xf32>
    %swap3A_497 = vector.shape_cast %select_n3A : vector<16xf32> to vector<1x16xf32>
    tpu.vector_store %arg5[%swap3A_493, %swap3A_494], %swap3A_497 {strides = array<i32>} : memref<128x16xf32, #tpu.memory_space<vmem>>, vector<1x16xf32>,
    %swap3A_498 = arith.constant 66 : i32
    %swap3A_499 = arith.index_cast %swap3A_498 : i32 to index
    %swap3A_500 = arith.constant 0 : index
    %swap3A_501 = tpu.vector_load %arg5[%swap3A_499, %swap3A_500] {strides = array<i32>} : memref<128x16xf32, #tpu.memory_space<vmem>>, vector<1x16xf32>,
    %swap3A_502 = vector.shape_cast %swap3A_501 : vector<1x16xf32> to vector<16xf32>
    %swap3A_503 = vector.shape_cast %select_n3A : vector<16xf32> to vector<1x16xf32>
    tpu.vector_store %arg5[%swap3A_499, %swap3A_500], %swap3A_503 {strides = array<i32>} : memref<128x16xf32, #tpu.memory_space<vmem>>, vector<1x16xf32>,
    %swap3A_504 = arith.constant 67 : i32
    %swap3A_505 = arith.index_cast %swap3A_504 : i32 to index
    %swap3A_506 = arith.constant 0 : index
    %swap3A_507 = tpu.vector_load %arg5[%swap3A_505, %swap3A_506] {strides = array<i32>} : memref<128x16xf32, #tpu.memory_space<vmem>>, vector<1x16xf32>,
    %swap3A_508 = vector.shape_cast %swap3A_507 : vector<1x16xf32> to vector<16xf32>
    %swap3A_509 = vector.shape_cast %select_n3A : vector<16xf32> to vector<1x16xf32>
    tpu.vector_store %arg5[%swap3A_505, %swap3A_506], %swap3A_509 {strides = array<i32>} : memref<128x16xf32, #tpu.memory_space<vmem>>, vector<1x16xf32>,
    %swap3A_510 = arith.constant 68 : i32
    %swap3A_511 = arith.index_cast %swap3A_510 : i32 to index
    %swap3A_512 = arith.constant 0 : index
    %swap3A_513 = tpu.vector_load %arg5[%swap3A_511, %swap3A_512] {strides = array<i32>} : memref<128x16xf32, #tpu.memory_space<vmem>>, vector<1x16xf32>,
    %swap3A_514 = vector.shape_cast %swap3A_513 : vector<1x16xf32> to vector<16xf32>
    %swap3A_515 = vector.shape_cast %select_n3A : vector<16xf32> to vector<1x16xf32>
    tpu.vector_store %arg5[%swap3A_511, %swap3A_512], %swap3A_515 {strides = array<i32>} : memref<128x16xf32, #tpu.memory_space<vmem>>, vector<1x16xf32>,
    %swap3A_516 = arith.constant 69 : i32
    %swap3A_517 = arith.index_cast %swap3A_516 : i32 to index
    %swap3A_518 = arith.constant 0 : index
    %swap3A_519 = tpu.vector_load %arg5[%swap3A_517, %swap3A_518] {strides = array<i32>} : memref<128x16xf32, #tpu.memory_space<vmem>>, vector<1x16xf32>,
    %swap3A_520 = vector.shape_cast %swap3A_519 : vector<1x16xf32> to vector<16xf32>
    %swap3A_521 = vector.shape_cast %select_n3A : vector<16xf32> to vector<1x16xf32>
    tpu.vector_store %arg5[%swap3A_517, %swap3A_518], %swap3A_521 {strides = array<i32>} : memref<128x16xf32, #tpu.memory_space<vmem>>, vector<1x16xf32>,
    %swap3A_522 = arith.constant 70 : i32
    %swap3A_523 = arith.index_cast %swap3A_522 : i32 to index
    %swap3A_524 = arith.constant 0 : index
    %swap3A_525 = tpu.vector_load %arg5[%swap3A_523, %swap3A_524] {strides = array<i32>} : memref<128x16xf32, #tpu.memory_space<vmem>>, vector<1x16xf32>,
    %swap3A_526 = vector.shape_cast %swap3A_525 : vector<1x16xf32> to vector<16xf32>
    %swap3A_527 = vector.shape_cast %select_n3A : vector<16xf32> to vector<1x16xf32>
    tpu.vector_store %arg5[%swap3A_523, %swap3A_524], %swap3A_527 {strides = array<i32>} : memref<128x16xf32, #tpu.memory_space<vmem>>, vector<1x16xf32>,
    %swap3A_528 = arith.constant 71 : i32
    %swap3A_529 = arith.index_cast %swap3A_528 : i32 to index
    %swap3A_530 = arith.constant 0 : index
    %swap3A_531 = tpu.vector_load %arg5[%swap3A_529, %swap3A_530] {strides = array<i32>} : memref<128x16xf32, #tpu.memory_space<vmem>>, vector<1x16xf32>,
    %swap3A_532 = vector.shape_cast %swap3A_531 : vector<1x16xf32> to vector<16xf32>
    %swap3A_533 = vector.shape_cast %select_n3A : vector<16xf32> to vector<1x16xf32>
    tpu.vector_store %arg5[%swap3A_529, %swap3A_530], %swap3A_533 {strides = array<i32>} : memref<128x16xf32, #tpu.memory_space<vmem>>, vector<1x16xf32>,
    %swap3A_534 = arith.constant 72 : i32
    %swap3A_535 = arith.index_cast %swap3A_534 : i32 to index
    %swap3A_536 = arith.constant 0 : index
    %swap3A_537 = tpu.vector_load %arg5[%swap3A_535, %swap3A_536] {strides = array<i32>} : memref<128x16xf32, #tpu.memory_space<vmem>>, vector<1x16xf32>,
    %swap3A_538 = vector.shape_cast %swap3A_537 : vector<1x16xf32> to vector<16xf32>
    %swap3A_539 = vector.shape_cast %select_n3A : vector<16xf32> to vector<1x16xf32>
    tpu.vector_store %arg5[%swap3A_535, %swap3A_536], %swap3A_539 {strides = array<i32>} : memref<128x16xf32, #tpu.memory_space<vmem>>, vector<1x16xf32>,
    %swap3A_540 = arith.constant 73 : i32
    %swap3A_541 = arith.index_cast %swap3A_540 : i32 to index
    %swap3A_542 = arith.constant 0 : index
    %swap3A_543 = tpu.vector_load %arg5[%swap3A_541, %swap3A_542] {strides = array<i32>} : memref<128x16xf32, #tpu.memory_space<vmem>>, vector<1x16xf32>,
    %swap3A_544 = vector.shape_cast %swap3A_543 : vector<1x16xf32> to vector<16xf32>
    %swap3A_545 = vector.shape_cast %select_n3A : vector<16xf32> to vector<1x16xf32>
    tpu.vector_store %arg5[%swap3A_541, %swap3A_542], %swap3A_545 {strides = array<i32>} : memref<128x16xf32, #tpu.memory_space<vmem>>, vector<1x16xf32>,
    %swap3A_546 = arith.constant 74 : i32
    %swap3A_547 = arith.index_cast %swap3A_546 : i32 to index
    %swap3A_548 = arith.constant 0 : index
    %swap3A_549 = tpu.vector_load %arg5[%swap3A_547, %swap3A_548] {strides = array<i32>} : memref<128x16xf32, #tpu.memory_space<vmem>>, vector<1x16xf32>,
    %swap3A_550 = vector.shape_cast %swap3A_549 : vector<1x16xf32> to vector<16xf32>
    %swap3A_551 = vector.shape_cast %select_n3A : vector<16xf32> to vector<1x16xf32>
    tpu.vector_store %arg5[%swap3A_547, %swap3A_548], %swap3A_551 {strides = array<i32>} : memref<128x16xf32, #tpu.memory_space<vmem>>, vector<1x16xf32>,
    %swap3A_552 = arith.constant 75 : i32
    %swap3A_553 = arith.index_cast %swap3A_552 : i32 to index
    %swap3A_554 = arith.constant 0 : index
    %swap3A_555 = tpu.vector_load %arg5[%swap3A_553, %swap3A_554] {strides = array<i32>} : memref<128x16xf32, #tpu.memory_space<vmem>>, vector<1x16xf32>,
    %swap3A_556 = vector.shape_cast %swap3A_555 : vector<1x16xf32> to vector<16xf32>
    %swap3A_557 = vector.shape_cast %select_n3A : vector<16xf32> to vector<1x16xf32>
    tpu.vector_store %arg5[%swap3A_553, %swap3A_554], %swap3A_557 {strides = array<i32>} : memref<128x16xf32, #tpu.memory_space<vmem>>, vector<1x16xf32>,
    %swap3A_558 = arith.constant 76 : i32
    %swap3A_559 = arith.index_cast %swap3A_558 : i32 to index
    %swap3A_560 = arith.constant 0 : index
    %swap3A_561 = tpu.vector_load %arg5[%swap3A_559, %swap3A_560] {strides = array<i32>} : memref<128x16xf32, #tpu.memory_space<vmem>>, vector<1x16xf32>,
    %swap3A_562 = vector.shape_cast %swap3A_561 : vector<1x16xf32> to vector<16xf32>
    %swap3A_563 = vector.shape_cast %select_n3A : vector<16xf32> to vector<1x16xf32>
    tpu.vector_store %arg5[%swap3A_559, %swap3A_560], %swap3A_563 {strides = array<i32>} : memref<128x16xf32, #tpu.memory_space<vmem>>, vector<1x16xf32>,
    %swap3A_564 = arith.constant 77 : i32
    %swap3A_565 = arith.index_cast %swap3A_564 : i32 to index
    %swap3A_566 = arith.constant 0 : index
    %swap3A_567 = tpu.vector_load %arg5[%swap3A_565, %swap3A_566] {strides = array<i32>} : memref<128x16xf32, #tpu.memory_space<vmem>>, vector<1x16xf32>,
    %swap3A_568 = vector.shape_cast %swap3A_567 : vector<1x16xf32> to vector<16xf32>
    %swap3A_569 = vector.shape_cast %select_n3A : vector<16xf32> to vector<1x16xf32>
    tpu.vector_store %arg5[%swap3A_565, %swap3A_566], %swap3A_569 {strides = array<i32>} : memref<128x16xf32, #tpu.memory_space<vmem>>, vector<1x16xf32>,
    %swap3A_570 = arith.constant 78 : i32
    %swap3A_571 = arith.index_cast %swap3A_570 : i32 to index
    %swap3A_572 = arith.constant 0 : index
    %swap3A_573 = tpu.vector_load %arg5[%swap3A_571, %swap3A_572] {strides = array<i32>} : memref<128x16xf32, #tpu.memory_space<vmem>>, vector<1x16xf32>,
    %swap3A_574 = vector.shape_cast %swap3A_573 : vector<1x16xf32> to vector<16xf32>
    %swap3A_575 = vector.shape_cast %select_n3A : vector<16xf32> to vector<1x16xf32>
    tpu.vector_store %arg5[%swap3A_571, %swap3A_572], %swap3A_575 {strides = array<i32>} : memref<128x16xf32, #tpu.memory_space<vmem>>, vector<1x16xf32>,
    %swap3A_576 = arith.constant 79 : i32
    %swap3A_577 = arith.index_cast %swap3A_576 : i32 to index
    %swap3A_578 = arith.constant 0 : index
    %swap3A_579 = tpu.vector_load %arg5[%swap3A_577, %swap3A_578] {strides = array<i32>} : memref<128x16xf32, #tpu.memory_space<vmem>>, vector<1x16xf32>,
    %swap3A_580 = vector.shape_cast %swap3A_579 : vector<1x16xf32> to vector<16xf32>
    %swap3A_581 = vector.shape_cast %select_n3A : vector<16xf32> to vector<1x16xf32>
    tpu.vector_store %arg5[%swap3A_577, %swap3A_578], %swap3A_581 {strides = array<i32>} : memref<128x16xf32, #tpu.memory_space<vmem>>, vector<1x16xf32>,
    %swap3A_582 = arith.constant 80 : i32
    %swap3A_583 = arith.index_cast %swap3A_582 : i32 to index
    %swap3A_584 = arith.constant 0 : index
    %swap3A_585 = tpu.vector_load %arg5[%swap3A_583, %swap3A_584] {strides = array<i32>} : memref<128x16xf32, #tpu.memory_space<vmem>>, vector<1x16xf32>,
    %swap3A_586 = vector.shape_cast %swap3A_585 : vector<1x16xf32> to vector<16xf32>
    %swap3A_587 = vector.shape_cast %select_n3A : vector<16xf32> to vector<1x16xf32>
    tpu.vector_store %arg5[%swap3A_583, %swap3A_584], %swap3A_587 {strides = array<i32>} : memref<128x16xf32, #tpu.memory_space<vmem>>, vector<1x16xf32>,
    %swap3A_588 = arith.constant 81 : i32
    %swap3A_589 = arith.index_cast %swap3A_588 : i32 to index
    %swap3A_590 = arith.constant 0 : index
    %swap3A_591 = tpu.vector_load %arg5[%swap3A_589, %swap3A_590] {strides = array<i32>} : memref<128x16xf32, #tpu.memory_space<vmem>>, vector<1x16xf32>,
    %swap3A_592 = vector.shape_cast %swap3A_591 : vector<1x16xf32> to vector<16xf32>
    %swap3A_593 = vector.shape_cast %select_n3A : vector<16xf32> to vector<1x16xf32>
    tpu.vector_store %arg5[%swap3A_589, %swap3A_590], %swap3A_593 {strides = array<i32>} : memref<128x16xf32, #tpu.memory_space<vmem>>, vector<1x16xf32>,
    %swap3A_594 = arith.constant 82 : i32
    %swap3A_595 = arith.index_cast %swap3A_594 : i32 to index
    %swap3A_596 = arith.constant 0 : index
    %swap3A_597 = tpu.vector_load %arg5[%swap3A_595, %swap3A_596] {strides = array<i32>} : memref<128x16xf32, #tpu.memory_space<vmem>>, vector<1x16xf32>,
    %swap3A_598 = vector.shape_cast %swap3A_597 : vector<1x16xf32> to vector<16xf32>
    %swap3A_599 = vector.shape_cast %select_n3A : vector<16xf32> to vector<1x16xf32>
    tpu.vector_store %arg5[%swap3A_595, %swap3A_596], %swap3A_599 {strides = array<i32>} : memref<128x16xf32, #tpu.memory_space<vmem>>, vector<1x16xf32>,
    %swap3A_600 = arith.constant 83 : i32
    %swap3A_601 = arith.index_cast %swap3A_600 : i32 to index
    %swap3A_602 = arith.constant 0 : index
    %swap3A_603 = tpu.vector_load %arg5[%swap3A_601, %swap3A_602] {strides = array<i32>} : memref<128x16xf32, #tpu.memory_space<vmem>>, vector<1x16xf32>,
    %swap3A_604 = vector.shape_cast %swap3A_603 : vector<1x16xf32> to vector<16xf32>
    %swap3A_605 = vector.shape_cast %select_n3A : vector<16xf32> to vector<1x16xf32>
    tpu.vector_store %arg5[%swap3A_601, %swap3A_602], %swap3A_605 {strides = array<i32>} : memref<128x16xf32, #tpu.memory_space<vmem>>, vector<1x16xf32>,
    %swap3A_606 = arith.constant 84 : i32
    %swap3A_607 = arith.index_cast %swap3A_606 : i32 to index
    %swap3A_608 = arith.constant 0 : index
    %swap3A_609 = tpu.vector_load %arg5[%swap3A_607, %swap3A_608] {strides = array<i32>} : memref<128x16xf32, #tpu.memory_space<vmem>>, vector<1x16xf32>,
    %swap3A_610 = vector.shape_cast %swap3A_609 : vector<1x16xf32> to vector<16xf32>
    %swap3A_611 = vector.shape_cast %select_n3A : vector<16xf32> to vector<1x16xf32>
    tpu.vector_store %arg5[%swap3A_607, %swap3A_608], %swap3A_611 {strides = array<i32>} : memref<128x16xf32, #tpu.memory_space<vmem>>, vector<1x16xf32>,
    %swap3A_612 = arith.constant 85 : i32
    %swap3A_613 = arith.index_cast %swap3A_612 : i32 to index
    %swap3A_614 = arith.constant 0 : index
    %swap3A_615 = tpu.vector_load %arg5[%swap3A_613, %swap3A_614] {strides = array<i32>} : memref<128x16xf32, #tpu.memory_space<vmem>>, vector<1x16xf32>,
    %swap3A_616 = vector.shape_cast %swap3A_615 : vector<1x16xf32> to vector<16xf32>
    %swap3A_617 = vector.shape_cast %select_n3A : vector<16xf32> to vector<1x16xf32>
    tpu.vector_store %arg5[%swap3A_613, %swap3A_614], %swap3A_617 {strides = array<i32>} : memref<128x16xf32, #tpu.memory_space<vmem>>, vector<1x16xf32>,
    %swap3A_618 = arith.constant 86 : i32
    %swap3A_619 = arith.index_cast %swap3A_618 : i32 to index
    %swap3A_620 = arith.constant 0 : index
    %swap3A_621 = tpu.vector_load %arg5[%swap3A_619, %swap3A_620] {strides = array<i32>} : memref<128x16xf32, #tpu.memory_space<vmem>>, vector<1x16xf32>,
    %swap3A_622 = vector.shape_cast %swap3A_621 : vector<1x16xf32> to vector<16xf32>
    %swap3A_623 = vector.shape_cast %select_n3A : vector<16xf32> to vector<1x16xf32>
    tpu.vector_store %arg5[%swap3A_619, %swap3A_620], %swap3A_623 {strides = array<i32>} : memref<128x16xf32, #tpu.memory_space<vmem>>, vector<1x16xf32>,
    %swap3A_624 = arith.constant 87 : i32
    %swap3A_625 = arith.index_cast %swap3A_624 : i32 to index
    %swap3A_626 = arith.constant 0 : index
    %swap3A_627 = tpu.vector_load %arg5[%swap3A_625, %swap3A_626] {strides = array<i32>} : memref<128x16xf32, #tpu.memory_space<vmem>>, vector<1x16xf32>,
    %swap3A_628 = vector.shape_cast %swap3A_627 : vector<1x16xf32> to vector<16xf32>
    %swap3A_629 = vector.shape_cast %select_n3A : vector<16xf32> to vector<1x16xf32>
    tpu.vector_store %arg5[%swap3A_625, %swap3A_626], %swap3A_629 {strides = array<i32>} : memref<128x16xf32, #tpu.memory_space<vmem>>, vector<1x16xf32>,
    %swap3A_630 = arith.constant 88 : i32
    %swap3A_631 = arith.index_cast %swap3A_630 : i32 to index
    %swap3A_632 = arith.constant 0 : index
    %swap3A_633 = tpu.vector_load %arg5[%swap3A_631, %swap3A_632] {strides = array<i32>} : memref<128x16xf32, #tpu.memory_space<vmem>>, vector<1x16xf32>,
    %swap3A_634 = vector.shape_cast %swap3A_633 : vector<1x16xf32> to vector<16xf32>
    %swap3A_635 = vector.shape_cast %select_n3A : vector<16xf32> to vector<1x16xf32>
    tpu.vector_store %arg5[%swap3A_631, %swap3A_632], %swap3A_635 {strides = array<i32>} : memref<128x16xf32, #tpu.memory_space<vmem>>, vector<1x16xf32>,
    %swap3A_636 = arith.constant 89 : i32
    %swap3A_637 = arith.index_cast %swap3A_636 : i32 to index
    %swap3A_638 = arith.constant 0 : index
    %swap3A_639 = tpu.vector_load %arg5[%swap3A_637, %swap3A_638] {strides = array<i32>} : memref<128x16xf32, #tpu.memory_space<vmem>>, vector<1x16xf32>,
    %swap3A_640 = vector.shape_cast %swap3A_639 : vector<1x16xf32> to vector<16xf32>
    %swap3A_641 = vector.shape_cast %select_n3A : vector<16xf32> to vector<1x16xf32>
    tpu.vector_store %arg5[%swap3A_637, %swap3A_638], %swap3A_641 {strides = array<i32>} : memref<128x16xf32, #tpu.memory_space<vmem>>, vector<1x16xf32>,
    %swap3A_642 = arith.constant 90 : i32
    %swap3A_643 = arith.index_cast %swap3A_642 : i32 to index
    %swap3A_644 = arith.constant 0 : index
    %swap3A_645 = tpu.vector_load %arg5[%swap3A_643, %swap3A_644] {strides = array<i32>} : memref<128x16xf32, #tpu.memory_space<vmem>>, vector<1x16xf32>,
    %swap3A_646 = vector.shape_cast %swap3A_645 : vector<1x16xf32> to vector<16xf32>
    %swap3A_647 = vector.shape_cast %select_n3A : vector<16xf32> to vector<1x16xf32>
    tpu.vector_store %arg5[%swap3A_643, %swap3A_644], %swap3A_647 {strides = array<i32>} : memref<128x16xf32, #tpu.memory_space<vmem>>, vector<1x16xf32>,
    %swap3A_648 = arith.constant 91 : i32
    %swap3A_649 = arith.index_cast %swap3A_648 : i32 to index
    %swap3A_650 = arith.constant 0 : index
    %swap3A_651 = tpu.vector_load %arg5[%swap3A_649, %swap3A_650] {strides = array<i32>} : memref<128x16xf32, #tpu.memory_space<vmem>>, vector<1x16xf32>,
    %swap3A_652 = vector.shape_cast %swap3A_651 : vector<1x16xf32> to vector<16xf32>
    %swap3A_653 = vector.shape_cast %select_n3A : vector<16xf32> to vector<1x16xf32>
    tpu.vector_store %arg5[%swap3A_649, %swap3A_650], %swap3A_653 {strides = array<i32>} : memref<128x16xf32, #tpu.memory_space<vmem>>, vector<1x16xf32>,
    %swap3A_654 = arith.constant 92 : i32
    %swap3A_655 = arith.index_cast %swap3A_654 : i32 to index
    %swap3A_656 = arith.constant 0 : index
    %swap3A_657 = tpu.vector_load %arg5[%swap3A_655, %swap3A_656] {strides = array<i32>} : memref<128x16xf32, #tpu.memory_space<vmem>>, vector<1x16xf32>,
    %swap3A_658 = vector.shape_cast %swap3A_657 : vector<1x16xf32> to vector<16xf32>
    %swap3A_659 = vector.shape_cast %select_n3A : vector<16xf32> to vector<1x16xf32>
    tpu.vector_store %arg5[%swap3A_655, %swap3A_656], %swap3A_659 {strides = array<i32>} : memref<128x16xf32, #tpu.memory_space<vmem>>, vector<1x16xf32>,
    %swap3A_660 = arith.constant 93 : i32
    %swap3A_661 = arith.index_cast %swap3A_660 : i32 to index
    %swap3A_662 = arith.constant 0 : index
    %swap3A_663 = tpu.vector_load %arg5[%swap3A_661, %swap3A_662] {strides = array<i32>} : memref<128x16xf32, #tpu.memory_space<vmem>>, vector<1x16xf32>,
    %swap3A_664 = vector.shape_cast %swap3A_663 : vector<1x16xf32> to vector<16xf32>
    %swap3A_665 = vector.shape_cast %select_n3A : vector<16xf32> to vector<1x16xf32>
    tpu.vector_store %arg5[%swap3A_661, %swap3A_662], %swap3A_665 {strides = array<i32>} : memref<128x16xf32, #tpu.memory_space<vmem>>, vector<1x16xf32>,
    %swap3A_666 = arith.constant 94 : i32
    %swap3A_667 = arith.index_cast %swap3A_666 : i32 to index
    %swap3A_668 = arith.constant 0 : index
    %swap3A_669 = tpu.vector_load %arg5[%swap3A_667, %swap3A_668] {strides = array<i32>} : memref<128x16xf32, #tpu.memory_space<vmem>>, vector<1x16xf32>,
    %swap3A_670 = vector.shape_cast %swap3A_669 : vector<1x16xf32> to vector<16xf32>
    %swap3A_671 = vector.shape_cast %select_n3A : vector<16xf32> to vector<1x16xf32>
    tpu.vector_store %arg5[%swap3A_667, %swap3A_668], %swap3A_671 {strides = array<i32>} : memref<128x16xf32, #tpu.memory_space<vmem>>, vector<1x16xf32>,
    %swap3A_672 = arith.constant 95 : i32
    %swap3A_673 = arith.index_cast %swap3A_672 : i32 to index
    %swap3A_674 = arith.constant 0 : index
    %swap3A_675 = tpu.vector_load %arg5[%swap3A_673, %swap3A_674] {strides = array<i32>} : memref<128x16xf32, #tpu.memory_space<vmem>>, vector<1x16xf32>,
    %swap3A_676 = vector.shape_cast %swap3A_675 : vector<1x16xf32> to vector<16xf32>
    %swap3A_677 = vector.shape_cast %select_n3A : vector<16xf32> to vector<1x16xf32>
    tpu.vector_store %arg5[%swap3A_673, %swap3A_674], %swap3A_677 {strides = array<i32>} : memref<128x16xf32, #tpu.memory_space<vmem>>, vector<1x16xf32>,
    %swap3A_678 = arith.constant 96 : i32
    %swap3A_679 = arith.index_cast %swap3A_678 : i32 to index
    %swap3A_680 = arith.constant 0 : index
    %swap3A_681 = tpu.vector_load %arg5[%swap3A_679, %swap3A_680] {strides = array<i32>} : memref<128x16xf32, #tpu.memory_space<vmem>>, vector<1x16xf32>,
    %swap3A_682 = vector.shape_cast %swap3A_681 : vector<1x16xf32> to vector<16xf32>
    %swap3A_683 = vector.shape_cast %select_n3A : vector<16xf32> to vector<1x16xf32>
    tpu.vector_store %arg5[%swap3A_679, %swap3A_680], %swap3A_683 {strides = array<i32>} : memref<128x16xf32, #tpu.memory_space<vmem>>, vector<1x16xf32>,
    %swap3A_684 = arith.constant 97 : i32
    %swap3A_685 = arith.index_cast %swap3A_684 : i32 to index
    %swap3A_686 = arith.constant 0 : index
    %swap3A_687 = tpu.vector_load %arg5[%swap3A_685, %swap3A_686] {strides = array<i32>} : memref<128x16xf32, #tpu.memory_space<vmem>>, vector<1x16xf32>,
    %swap3A_688 = vector.shape_cast %swap3A_687 : vector<1x16xf32> to vector<16xf32>
    %swap3A_689 = vector.shape_cast %select_n3A : vector<16xf32> to vector<1x16xf32>
    tpu.vector_store %arg5[%swap3A_685, %swap3A_686], %swap3A_689 {strides = array<i32>} : memref<128x16xf32, #tpu.memory_space<vmem>>, vector<1x16xf32>,
    %swap3A_690 = arith.constant 98 : i32
    %swap3A_691 = arith.index_cast %swap3A_690 : i32 to index
    %swap3A_692 = arith.constant 0 : index
    %swap3A_693 = tpu.vector_load %arg5[%swap3A_691, %swap3A_692] {strides = array<i32>} : memref<128x16xf32, #tpu.memory_space<vmem>>, vector<1x16xf32>,
    %swap3A_694 = vector.shape_cast %swap3A_693 : vector<1x16xf32> to vector<16xf32>
    %swap3A_695 = vector.shape_cast %select_n3A : vector<16xf32> to vector<1x16xf32>
    tpu.vector_store %arg5[%swap3A_691, %swap3A_692], %swap3A_695 {strides = array<i32>} : memref<128x16xf32, #tpu.memory_space<vmem>>, vector<1x16xf32>,
    %swap3A_696 = arith.constant 99 : i32
    %swap3A_697 = arith.index_cast %swap3A_696 : i32 to index
    %swap3A_698 = arith.constant 0 : index
    %swap3A_699 = tpu.vector_load %arg5[%swap3A_697, %swap3A_698] {strides = array<i32>} : memref<128x16xf32, #tpu.memory_space<vmem>>, vector<1x16xf32>,
    %swap3A_700 = vector.shape_cast %swap3A_699 : vector<1x16xf32> to vector<16xf32>
    %swap3A_701 = vector.shape_cast %select_n3A : vector<16xf32> to vector<1x16xf32>
    tpu.vector_store %arg5[%swap3A_697, %swap3A_698], %swap3A_701 {strides = array<i32>} : memref<128x16xf32, #tpu.memory_space<vmem>>, vector<1x16xf32>,
    %swap3A_702 = arith.constant 100 : i32
    %swap3A_703 = arith.index_cast %swap3A_702 : i32 to index
    %swap3A_704 = arith.constant 0 : index
    %swap3A_705 = tpu.vector_load %arg5[%swap3A_703, %swap3A_704] {strides = array<i32>} : memref<128x16xf32, #tpu.memory_space<vmem>>, vector<1x16xf32>,
    %swap3A_706 = vector.shape_cast %swap3A_705 : vector<1x16xf32> to vector<16xf32>
    %swap3A_707 = vector.shape_cast %select_n3A : vector<16xf32> to vector<1x16xf32>
    tpu.vector_store %arg5[%swap3A_703, %swap3A_704], %swap3A_707 {strides = array<i32>} : memref<128x16xf32, #tpu.memory_space<vmem>>, vector<1x16xf32>,
    %swap3A_708 = arith.constant 101 : i32
    %swap3A_709 = arith.index_cast %swap3A_708 : i32 to index
    %swap3A_710 = arith.constant 0 : index
    %swap3A_711 = tpu.vector_load %arg5[%swap3A_709, %swap3A_710] {strides = array<i32>} : memref<128x16xf32, #tpu.memory_space<vmem>>, vector<1x16xf32>,
    %swap3A_712 = vector.shape_cast %swap3A_711 : vector<1x16xf32> to vector<16xf32>
    %swap3A_713 = vector.shape_cast %select_n3A : vector<16xf32> to vector<1x16xf32>
    tpu.vector_store %arg5[%swap3A_709, %swap3A_710], %swap3A_713 {strides = array<i32>} : memref<128x16xf32, #tpu.memory_space<vmem>>, vector<1x16xf32>,
    %swap3A_714 = arith.constant 102 : i32
    %swap3A_715 = arith.index_cast %swap3A_714 : i32 to index
    %swap3A_716 = arith.constant 0 : index
    %swap3A_717 = tpu.vector_load %arg5[%swap3A_715, %swap3A_716] {strides = array<i32>} : memref<128x16xf32, #tpu.memory_space<vmem>>, vector<1x16xf32>,
    %swap3A_718 = vector.shape_cast %swap3A_717 : vector<1x16xf32> to vector<16xf32>
    %swap3A_719 = vector.shape_cast %select_n3A : vector<16xf32> to vector<1x16xf32>
    tpu.vector_store %arg5[%swap3A_715, %swap3A_716], %swap3A_719 {strides = array<i32>} : memref<128x16xf32, #tpu.memory_space<vmem>>, vector<1x16xf32>,
    %swap3A_720 = arith.constant 103 : i32
    %swap3A_721 = arith.index_cast %swap3A_720 : i32 to index
    %swap3A_722 = arith.constant 0 : index
    %swap3A_723 = tpu.vector_load %arg5[%swap3A_721, %swap3A_722] {strides = array<i32>} : memref<128x16xf32, #tpu.memory_space<vmem>>, vector<1x16xf32>,
    %swap3A_724 = vector.shape_cast %swap3A_723 : vector<1x16xf32> to vector<16xf32>
    %swap3A_725 = vector.shape_cast %select_n3A : vector<16xf32> to vector<1x16xf32>
    tpu.vector_store %arg5[%swap3A_721, %swap3A_722], %swap3A_725 {strides = array<i32>} : memref<128x16xf32, #tpu.memory_space<vmem>>, vector<1x16xf32>,
    %swap3A_726 = arith.constant 104 : i32
    %swap3A_727 = arith.index_cast %swap3A_726 : i32 to index
    %swap3A_728 = arith.constant 0 : index
    %swap3A_729 = tpu.vector_load %arg5[%swap3A_727, %swap3A_728] {strides = array<i32>} : memref<128x16xf32, #tpu.memory_space<vmem>>, vector<1x16xf32>,
    %swap3A_730 = vector.shape_cast %swap3A_729 : vector<1x16xf32> to vector<16xf32>
    %swap3A_731 = vector.shape_cast %select_n3A : vector<16xf32> to vector<1x16xf32>
    tpu.vector_store %arg5[%swap3A_727, %swap3A_728], %swap3A_731 {strides = array<i32>} : memref<128x16xf32, #tpu.memory_space<vmem>>, vector<1x16xf32>,
    %swap3A_732 = arith.constant 105 : i32
    %swap3A_733 = arith.index_cast %swap3A_732 : i32 to index
    %swap3A_734 = arith.constant 0 : index
    %swap3A_735 = tpu.vector_load %arg5[%swap3A_733, %swap3A_734] {strides = array<i32>} : memref<128x16xf32, #tpu.memory_space<vmem>>, vector<1x16xf32>,
    %swap3A_736 = vector.shape_cast %swap3A_735 : vector<1x16xf32> to vector<16xf32>
    %swap3A_737 = vector.shape_cast %select_n3A : vector<16xf32> to vector<1x16xf32>
    tpu.vector_store %arg5[%swap3A_733, %swap3A_734], %swap3A_737 {strides = array<i32>} : memref<128x16xf32, #tpu.memory_space<vmem>>, vector<1x16xf32>,
    %swap3A_738 = arith.constant 106 : i32
    %swap3A_739 = arith.index_cast %swap3A_738 : i32 to index
    %swap3A_740 = arith.constant 0 : index
    %swap3A_741 = tpu.vector_load %arg5[%swap3A_739, %swap3A_740] {strides = array<i32>} : memref<128x16xf32, #tpu.memory_space<vmem>>, vector<1x16xf32>,
    %swap3A_742 = vector.shape_cast %swap3A_741 : vector<1x16xf32> to vector<16xf32>
    %swap3A_743 = vector.shape_cast %select_n3A : vector<16xf32> to vector<1x16xf32>
    tpu.vector_store %arg5[%swap3A_739, %swap3A_740], %swap3A_743 {strides = array<i32>} : memref<128x16xf32, #tpu.memory_space<vmem>>, vector<1x16xf32>,
    %swap3A_744 = arith.constant 107 : i32
    %swap3A_745 = arith.index_cast %swap3A_744 : i32 to index
    %swap3A_746 = arith.constant 0 : index
    %swap3A_747 = tpu.vector_load %arg5[%swap3A_745, %swap3A_746] {strides = array<i32>} : memref<128x16xf32, #tpu.memory_space<vmem>>, vector<1x16xf32>,
    %swap3A_748 = vector.shape_cast %swap3A_747 : vector<1x16xf32> to vector<16xf32>
    %swap3A_749 = vector.shape_cast %select_n3A : vector<16xf32> to vector<1x16xf32>
    tpu.vector_store %arg5[%swap3A_745, %swap3A_746], %swap3A_749 {strides = array<i32>} : memref<128x16xf32, #tpu.memory_space<vmem>>, vector<1x16xf32>,
    %swap3A_750 = arith.constant 108 : i32
    %swap3A_751 = arith.index_cast %swap3A_750 : i32 to index
    %swap3A_752 = arith.constant 0 : index
    %swap3A_753 = tpu.vector_load %arg5[%swap3A_751, %swap3A_752] {strides = array<i32>} : memref<128x16xf32, #tpu.memory_space<vmem>>, vector<1x16xf32>,
    %swap3A_754 = vector.shape_cast %swap3A_753 : vector<1x16xf32> to vector<16xf32>
    %swap3A_755 = vector.shape_cast %select_n3A : vector<16xf32> to vector<1x16xf32>
    tpu.vector_store %arg5[%swap3A_751, %swap3A_752], %swap3A_755 {strides = array<i32>} : memref<128x16xf32, #tpu.memory_space<vmem>>, vector<1x16xf32>,
    %swap3A_756 = arith.constant 109 : i32
    %swap3A_757 = arith.index_cast %swap3A_756 : i32 to index
    %swap3A_758 = arith.constant 0 : index
    %swap3A_759 = tpu.vector_load %arg5[%swap3A_757, %swap3A_758] {strides = array<i32>} : memref<128x16xf32, #tpu.memory_space<vmem>>, vector<1x16xf32>,
    %swap3A_760 = vector.shape_cast %swap3A_759 : vector<1x16xf32> to vector<16xf32>
    %swap3A_761 = vector.shape_cast %select_n3A : vector<16xf32> to vector<1x16xf32>
    tpu.vector_store %arg5[%swap3A_757, %swap3A_758], %swap3A_761 {strides = array<i32>} : memref<128x16xf32, #tpu.memory_space<vmem>>, vector<1x16xf32>,
    %swap3A_762 = arith.constant 110 : i32
    %swap3A_763 = arith.index_cast %swap3A_762 : i32 to index
    %swap3A_764 = arith.constant 0 : index
    %swap3A_765 = tpu.vector_load %arg5[%swap3A_763, %swap3A_764] {strides = array<i32>} : memref<128x16xf32, #tpu.memory_space<vmem>>, vector<1x16xf32>,
    %swap3A_766 = vector.shape_cast %swap3A_765 : vector<1x16xf32> to vector<16xf32>
    %swap3A_767 = vector.shape_cast %select_n3A : vector<16xf32> to vector<1x16xf32>
    tpu.vector_store %arg5[%swap3A_763, %swap3A_764], %swap3A_767 {strides = array<i32>} : memref<128x16xf32, #tpu.memory_space<vmem>>, vector<1x16xf32>,
    %swap3A_768 = arith.constant 111 : i32
    %swap3A_769 = arith.index_cast %swap3A_768 : i32 to index
    %swap3A_770 = arith.constant 0 : index
    %swap3A_771 = tpu.vector_load %arg5[%swap3A_769, %swap3A_770] {strides = array<i32>} : memref<128x16xf32, #tpu.memory_space<vmem>>, vector<1x16xf32>,
    %swap3A_772 = vector.shape_cast %swap3A_771 : vector<1x16xf32> to vector<16xf32>
    %swap3A_773 = vector.shape_cast %select_n3A : vector<16xf32> to vector<1x16xf32>
    tpu.vector_store %arg5[%swap3A_769, %swap3A_770], %swap3A_773 {strides = array<i32>} : memref<128x16xf32, #tpu.memory_space<vmem>>, vector<1x16xf32>,
    %swap3A_774 = arith.constant 112 : i32
    %swap3A_775 = arith.index_cast %swap3A_774 : i32 to index
    %swap3A_776 = arith.constant 0 : index
    %swap3A_777 = tpu.vector_load %arg5[%swap3A_775, %swap3A_776] {strides = array<i32>} : memref<128x16xf32, #tpu.memory_space<vmem>>, vector<1x16xf32>,
    %swap3A_778 = vector.shape_cast %swap3A_777 : vector<1x16xf32> to vector<16xf32>
    %swap3A_779 = vector.shape_cast %select_n3A : vector<16xf32> to vector<1x16xf32>
    tpu.vector_store %arg5[%swap3A_775, %swap3A_776], %swap3A_779 {strides = array<i32>} : memref<128x16xf32, #tpu.memory_space<vmem>>, vector<1x16xf32>,
    %swap3A_780 = arith.constant 113 : i32
    %swap3A_781 = arith.index_cast %swap3A_780 : i32 to index
    %swap3A_782 = arith.constant 0 : index
    %swap3A_783 = tpu.vector_load %arg5[%swap3A_781, %swap3A_782] {strides = array<i32>} : memref<128x16xf32, #tpu.memory_space<vmem>>, vector<1x16xf32>,
    %swap3A_784 = vector.shape_cast %swap3A_783 : vector<1x16xf32> to vector<16xf32>
    %swap3A_785 = vector.shape_cast %select_n3A : vector<16xf32> to vector<1x16xf32>
    tpu.vector_store %arg5[%swap3A_781, %swap3A_782], %swap3A_785 {strides = array<i32>} : memref<128x16xf32, #tpu.memory_space<vmem>>, vector<1x16xf32>,
    %swap3A_786 = arith.constant 114 : i32
    %swap3A_787 = arith.index_cast %swap3A_786 : i32 to index
    %swap3A_788 = arith.constant 0 : index
    %swap3A_789 = tpu.vector_load %arg5[%swap3A_787, %swap3A_788] {strides = array<i32>} : memref<128x16xf32, #tpu.memory_space<vmem>>, vector<1x16xf32>,
    %swap3A_790 = vector.shape_cast %swap3A_789 : vector<1x16xf32> to vector<16xf32>
    %swap3A_791 = vector.shape_cast %select_n3A : vector<16xf32> to vector<1x16xf32>
    tpu.vector_store %arg5[%swap3A_787, %swap3A_788], %swap3A_791 {strides = array<i32>} : memref<128x16xf32, #tpu.memory_space<vmem>>, vector<1x16xf32>,
    %swap3A_792 = arith.constant 115 : i32
    %swap3A_793 = arith.index_cast %swap3A_792 : i32 to index
    %swap3A_794 = arith.constant 0 : index
    %swap3A_795 = tpu.vector_load %arg5[%swap3A_793, %swap3A_794] {strides = array<i32>} : memref<128x16xf32, #tpu.memory_space<vmem>>, vector<1x16xf32>,
    %swap3A_796 = vector.shape_cast %swap3A_795 : vector<1x16xf32> to vector<16xf32>
    %swap3A_797 = vector.shape_cast %select_n3A : vector<16xf32> to vector<1x16xf32>
    tpu.vector_store %arg5[%swap3A_793, %swap3A_794], %swap3A_797 {strides = array<i32>} : memref<128x16xf32, #tpu.memory_space<vmem>>, vector<1x16xf32>,
    %swap3A_798 = arith.constant 116 : i32
    %swap3A_799 = arith.index_cast %swap3A_798 : i32 to index
    %swap3A_800 = arith.constant 0 : index
    %swap3A_801 = tpu.vector_load %arg5[%swap3A_799, %swap3A_800] {strides = array<i32>} : memref<128x16xf32, #tpu.memory_space<vmem>>, vector<1x16xf32>,
    %swap3A_802 = vector.shape_cast %swap3A_801 : vector<1x16xf32> to vector<16xf32>
    %swap3A_803 = vector.shape_cast %select_n3A : vector<16xf32> to vector<1x16xf32>
    tpu.vector_store %arg5[%swap3A_799, %swap3A_800], %swap3A_803 {strides = array<i32>} : memref<128x16xf32, #tpu.memory_space<vmem>>, vector<1x16xf32>,
    %swap3A_804 = arith.constant 117 : i32
    %swap3A_805 = arith.index_cast %swap3A_804 : i32 to index
    %swap3A_806 = arith.constant 0 : index
    %swap3A_807 = tpu.vector_load %arg5[%swap3A_805, %swap3A_806] {strides = array<i32>} : memref<128x16xf32, #tpu.memory_space<vmem>>, vector<1x16xf32>,
    %swap3A_808 = vector.shape_cast %swap3A_807 : vector<1x16xf32> to vector<16xf32>
    %swap3A_809 = vector.shape_cast %select_n3A : vector<16xf32> to vector<1x16xf32>
    tpu.vector_store %arg5[%swap3A_805, %swap3A_806], %swap3A_809 {strides = array<i32>} : memref<128x16xf32, #tpu.memory_space<vmem>>, vector<1x16xf32>,
    %swap3A_810 = arith.constant 118 : i32
    %swap3A_811 = arith.index_cast %swap3A_810 : i32 to index
    %swap3A_812 = arith.constant 0 : index
    %swap3A_813 = tpu.vector_load %arg5[%swap3A_811, %swap3A_812] {strides = array<i32>} : memref<128x16xf32, #tpu.memory_space<vmem>>, vector<1x16xf32>,
    %swap3A_814 = vector.shape_cast %swap3A_813 : vector<1x16xf32> to vector<16xf32>
    %swap3A_815 = vector.shape_cast %select_n3A : vector<16xf32> to vector<1x16xf32>
    tpu.vector_store %arg5[%swap3A_811, %swap3A_812], %swap3A_815 {strides = array<i32>} : memref<128x16xf32, #tpu.memory_space<vmem>>, vector<1x16xf32>,
    %swap3A_816 = arith.constant 119 : i32
    %swap3A_817 = arith.index_cast %swap3A_816 : i32 to index
    %swap3A_818 = arith.constant 0 : index
    %swap3A_819 = tpu.vector_load %arg5[%swap3A_817, %swap3A_818] {strides = array<i32>} : memref<128x16xf32, #tpu.memory_space<vmem>>, vector<1x16xf32>,
    %swap3A_820 = vector.shape_cast %swap3A_819 : vector<1x16xf32> to vector<16xf32>
    %swap3A_821 = vector.shape_cast %select_n3A : vector<16xf32> to vector<1x16xf32>
    tpu.vector_store %arg5[%swap3A_817, %swap3A_818], %swap3A_821 {strides = array<i32>} : memref<128x16xf32, #tpu.memory_space<vmem>>, vector<1x16xf32>,
    %swap3A_822 = arith.constant 120 : i32
    %swap3A_823 = arith.index_cast %swap3A_822 : i32 to index
    %swap3A_824 = arith.constant 0 : index
    %swap3A_825 = tpu.vector_load %arg5[%swap3A_823, %swap3A_824] {strides = array<i32>} : memref<128x16xf32, #tpu.memory_space<vmem>>, vector<1x16xf32>,
    %swap3A_826 = vector.shape_cast %swap3A_825 : vector<1x16xf32> to vector<16xf32>
    %swap3A_827 = vector.shape_cast %select_n3A : vector<16xf32> to vector<1x16xf32>
    tpu.vector_store %arg5[%swap3A_823, %swap3A_824], %swap3A_827 {strides = array<i32>} : memref<128x16xf32, #tpu.memory_space<vmem>>, vector<1x16xf32>,
    %swap3A_828 = arith.constant 121 : i32
    %swap3A_829 = arith.index_cast %swap3A_828 : i32 to index
    %swap3A_830 = arith.constant 0 : index
    %swap3A_831 = tpu.vector_load %arg5[%swap3A_829, %swap3A_830] {strides = array<i32>} : memref<128x16xf32, #tpu.memory_space<vmem>>, vector<1x16xf32>,
    %swap3A_832 = vector.shape_cast %swap3A_831 : vector<1x16xf32> to vector<16xf32>
    %swap3A_833 = vector.shape_cast %select_n3A : vector<16xf32> to vector<1x16xf32>
    tpu.vector_store %arg5[%swap3A_829, %swap3A_830], %swap3A_833 {strides = array<i32>} : memref<128x16xf32, #tpu.memory_space<vmem>>, vector<1x16xf32>,
    %swap3A_834 = arith.constant 122 : i32
    %swap3A_835 = arith.index_cast %swap3A_834 : i32 to index
    %swap3A_836 = arith.constant 0 : index
    %swap3A_837 = tpu.vector_load %arg5[%swap3A_835, %swap3A_836] {strides = array<i32>} : memref<128x16xf32, #tpu.memory_space<vmem>>, vector<1x16xf32>,
    %swap3A_838 = vector.shape_cast %swap3A_837 : vector<1x16xf32> to vector<16xf32>
    %swap3A_839 = vector.shape_cast %select_n3A : vector<16xf32> to vector<1x16xf32>
    tpu.vector_store %arg5[%swap3A_835, %swap3A_836], %swap3A_839 {strides = array<i32>} : memref<128x16xf32, #tpu.memory_space<vmem>>, vector<1x16xf32>,
    %swap3A_840 = arith.constant 123 : i32
    %swap3A_841 = arith.index_cast %swap3A_840 : i32 to index
    %swap3A_842 = arith.constant 0 : index
    %swap3A_843 = tpu.vector_load %arg5[%swap3A_841, %swap3A_842] {strides = array<i32>} : memref<128x16xf32, #tpu.memory_space<vmem>>, vector<1x16xf32>,
    %swap3A_844 = vector.shape_cast %swap3A_843 : vector<1x16xf32> to vector<16xf32>
    %swap3A_845 = vector.shape_cast %select_n3A : vector<16xf32> to vector<1x16xf32>
    tpu.vector_store %arg5[%swap3A_841, %swap3A_842], %swap3A_845 {strides = array<i32>} : memref<128x16xf32, #tpu.memory_space<vmem>>, vector<1x16xf32>,
    %swap3A_846 = arith.constant 124 : i32
    %swap3A_847 = arith.index_cast %swap3A_846 : i32 to index
    %swap3A_848 = arith.constant 0 : index
    %swap3A_849 = tpu.vector_load %arg5[%swap3A_847, %swap3A_848] {strides = array<i32>} : memref<128x16xf32, #tpu.memory_space<vmem>>, vector<1x16xf32>,
    %swap3A_850 = vector.shape_cast %swap3A_849 : vector<1x16xf32> to vector<16xf32>
    %swap3A_851 = vector.shape_cast %select_n3A : vector<16xf32> to vector<1x16xf32>
    tpu.vector_store %arg5[%swap3A_847, %swap3A_848], %swap3A_851 {strides = array<i32>} : memref<128x16xf32, #tpu.memory_space<vmem>>, vector<1x16xf32>,
    %swap3A_852 = arith.constant 125 : i32
    %swap3A_853 = arith.index_cast %swap3A_852 : i32 to index
    %swap3A_854 = arith.constant 0 : index
    %swap3A_855 = tpu.vector_load %arg5[%swap3A_853, %swap3A_854] {strides = array<i32>} : memref<128x16xf32, #tpu.memory_space<vmem>>, vector<1x16xf32>,
    %swap3A_856 = vector.shape_cast %swap3A_855 : vector<1x16xf32> to vector<16xf32>
    %swap3A_857 = vector.shape_cast %select_n3A : vector<16xf32> to vector<1x16xf32>
    tpu.vector_store %arg5[%swap3A_853, %swap3A_854], %swap3A_857 {strides = array<i32>} : memref<128x16xf32, #tpu.memory_space<vmem>>, vector<1x16xf32>,
    %swap3A_858 = arith.constant 126 : i32
    %swap3A_859 = arith.index_cast %swap3A_858 : i32 to index
    %swap3A_860 = arith.constant 0 : index
    %swap3A_861 = tpu.vector_load %arg5[%swap3A_859, %swap3A_860] {strides = array<i32>} : memref<128x16xf32, #tpu.memory_space<vmem>>, vector<1x16xf32>,
    %swap3A_862 = vector.shape_cast %swap3A_861 : vector<1x16xf32> to vector<16xf32>
    %swap3A_863 = vector.shape_cast %select_n3A : vector<16xf32> to vector<1x16xf32>
    tpu.vector_store %arg5[%swap3A_859, %swap3A_860], %swap3A_863 {strides = array<i32>} : memref<128x16xf32, #tpu.memory_space<vmem>>, vector<1x16xf32>,
    %swap3A_864 = arith.constant 127 : i32
    %swap3A_865 = arith.index_cast %swap3A_864 : i32 to index
    %swap3A_866 = arith.constant 0 : index
    %swap3A_867 = tpu.vector_load %arg5[%swap3A_865, %swap3A_866] {strides = array<i32>} : memref<128x16xf32, #tpu.memory_space<vmem>>, vector<1x16xf32>,
    %swap3A_868 = vector.shape_cast %swap3A_867 : vector<1x16xf32> to vector<16xf32>
    %swap3A_869 = vector.shape_cast %select_n3A : vector<16xf32> to vector<1x16xf32>
    tpu.vector_store %arg5[%swap3A_865, %swap3A_866], %swap3A_869 {strides = array<i32>} : memref<128x16xf32, #tpu.memory_space<vmem>>, vector<1x16xf32>,
    %mul3A_870 = arith.constant 640 : i32
    %mul3A_871 = arith.muli %arg1, %mul3A_870 : i32
    %scan3A = arith.constant 0 : i32
    %scan3A_872 = arith.constant 0 : i32
    %scan3A_873 = arith.constant 40 : i32
    %scan3A_874 = arith.addi %scan3A_872, %scan3A_873 : i32
    %scan3A_875 = arith.constant 1 : i32
    scf.for %scan3A_1052 = %scan3A_872 to %scan3A_874 step %scan3A_875  : i32 {
      %mul3A_1053 = arith.constant 16 : i32
      %mul3A_1054 = arith.muli %mul3A_1053, %scan3A_1052 : i32
      %add3A_1055 = arith.addi %mul3A_871, %mul3A_1054 : i32
      "tpu.region"() ({
        %run_scoped3A = tpu.sem_alloc : memref<!tpu.dma_semaphore, #tpu.memory_space<semaphore_mem>>
        %dma_start3A_1056 = arith.constant 0 : i32
        %dma_start3A_1057 = tpu.memref_slice %arg7[%add3A_1055, %dma_start3A_1056] : memref<10240x16xf32, #tpu.memory_space<vmem_shared>> -> memref<16x16xf32, #tpu.memory_space<vmem_shared>>
        %dma_start3A_1058 = arith.constant 0 : i32
        %dma_start3A_1059 = tpu.memref_slice %arg7[%add3A_1055, %dma_start3A_1058] : memref<10240x16xf32, #tpu.memory_space<vmem_shared>> -> memref<16x16xf32, #tpu.memory_space<vmem_shared>>
        tpu.enqueue_dma source(%arg6 : memref<16x16xf32, #tpu.memory_space<vmem>>) target(%dma_start3A_1059 : memref<16x16xf32, #tpu.memory_space<vmem_shared>>) target_semaphore(%run_scoped3A : memref<!tpu.dma_semaphore, #tpu.memory_space<semaphore_mem>>)
        %dma_wait3A_1060 = arith.constant 0 : i32
        %dma_wait3A_1061 = tpu.memref_slice %arg7[%add3A_1055, %dma_wait3A_1060] : memref<10240x16xf32, #tpu.memory_space<vmem_shared>> -> memref<16x16xf32, #tpu.memory_space<vmem_shared>>
        %dma_wait3A_1062 = arith.constant 0 : i32
        %dma_wait3A_1063 = tpu.memref_slice %arg7[%add3A_1055, %dma_wait3A_1062] : memref<10240x16xf32, #tpu.memory_space<vmem_shared>> -> memref<16x16xf32, #tpu.memory_space<vmem_shared>>
        tpu.wait_dma2 semaphore(%run_scoped3A : memref<!tpu.dma_semaphore, #tpu.memory_space<semaphore_mem>>) src(%arg6 : memref<16x16xf32, #tpu.memory_space<vmem>>) dst(%dma_wait3A_1063 : memref<16x16xf32, #tpu.memory_space<vmem_shared>>)
        tpu.yield
      }) : () -> ()
    }
    %scan3A_876 = arith.constant 40 : i32
    %dma_start3A = arith.constant 0 : i32
    %dma_start3A_877 = arith.constant 0 : i32
    %dma_start3A_878 = arith.constant 0 : i32
    %dma_start3A_879 = tpu.memref_slice %arg4[%dma_start3A, %dma_start3A_877, %dma_start3A_878] : memref<5x16x128xi32, #tpu.memory_space<vmem>> -> memref<1x16x128xi32, #tpu.memory_space<vmem>>
    %dma_start3A_880 = tpu.memref_squeeze %dma_start3A_879 : memref<1x16x128xi32, #tpu.memory_space<vmem>> -> memref<16x128xi32, #tpu.memory_space<vmem>>
    %dma_start3A_881 = arith.constant 0 : i32
    %dma_start3A_882 = arith.constant 0 : i32
    %dma_start3A_883 = tpu.memref_slice %arg2[%add3A, %dma_start3A_881, %dma_start3A_882] : memref<32x80x128xi32, #tpu.memory_space<hbm>> -> memref<1x16x128xi32, #tpu.memory_space<hbm>>
    %dma_start3A_884 = tpu.memref_squeeze %dma_start3A_883 : memref<1x16x128xi32, #tpu.memory_space<hbm>> -> memref<16x128xi32, #tpu.memory_space<hbm>>
    %dma_start3A_885 = arith.constant 0 : i32
    %dma_start3A_886 = arith.constant 0 : i32
    %dma_start3A_887 = tpu.memref_slice %arg4[%dma_start3A, %dma_start3A_885, %dma_start3A_886] : memref<5x16x128xi32, #tpu.memory_space<vmem>> -> memref<1x16x128xi32, #tpu.memory_space<vmem>>
    %dma_start3A_888 = tpu.memref_squeeze %dma_start3A_887 : memref<1x16x128xi32, #tpu.memory_space<vmem>> -> memref<16x128xi32, #tpu.memory_space<vmem>>
    %dma_start3A_889 = arith.constant 0 : i32
    %dma_start3A_890 = arith.constant 0 : i32
    %dma_start3A_891 = tpu.memref_slice %arg2[%add3A, %dma_start3A_889, %dma_start3A_890] : memref<32x80x128xi32, #tpu.memory_space<hbm>> -> memref<1x16x128xi32, #tpu.memory_space<hbm>>
    %dma_start3A_892 = tpu.memref_squeeze %dma_start3A_891 : memref<1x16x128xi32, #tpu.memory_space<hbm>> -> memref<16x128xi32, #tpu.memory_space<hbm>>
    tpu.enqueue_dma source(%dma_start3A_892 : memref<16x128xi32, #tpu.memory_space<hbm>>) target(%dma_start3A_888 : memref<16x128xi32, #tpu.memory_space<vmem>>) target_semaphore(%arg8 : memref<!tpu.dma_semaphore, #tpu.memory_space<semaphore_mem>>)
    %dma_wait3A = arith.constant 0 : i32
    %dma_wait3A_893 = arith.constant 0 : i32
    %dma_wait3A_894 = arith.constant 0 : i32
    %dma_wait3A_895 = tpu.memref_slice %arg4[%dma_wait3A, %dma_wait3A_893, %dma_wait3A_894] : memref<5x16x128xi32, #tpu.memory_space<vmem>> -> memref<1x16x128xi32, #tpu.memory_space<vmem>>
    %dma_wait3A_896 = tpu.memref_squeeze %dma_wait3A_895 : memref<1x16x128xi32, #tpu.memory_space<vmem>> -> memref<16x128xi32, #tpu.memory_space<vmem>>
    %dma_wait3A_897 = arith.constant 0 : i32
    %dma_wait3A_898 = arith.constant 0 : i32
    %dma_wait3A_899 = tpu.memref_slice %arg2[%add3A, %dma_wait3A_897, %dma_wait3A_898] : memref<32x80x128xi32, #tpu.memory_space<hbm>> -> memref<1x16x128xi32, #tpu.memory_space<hbm>>
    %dma_wait3A_900 = tpu.memref_squeeze %dma_wait3A_899 : memref<1x16x128xi32, #tpu.memory_space<hbm>> -> memref<16x128xi32, #tpu.memory_space<hbm>>
    %dma_wait3A_901 = arith.constant 0 : i32
    %dma_wait3A_902 = arith.constant 0 : i32
    %dma_wait3A_903 = tpu.memref_slice %arg4[%dma_wait3A, %dma_wait3A_901, %dma_wait3A_902] : memref<5x16x128xi32, #tpu.memory_space<vmem>> -> memref<1x16x128xi32, #tpu.memory_space<vmem>>
    %dma_wait3A_904 = tpu.memref_squeeze %dma_wait3A_903 : memref<1x16x128xi32, #tpu.memory_space<vmem>> -> memref<16x128xi32, #tpu.memory_space<vmem>>
    %dma_wait3A_905 = arith.constant 0 : i32
    %dma_wait3A_906 = arith.constant 0 : i32
    %dma_wait3A_907 = tpu.memref_slice %arg2[%add3A, %dma_wait3A_905, %dma_wait3A_906] : memref<32x80x128xi32, #tpu.memory_space<hbm>> -> memref<1x16x128xi32, #tpu.memory_space<hbm>>
    %dma_wait3A_908 = tpu.memref_squeeze %dma_wait3A_907 : memref<1x16x128xi32, #tpu.memory_space<hbm>> -> memref<16x128xi32, #tpu.memory_space<hbm>>
    tpu.wait_dma2 semaphore(%arg8 : memref<!tpu.dma_semaphore, #tpu.memory_space<semaphore_mem>>) src(%dma_wait3A_908 : memref<16x128xi32, #tpu.memory_space<hbm>>) dst(%dma_wait3A_904 : memref<16x128xi32, #tpu.memory_space<vmem>>)
    %dma_start3A_909 = arith.constant 1 : i32
    %dma_start3A_910 = arith.constant 0 : i32
    %dma_start3A_911 = arith.constant 0 : i32
    %dma_start3A_912 = tpu.memref_slice %arg4[%dma_start3A_909, %dma_start3A_910, %dma_start3A_911] : memref<5x16x128xi32, #tpu.memory_space<vmem>> -> memref<1x16x128xi32, #tpu.memory_space<vmem>>
    %dma_start3A_913 = tpu.memref_squeeze %dma_start3A_912 : memref<1x16x128xi32, #tpu.memory_space<vmem>> -> memref<16x128xi32, #tpu.memory_space<vmem>>
    %dma_start3A_914 = arith.constant 16 : i32
    %dma_start3A_915 = arith.constant 0 : i32
    %dma_start3A_916 = tpu.memref_slice %arg2[%add3A, %dma_start3A_914, %dma_start3A_915] : memref<32x80x128xi32, #tpu.memory_space<hbm>> -> memref<1x16x128xi32, #tpu.memory_space<hbm>>
    %dma_start3A_917 = tpu.memref_squeeze %dma_start3A_916 : memref<1x16x128xi32, #tpu.memory_space<hbm>> -> memref<16x128xi32, #tpu.memory_space<hbm>>
    %dma_start3A_918 = arith.constant 0 : i32
    %dma_start3A_919 = arith.constant 0 : i32
    %dma_start3A_920 = tpu.memref_slice %arg4[%dma_start3A_909, %dma_start3A_918, %dma_start3A_919] : memref<5x16x128xi32, #tpu.memory_space<vmem>> -> memref<1x16x128xi32, #tpu.memory_space<vmem>>
    %dma_start3A_921 = tpu.memref_squeeze %dma_start3A_920 : memref<1x16x128xi32, #tpu.memory_space<vmem>> -> memref<16x128xi32, #tpu.memory_space<vmem>>
    %dma_start3A_922 = arith.constant 16 : i32
    %dma_start3A_923 = arith.constant 0 : i32
    %dma_start3A_924 = tpu.memref_slice %arg2[%add3A, %dma_start3A_922, %dma_start3A_923] : memref<32x80x128xi32, #tpu.memory_space<hbm>> -> memref<1x16x128xi32, #tpu.memory_space<hbm>>
    %dma_start3A_925 = tpu.memref_squeeze %dma_start3A_924 : memref<1x16x128xi32, #tpu.memory_space<hbm>> -> memref<16x128xi32, #tpu.memory_space<hbm>>
    tpu.enqueue_dma source(%dma_start3A_925 : memref<16x128xi32, #tpu.memory_space<hbm>>) target(%dma_start3A_921 : memref<16x128xi32, #tpu.memory_space<vmem>>) target_semaphore(%arg8 : memref<!tpu.dma_semaphore, #tpu.memory_space<semaphore_mem>>)
    %dma_wait3A_926 = arith.constant 1 : i32
    %dma_wait3A_927 = arith.constant 0 : i32
    %dma_wait3A_928 = arith.constant 0 : i32
    %dma_wait3A_929 = tpu.memref_slice %arg4[%dma_wait3A_926, %dma_wait3A_927, %dma_wait3A_928] : memref<5x16x128xi32, #tpu.memory_space<vmem>> -> memref<1x16x128xi32, #tpu.memory_space<vmem>>
    %dma_wait3A_930 = tpu.memref_squeeze %dma_wait3A_929 : memref<1x16x128xi32, #tpu.memory_space<vmem>> -> memref<16x128xi32, #tpu.memory_space<vmem>>
    %dma_wait3A_931 = arith.constant 16 : i32
    %dma_wait3A_932 = arith.constant 0 : i32
    %dma_wait3A_933 = tpu.memref_slice %arg2[%add3A, %dma_wait3A_931, %dma_wait3A_932] : memref<32x80x128xi32, #tpu.memory_space<hbm>> -> memref<1x16x128xi32, #tpu.memory_space<hbm>>
    %dma_wait3A_934 = tpu.memref_squeeze %dma_wait3A_933 : memref<1x16x128xi32, #tpu.memory_space<hbm>> -> memref<16x128xi32, #tpu.memory_space<hbm>>
    %dma_wait3A_935 = arith.constant 0 : i32
    %dma_wait3A_936 = arith.constant 0 : i32
    %dma_wait3A_937 = tpu.memref_slice %arg4[%dma_wait3A_926, %dma_wait3A_935, %dma_wait3A_936] : memref<5x16x128xi32, #tpu.memory_space<vmem>> -> memref<1x16x128xi32, #tpu.memory_space<vmem>>
    %dma_wait3A_938 = tpu.memref_squeeze %dma_wait3A_937 : memref<1x16x128xi32, #tpu.memory_space<vmem>> -> memref<16x128xi32, #tpu.memory_space<vmem>>
    %dma_wait3A_939 = arith.constant 16 : i32
    %dma_wait3A_940 = arith.constant 0 : i32
    %dma_wait3A_941 = tpu.memref_slice %arg2[%add3A, %dma_wait3A_939, %dma_wait3A_940] : memref<32x80x128xi32, #tpu.memory_space<hbm>> -> memref<1x16x128xi32, #tpu.memory_space<hbm>>
    %dma_wait3A_942 = tpu.memref_squeeze %dma_wait3A_941 : memref<1x16x128xi32, #tpu.memory_space<hbm>> -> memref<16x128xi32, #tpu.memory_space<hbm>>
    tpu.wait_dma2 semaphore(%arg8 : memref<!tpu.dma_semaphore, #tpu.memory_space<semaphore_mem>>) src(%dma_wait3A_942 : memref<16x128xi32, #tpu.memory_space<hbm>>) dst(%dma_wait3A_938 : memref<16x128xi32, #tpu.memory_space<vmem>>)
    %dma_start3A_943 = arith.constant 2 : i32
    %dma_start3A_944 = arith.constant 0 : i32
    %dma_start3A_945 = arith.constant 0 : i32
    %dma_start3A_946 = tpu.memref_slice %arg4[%dma_start3A_943, %dma_start3A_944, %dma_start3A_945] : memref<5x16x128xi32, #tpu.memory_space<vmem>> -> memref<1x16x128xi32, #tpu.memory_space<vmem>>
    %dma_start3A_947 = tpu.memref_squeeze %dma_start3A_946 : memref<1x16x128xi32, #tpu.memory_space<vmem>> -> memref<16x128xi32, #tpu.memory_space<vmem>>
    %dma_start3A_948 = arith.constant 32 : i32
    %dma_start3A_949 = arith.constant 0 : i32
    %dma_start3A_950 = tpu.memref_slice %arg2[%add3A, %dma_start3A_948, %dma_start3A_949] : memref<32x80x128xi32, #tpu.memory_space<hbm>> -> memref<1x16x128xi32, #tpu.memory_space<hbm>>
    %dma_start3A_951 = tpu.memref_squeeze %dma_start3A_950 : memref<1x16x128xi32, #tpu.memory_space<hbm>> -> memref<16x128xi32, #tpu.memory_space<hbm>>
    %dma_start3A_952 = arith.constant 0 : i32
    %dma_start3A_953 = arith.constant 0 : i32
    %dma_start3A_954 = tpu.memref_slice %arg4[%dma_start3A_943, %dma_start3A_952, %dma_start3A_953] : memref<5x16x128xi32, #tpu.memory_space<vmem>> -> memref<1x16x128xi32, #tpu.memory_space<vmem>>
    %dma_start3A_955 = tpu.memref_squeeze %dma_start3A_954 : memref<1x16x128xi32, #tpu.memory_space<vmem>> -> memref<16x128xi32, #tpu.memory_space<vmem>>
    %dma_start3A_956 = arith.constant 32 : i32
    %dma_start3A_957 = arith.constant 0 : i32
    %dma_start3A_958 = tpu.memref_slice %arg2[%add3A, %dma_start3A_956, %dma_start3A_957] : memref<32x80x128xi32, #tpu.memory_space<hbm>> -> memref<1x16x128xi32, #tpu.memory_space<hbm>>
    %dma_start3A_959 = tpu.memref_squeeze %dma_start3A_958 : memref<1x16x128xi32, #tpu.memory_space<hbm>> -> memref<16x128xi32, #tpu.memory_space<hbm>>
    tpu.enqueue_dma source(%dma_start3A_959 : memref<16x128xi32, #tpu.memory_space<hbm>>) target(%dma_start3A_955 : memref<16x128xi32, #tpu.memory_space<vmem>>) target_semaphore(%arg8 : memref<!tpu.dma_semaphore, #tpu.memory_space<semaphore_mem>>)
    %dma_wait3A_960 = arith.constant 2 : i32
    %dma_wait3A_961 = arith.constant 0 : i32
    %dma_wait3A_962 = arith.constant 0 : i32
    %dma_wait3A_963 = tpu.memref_slice %arg4[%dma_wait3A_960, %dma_wait3A_961, %dma_wait3A_962] : memref<5x16x128xi32, #tpu.memory_space<vmem>> -> memref<1x16x128xi32, #tpu.memory_space<vmem>>
    %dma_wait3A_964 = tpu.memref_squeeze %dma_wait3A_963 : memref<1x16x128xi32, #tpu.memory_space<vmem>> -> memref<16x128xi32, #tpu.memory_space<vmem>>
    %dma_wait3A_965 = arith.constant 32 : i32
    %dma_wait3A_966 = arith.constant 0 : i32
    %dma_wait3A_967 = tpu.memref_slice %arg2[%add3A, %dma_wait3A_965, %dma_wait3A_966] : memref<32x80x128xi32, #tpu.memory_space<hbm>> -> memref<1x16x128xi32, #tpu.memory_space<hbm>>
    %dma_wait3A_968 = tpu.memref_squeeze %dma_wait3A_967 : memref<1x16x128xi32, #tpu.memory_space<hbm>> -> memref<16x128xi32, #tpu.memory_space<hbm>>
    %dma_wait3A_969 = arith.constant 0 : i32
    %dma_wait3A_970 = arith.constant 0 : i32
    %dma_wait3A_971 = tpu.memref_slice %arg4[%dma_wait3A_960, %dma_wait3A_969, %dma_wait3A_970] : memref<5x16x128xi32, #tpu.memory_space<vmem>> -> memref<1x16x128xi32, #tpu.memory_space<vmem>>
    %dma_wait3A_972 = tpu.memref_squeeze %dma_wait3A_971 : memref<1x16x128xi32, #tpu.memory_space<vmem>> -> memref<16x128xi32, #tpu.memory_space<vmem>>
    %dma_wait3A_973 = arith.constant 32 : i32
    %dma_wait3A_974 = arith.constant 0 : i32
    %dma_wait3A_975 = tpu.memref_slice %arg2[%add3A, %dma_wait3A_973, %dma_wait3A_974] : memref<32x80x128xi32, #tpu.memory_space<hbm>> -> memref<1x16x128xi32, #tpu.memory_space<hbm>>
    %dma_wait3A_976 = tpu.memref_squeeze %dma_wait3A_975 : memref<1x16x128xi32, #tpu.memory_space<hbm>> -> memref<16x128xi32, #tpu.memory_space<hbm>>
    tpu.wait_dma2 semaphore(%arg8 : memref<!tpu.dma_semaphore, #tpu.memory_space<semaphore_mem>>) src(%dma_wait3A_976 : memref<16x128xi32, #tpu.memory_space<hbm>>) dst(%dma_wait3A_972 : memref<16x128xi32, #tpu.memory_space<vmem>>)
    %dma_start3A_977 = arith.constant 3 : i32
    %dma_start3A_978 = arith.constant 0 : i32
    %dma_start3A_979 = arith.constant 0 : i32
    %dma_start3A_980 = tpu.memref_slice %arg4[%dma_start3A_977, %dma_start3A_978, %dma_start3A_979] : memref<5x16x128xi32, #tpu.memory_space<vmem>> -> memref<1x16x128xi32, #tpu.memory_space<vmem>>
    %dma_start3A_981 = tpu.memref_squeeze %dma_start3A_980 : memref<1x16x128xi32, #tpu.memory_space<vmem>> -> memref<16x128xi32, #tpu.memory_space<vmem>>
    %dma_start3A_982 = arith.constant 48 : i32
    %dma_start3A_983 = arith.constant 0 : i32
    %dma_start3A_984 = tpu.memref_slice %arg2[%add3A, %dma_start3A_982, %dma_start3A_983] : memref<32x80x128xi32, #tpu.memory_space<hbm>> -> memref<1x16x128xi32, #tpu.memory_space<hbm>>
    %dma_start3A_985 = tpu.memref_squeeze %dma_start3A_984 : memref<1x16x128xi32, #tpu.memory_space<hbm>> -> memref<16x128xi32, #tpu.memory_space<hbm>>
    %dma_start3A_986 = arith.constant 0 : i32
    %dma_start3A_987 = arith.constant 0 : i32
    %dma_start3A_988 = tpu.memref_slice %arg4[%dma_start3A_977, %dma_start3A_986, %dma_start3A_987] : memref<5x16x128xi32, #tpu.memory_space<vmem>> -> memref<1x16x128xi32, #tpu.memory_space<vmem>>
    %dma_start3A_989 = tpu.memref_squeeze %dma_start3A_988 : memref<1x16x128xi32, #tpu.memory_space<vmem>> -> memref<16x128xi32, #tpu.memory_space<vmem>>
    %dma_start3A_990 = arith.constant 48 : i32
    %dma_start3A_991 = arith.constant 0 : i32
    %dma_start3A_992 = tpu.memref_slice %arg2[%add3A, %dma_start3A_990, %dma_start3A_991] : memref<32x80x128xi32, #tpu.memory_space<hbm>> -> memref<1x16x128xi32, #tpu.memory_space<hbm>>
    %dma_start3A_993 = tpu.memref_squeeze %dma_start3A_992 : memref<1x16x128xi32, #tpu.memory_space<hbm>> -> memref<16x128xi32, #tpu.memory_space<hbm>>
    tpu.enqueue_dma source(%dma_start3A_993 : memref<16x128xi32, #tpu.memory_space<hbm>>) target(%dma_start3A_989 : memref<16x128xi32, #tpu.memory_space<vmem>>) target_semaphore(%arg8 : memref<!tpu.dma_semaphore, #tpu.memory_space<semaphore_mem>>)
    %dma_wait3A_994 = arith.constant 3 : i32
    %dma_wait3A_995 = arith.constant 0 : i32
    %dma_wait3A_996 = arith.constant 0 : i32
    %dma_wait3A_997 = tpu.memref_slice %arg4[%dma_wait3A_994, %dma_wait3A_995, %dma_wait3A_996] : memref<5x16x128xi32, #tpu.memory_space<vmem>> -> memref<1x16x128xi32, #tpu.memory_space<vmem>>
    %dma_wait3A_998 = tpu.memref_squeeze %dma_wait3A_997 : memref<1x16x128xi32, #tpu.memory_space<vmem>> -> memref<16x128xi32, #tpu.memory_space<vmem>>
    %dma_wait3A_999 = arith.constant 48 : i32
    %dma_wait3A_1000 = arith.constant 0 : i32
    %dma_wait3A_1001 = tpu.memref_slice %arg2[%add3A, %dma_wait3A_999, %dma_wait3A_1000] : memref<32x80x128xi32, #tpu.memory_space<hbm>> -> memref<1x16x128xi32, #tpu.memory_space<hbm>>
    %dma_wait3A_1002 = tpu.memref_squeeze %dma_wait3A_1001 : memref<1x16x128xi32, #tpu.memory_space<hbm>> -> memref<16x128xi32, #tpu.memory_space<hbm>>
    %dma_wait3A_1003 = arith.constant 0 : i32
    %dma_wait3A_1004 = arith.constant 0 : i32
    %dma_wait3A_1005 = tpu.memref_slice %arg4[%dma_wait3A_994, %dma_wait3A_1003, %dma_wait3A_1004] : memref<5x16x128xi32, #tpu.memory_space<vmem>> -> memref<1x16x128xi32, #tpu.memory_space<vmem>>
    %dma_wait3A_1006 = tpu.memref_squeeze %dma_wait3A_1005 : memref<1x16x128xi32, #tpu.memory_space<vmem>> -> memref<16x128xi32, #tpu.memory_space<vmem>>
    %dma_wait3A_1007 = arith.constant 48 : i32
    %dma_wait3A_1008 = arith.constant 0 : i32
    %dma_wait3A_1009 = tpu.memref_slice %arg2[%add3A, %dma_wait3A_1007, %dma_wait3A_1008] : memref<32x80x128xi32, #tpu.memory_space<hbm>> -> memref<1x16x128xi32, #tpu.memory_space<hbm>>
    %dma_wait3A_1010 = tpu.memref_squeeze %dma_wait3A_1009 : memref<1x16x128xi32, #tpu.memory_space<hbm>> -> memref<16x128xi32, #tpu.memory_space<hbm>>
    tpu.wait_dma2 semaphore(%arg8 : memref<!tpu.dma_semaphore, #tpu.memory_space<semaphore_mem>>) src(%dma_wait3A_1010 : memref<16x128xi32, #tpu.memory_space<hbm>>) dst(%dma_wait3A_1006 : memref<16x128xi32, #tpu.memory_space<vmem>>)
    %dma_start3A_1011 = arith.constant 4 : i32
    %dma_start3A_1012 = arith.constant 0 : i32
    %dma_start3A_1013 = arith.constant 0 : i32
    %dma_start3A_1014 = tpu.memref_slice %arg4[%dma_start3A_1011, %dma_start3A_1012, %dma_start3A_1013] : memref<5x16x128xi32, #tpu.memory_space<vmem>> -> memref<1x16x128xi32, #tpu.memory_space<vmem>>
    %dma_start3A_1015 = tpu.memref_squeeze %dma_start3A_1014 : memref<1x16x128xi32, #tpu.memory_space<vmem>> -> memref<16x128xi32, #tpu.memory_space<vmem>>
    %dma_start3A_1016 = arith.constant 64 : i32
    %dma_start3A_1017 = arith.constant 0 : i32
    %dma_start3A_1018 = tpu.memref_slice %arg2[%add3A, %dma_start3A_1016, %dma_start3A_1017] : memref<32x80x128xi32, #tpu.memory_space<hbm>> -> memref<1x16x128xi32, #tpu.memory_space<hbm>>
    %dma_start3A_1019 = tpu.memref_squeeze %dma_start3A_1018 : memref<1x16x128xi32, #tpu.memory_space<hbm>> -> memref<16x128xi32, #tpu.memory_space<hbm>>
    %dma_start3A_1020 = arith.constant 0 : i32
    %dma_start3A_1021 = arith.constant 0 : i32
    %dma_start3A_1022 = tpu.memref_slice %arg4[%dma_start3A_1011, %dma_start3A_1020, %dma_start3A_1021] : memref<5x16x128xi32, #tpu.memory_space<vmem>> -> memref<1x16x128xi32, #tpu.memory_space<vmem>>
    %dma_start3A_1023 = tpu.memref_squeeze %dma_start3A_1022 : memref<1x16x128xi32, #tpu.memory_space<vmem>> -> memref<16x128xi32, #tpu.memory_space<vmem>>
    %dma_start3A_1024 = arith.constant 64 : i32
    %dma_start3A_1025 = arith.constant 0 : i32
    %dma_start3A_1026 = tpu.memref_slice %arg2[%add3A, %dma_start3A_1024, %dma_start3A_1025] : memref<32x80x128xi32, #tpu.memory_space<hbm>> -> memref<1x16x128xi32, #tpu.memory_space<hbm>>
    %dma_start3A_1027 = tpu.memref_squeeze %dma_start3A_1026 : memref<1x16x128xi32, #tpu.memory_space<hbm>> -> memref<16x128xi32, #tpu.memory_space<hbm>>
    tpu.enqueue_dma source(%dma_start3A_1027 : memref<16x128xi32, #tpu.memory_space<hbm>>) target(%dma_start3A_1023 : memref<16x128xi32, #tpu.memory_space<vmem>>) target_semaphore(%arg8 : memref<!tpu.dma_semaphore, #tpu.memory_space<semaphore_mem>>)
    %dma_wait3A_1028 = arith.constant 4 : i32
    %dma_wait3A_1029 = arith.constant 0 : i32
    %dma_wait3A_1030 = arith.constant 0 : i32
    %dma_wait3A_1031 = tpu.memref_slice %arg4[%dma_wait3A_1028, %dma_wait3A_1029, %dma_wait3A_1030] : memref<5x16x128xi32, #tpu.memory_space<vmem>> -> memref<1x16x128xi32, #tpu.memory_space<vmem>>
    %dma_wait3A_1032 = tpu.memref_squeeze %dma_wait3A_1031 : memref<1x16x128xi32, #tpu.memory_space<vmem>> -> memref<16x128xi32, #tpu.memory_space<vmem>>
    %dma_wait3A_1033 = arith.constant 64 : i32
    %dma_wait3A_1034 = arith.constant 0 : i32
    %dma_wait3A_1035 = tpu.memref_slice %arg2[%add3A, %dma_wait3A_1033, %dma_wait3A_1034] : memref<32x80x128xi32, #tpu.memory_space<hbm>> -> memref<1x16x128xi32, #tpu.memory_space<hbm>>
    %dma_wait3A_1036 = tpu.memref_squeeze %dma_wait3A_1035 : memref<1x16x128xi32, #tpu.memory_space<hbm>> -> memref<16x128xi32, #tpu.memory_space<hbm>>
    %dma_wait3A_1037 = arith.constant 0 : i32
    %dma_wait3A_1038 = arith.constant 0 : i32
    %dma_wait3A_1039 = tpu.memref_slice %arg4[%dma_wait3A_1028, %dma_wait3A_1037, %dma_wait3A_1038] : memref<5x16x128xi32, #tpu.memory_space<vmem>> -> memref<1x16x128xi32, #tpu.memory_space<vmem>>
    %dma_wait3A_1040 = tpu.memref_squeeze %dma_wait3A_1039 : memref<1x16x128xi32, #tpu.memory_space<vmem>> -> memref<16x128xi32, #tpu.memory_space<vmem>>
    %dma_wait3A_1041 = arith.constant 64 : i32
    %dma_wait3A_1042 = arith.constant 0 : i32
    %dma_wait3A_1043 = tpu.memref_slice %arg2[%add3A, %dma_wait3A_1041, %dma_wait3A_1042] : memref<32x80x128xi32, #tpu.memory_space<hbm>> -> memref<1x16x128xi32, #tpu.memory_space<hbm>>
    %dma_wait3A_1044 = tpu.memref_squeeze %dma_wait3A_1043 : memref<1x16x128xi32, #tpu.memory_space<hbm>> -> memref<16x128xi32, #tpu.memory_space<hbm>>
    tpu.wait_dma2 semaphore(%arg8 : memref<!tpu.dma_semaphore, #tpu.memory_space<semaphore_mem>>) src(%dma_wait3A_1044 : memref<16x128xi32, #tpu.memory_space<hbm>>) dst(%dma_wait3A_1040 : memref<16x128xi32, #tpu.memory_space<vmem>>)
    %barrier3A = arith.constant 0 : index
    tpu.barrier barrier_id(%barrier3A)
    %scan3A_1045 = arith.constant 0 : i32
    %scan3A_1046 = arith.constant 0 : i32
    %scan3A_1047 = arith.constant 5 : i32
    %scan3A_1048 = arith.addi %scan3A_1046, %scan3A_1047 : i32
    %scan3A_1049 = arith.constant 1 : i32
    scf.for %scan3A_1052 = %scan3A_1046 to %scan3A_1048 step %scan3A_1049  : i32 {
      %scan3A_1053 = arith.constant 0 : i32
      %scan3A_1054 = arith.constant 0 : i32
      %scan3A_1055 = arith.constant 16 : i32
      %scan3A_1056 = arith.addi %scan3A_1054, %scan3A_1055 : i32
      %scan3A_1057 = arith.constant 1 : i32
      scf.for %scan3A_1059 = %scan3A_1054 to %scan3A_1056 step %scan3A_1057  : i32 {
        "tpu.region"() ({
          %run_scoped3A = tpu.sem_alloc : memref<!tpu.dma_semaphore, #tpu.memory_space<semaphore_mem>>
          %dma_start3A_1060 = arith.constant 0 : i32
          %dma_start3A_1061 = tpu.memref_slice %arg4[%scan3A_1052, %scan3A_1059, %dma_start3A_1060] : memref<5x16x128xi32, #tpu.memory_space<vmem>> -> memref<1x1x128xi32, #tpu.memory_space<vmem>>
          %dma_start3A_1062 = tpu.memref_squeeze %dma_start3A_1061 : memref<1x1x128xi32, #tpu.memory_space<vmem>> -> memref<128xi32, #tpu.memory_space<vmem>>
          %dma_start3A_1063 = arith.constant 0 : i32
          %dma_start3A_1064 = arith.constant 0 : i32
          %dma_start3A_1065 = tpu.memref_slice %arg7[%dma_start3A_1063, %dma_start3A_1064] : memref<10240x16xf32, #tpu.memory_space<vmem_shared>> -> memref<10240x16xf32, #tpu.memory_space<vmem_shared>>
          tpu.enqueue_indirect_dma source(%arg5 : memref<128x16xf32, #tpu.memory_space<vmem>>) target(%dma_start3A_1065 : memref<10240x16xf32, #tpu.memory_space<vmem_shared>>) offsets(%dma_start3A_1062 : memref<128xi32, #tpu.memory_space<vmem>>) semaphore(%run_scoped3A : memref<!tpu.dma_semaphore, #tpu.memory_space<semaphore_mem>>) {add = true}
          %dma_wait3A_1066 = arith.constant 0 : i32
          %dma_wait3A_1067 = tpu.memref_slice %arg4[%scan3A_1052, %scan3A_1059, %dma_wait3A_1066] : memref<5x16x128xi32, #tpu.memory_space<vmem>> -> memref<1x1x128xi32, #tpu.memory_space<vmem>>
          %dma_wait3A_1068 = tpu.memref_squeeze %dma_wait3A_1067 : memref<1x1x128xi32, #tpu.memory_space<vmem>> -> memref<128xi32, #tpu.memory_space<vmem>>
          %dma_wait3A_1069 = arith.constant 0 : i32
          %dma_wait3A_1070 = arith.constant 0 : i32
          %dma_wait3A_1071 = tpu.memref_slice %arg7[%dma_wait3A_1069, %dma_wait3A_1070] : memref<10240x16xf32, #tpu.memory_space<vmem_shared>> -> memref<10240x16xf32, #tpu.memory_space<vmem_shared>>
          tpu.wait_indirect_dma semaphore(%run_scoped3A : memref<!tpu.dma_semaphore, #tpu.memory_space<semaphore_mem>>) src(%arg5 : memref<128x16xf32, #tpu.memory_space<vmem>>) dst(%dma_wait3A_1071 : memref<10240x16xf32, #tpu.memory_space<vmem_shared>>)
          tpu.yield
        }) : () -> ()
      }
      %scan3A_1058 = arith.constant 16 : i32
    }
    %scan3A_1050 = arith.constant 5 : i32
    %barrier3A_1051 = arith.constant 0 : index
    tpu.barrier barrier_id(%barrier3A_1051)
    "tpu.region"() ({
      %run_scoped3A = tpu.sem_alloc : memref<!tpu.dma_semaphore, #tpu.memory_space<semaphore_mem>>
      %dma_start3A_1052 = arith.constant 0 : i32
      %dma_start3A_1053 = tpu.memref_slice %arg3[%arg0, %mul3A_871, %dma_start3A_1052] : memref<2x10240x16xf32, #tpu.memory_space<hbm>> -> memref<1x640x16xf32, #tpu.memory_space<hbm>>
      %dma_start3A_1054 = tpu.memref_squeeze %dma_start3A_1053 : memref<1x640x16xf32, #tpu.memory_space<hbm>> -> memref<640x16xf32, #tpu.memory_space<hbm>>
      %dma_start3A_1055 = arith.constant 0 : i32
      %dma_start3A_1056 = tpu.memref_slice %arg7[%mul3A_871, %dma_start3A_1055] : memref<10240x16xf32, #tpu.memory_space<vmem_shared>> -> memref<640x16xf32, #tpu.memory_space<vmem_shared>>
      tpu.enqueue_dma source(%dma_start3A_1056 : memref<640x16xf32, #tpu.memory_space<vmem_shared>>) target(%dma_start3A_1054 : memref<640x16xf32, #tpu.memory_space<hbm>>) target_semaphore(%run_scoped3A : memref<!tpu.dma_semaphore, #tpu.memory_space<semaphore_mem>>)
      %dma_wait3A_1057 = arith.constant 0 : i32
      %dma_wait3A_1058 = tpu.memref_slice %arg3[%arg0, %mul3A_871, %dma_wait3A_1057] : memref<2x10240x16xf32, #tpu.memory_space<hbm>> -> memref<1x640x16xf32, #tpu.memory_space<hbm>>
      %dma_wait3A_1059 = tpu.memref_squeeze %dma_wait3A_1058 : memref<1x640x16xf32, #tpu.memory_space<hbm>> -> memref<640x16xf32, #tpu.memory_space<hbm>>
      %dma_wait3A_1060 = arith.constant 0 : i32
      %dma_wait3A_1061 = tpu.memref_slice %arg7[%mul3A_871, %dma_wait3A_1060] : memref<10240x16xf32, #tpu.memory_space<vmem_shared>> -> memref<640x16xf32, #tpu.memory_space<vmem_shared>>
      tpu.wait_dma2 semaphore(%run_scoped3A : memref<!tpu.dma_semaphore, #tpu.memory_space<semaphore_mem>>) src(%dma_wait3A_1061 : memref<640x16xf32, #tpu.memory_space<vmem_shared>>) dst(%dma_wait3A_1059 : memref<640x16xf32, #tpu.memory_space<hbm>>)
      tpu.yield
    }) : () -> ()
    return
  }
}

module attributes {stable_mosaic.version = 14 : i64} {
  func.func @_xw_body(%arg0: i32, %arg1: memref<2000x128xf32, #tpu.memory_space<vmem>>, %arg2: memref<128x128xf32, #tpu.memory_space<vmem>>, %arg3: memref<2x2000x16xf32, #tpu.memory_space<vmem>>, %arg4: memref<2000x128xf32, #tpu.memory_space<vmem>>, %arg5: memref<2000x1xf32, #tpu.memory_space<vmem>>) attributes {dimension_semantics = [#tpu.dimension_semantics<arbitrary>], iteration_bounds = array<i64: 5>, scalar_prefetch = 0 : i64, scratch_operands = 0 : i64, tpu.core_type = #tpu.core_type<tc>, window_params = [{transform_indices = @transform_0, window_bounds = array<i64: 2000, 128>}, {pipeline_mode = #tpu.pipeline_mode<synchronous>, transform_indices = @transform_1, window_bounds = array<i64: 128, 128>}, {transform_indices = @transform_2, window_bounds = array<i64: 2, 2000, 16>}, {transform_indices = @transform_3, window_bounds = array<i64: 2000, 128>}, {transform_indices = @transform_4, window_bounds = array<i64: 2000, 1>}]} {
    %get3A = arith.constant 0 : index
    %get3A_0 = arith.constant 0 : index
    %get3A_1 = arith.constant 0 : index
    %get3A_2 = vector.load %arg3[%get3A, %get3A_0, %get3A_1] : memref<2x2000x16xf32, #tpu.memory_space<vmem>>, vector<1x2000x1xf32>
    %get3A_3 = vector.shape_cast %get3A_2 : vector<1x2000x1xf32> to vector<2000x1xf32>
    %get3A_4 = arith.constant 1 : index
    %get3A_5 = arith.constant 0 : index
    %get3A_6 = arith.constant 0 : index
    %get3A_7 = vector.load %arg3[%get3A_4, %get3A_5, %get3A_6] : memref<2x2000x16xf32, #tpu.memory_space<vmem>>, vector<1x2000x1xf32>
    %get3A_8 = vector.shape_cast %get3A_7 : vector<1x2000x1xf32> to vector<2000x1xf32>
    %add3A = arith.addf %get3A_3, %get3A_8 : vector<2000x1xf32>
    %add3A_9 = arith.constant 1.000000e+00 : f32
    %add3A_10 = vector.broadcast %add3A_9 : f32 to vector<2000x1xf32>
    %add3A_11 = arith.addf %add3A, %add3A_10 : vector<2000x1xf32>
    %rsqrt3A = math.rsqrt %add3A_11 : vector<2000x1xf32>
    %get3A_12 = arith.constant 0 : index
    %get3A_13 = arith.constant 0 : index
    %get3A_14 = vector.load %arg1[%get3A_12, %get3A_13] : memref<2000x128xf32, #tpu.memory_space<vmem>>, vector<2000x128xf32>
    %get3A_15 = arith.constant 0 : index
    %get3A_16 = arith.constant 0 : index
    %get3A_17 = vector.load %arg2[%get3A_15, %get3A_16] : memref<128x128xf32, #tpu.memory_space<vmem>>, vector<128x128xf32>
    %dot_general3A = arith.constant dense<0.000000e+00> : vector<2000x128xf32>
    %dot_general3A_18 = tpu.matmul %get3A_14, %get3A_17, %dot_general3A {dimension_numbers = #tpu.dot_dimension_numbers<[1], [0], [0], [1], [0, 0, 1, 1], [], []>, transpose_lhs_hint = false} : vector<2000x128xf32>, vector<128x128xf32>, vector<2000x128xf32> -> vector<2000x128xf32>
    %mul3A = vector.broadcast %rsqrt3A : vector<2000x1xf32> to vector<2000x128xf32>
    %mul3A_19 = arith.mulf %dot_general3A_18, %mul3A : vector<2000x128xf32>
    %swap3A = arith.constant 0 : index
    %swap3A_20 = arith.constant 0 : index
    %swap3A_21 = vector.load %arg4[%swap3A, %swap3A_20] : memref<2000x128xf32, #tpu.memory_space<vmem>>, vector<2000x128xf32>
    tpu.vector_store %arg4[%swap3A, %swap3A_20], %mul3A_19 {strides = array<i32>} : memref<2000x128xf32, #tpu.memory_space<vmem>>, vector<2000x128xf32>,
    %swap3A_22 = arith.constant 0 : index
    %swap3A_23 = arith.constant 0 : index
    %swap3A_24 = vector.load %arg5[%swap3A_22, %swap3A_23] : memref<2000x1xf32, #tpu.memory_space<vmem>>, vector<2000x1xf32>
    tpu.vector_store %arg5[%swap3A_22, %swap3A_23], %rsqrt3A {strides = array<i32>} : memref<2000x1xf32, #tpu.memory_space<vmem>>, vector<2000x1xf32>,
    return
  }
  func.func @transform_0(%arg0: i32) -> (i32, i32) {
    %c0_i32 = arith.constant 0 : i32
    %c0_i32_0 = arith.constant 0 : i32
    return %arg0, %c0_i32 : i32, i32
  }
  func.func @transform_1(%arg0: i32) -> (i32, i32) {
    %c0_i32 = arith.constant 0 : i32
    %c0_i32_0 = arith.constant 0 : i32
    %c0_i32_1 = arith.constant 0 : i32
    return %c0_i32, %c0_i32_0 : i32, i32
  }
  func.func @transform_2(%arg0: i32) -> (i32, i32, i32) {
    %c0_i32 = arith.constant 0 : i32
    %c0_i32_0 = arith.constant 0 : i32
    %c0_i32_1 = arith.constant 0 : i32
    return %c0_i32, %arg0, %c0_i32_0 : i32, i32, i32
  }
  func.func @transform_3(%arg0: i32) -> (i32, i32) {
    %c0_i32 = arith.constant 0 : i32
    %c0_i32_0 = arith.constant 0 : i32
    return %arg0, %c0_i32 : i32, i32
  }
  func.func @transform_4(%arg0: i32) -> (i32, i32) {
    %c0_i32 = arith.constant 0 : i32
    %c0_i32_0 = arith.constant 0 : i32
    return %arg0, %c0_i32 : i32, i32
  }
}

module attributes {stable_mosaic.version = 14 : i64} {
  func.func @_head_body(%arg0: i32, %arg1: memref<2x2000x128xf32, #tpu.memory_space<vmem>>, %arg2: memref<2000x128xf32, #tpu.memory_space<vmem>>, %arg3: memref<2000x1xf32, #tpu.memory_space<vmem>>, %arg4: memref<1x128xf32, #tpu.memory_space<vmem>>, %arg5: memref<128x128xf32, #tpu.memory_space<vmem>>, %arg6: memref<1x128xf32, #tpu.memory_space<vmem>>, %arg7: memref<128x64xf32, #tpu.memory_space<vmem>>, %arg8: memref<1x64xf32, #tpu.memory_space<vmem>>, %arg9: memref<64x1xf32, #tpu.memory_space<vmem>>, %arg10: memref<1x1xf32, #tpu.memory_space<vmem>>, %arg11: memref<1x1xf32, #tpu.memory_space<vmem>>, %arg12: memref<8x128xf32, #tpu.memory_space<vmem>>) attributes {dimension_semantics = [#tpu.dimension_semantics<arbitrary>], iteration_bounds = array<i64: 5>, scalar_prefetch = 0 : i64, scratch_operands = 1 : i64, tpu.core_type = #tpu.core_type<tc>, window_params = [{transform_indices = @transform_0, window_bounds = array<i64: 2, 2000, 128>}, {transform_indices = @transform_1, window_bounds = array<i64: 2000, 128>}, {transform_indices = @transform_2, window_bounds = array<i64: 2000, 1>}, {pipeline_mode = #tpu.pipeline_mode<synchronous>, transform_indices = @transform_3, window_bounds = array<i64: 1, 128>}, {pipeline_mode = #tpu.pipeline_mode<synchronous>, transform_indices = @transform_4, window_bounds = array<i64: 128, 128>}, {pipeline_mode = #tpu.pipeline_mode<synchronous>, transform_indices = @transform_5, window_bounds = array<i64: 1, 128>}, {pipeline_mode = #tpu.pipeline_mode<synchronous>, transform_indices = @transform_6, window_bounds = array<i64: 128, 64>}, {pipeline_mode = #tpu.pipeline_mode<synchronous>, transform_indices = @transform_7, window_bounds = array<i64: 1, 64>}, {pipeline_mode = #tpu.pipeline_mode<synchronous>, transform_indices = @transform_8, window_bounds = array<i64: 64, 1>}, {pipeline_mode = #tpu.pipeline_mode<synchronous>, transform_indices = @transform_9, window_bounds = array<i64: 1, 1>}, {pipeline_mode = #tpu.pipeline_mode<synchronous>, transform_indices = @transform_10, window_bounds = array<i64: 1, 1>}]} {
    %eq3A = arith.constant 0 : i32
    %eq3A_0 = arith.cmpi eq, %arg0, %eq3A : i32
    %convert_element_type3A = arith.extui %eq3A_0 : i1 to i32
    %cond3A = arith.constant 0 : i32
    %cond3A_1 = arith.cmpi ne, %convert_element_type3A, %cond3A : i32
    scf.if %cond3A_1 {
      %broadcast_in_dim3A_40 = arith.constant 0.000000e+00 : f32
      %broadcast_in_dim3A_41 = vector.broadcast %broadcast_in_dim3A_40 : f32 to vector<8x128xf32>
      %swap3A_42 = arith.constant 0 : index
      %swap3A_43 = arith.constant 0 : index
      %swap3A_44 = vector.load %arg12[%swap3A_42, %swap3A_43] : memref<8x128xf32, #tpu.memory_space<vmem>>, vector<8x128xf32>
      tpu.vector_store %arg12[%swap3A_42, %swap3A_43], %broadcast_in_dim3A_41 {strides = array<i32>} : memref<8x128xf32, #tpu.memory_space<vmem>>, vector<8x128xf32>,
    } else {
    }
    %get3A = arith.constant 0 : index
    %get3A_2 = arith.constant 0 : index
    %get3A_3 = arith.constant 0 : index
    %get3A_4 = vector.load %arg1[%get3A, %get3A_2, %get3A_3] : memref<2x2000x128xf32, #tpu.memory_space<vmem>>, vector<1x2000x128xf32>
    %get3A_5 = vector.shape_cast %get3A_4 : vector<1x2000x128xf32> to vector<2000x128xf32>
    %get3A_6 = arith.constant 1 : index
    %get3A_7 = arith.constant 0 : index
    %get3A_8 = arith.constant 0 : index
    %get3A_9 = vector.load %arg1[%get3A_6, %get3A_7, %get3A_8] : memref<2x2000x128xf32, #tpu.memory_space<vmem>>, vector<1x2000x128xf32>
    %get3A_10 = vector.shape_cast %get3A_9 : vector<1x2000x128xf32> to vector<2000x128xf32>
    %add3A = arith.addf %get3A_5, %get3A_10 : vector<2000x128xf32>
    %get3A_11 = arith.constant 0 : index
    %get3A_12 = arith.constant 0 : index
    %get3A_13 = vector.load %arg2[%get3A_11, %get3A_12] : memref<2000x128xf32, #tpu.memory_space<vmem>>, vector<2000x128xf32>
    %add3A_14 = arith.addf %add3A, %get3A_13 : vector<2000x128xf32>
    %get3A_15 = arith.constant 0 : index
    %get3A_16 = arith.constant 0 : index
    %get3A_17 = vector.load %arg3[%get3A_15, %get3A_16] : memref<2000x1xf32, #tpu.memory_space<vmem>>, vector<2000x1xf32>
    %mul3A = vector.broadcast %get3A_17 : vector<2000x1xf32> to vector<2000x128xf32>
    %mul3A_18 = arith.mulf %add3A_14, %mul3A : vector<2000x128xf32>
    %get3A_19 = arith.constant 0 : index
    %get3A_20 = arith.constant 0 : index
    %get3A_21 = vector.load %arg4[%get3A_19, %get3A_20] : memref<1x128xf32, #tpu.memory_space<vmem>>, vector<1x128xf32>
    %add3A_22 = vector.broadcast %get3A_21 : vector<1x128xf32> to vector<2000x128xf32>
    %add3A_23 = arith.addf %mul3A_18, %add3A_22 : vector<2000x128xf32>
    %max3A = arith.constant 0.000000e+00 : f32
    %max3A_24 = vector.broadcast %max3A : f32 to vector<2000x128xf32>
    %max3A_25 = arith.maximumf %add3A_23, %max3A_24 : vector<2000x128xf32>
    %reduce_sum3A = arith.constant dense<0.000000e+00> : vector<128xf32>
    %reduce_sum3A_26 = vector.multi_reduction <add>, %max3A_25, %reduce_sum3A [0] : vector<2000x128xf32> to vector<128xf32>
    %broadcast_in_dim3A = vector.shape_cast %reduce_sum3A_26 : vector<128xf32> to vector<1x128xf32>
    %get3A_27 = arith.constant 0 : index
    %get3A_28 = arith.constant 0 : index
    %get3A_29 = vector.load %arg12[%get3A_27, %get3A_28] : memref<8x128xf32, #tpu.memory_space<vmem>>, vector<8x128xf32>
    %broadcast_in_dim3A_30 = vector.shape_cast %broadcast_in_dim3A : vector<1x128xf32> to vector<1x128xf32>
    %broadcast_in_dim3A_31 = vector.broadcast %broadcast_in_dim3A_30 : vector<1x128xf32> to vector<8x128xf32>
    %add3A_32 = arith.addf %get3A_29, %broadcast_in_dim3A_31 : vector<8x128xf32>
    %swap3A = arith.constant 0 : index
    %swap3A_33 = arith.constant 0 : index
    %swap3A_34 = vector.load %arg12[%swap3A, %swap3A_33] : memref<8x128xf32, #tpu.memory_space<vmem>>, vector<8x128xf32>
    tpu.vector_store %arg12[%swap3A, %swap3A_33], %add3A_32 {strides = array<i32>} : memref<8x128xf32, #tpu.memory_space<vmem>>, vector<8x128xf32>,
    %eq3A_35 = arith.constant 4 : i32
    %eq3A_36 = arith.cmpi eq, %arg0, %eq3A_35 : i32
    %convert_element_type3A_37 = arith.extui %eq3A_36 : i1 to i32
    %cond3A_38 = arith.constant 0 : i32
    %cond3A_39 = arith.cmpi ne, %convert_element_type3A_37, %cond3A_38 : i32
    scf.if %cond3A_39 {
      %get3A_40 = arith.constant 0 : index
      %get3A_41 = arith.constant 0 : index
      %get3A_42 = vector.load %arg12[%get3A_40, %get3A_41] : memref<8x128xf32, #tpu.memory_space<vmem>>, vector<8x128xf32>
      %get3A_43 = arith.constant 0 : index
      %get3A_44 = arith.constant 0 : index
      %get3A_45 = vector.load %arg5[%get3A_43, %get3A_44] : memref<128x128xf32, #tpu.memory_space<vmem>>, vector<128x128xf32>
      %dot_general3A = arith.constant dense<0.000000e+00> : vector<8x128xf32>
      %dot_general3A_46 = tpu.matmul %get3A_42, %get3A_45, %dot_general3A {dimension_numbers = #tpu.dot_dimension_numbers<[1], [0], [0], [1], [0, 0, 1, 1], [], []>, transpose_lhs_hint = false} : vector<8x128xf32>, vector<128x128xf32>, vector<8x128xf32> -> vector<8x128xf32>
      %get3A_47 = arith.constant 0 : index
      %get3A_48 = arith.constant 0 : index
      %get3A_49 = vector.load %arg6[%get3A_47, %get3A_48] : memref<1x128xf32, #tpu.memory_space<vmem>>, vector<1x128xf32>
      %add3A_50 = vector.broadcast %get3A_49 : vector<1x128xf32> to vector<8x128xf32>
      %add3A_51 = arith.addf %dot_general3A_46, %add3A_50 : vector<8x128xf32>
      %max3A_52 = arith.constant 0.000000e+00 : f32
      %max3A_53 = vector.broadcast %max3A_52 : f32 to vector<8x128xf32>
      %max3A_54 = arith.maximumf %add3A_51, %max3A_53 : vector<8x128xf32>
      %get3A_55 = arith.constant 0 : index
      %get3A_56 = arith.constant 0 : index
      %get3A_57 = vector.load %arg7[%get3A_55, %get3A_56] : memref<128x64xf32, #tpu.memory_space<vmem>>, vector<128x64xf32>
      %dot_general3A_58 = arith.constant dense<0.000000e+00> : vector<8x64xf32>
      %dot_general3A_59 = tpu.matmul %max3A_54, %get3A_57, %dot_general3A_58 {dimension_numbers = #tpu.dot_dimension_numbers<[1], [0], [0], [1], [0, 0, 1, 1], [], []>, transpose_lhs_hint = false} : vector<8x128xf32>, vector<128x64xf32>, vector<8x64xf32> -> vector<8x64xf32>
      %get3A_60 = arith.constant 0 : index
      %get3A_61 = arith.constant 0 : index
      %get3A_62 = vector.load %arg8[%get3A_60, %get3A_61] : memref<1x64xf32, #tpu.memory_space<vmem>>, vector<1x64xf32>
      %add3A_63 = vector.broadcast %get3A_62 : vector<1x64xf32> to vector<8x64xf32>
      %add3A_64 = arith.addf %dot_general3A_59, %add3A_63 : vector<8x64xf32>
      %max3A_65 = arith.constant 0.000000e+00 : f32
      %max3A_66 = vector.broadcast %max3A_65 : f32 to vector<8x64xf32>
      %max3A_67 = arith.maximumf %add3A_64, %max3A_66 : vector<8x64xf32>
      %get3A_68 = arith.constant 0 : index
      %get3A_69 = arith.constant 0 : index
      %get3A_70 = vector.load %arg9[%get3A_68, %get3A_69] : memref<64x1xf32, #tpu.memory_space<vmem>>, vector<64x1xf32>
      %dot_general3A_71 = arith.constant dense<0.000000e+00> : vector<8x1xf32>
      %dot_general3A_72 = tpu.matmul %max3A_67, %get3A_70, %dot_general3A_71 {dimension_numbers = #tpu.dot_dimension_numbers<[1], [0], [0], [1], [0, 0, 1, 1], [], []>, transpose_lhs_hint = false} : vector<8x64xf32>, vector<64x1xf32>, vector<8x1xf32> -> vector<8x1xf32>
      %slice3A = vector.extract_strided_slice %dot_general3A_72 {offsets = [0, 0], sizes = [1, 1], strides = [1, 1]} : vector<8x1xf32> to vector<1x1xf32>
      %get3A_73 = arith.constant 0 : index
      %get3A_74 = arith.constant 0 : index
      %get3A_75 = vector.load %arg10[%get3A_73, %get3A_74] : memref<1x1xf32, #tpu.memory_space<vmem>>, vector<1x1xf32>
      %add3A_76 = arith.addf %slice3A, %get3A_75 : vector<1x1xf32>
      %swap3A_77 = arith.constant 0 : index
      %swap3A_78 = arith.constant 0 : index
      %swap3A_79 = vector.load %arg11[%swap3A_77, %swap3A_78] : memref<1x1xf32, #tpu.memory_space<vmem>>, vector<1x1xf32>
      tpu.vector_store %arg11[%swap3A_77, %swap3A_78], %add3A_76 {strides = array<i32>} : memref<1x1xf32, #tpu.memory_space<vmem>>, vector<1x1xf32>,
    } else {
    }
    return
  }
  func.func @transform_0(%arg0: i32) -> (i32, i32, i32) {
    %c0_i32 = arith.constant 0 : i32
    %c0_i32_0 = arith.constant 0 : i32
    %c0_i32_1 = arith.constant 0 : i32
    return %c0_i32, %arg0, %c0_i32_0 : i32, i32, i32
  }
  func.func @transform_1(%arg0: i32) -> (i32, i32) {
    %c0_i32 = arith.constant 0 : i32
    %c0_i32_0 = arith.constant 0 : i32
    return %arg0, %c0_i32 : i32, i32
  }
  func.func @transform_2(%arg0: i32) -> (i32, i32) {
    %c0_i32 = arith.constant 0 : i32
    %c0_i32_0 = arith.constant 0 : i32
    return %arg0, %c0_i32 : i32, i32
  }
  func.func @transform_3(%arg0: i32) -> (i32, i32) {
    %c0_i32 = arith.constant 0 : i32
    %c0_i32_0 = arith.constant 0 : i32
    %c0_i32_1 = arith.constant 0 : i32
    return %c0_i32, %c0_i32_0 : i32, i32
  }
  func.func @transform_4(%arg0: i32) -> (i32, i32) {
    %c0_i32 = arith.constant 0 : i32
    %c0_i32_0 = arith.constant 0 : i32
    %c0_i32_1 = arith.constant 0 : i32
    return %c0_i32, %c0_i32_0 : i32, i32
  }
  func.func @transform_5(%arg0: i32) -> (i32, i32) {
    %c0_i32 = arith.constant 0 : i32
    %c0_i32_0 = arith.constant 0 : i32
    %c0_i32_1 = arith.constant 0 : i32
    return %c0_i32, %c0_i32_0 : i32, i32
  }
  func.func @transform_6(%arg0: i32) -> (i32, i32) {
    %c0_i32 = arith.constant 0 : i32
    %c0_i32_0 = arith.constant 0 : i32
    %c0_i32_1 = arith.constant 0 : i32
    return %c0_i32, %c0_i32_0 : i32, i32
  }
  func.func @transform_7(%arg0: i32) -> (i32, i32) {
    %c0_i32 = arith.constant 0 : i32
    %c0_i32_0 = arith.constant 0 : i32
    %c0_i32_1 = arith.constant 0 : i32
    return %c0_i32, %c0_i32_0 : i32, i32
  }
  func.func @transform_8(%arg0: i32) -> (i32, i32) {
    %c0_i32 = arith.constant 0 : i32
    %c0_i32_0 = arith.constant 0 : i32
    %c0_i32_1 = arith.constant 0 : i32
    return %c0_i32, %c0_i32_0 : i32, i32
  }
  func.func @transform_9(%arg0: i32) -> (i32, i32) {
    %c0_i32 = arith.constant 0 : i32
    %c0_i32_0 = arith.constant 0 : i32
    %c0_i32_1 = arith.constant 0 : i32
    return %c0_i32, %c0_i32_0 : i32, i32
  }
  func.func @transform_10(%arg0: i32) -> (i32, i32) {
    %c0_i32 = arith.constant 0 : i32
    %c0_i32_0 = arith.constant 0 : i32
    %c0_i32_1 = arith.constant 0 : i32
    return %c0_i32, %c0_i32_0 : i32, i32
  }
}

</mosaic_0001>

<sc_bundles>
// kernel: kernel.6.cloned.1.call-start
scs
__scs_entry_jumppad:
0x0: {  	(pc) =	sbr.rel $0x88, $3  }
0x1: {  	(tag) =	ssettag $0x0;
	lr =	simm.s32 $0x1  }
0x2: {  	[smem:$0x3F97] =	sst lr;
	_ =	strace $0xD0000000  }
0x3: {  	_ = 	snop  }
0x4: {  	_ = 	snop  }
0x5: {  	_ = 	snop  }
0x6: {  	_ = 	snop  }
0x7: {  	_ = 	snop  }
__scs_overlays_trampoline_lowered:
0x8: {  	[smem:$0x3FA6] =	sst s0  }
0x9: {  	[smem:$0x3FA7] =	sst s1  }
0xa: {  	[smem:$0x3FA8] =	sst s2  }
0xb: {  	[smem:$0x3FA9] =	sst s3  }
0xc: {  	[smem:$0x3FAA] =	sst s4  }
0xd: {  	[smem:$0x3FAB] =	sst s5  }
0xe: {  	[smem:$0x3FAC] =	sst s6  }
0xf: {  	[smem:$0x3FAD] =	sst s7  }
0x10: {  	[smem:$0x3FAE] =	sst s8  }
0x11: {  	[smem:$0x3FAF] =	sst s9;
	s0 =	simm.s32 @!p0 $0x0  }
0x12: {  	s1 =	sld [smem:$0x3F95];
	s0 =	simm.s32 @p0 $0x1  }
0x13: {  	[smem:$0x3FB0] =	sst s0;
	s0 =	simm.s32 @!p1 $0x0  }
0x14: {  	s2 =	sld [smem:$0x3F94];
	s0 =	simm.s32 @p1 $0x1  }
0x15: {  	[smem:$0x3FB1] =	sst s0;
	s0 =	simm.s32 @!p2 $0x0  }
0x16: {  	s3 =	sld [smem:$0x3FDB];
	s0 =	simm.s32 @p2 $0x1  }
0x17: {  	s4 =	simm.s32 $0x1BF5;
	[smem:$0x3FB3] =	sst s0  }
0x18: {  	s0 =	sld [smem:$0x3F96];
	_ =	swait.ge [sflag:s4], $0x0  }
0x19: {  	s7 =	sld [smem:$0x3F97]  }
0x1a: {  	s8 =	sadd.s32 $0xFFFFE003, lr  }
0x1b: {  	s9 =	sadd.s32 $0xFFFFFEF7, lr;
	s5 =	simm.s32 $0xFFFFFFFF;
	p2 =	slt.u32 s8, $0xFFFFF086  }
0x1c: {  	p1 =	slt.u32 s9, $0xF7A;
	s5 =	simm.s32 @!p2 $0x0  }
0x1d: {  	s5 =	simm.s32 @p1 $0x1;
	p0 =	seq.s32 s7, s2  }
0x1e: {  	s7 =	smul.u32 @!p0 $0xF7A, s2;
	p2 =	seq.s32 @!p0 s5, $0x0  }
0x1f: {  	s9 =	smul.u32 $0xF7A, s1;
	s8 =	simm.s32 @!p0 $0x1BF5;
	p2 =	por !p2, p0  }
0x20: {  	[sflag:s8] =	ssyncset.s32 @!p0 $0xFFFFF086;
	s6 =	sadd.s32 @!p0 s3, s7;
	s7 =	simm.s32 @!p0 $0x108  }
0x21: {  	s3 =	sadd.s32 s3, s9;
	s6 =	sadd.s32 @!p0 $0x88, s6;
	s7 =	simm.s32 @p2 $0x1082  }
0x22: {  	[simem:s7], [sflag:s8] =	dma.local @!p0 [hbm:s6], $0xF7A  }
0x23: {  	s9 =	sor.u32 $0xD0000000, s2;
	s6 =	simm.s32 $0x108;
	_ =	swait.ge @!p0 [sflag:s8], $0x0  }
0x24: {  	s3 =	sadd.s32 $0x88, s3;
	s6 =	simm.s32 @!p1 $0x1082;
	[sflag:s4] =	ssyncset.s32 $0xFFFFF086  }
0x25: {  	[simem:s6], [sflag:s4] =	dma.local [hbm:s3], $0xF7A  }
0x26: {  	[smem:$0x3F97] =	sst s1;
	(tag) =	ssettag s2;
	_ =	strace s9  }
0x27: {  	s1 =	sld [smem:$0x3FA7]  }
0x28: {  	s2 =	sld [smem:$0x3FA8]  }
0x29: {  	s4 =	sld [smem:$0x3FAA]  }
0x2a: {  	p0 =	seq.s32 s5, $0x0;
	s5 =	sld [smem:$0x3FAB]  }
0x2b: {  	s6 =	sld [smem:$0x3FAC]  }
0x2c: {  	s7 =	sld [smem:$0x3FAD]  }
0x2d: {  	s3 =	simm.s32 $0x108;
	s8 =	sld [smem:$0x3FAE]  }
0x2e: {  	s3 =	simm.s32 @!p0 $0x1082;
	s9 =	sld [smem:$0x3FAF]  }
0x2f: {  	lr =	sadd.s32 s0, s3;
	s0 =	sld [smem:$0x3FA6]  }
0x30: {  	s3 =	sld [smem:$0x3FA9]  }
0x31: {  	[smem:$0x3FB2] =	sst s10  }
0x32: {  	s10 =	sld [smem:$0x3FB0];
	_ =	sdelay $0x3  }
0x33: {  	p0 =	seq.s32 s10, $0x1;
	s10 =	sld [smem:$0x3FB2];
	_ =	sdelay $0x3  }
0x34: {  	[smem:$0x3FB2] =	sst s10  }
0x35: {  	s10 =	sld [smem:$0x3FB1];
	_ =	sdelay $0x3  }
0x36: {  	p1 =	seq.s32 s10, $0x1;
	s10 =	sld [smem:$0x3FB2];
	_ =	sdelay $0x3  }
0x37: {  	[smem:$0x3FB2] =	sst s10  }
0x38: {  	s10 =	sld [smem:$0x3FB3]  }
0x39: {  	_ = 	snop;
	(pc) =	sbr.ind lr, $3  }
0x3a: {  	_ = 	snop  }
0x3b: {  	_ = 	snop  }
0x3c: {  	p2 =	seq.s32 s10, $0x1;
	s10 =	sld [smem:$0x3FB2]  }
0x3d: {  	_ =	shalt  }
0x3e: {  	_ =	shalt  }
0x3f: {  	_ =	shalt  }
0x40: {  	_ =	shalt  }
0x41: {  	_ =	shalt  }
0x42: {  	_ =	shalt  }
0x43: {  	_ =	shalt  }
0x44: {  	_ =	shalt  }
0x45: {  	_ =	shalt  }
0x46: {  	_ =	shalt  }
0x47: {  	_ =	shalt  }
0x48: {  	_ =	shalt  }
0x49: {  	_ =	shalt  }
0x4a: {  	_ =	shalt  }
0x4b: {  	_ =	shalt  }
0x4c: {  	_ =	shalt  }
0x4d: {  	_ =	shalt  }
0x4e: {  	_ =	shalt  }
0x4f: {  	_ =	shalt  }
0x50: {  	_ =	shalt  }
0x51: {  	_ =	shalt  }
0x52: {  	_ =	shalt  }
0x53: {  	_ =	shalt  }
0x54: {  	_ =	shalt  }
0x55: {  	_ =	shalt  }
0x56: {  	_ =	shalt  }
0x57: {  	_ =	shalt  }
0x58: {  	_ =	shalt  }
0x59: {  	_ =	shalt  }
0x5a: {  	_ =	shalt  }
0x5b: {  	_ =	shalt  }
0x5c: {  	_ =	shalt  }
0x5d: {  	_ =	shalt  }
0x5e: {  	_ =	shalt  }
0x5f: {  	_ =	shalt  }
0x60: {  	_ =	shalt  }
0x61: {  	_ =	shalt  }
0x62: {  	_ =	shalt  }
0x63: {  	_ =	shalt  }
0x64: {  	_ =	shalt  }
0x65: {  	_ =	shalt  }
0x66: {  	_ =	shalt  }
0x67: {  	_ =	shalt  }
0x68: {  	_ =	shalt  }
0x69: {  	_ =	shalt  }
0x6a: {  	_ =	shalt  }
0x6b: {  	_ =	shalt  }
0x6c: {  	_ =	shalt  }
0x6d: {  	_ =	shalt  }
0x6e: {  	_ =	shalt  }
0x6f: {  	_ =	shalt  }
0x70: {  	_ =	shalt  }
0x71: {  	_ =	shalt  }
0x72: {  	_ =	shalt  }
0x73: {  	_ =	shalt  }
0x74: {  	_ =	shalt  }
0x75: {  	_ =	shalt  }
0x76: {  	_ =	shalt  }
0x77: {  	_ =	shalt  }
0x78: {  	_ =	shalt  }
0x79: {  	_ =	shalt  }
0x7a: {  	_ =	shalt  }
0x7b: {  	_ =	shalt  }
0x7c: {  	_ =	shalt  }
0x7d: {  	_ =	shalt  }
0x7e: {  	_ =	shalt  }
0x7f: {  	_ =	shalt  }
0x80: {  	_ =	shalt  }
0x81: {  	_ =	shalt  }
0x82: {  	_ =	shalt  }
0x83: {  	_ =	shalt  }
0x84: {  	_ =	shalt  }
0x85: {  	_ =	shalt  }
0x86: {  	_ =	shalt  }
0x87: {  	_ =	shalt  }
.Lfunc_end0:
.L_simem_size_0:
called_computation_lowered:
.L_overlay_start_0:
0x88: {  	s2 =	sld [smem:$0x3FD9]  }
0x89: {  	s3 =	sld [smem:$0x3FFE];
	_ =	sdelay $0x1  }
0x8a: {  	s1 =	srdreg.scid  }
0x8b: {  	s0 =	sand.u32 $0x1, s1  }
0x8c: {  	s16 =	sshll.u32 s0, $0xA;
	s2 =	sadd.s32 s3, s2  }
0x8d: {  	s2 =	sadd.s32 s2, s16  }
0x8e: {  	[smem:$0x3FBE] =	sst s2  }
0x8f: {  	_ = 	snop  }
0x90: {  	(tm) =	ssettm $0x1  }
0x91: {  	s17 =	sld [smem:$0x3FFB];
	_ =	sdelay $0x3  }
0x92: {  	_ =	strace s17  }
0x93: {  	s2 =	sld [smem:$0x3FFC];
	_ =	sdelay $0x3  }
0x94: {  	_ =	strace s2  }
0x95: {  	s2 =	sld [smem:$0x3FFD];
	_ =	sdelay $0x3  }
0x96: {  	_ =	strace s2  }
0x97: {  	_ =	strace $0x8FFFFFFF  }
0x98: {  	s18 =	sld [smem:$0x3FDB];
	_ =	sdelay $0x1  }
0x99: {  	s19 =	simm.s32 $_scs_section_size  }
0x9a: {  	s4 =	simm.s32 $_size__tile_overlayer_lowered;
	s5 =	simm.s32 $_tile_overlayer_lowered  }
0x9b: {  	s22 =	simm.s32 $0x1BFF;
	s21 =	sshll.u32 s5, $0x1;
	s2 =	sadd.s32 s19, s18  }
0x9c: {  	s6 =	simm.s32 $0x0;
	s20 =	sshll.u32 s4, $0x1;
	s4 =	sadd.s32 s21, s2  }
0x9d: {  	[timem:s6], [sflag:s22] =	dma.local [hbm:s4], s20  }
0x9e: {  	_ =	swait.ge [sflag:s22], s20  }
0x9f: {  	s3 =	ssub.s32 $0x0, s20;
	[sflag:s22] =	ssyncset.done $0x0  }
0xa0: {  	[sflag:s22] =	ssyncadd.s32 s3;
	_ =	sdelay $0x1  }
0xa1: {  	s23 =	simm.s32 $0x1B8B  }
0xa2: {  	_ =	swait.ge [sflag:s23], $0x1  }
0xa3: {  	[sflag:s23] =	ssyncset.done $0x0  }
0xa4: {  	s25 =	simm.s32 $0x1B8E;
	s24 =	sld [smem:$0x3FFE];
	[sflag:s23] =	ssyncadd.s32 $0xFFFFFFFF  }
0xa5: {  	s26 =	simm.s32 $execute0_lowered;
	[smem:$0x3FD2] =	sst s25  }
0xa6: {  	s4 =	sshll.u32 s26, $0x1;
	_ =	strace $0x80000046;
	[dreg:$0x1] =	wrdreg $0xFFFFFFFF  }
0xa7: {  	s28 =	simm.s32 $_size_execute0_lowered;
	s2 =	sadd.s32 s2, s4;
	[dreg:$0x0] =	wrdreg $0x0  }
0xa8: {  	s4 =	sshll.u32 s28, $0x1;
	[dreg:$0x2] =	wrdreg s2  }
0xa9: {  	[dreg:$0x3] =	wrdreg s4  }
0xaa: {  	[dreg:$0x4] =	wrdreg $0xC0  }
0xab: {  	_ =	task [dreg:s6], $0x5FFFF  }
0xac: {  	[dreg:$0x1] =	wrdreg $0xFFFFFFFF  }
0xad: {  	[dreg:$0x0] =	wrdreg $0x60  }
0xae: {  	[dreg:$0x2] =	wrdreg s24  }
0xaf: {  	[dreg:$0x3] =	wrdreg $0x70000  }
0xb0: {  	[dreg:$0x4] =	wrdreg $0x9  }
0xb1: {  	_ =	task.clear_ibuf [dreg:s6], $0x5FFFF;
	_ =	strace $0x90000046  }
0xb2: {  	s29 =	simm.s32 $0x9;
	_ =	strace $0x80000048  }
0xb3: {  	_ =	swait.ge [sflag:s29], $0x1  }
0xb4: {  	[sflag:s29] =	ssyncadd.s32 $0xFFFFFFFF  }
0xb5: {  	_ =	strace $0x90000048  }
0xb6: {  	_ =	sfence  }
0xb7: {  	s30 =	sld [smem:$0x0];
	_ =	sdelay $0x2  }
0xb8: {  	s31 =	sshll.u32 s1, $0xD;
	s1 =	sshrl.u32 s1, $0x2  }
0xb9: {  	s3 =	sand.u32 $0x4000, s31;
	s1 =	sadd.s32 s1, s30  }
0xba: {  	s0 =	sor.u32 s3, s0;
	s1 =	sshll.u32 s1, $0x11  }
0xbb: {  	s0 =	sor.u32 s1, s0  }
0xbc: {  	s0 =	sadd.s32 $0x8F2B, s0  }
0xbd: {  	[sflag:s0] =	ssyncadd.remote.s32 $0x1  }
0xbe: {  	_ =	sfence.sel $0xFFFF  }
0xbf: {  	[dreg:$0x0] =	wrdreg $0xFFFFFFFF;
	(pc) =	sbr.abs _section_cstart, $3  }
0xc0: {  	[dreg:$0x1] =	wrdreg $0xFFFFFFFF  }
0xc1: {  	_ =	task.clear_ibuf [dreg:s6], $0x2FFFF;
	_ =	strace $0x9FFFFFFF  }
0xc2: {  	(tm) =	ssettm $0x7FFFFFFF  }
0xc3: {  	_ =	shalt  }
tec
execute0_lowered:
.L_overlay_start_1:
0x0: {  	(tag) =	ssettag $0x1  }
0x1: {  	s0 =	srdreg.scid;
	s5 =	rddreg [dreg:$0x0]  }
0x2: {  	s2 =	rddreg [dreg:$0x1];
	s3 =	simm.s32 $0x0;
	s12 =	simm.s32 $0x6800  }
0x3: {  	s13 =	simm.s32 $0x2;
	s14 =	simm.s32 $0x1;
	s15 =	simm.s32 $0x800  }
0x4: {  	s16 =	simm.s32 $0x1000;
	s17 =	simm.s32 $0x1800;
	s4 =	sand.u32 $0x1, s0  }
0x5: {  	s18 =	simm.s32 $0x2000;
	s0 =	stileid.u32;
	s7 =	smul.u32 $0x140000, s4  }
0x6: {  	s19 =	simm.s32 $0x80;
	s20 =	simm.s32 $0x2800;
	s8 =	smul.u32 $0x14000, s0  }
0x7: {  	[smem:$0x7FF] =	sst s3;
	s1 =	sshll.u32 s4, $0x4;
	s28 =	smul.u32 $0x50000, s0  }
0x8: {  	s4 =	ssub.s32 $0x2, s4;
	s21 =	sshll.u32 s0, $0x6;
	s1 =	sor.u32 s0, s1  }
0x9: {  	s30 =	sshrl.u32 s4, $0x1;
	s21 =	sor.u32 $0x1C02, s21;
	s6 =	smul.u32 $0x2800, s1  }
0xa: {  	s1 =	rddreg [dreg:$0x2];
	_ =	strace $0x80000047;
	s7 =	sadd.s32 s8, s7  }
0xb: {  	s31 =	sshrl.u32 s28, $0x2;
	s11 =	ssub.s32 s4, s30;
	s29 =	sshrl.u32 s7, $0x3  }
0xc: {  	s4 =	sadd.s32 s31, s2;
	s11 =	smax.u32 s11, $0x1;
	s6 =	sshrl.u32 s6, $0x3  }
0xd: {  	s10 =	sadd.s32 s29, s5;
	s22 =	sshrl.u32 s4, $0x3;
	s9 =	sadd.s32 s6, s5  }
0xe: {  	v0 =	vimm.f32 $0.0e+00;
	vm0 =	vcmask $0x300;
	s10 =	sadd.s32 $0x16600, s10;
	s5 =	sadd.s32 $0x2600, s9;
	s6 =	sadd.s32 $0x2700, s9  }
0xf: {  	v1 =	vsel vm0, $0x3F800000, v0;
	s7 =	sadd.s32 $0x2800, s9;
	s8 =	sadd.s32 $0x2900, s9;
	s9 =	sadd.s32 $0x2A00, s9  }
.LBB2_1:
0x10: {  	[tilespmem:$0x6800] =	vst v0  }
0x11: {  	[tilespmem:$0x6880] =	vst v0  }
0x12: {  	[tilespmem:$0x6900] =	vst v0  }
0x13: {  	[tilespmem:$0x6980] =	vst v0  }
0x14: {  	[tilespmem:$0x6A00] =	vst v0  }
0x15: {  	[tilespmem:$0x6A80] =	vst v0  }
0x16: {  	[tilespmem:$0x6B00] =	vst v0  }
0x17: {  	[tilespmem:$0x6B80] =	vst v0  }
0x18: {  	[tilespmem:$0x6C00] =	vst v0  }
0x19: {  	[tilespmem:$0x6C80] =	vst v0  }
0x1a: {  	[tilespmem:$0x6D00] =	vst v0  }
0x1b: {  	[tilespmem:$0x6D80] =	vst v0  }
0x1c: {  	[tilespmem:$0x6E00] =	vst v0  }
0x1d: {  	[tilespmem:$0x6E80] =	vst v0  }
0x1e: {  	[tilespmem:$0x6F00] =	vst v0  }
0x1f: {  	[tilespmem:$0x6F80] =	vst v0  }
0x20: {  	[tilespmem:$0x2800] =	vst v1  }
0x21: {  	[tilespmem:$0x2880] =	vst v1  }
0x22: {  	[tilespmem:$0x2900] =	vst v1  }
0x23: {  	[tilespmem:$0x2980] =	vst v1  }
0x24: {  	[tilespmem:$0x2A00] =	vst v1  }
0x25: {  	[tilespmem:$0x2A80] =	vst v1  }
0x26: {  	[tilespmem:$0x2B00] =	vst v1  }
0x27: {  	[tilespmem:$0x2B80] =	vst v1  }
0x28: {  	[tilespmem:$0x2C00] =	vst v1  }
0x29: {  	[tilespmem:$0x2C80] =	vst v1  }
0x2a: {  	[tilespmem:$0x2D00] =	vst v1  }
0x2b: {  	[tilespmem:$0x2D80] =	vst v1  }
0x2c: {  	[tilespmem:$0x2E00] =	vst v1  }
0x2d: {  	[tilespmem:$0x2E80] =	vst v1  }
0x2e: {  	[tilespmem:$0x2F00] =	vst v1  }
0x2f: {  	[tilespmem:$0x2F80] =	vst v1  }
0x30: {  	[tilespmem:$0x3000] =	vst v1  }
0x31: {  	[tilespmem:$0x3080] =	vst v1  }
0x32: {  	[tilespmem:$0x3100] =	vst v1  }
0x33: {  	[tilespmem:$0x3180] =	vst v1  }
0x34: {  	[tilespmem:$0x3200] =	vst v1  }
0x35: {  	[tilespmem:$0x3280] =	vst v1  }
0x36: {  	[tilespmem:$0x3300] =	vst v1  }
0x37: {  	[tilespmem:$0x3380] =	vst v1  }
0x38: {  	[tilespmem:$0x3400] =	vst v1  }
0x39: {  	[tilespmem:$0x3480] =	vst v1  }
0x3a: {  	[tilespmem:$0x3500] =	vst v1  }
0x3b: {  	[tilespmem:$0x3580] =	vst v1  }
0x3c: {  	[tilespmem:$0x3600] =	vst v1  }
0x3d: {  	[tilespmem:$0x3680] =	vst v1  }
0x3e: {  	[tilespmem:$0x3700] =	vst v1  }
0x3f: {  	[tilespmem:$0x3780] =	vst v1  }
0x40: {  	[tilespmem:$0x3800] =	vst v1  }
0x41: {  	[tilespmem:$0x3880] =	vst v1  }
0x42: {  	[tilespmem:$0x3900] =	vst v1  }
0x43: {  	[tilespmem:$0x3980] =	vst v1  }
0x44: {  	[tilespmem:$0x3A00] =	vst v1  }
0x45: {  	[tilespmem:$0x3A80] =	vst v1  }
0x46: {  	[tilespmem:$0x3B00] =	vst v1  }
0x47: {  	[tilespmem:$0x3B80] =	vst v1  }
0x48: {  	[tilespmem:$0x3C00] =	vst v1  }
0x49: {  	[tilespmem:$0x3C80] =	vst v1  }
0x4a: {  	[tilespmem:$0x3D00] =	vst v1  }
0x4b: {  	[tilespmem:$0x3D80] =	vst v1  }
0x4c: {  	[tilespmem:$0x3E00] =	vst v1  }
0x4d: {  	[tilespmem:$0x3E80] =	vst v1  }
0x4e: {  	[tilespmem:$0x3F00] =	vst v1  }
0x4f: {  	[tilespmem:$0x3F80] =	vst v1  }
0x50: {  	[tilespmem:$0x4000] =	vst v1  }
0x51: {  	[tilespmem:$0x4080] =	vst v1  }
0x52: {  	[tilespmem:$0x4100] =	vst v1  }
0x53: {  	[tilespmem:$0x4180] =	vst v1  }
0x54: {  	[tilespmem:$0x4200] =	vst v1  }
0x55: {  	[tilespmem:$0x4280] =	vst v1  }
0x56: {  	[tilespmem:$0x4300] =	vst v1  }
0x57: {  	[tilespmem:$0x4380] =	vst v1  }
0x58: {  	[tilespmem:$0x4400] =	vst v1  }
0x59: {  	[tilespmem:$0x4480] =	vst v1  }
0x5a: {  	[tilespmem:$0x4500] =	vst v1  }
0x5b: {  	[tilespmem:$0x4580] =	vst v1  }
0x5c: {  	[tilespmem:$0x4600] =	vst v1  }
0x5d: {  	[tilespmem:$0x4680] =	vst v1  }
0x5e: {  	[tilespmem:$0x4700] =	vst v1  }
0x5f: {  	[tilespmem:$0x4780] =	vst v1  }
0x60: {  	[tilespmem:$0x4800] =	vst v1  }
0x61: {  	[tilespmem:$0x4880] =	vst v1  }
0x62: {  	[tilespmem:$0x4900] =	vst v1  }
0x63: {  	[tilespmem:$0x4980] =	vst v1  }
0x64: {  	[tilespmem:$0x4A00] =	vst v1  }
0x65: {  	[tilespmem:$0x4A80] =	vst v1  }
0x66: {  	[tilespmem:$0x4B00] =	vst v1  }
0x67: {  	[tilespmem:$0x4B80] =	vst v1  }
0x68: {  	[tilespmem:$0x4C00] =	vst v1  }
0x69: {  	[tilespmem:$0x4C80] =	vst v1  }
0x6a: {  	[tilespmem:$0x4D00] =	vst v1  }
0x6b: {  	[tilespmem:$0x4D80] =	vst v1  }
0x6c: {  	[tilespmem:$0x4E00] =	vst v1  }
0x6d: {  	[tilespmem:$0x4E80] =	vst v1  }
0x6e: {  	[tilespmem:$0x4F00] =	vst v1  }
0x6f: {  	[tilespmem:$0x4F80] =	vst v1  }
0x70: {  	[tilespmem:$0x5000] =	vst v1  }
0x71: {  	[tilespmem:$0x5080] =	vst v1  }
0x72: {  	[tilespmem:$0x5100] =	vst v1  }
0x73: {  	[tilespmem:$0x5180] =	vst v1  }
0x74: {  	[tilespmem:$0x5200] =	vst v1  }
0x75: {  	[tilespmem:$0x5280] =	vst v1  }
0x76: {  	[tilespmem:$0x5300] =	vst v1  }
0x77: {  	[tilespmem:$0x5380] =	vst v1  }
0x78: {  	[tilespmem:$0x5400] =	vst v1  }
0x79: {  	[tilespmem:$0x5480] =	vst v1  }
0x7a: {  	[tilespmem:$0x5500] =	vst v1  }
0x7b: {  	[tilespmem:$0x5580] =	vst v1  }
0x7c: {  	[tilespmem:$0x5600] =	vst v1  }
0x7d: {  	[tilespmem:$0x5680] =	vst v1  }
0x7e: {  	[tilespmem:$0x5700] =	vst v1  }
0x7f: {  	[tilespmem:$0x5780] =	vst v1  }
0x80: {  	[tilespmem:$0x5800] =	vst v1  }
0x81: {  	[tilespmem:$0x5880] =	vst v1  }
0x82: {  	[tilespmem:$0x5900] =	vst v1  }
0x83: {  	[tilespmem:$0x5980] =	vst v1  }
0x84: {  	[tilespmem:$0x5A00] =	vst v1  }
0x85: {  	[tilespmem:$0x5A80] =	vst v1  }
0x86: {  	[tilespmem:$0x5B00] =	vst v1  }
0x87: {  	[tilespmem:$0x5B80] =	vst v1  }
0x88: {  	[tilespmem:$0x5C00] =	vst v1  }
0x89: {  	[tilespmem:$0x5C80] =	vst v1  }
0x8a: {  	[tilespmem:$0x5D00] =	vst v1  }
0x8b: {  	[tilespmem:$0x5D80] =	vst v1  }
0x8c: {  	[tilespmem:$0x5E00] =	vst v1  }
0x8d: {  	[tilespmem:$0x5E80] =	vst v1  }
0x8e: {  	[tilespmem:$0x5F00] =	vst v1  }
0x8f: {  	[tilespmem:$0x5F80] =	vst v1  }
0x90: {  	[tilespmem:$0x6000] =	vst v1  }
0x91: {  	[tilespmem:$0x6080] =	vst v1  }
0x92: {  	[tilespmem:$0x6100] =	vst v1  }
0x93: {  	[tilespmem:$0x6180] =	vst v1  }
0x94: {  	[tilespmem:$0x6200] =	vst v1  }
0x95: {  	[tilespmem:$0x6280] =	vst v1  }
0x96: {  	[tilespmem:$0x6300] =	vst v1  }
0x97: {  	[tilespmem:$0x6380] =	vst v1  }
0x98: {  	[tilespmem:$0x6400] =	vst v1  }
0x99: {  	[tilespmem:$0x6480] =	vst v1  }
0x9a: {  	[tilespmem:$0x6500] =	vst v1  }
0x9b: {  	[tilespmem:$0x6580] =	vst v1  }
0x9c: {  	[tilespmem:$0x6600] =	vst v1  }
0x9d: {  	[tilespmem:$0x6680] =	vst v1  }
0x9e: {  	[tilespmem:$0x6700] =	vst v1  }
0x9f: {  	[tilespmem:$0x6780] =	vst v1;
	s23 =	sadd.s32 $0x0, s4  }
0xa0: {  	[spmem:s23] =	stream.linear.scatter [tilespmem:s12], [sflag:$0x2], $0x800, $0x38;
	[tilespmem:$0x9800] =	vst v63  }
0xa1: {  	s23 =	simm.s32 $0x2000;
	_ =	swait.ge [sflag:s13], $0x800  }
.LBB2_2:
0xa2: {  	s24 =	sshra.s32 s23, $0x2;
	[sflag:s13] =	ssyncset.done $0x0;
	p0 =	sne.s32 s23, $0x4E000  }
.Ltmp0:
0xa3: {  	s24 =	sadd.s32 s24, s4;
	[sflag:s13] =	ssyncadd.s32 $0xFFFFF800;
	(pc) =	sbr.rel @p0 .LBB2_2-.Ltmp0, $3  }
0xa4: {  	[spmem:s24] =	stream.linear.scatter [tilespmem:s12], [sflag:$0x2], $0x800, $0x38;
	[tilespmem:$0x9800] =	vst v63  }
0xa5: {  	s23 =	sadd.s32 $0x2000, s23;
	_ =	sdelay $0x1  }
0xa6: {  	_ =	swait.ge [sflag:s13], $0x800  }
0xa7: {  	[sflag:s13] =	ssyncset.done $0x0  }
0xa8: {  	s23 =	simm.s32 $0x0;
	[sflag:s13] =	ssyncadd.s32 $0xFFFFF800  }
0xa9: {  	[tilespmem:s23], [sflag:$0x1] =	stream.linear.gather [hbm4b:s5+s23], $0x800, $0x38;
	[tilespmem:$0x9800] =	vst v63  }
0xaa: {  	_ =	swait.ge [sflag:s14], $0x800  }
0xab: {  	[sflag:s14] =	ssyncset.done $0x0  }
0xac: {  	[sflag:s14] =	ssyncadd.s32 $0xFFFFF800  }
0xad: {  	[tilespmem:s15], [sflag:$0x1] =	stream.linear.gather [hbm4b:s6+s23], $0x800, $0x38;
	[tilespmem:$0x9800] =	vst v63  }
0xae: {  	_ =	swait.ge [sflag:s14], $0x800  }
0xaf: {  	[sflag:s14] =	ssyncset.done $0x0  }
0xb0: {  	[sflag:s14] =	ssyncadd.s32 $0xFFFFF800  }
0xb1: {  	[tilespmem:s16], [sflag:$0x1] =	stream.linear.gather [hbm4b:s7+s23], $0x800, $0x38;
	[tilespmem:$0x9800] =	vst v63  }
0xb2: {  	_ =	swait.ge [sflag:s14], $0x800  }
0xb3: {  	[sflag:s14] =	ssyncset.done $0x0  }
0xb4: {  	[sflag:s14] =	ssyncadd.s32 $0xFFFFF800  }
0xb5: {  	[tilespmem:s17], [sflag:$0x1] =	stream.linear.gather [hbm4b:s8+s23], $0x800, $0x38;
	[tilespmem:$0x9800] =	vst v63  }
0xb6: {  	_ =	swait.ge [sflag:s14], $0x800  }
0xb7: {  	[sflag:s14] =	ssyncset.done $0x0  }
0xb8: {  	[sflag:s14] =	ssyncadd.s32 $0xFFFFF800  }
0xb9: {  	[tilespmem:s18], [sflag:$0x1] =	stream.linear.gather [hbm4b:s9+s23], $0x800, $0x38;
	[tilespmem:$0x9800] =	vst v63  }
0xba: {  	_ =	swait.ge [sflag:s14], $0x800  }
0xbb: {  	[sflag:s14] =	ssyncset.done $0x0  }
0xbc: {  	[sflag:s14] =	ssyncadd.s32 $0xFFFFF800  }
0xbd: {  	s30 =	simm.s32 $0x0;
	[bflag:$0x0] =	sbarrier.arrive $0xFFFF  }
0xbe: {  	[spmem:s2] =	stream.indirect.scatter.add.f32 [tilespmem:s20], [sflag:$0x2], $0x10, s30, s19, $0xb8;
	[tilespmem:$0x9800] =	vst v63  }
0xbf: {  	_ =	swait.ge [sflag:s13], $0x800  }
0xc0: {  	[sflag:s13] =	ssyncset.done $0x0  }
0xc1: {  	s31 =	simm.s32 $0x80;
	[sflag:s13] =	ssyncadd.s32 $0xFFFFF800  }
0xc2: {  	[spmem:s2] =	stream.indirect.scatter.add.f32 [tilespmem:s20], [sflag:$0x2], $0x10, s31, s19, $0xb8;
	[tilespmem:$0x9800] =	vst v63  }
0xc3: {  	_ =	swait.ge [sflag:s13], $0x800  }
0xc4: {  	[sflag:s13] =	ssyncset.done $0x0  }
0xc5: {  	s24 =	simm.s32 $0x100;
	[sflag:s13] =	ssyncadd.s32 $0xFFFFF800  }
0xc6: {  	[spmem:s2] =	stream.indirect.scatter.add.f32 [tilespmem:s20], [sflag:$0x2], $0x10, s24, s19, $0xb8;
	[tilespmem:$0x9800] =	vst v63  }
0xc7: {  	_ =	swait.ge [sflag:s13], $0x800  }
0xc8: {  	[sflag:s13] =	ssyncset.done $0x0  }
0xc9: {  	s25 =	simm.s32 $0x180;
	[sflag:s13] =	ssyncadd.s32 $0xFFFFF800  }
0xca: {  	[spmem:s2] =	stream.indirect.scatter.add.f32 [tilespmem:s20], [sflag:$0x2], $0x10, s25, s19, $0xb8;
	[tilespmem:$0x9800] =	vst v63  }
0xcb: {  	_ =	swait.ge [sflag:s13], $0x800  }
0xcc: {  	[sflag:s13] =	ssyncset.done $0x0  }
0xcd: {  	s26 =	simm.s32 $0x200;
	[sflag:s13] =	ssyncadd.s32 $0xFFFFF800  }
0xce: {  	[spmem:s2] =	stream.indirect.scatter.add.f32 [tilespmem:s20], [sflag:$0x2], $0x10, s26, s19, $0xb8;
	[tilespmem:$0x9800] =	vst v63  }
0xcf: {  	_ =	swait.ge [sflag:s13], $0x800  }
0xd0: {  	[sflag:s13] =	ssyncset.done $0x0  }
0xd1: {  	s28 =	simm.s32 $0x280;
	[sflag:s13] =	ssyncadd.s32 $0xFFFFF800  }
0xd2: {  	[spmem:s2] =	stream.indirect.scatter.add.f32 [tilespmem:s20], [sflag:$0x2], $0x10, s28, s19, $0xb8;
	[tilespmem:$0x9800] =	vst v63  }
0xd3: {  	_ =	swait.ge [sflag:s13], $0x800  }
0xd4: {  	[sflag:s13] =	ssyncset.done $0x0  }
0xd5: {  	s29 =	simm.s32 $0x300;
	[sflag:s13] =	ssyncadd.s32 $0xFFFFF800  }
0xd6: {  	[spmem:s2] =	stream.indirect.scatter.add.f32 [tilespmem:s20], [sflag:$0x2], $0x10, s29, s19, $0xb8;
	[tilespmem:$0x9800] =	vst v63  }
0xd7: {  	_ =	swait.ge [sflag:s13], $0x800  }
0xd8: {  	[sflag:s13] =	ssyncset.done $0x0  }
0xd9: {  	s30 =	simm.s32 $0x380;
	[sflag:s13] =	ssyncadd.s32 $0xFFFFF800  }
0xda: {  	[spmem:s2] =	stream.indirect.scatter.add.f32 [tilespmem:s20], [sflag:$0x2], $0x10, s30, s19, $0xb8;
	[tilespmem:$0x9800] =	vst v63  }
0xdb: {  	_ =	swait.ge [sflag:s13], $0x800  }
0xdc: {  	[sflag:s13] =	ssyncset.done $0x0  }
0xdd: {  	s31 =	simm.s32 $0x400;
	[sflag:s13] =	ssyncadd.s32 $0xFFFFF800  }
0xde: {  	[spmem:s2] =	stream.indirect.scatter.add.f32 [tilespmem:s20], [sflag:$0x2], $0x10, s31, s19, $0xb8;
	[tilespmem:$0x9800] =	vst v63  }
0xdf: {  	_ =	swait.ge [sflag:s13], $0x800  }
0xe0: {  	[sflag:s13] =	ssyncset.done $0x0  }
0xe1: {  	s24 =	simm.s32 $0x480;
	[sflag:s13] =	ssyncadd.s32 $0xFFFFF800  }
0xe2: {  	[spmem:s2] =	stream.indirect.scatter.add.f32 [tilespmem:s20], [sflag:$0x2], $0x10, s24, s19, $0xb8;
	[tilespmem:$0x9800] =	vst v63  }
0xe3: {  	_ =	swait.ge [sflag:s13], $0x800  }
0xe4: {  	[sflag:s13] =	ssyncset.done $0x0  }
0xe5: {  	s25 =	simm.s32 $0x500;
	[sflag:s13] =	ssyncadd.s32 $0xFFFFF800  }
0xe6: {  	[spmem:s2] =	stream.indirect.scatter.add.f32 [tilespmem:s20], [sflag:$0x2], $0x10, s25, s19, $0xb8;
	[tilespmem:$0x9800] =	vst v63  }
0xe7: {  	_ =	swait.ge [sflag:s13], $0x800  }
0xe8: {  	[sflag:s13] =	ssyncset.done $0x0  }
0xe9: {  	s26 =	simm.s32 $0x580;
	[sflag:s13] =	ssyncadd.s32 $0xFFFFF800  }
0xea: {  	[spmem:s2] =	stream.indirect.scatter.add.f32 [tilespmem:s20], [sflag:$0x2], $0x10, s26, s19, $0xb8;
	[tilespmem:$0x9800] =	vst v63  }
0xeb: {  	_ =	swait.ge [sflag:s13], $0x800  }
0xec: {  	[sflag:s13] =	ssyncset.done $0x0  }
0xed: {  	s28 =	simm.s32 $0x600;
	[sflag:s13] =	ssyncadd.s32 $0xFFFFF800  }
0xee: {  	[spmem:s2] =	stream.indirect.scatter.add.f32 [tilespmem:s20], [sflag:$0x2], $0x10, s28, s19, $0xb8;
	[tilespmem:$0x9800] =	vst v63  }
0xef: {  	_ =	swait.ge [sflag:s13], $0x800  }
0xf0: {  	[sflag:s13] =	ssyncset.done $0x0  }
0xf1: {  	s29 =	simm.s32 $0x680;
	[sflag:s13] =	ssyncadd.s32 $0xFFFFF800  }
0xf2: {  	[spmem:s2] =	stream.indirect.scatter.add.f32 [tilespmem:s20], [sflag:$0x2], $0x10, s29, s19, $0xb8;
	[tilespmem:$0x9800] =	vst v63  }
0xf3: {  	_ =	swait.ge [sflag:s13], $0x800  }
0xf4: {  	[sflag:s13] =	ssyncset.done $0x0  }
0xf5: {  	s30 =	simm.s32 $0x700;
	[sflag:s13] =	ssyncadd.s32 $0xFFFFF800  }
0xf6: {  	[spmem:s2] =	stream.indirect.scatter.add.f32 [tilespmem:s20], [sflag:$0x2], $0x10, s30, s19, $0xb8;
	[tilespmem:$0x9800] =	vst v63  }
0xf7: {  	_ =	swait.ge [sflag:s13], $0x800  }
0xf8: {  	[sflag:s13] =	ssyncset.done $0x0  }
0xf9: {  	s31 =	simm.s32 $0x780;
	[sflag:s13] =	ssyncadd.s32 $0xFFFFF800  }
0xfa: {  	[spmem:s2] =	stream.indirect.scatter.add.f32 [tilespmem:s20], [sflag:$0x2], $0x10, s31, s19, $0xb8;
	[tilespmem:$0x9800] =	vst v63  }
0xfb: {  	_ =	swait.ge [sflag:s13], $0x800  }
0xfc: {  	s23 =	simm.s32 $0x2000;
	s26 =	simm.s32 $0x4000;
	[sflag:s13] =	ssyncset.done $0x0  }
.LBB2_4:
0xfd: {  	s25 =	sshra.s32 s23, $0x2  }
0xfe: {  	[sflag:s13] =	ssyncadd.s32 $0xFFFFF800;
	s23 =	smov.u32 s26;
	s24 =	sadd.s32 $0x2000, s26  }
0xff: {  	[spmem:s2] =	stream.indirect.scatter.add.f32 [tilespmem:s20], [sflag:$0x2], $0x10, s25, s19, $0xb8;
	[tilespmem:$0x9800] =	vst v63  }
0x100: {  	p0 =	sne.s32 s26, $0x8000;
	_ =	swait.ge [sflag:s13], $0x800  }
0x101: {  	[sflag:s13] =	ssyncset.done $0x0  }
0x102: {  	s26 =	sadd.s32 $0x80, s25;
	[sflag:s13] =	ssyncadd.s32 $0xFFFFF800  }
0x103: {  	[spmem:s2] =	stream.indirect.scatter.add.f32 [tilespmem:s20], [sflag:$0x2], $0x10, s26, s19, $0xb8;
	[tilespmem:$0x9800] =	vst v63  }
0x104: {  	_ =	swait.ge [sflag:s13], $0x800  }
0x105: {  	[sflag:s13] =	ssyncset.done $0x0  }
0x106: {  	s26 =	sadd.s32 $0x100, s25;
	[sflag:s13] =	ssyncadd.s32 $0xFFFFF800  }
0x107: {  	[spmem:s2] =	stream.indirect.scatter.add.f32 [tilespmem:s20], [sflag:$0x2], $0x10, s26, s19, $0xb8;
	[tilespmem:$0x9800] =	vst v63  }
0x108: {  	_ =	swait.ge [sflag:s13], $0x800  }
0x109: {  	[sflag:s13] =	ssyncset.done $0x0  }
0x10a: {  	s26 =	sadd.s32 $0x180, s25;
	[sflag:s13] =	ssyncadd.s32 $0xFFFFF800  }
0x10b: {  	[spmem:s2] =	stream.indirect.scatter.add.f32 [tilespmem:s20], [sflag:$0x2], $0x10, s26, s19, $0xb8;
	[tilespmem:$0x9800] =	vst v63  }
0x10c: {  	_ =	swait.ge [sflag:s13], $0x800  }
0x10d: {  	[sflag:s13] =	ssyncset.done $0x0  }
0x10e: {  	s26 =	sadd.s32 $0x200, s25;
	[sflag:s13] =	ssyncadd.s32 $0xFFFFF800  }
0x10f: {  	[spmem:s2] =	stream.indirect.scatter.add.f32 [tilespmem:s20], [sflag:$0x2], $0x10, s26, s19, $0xb8;
	[tilespmem:$0x9800] =	vst v63  }
0x110: {  	_ =	swait.ge [sflag:s13], $0x800  }
0x111: {  	[sflag:s13] =	ssyncset.done $0x0  }
0x112: {  	s26 =	sadd.s32 $0x280, s25;
	[sflag:s13] =	ssyncadd.s32 $0xFFFFF800  }
0x113: {  	[spmem:s2] =	stream.indirect.scatter.add.f32 [tilespmem:s20], [sflag:$0x2], $0x10, s26, s19, $0xb8;
	[tilespmem:$0x9800] =	vst v63  }
0x114: {  	_ =	swait.ge [sflag:s13], $0x800  }
0x115: {  	[sflag:s13] =	ssyncset.done $0x0  }
0x116: {  	s26 =	sadd.s32 $0x300, s25;
	[sflag:s13] =	ssyncadd.s32 $0xFFFFF800  }
0x117: {  	[spmem:s2] =	stream.indirect.scatter.add.f32 [tilespmem:s20], [sflag:$0x2], $0x10, s26, s19, $0xb8;
	[tilespmem:$0x9800] =	vst v63  }
0x118: {  	_ =	swait.ge [sflag:s13], $0x800  }
0x119: {  	[sflag:s13] =	ssyncset.done $0x0  }
0x11a: {  	s26 =	sadd.s32 $0x380, s25;
	[sflag:s13] =	ssyncadd.s32 $0xFFFFF800  }
0x11b: {  	[spmem:s2] =	stream.indirect.scatter.add.f32 [tilespmem:s20], [sflag:$0x2], $0x10, s26, s19, $0xb8;
	[tilespmem:$0x9800] =	vst v63  }
0x11c: {  	_ =	swait.ge [sflag:s13], $0x800  }
0x11d: {  	[sflag:s13] =	ssyncset.done $0x0  }
0x11e: {  	s26 =	sadd.s32 $0x400, s25;
	[sflag:s13] =	ssyncadd.s32 $0xFFFFF800  }
0x11f: {  	[spmem:s2] =	stream.indirect.scatter.add.f32 [tilespmem:s20], [sflag:$0x2], $0x10, s26, s19, $0xb8;
	[tilespmem:$0x9800] =	vst v63  }
0x120: {  	_ =	swait.ge [sflag:s13], $0x800  }
0x121: {  	[sflag:s13] =	ssyncset.done $0x0  }
0x122: {  	s26 =	sadd.s32 $0x480, s25;
	[sflag:s13] =	ssyncadd.s32 $0xFFFFF800  }
0x123: {  	[spmem:s2] =	stream.indirect.scatter.add.f32 [tilespmem:s20], [sflag:$0x2], $0x10, s26, s19, $0xb8;
	[tilespmem:$0x9800] =	vst v63  }
0x124: {  	_ =	swait.ge [sflag:s13], $0x800  }
0x125: {  	[sflag:s13] =	ssyncset.done $0x0  }
0x126: {  	s26 =	sadd.s32 $0x500, s25;
	[sflag:s13] =	ssyncadd.s32 $0xFFFFF800  }
0x127: {  	[spmem:s2] =	stream.indirect.scatter.add.f32 [tilespmem:s20], [sflag:$0x2], $0x10, s26, s19, $0xb8;
	[tilespmem:$0x9800] =	vst v63  }
0x128: {  	_ =	swait.ge [sflag:s13], $0x800  }
0x129: {  	[sflag:s13] =	ssyncset.done $0x0  }
0x12a: {  	s26 =	sadd.s32 $0x580, s25;
	[sflag:s13] =	ssyncadd.s32 $0xFFFFF800  }
0x12b: {  	[spmem:s2] =	stream.indirect.scatter.add.f32 [tilespmem:s20], [sflag:$0x2], $0x10, s26, s19, $0xb8;
	[tilespmem:$0x9800] =	vst v63  }
0x12c: {  	_ =	swait.ge [sflag:s13], $0x800  }
0x12d: {  	[sflag:s13] =	ssyncset.done $0x0  }
0x12e: {  	s26 =	sadd.s32 $0x600, s25;
	[sflag:s13] =	ssyncadd.s32 $0xFFFFF800  }
0x12f: {  	[spmem:s2] =	stream.indirect.scatter.add.f32 [tilespmem:s20], [sflag:$0x2], $0x10, s26, s19, $0xb8;
	[tilespmem:$0x9800] =	vst v63  }
0x130: {  	_ =	swait.ge [sflag:s13], $0x800  }
0x131: {  	[sflag:s13] =	ssyncset.done $0x0  }
0x132: {  	s26 =	sadd.s32 $0x680, s25;
	[sflag:s13] =	ssyncadd.s32 $0xFFFFF800  }
0x133: {  	[spmem:s2] =	stream.indirect.scatter.add.f32 [tilespmem:s20], [sflag:$0x2], $0x10, s26, s19, $0xb8;
	[tilespmem:$0x9800] =	vst v63  }
0x134: {  	_ =	swait.ge [sflag:s13], $0x800  }
0x135: {  	[sflag:s13] =	ssyncset.done $0x0  }
0x136: {  	s26 =	sadd.s32 $0x700, s25;
	[sflag:s13] =	ssyncadd.s32 $0xFFFFF800  }
0x137: {  	[spmem:s2] =	stream.indirect.scatter.add.f32 [tilespmem:s20], [sflag:$0x2], $0x10, s26, s19, $0xb8;
	[tilespmem:$0x9800] =	vst v63  }
0x138: {  	_ =	swait.ge [sflag:s13], $0x800  }
.Ltmp1:
0x139: {  	[sflag:s13] =	ssyncset.done $0x0;
	(pc) =	sbr.rel @p0 .LBB2_4-.Ltmp1, $4  }
0x13a: {  	s25 =	sadd.s32 $0x780, s25;
	[sflag:s13] =	ssyncadd.s32 $0xFFFFF800  }
0x13b: {  	[spmem:s2] =	stream.indirect.scatter.add.f32 [tilespmem:s20], [sflag:$0x2], $0x10, s25, s19, $0xb8;
	[tilespmem:$0x9800] =	vst v63  }
0x13c: {  	_ =	swait.ge [sflag:s13], $0x800  }
0x13d: {  	s26 =	smov.u32 s24;
	[sflag:s13] =	ssyncset.done $0x0  }
0x13e: {  	s23 =	sshra.s32 s23, $0x2;
	[sflag:s13] =	ssyncadd.s32 $0xFFFFF800  }
0x13f: {  	[spmem:s2] =	stream.indirect.scatter.add.f32 [tilespmem:s20], [sflag:$0x2], $0x10, s23, s19, $0xb8;
	[tilespmem:$0x9800] =	vst v63  }
0x140: {  	_ =	swait.ge [sflag:s13], $0x800  }
0x141: {  	[sflag:s13] =	ssyncset.done $0x0  }
0x142: {  	s24 =	sadd.s32 $0x80, s23;
	[sflag:s13] =	ssyncadd.s32 $0xFFFFF800  }
0x143: {  	[spmem:s2] =	stream.indirect.scatter.add.f32 [tilespmem:s20], [sflag:$0x2], $0x10, s24, s19, $0xb8;
	[tilespmem:$0x9800] =	vst v63  }
0x144: {  	_ =	swait.ge [sflag:s13], $0x800  }
0x145: {  	[sflag:s13] =	ssyncset.done $0x0  }
0x146: {  	s31 =	sadd.s32 $0x100, s23;
	[sflag:s13] =	ssyncadd.s32 $0xFFFFF800  }
0x147: {  	[spmem:s2] =	stream.indirect.scatter.add.f32 [tilespmem:s20], [sflag:$0x2], $0x10, s31, s19, $0xb8;
	[tilespmem:$0x9800] =	vst v63  }
0x148: {  	_ =	swait.ge [sflag:s13], $0x800  }
0x149: {  	[sflag:s13] =	ssyncset.done $0x0  }
0x14a: {  	s25 =	sadd.s32 $0x180, s23;
	[sflag:s13] =	ssyncadd.s32 $0xFFFFF800  }
0x14b: {  	[spmem:s2] =	stream.indirect.scatter.add.f32 [tilespmem:s20], [sflag:$0x2], $0x10, s25, s19, $0xb8;
	[tilespmem:$0x9800] =	vst v63  }
0x14c: {  	_ =	swait.ge [sflag:s13], $0x800  }
0x14d: {  	[sflag:s13] =	ssyncset.done $0x0  }
0x14e: {  	s26 =	sadd.s32 $0x200, s23;
	[sflag:s13] =	ssyncadd.s32 $0xFFFFF800  }
0x14f: {  	[spmem:s2] =	stream.indirect.scatter.add.f32 [tilespmem:s20], [sflag:$0x2], $0x10, s26, s19, $0xb8;
	[tilespmem:$0x9800] =	vst v63  }
0x150: {  	_ =	swait.ge [sflag:s13], $0x800  }
0x151: {  	[sflag:s13] =	ssyncset.done $0x0  }
0x152: {  	s28 =	sadd.s32 $0x280, s23;
	[sflag:s13] =	ssyncadd.s32 $0xFFFFF800  }
0x153: {  	[spmem:s2] =	stream.indirect.scatter.add.f32 [tilespmem:s20], [sflag:$0x2], $0x10, s28, s19, $0xb8;
	[tilespmem:$0x9800] =	vst v63  }
0x154: {  	_ =	swait.ge [sflag:s13], $0x800  }
0x155: {  	[sflag:s13] =	ssyncset.done $0x0  }
0x156: {  	s29 =	sadd.s32 $0x300, s23;
	[sflag:s13] =	ssyncadd.s32 $0xFFFFF800  }
0x157: {  	[spmem:s2] =	stream.indirect.scatter.add.f32 [tilespmem:s20], [sflag:$0x2], $0x10, s29, s19, $0xb8;
	[tilespmem:$0x9800] =	vst v63  }
0x158: {  	_ =	swait.ge [sflag:s13], $0x800  }
0x159: {  	[sflag:s13] =	ssyncset.done $0x0  }
0x15a: {  	s30 =	sadd.s32 $0x380, s23;
	[sflag:s13] =	ssyncadd.s32 $0xFFFFF800  }
0x15b: {  	[spmem:s2] =	stream.indirect.scatter.add.f32 [tilespmem:s20], [sflag:$0x2], $0x10, s30, s19, $0xb8;
	[tilespmem:$0x9800] =	vst v63  }
0x15c: {  	_ =	swait.ge [sflag:s13], $0x800  }
0x15d: {  	[sflag:s13] =	ssyncset.done $0x0  }
0x15e: {  	s31 =	sadd.s32 $0x400, s23;
	[sflag:s13] =	ssyncadd.s32 $0xFFFFF800  }
0x15f: {  	[spmem:s2] =	stream.indirect.scatter.add.f32 [tilespmem:s20], [sflag:$0x2], $0x10, s31, s19, $0xb8;
	[tilespmem:$0x9800] =	vst v63  }
0x160: {  	_ =	swait.ge [sflag:s13], $0x800  }
0x161: {  	[sflag:s13] =	ssyncset.done $0x0  }
0x162: {  	s25 =	sadd.s32 $0x480, s23;
	[sflag:s13] =	ssyncadd.s32 $0xFFFFF800  }
0x163: {  	[spmem:s2] =	stream.indirect.scatter.add.f32 [tilespmem:s20], [sflag:$0x2], $0x10, s25, s19, $0xb8;
	[tilespmem:$0x9800] =	vst v63  }
0x164: {  	_ =	swait.ge [sflag:s13], $0x800  }
0x165: {  	[sflag:s13] =	ssyncset.done $0x0  }
0x166: {  	s26 =	sadd.s32 $0x500, s23;
	[sflag:s13] =	ssyncadd.s32 $0xFFFFF800  }
0x167: {  	[spmem:s2] =	stream.indirect.scatter.add.f32 [tilespmem:s20], [sflag:$0x2], $0x10, s26, s19, $0xb8;
	[tilespmem:$0x9800] =	vst v63  }
0x168: {  	_ =	swait.ge [sflag:s13], $0x800  }
0x169: {  	[sflag:s13] =	ssyncset.done $0x0  }
0x16a: {  	s28 =	sadd.s32 $0x580, s23;
	[sflag:s13] =	ssyncadd.s32 $0xFFFFF800  }
0x16b: {  	[spmem:s2] =	stream.indirect.scatter.add.f32 [tilespmem:s20], [sflag:$0x2], $0x10, s28, s19, $0xb8;
	[tilespmem:$0x9800] =	vst v63  }
0x16c: {  	_ =	swait.ge [sflag:s13], $0x800  }
0x16d: {  	[sflag:s13] =	ssyncset.done $0x0  }
0x16e: {  	s29 =	sadd.s32 $0x600, s23;
	[sflag:s13] =	ssyncadd.s32 $0xFFFFF800  }
0x16f: {  	[spmem:s2] =	stream.indirect.scatter.add.f32 [tilespmem:s20], [sflag:$0x2], $0x10, s29, s19, $0xb8;
	[tilespmem:$0x9800] =	vst v63  }
0x170: {  	_ =	swait.ge [sflag:s13], $0x800  }
0x171: {  	[sflag:s13] =	ssyncset.done $0x0  }
0x172: {  	s30 =	sadd.s32 $0x680, s23;
	[sflag:s13] =	ssyncadd.s32 $0xFFFFF800  }
0x173: {  	[spmem:s2] =	stream.indirect.scatter.add.f32 [tilespmem:s20], [sflag:$0x2], $0x10, s30, s19, $0xb8;
	[tilespmem:$0x9800] =	vst v63  }
0x174: {  	_ =	swait.ge [sflag:s13], $0x800  }
0x175: {  	[sflag:s13] =	ssyncset.done $0x0  }
0x176: {  	s31 =	sadd.s32 $0x700, s23;
	[sflag:s13] =	ssyncadd.s32 $0xFFFFF800  }
0x177: {  	[spmem:s2] =	stream.indirect.scatter.add.f32 [tilespmem:s20], [sflag:$0x2], $0x10, s31, s19, $0xb8;
	[tilespmem:$0x9800] =	vst v63  }
0x178: {  	_ =	swait.ge [sflag:s13], $0x800  }
0x179: {  	[sflag:s13] =	ssyncset.done $0x0  }
0x17a: {  	s23 =	sadd.s32 $0x780, s23;
	[sflag:s13] =	ssyncadd.s32 $0xFFFFF800  }
0x17b: {  	[spmem:s2] =	stream.indirect.scatter.add.f32 [tilespmem:s20], [sflag:$0x2], $0x10, s23, s19, $0xb8;
	[tilespmem:$0x9800] =	vst v63  }
0x17c: {  	_ =	swait.ge [sflag:s13], $0x800  }
0x17d: {  	s3 =	sadd.s32 $0x1, s3;
	[sflag:s13] =	ssyncset.done $0x0  }
0x17e: {  	p0 =	sne.s32 s3, s11;
	[sflag:s13] =	ssyncadd.s32 $0xFFFFF800  }
.Ltmp2:
0x17f: {  	[bflag:$0x0] =	sbarrier.arrive $0xFFFF;
	(pc) =	sbr.rel @p0 .LBB2_1-.Ltmp2, $4  }
0x180: {  	[hbm:s10], [sflag:s21] =	dma.local [spmem:s22], $0x2800  }
0x181: {  	_ =	swait.ge [sflag:s13], $0x2800  }
0x182: {  	[sflag:s13] =	ssyncset.done $0x0  }
0x183: {  	[sflag:s13] =	ssyncadd.s32 $0xFFFFD800  }
0x184: {  	_ =	sfence.sel $0x180000  }
0x185: {  	[bflag:$0x0] =	sbarrier.arrive $0xFFFF  }
0x186: {  	p0 =	sne.s32 s0, $0x0;
	_ =	strace $0x90000047  }
0x187: {  	s0 =	sadd.s32 @!p0 $0x100000, s1;
	[bflag:$0x2] =	sbarrier.arrive $0xFFFF  }
0x188: {  	[sflag:s0] =	ssyncadd.tile.s32 @!p0 $0x1;
	_ =	shalt  }
.Lfunc_end2:
_tile_overlayer_lowered:
.L_overlay_start_2:
0x189: {  	(tag) =	ssettag $0x2  }
0x18a: {  	s0 =	rddreg [dreg:$0x0];
	s2 =	stileid.u32  }
0x18b: {  	s1 =	rddreg [dreg:$0x1];
	p0 =	sne.s32 s2, $0x0  }
0x18c: {  	s3 =	rddreg [dreg:$0x2];
	[bflag:$0x3] =	sbarrier.arrive $0xFFFF;
	s2 =	simm.s32 @!p0 $0x1C02  }
0x18d: {  	[timem:s3], [sflag:s2] =	dma.local @!p0 [hbm:s0], s1  }
0x18e: {  	s0 =	simm.s32 @!p0 $0x2  }
0x18f: {  	_ =	swait.ge @!p0 [sflag:s0], s1  }
0x190: {  	s1 =	ssub.s32 @!p0 $0x0, s1;
	[sflag:s0] =	ssyncset.done @!p0 $0x0  }
0x191: {  	[sflag:s0] =	ssyncadd.s32 @!p0 s1  }
0x192: {  	[bflag:$0x3] =	sbarrier.arrive $0xFFFF  }
0x193: {  	_ =	shalt  }

// kernel: kernel.9.cloned.1.call-start
scs
__scs_entry_jumppad:
0x0: {  	(pc) =	sbr.rel $0x88, $3  }
0x1: {  	(tag) =	ssettag $0x0;
	lr =	simm.s32 $0x1  }
0x2: {  	[smem:$0x3F97] =	sst lr;
	_ =	strace $0xD0000000  }
0x3: {  	_ = 	snop  }
0x4: {  	_ = 	snop  }
0x5: {  	_ = 	snop  }
0x6: {  	_ = 	snop  }
0x7: {  	_ = 	snop  }
__scs_overlays_trampoline_lowered:
0x8: {  	[smem:$0x3FA6] =	sst s0  }
0x9: {  	[smem:$0x3FA7] =	sst s1  }
0xa: {  	[smem:$0x3FA8] =	sst s2  }
0xb: {  	[smem:$0x3FA9] =	sst s3  }
0xc: {  	[smem:$0x3FAA] =	sst s4  }
0xd: {  	[smem:$0x3FAB] =	sst s5  }
0xe: {  	[smem:$0x3FAC] =	sst s6  }
0xf: {  	[smem:$0x3FAD] =	sst s7  }
0x10: {  	[smem:$0x3FAE] =	sst s8  }
0x11: {  	[smem:$0x3FAF] =	sst s9;
	s0 =	simm.s32 @!p0 $0x0  }
0x12: {  	s1 =	sld [smem:$0x3F95];
	s0 =	simm.s32 @p0 $0x1  }
0x13: {  	[smem:$0x3FB0] =	sst s0;
	s0 =	simm.s32 @!p1 $0x0  }
0x14: {  	s2 =	sld [smem:$0x3F94];
	s0 =	simm.s32 @p1 $0x1  }
0x15: {  	[smem:$0x3FB1] =	sst s0;
	s0 =	simm.s32 @!p2 $0x0  }
0x16: {  	s3 =	sld [smem:$0x3FDB];
	s0 =	simm.s32 @p2 $0x1  }
0x17: {  	s4 =	simm.s32 $0x1BF5;
	[smem:$0x3FB3] =	sst s0  }
0x18: {  	s0 =	sld [smem:$0x3F96];
	_ =	swait.ge [sflag:s4], $0x0  }
0x19: {  	s7 =	sld [smem:$0x3F97]  }
0x1a: {  	s8 =	sadd.s32 $0xFFFFE003, lr  }
0x1b: {  	s9 =	sadd.s32 $0xFFFFFEF7, lr;
	s5 =	simm.s32 $0xFFFFFFFF;
	p2 =	slt.u32 s8, $0xFFFFF086  }
0x1c: {  	p1 =	slt.u32 s9, $0xF7A;
	s5 =	simm.s32 @!p2 $0x0  }
0x1d: {  	s5 =	simm.s32 @p1 $0x1;
	p0 =	seq.s32 s7, s2  }
0x1e: {  	s7 =	smul.u32 @!p0 $0xF7A, s2;
	p2 =	seq.s32 @!p0 s5, $0x0  }
0x1f: {  	s9 =	smul.u32 $0xF7A, s1;
	s8 =	simm.s32 @!p0 $0x1BF5;
	p2 =	por !p2, p0  }
0x20: {  	[sflag:s8] =	ssyncset.s32 @!p0 $0xFFFFF086;
	s6 =	sadd.s32 @!p0 s3, s7;
	s7 =	simm.s32 @!p0 $0x108  }
0x21: {  	s3 =	sadd.s32 s3, s9;
	s6 =	sadd.s32 @!p0 $0x88, s6;
	s7 =	simm.s32 @p2 $0x1082  }
0x22: {  	[simem:s7], [sflag:s8] =	dma.local @!p0 [hbm:s6], $0xF7A  }
0x23: {  	s9 =	sor.u32 $0xD0000000, s2;
	s6 =	simm.s32 $0x108;
	_ =	swait.ge @!p0 [sflag:s8], $0x0  }
0x24: {  	s3 =	sadd.s32 $0x88, s3;
	s6 =	simm.s32 @!p1 $0x1082;
	[sflag:s4] =	ssyncset.s32 $0xFFFFF086  }
0x25: {  	[simem:s6], [sflag:s4] =	dma.local [hbm:s3], $0xF7A  }
0x26: {  	[smem:$0x3F97] =	sst s1;
	(tag) =	ssettag s2;
	_ =	strace s9  }
0x27: {  	s1 =	sld [smem:$0x3FA7]  }
0x28: {  	s2 =	sld [smem:$0x3FA8]  }
0x29: {  	s4 =	sld [smem:$0x3FAA]  }
0x2a: {  	p0 =	seq.s32 s5, $0x0;
	s5 =	sld [smem:$0x3FAB]  }
0x2b: {  	s6 =	sld [smem:$0x3FAC]  }
0x2c: {  	s7 =	sld [smem:$0x3FAD]  }
0x2d: {  	s3 =	simm.s32 $0x108;
	s8 =	sld [smem:$0x3FAE]  }
0x2e: {  	s3 =	simm.s32 @!p0 $0x1082;
	s9 =	sld [smem:$0x3FAF]  }
0x2f: {  	lr =	sadd.s32 s0, s3;
	s0 =	sld [smem:$0x3FA6]  }
0x30: {  	s3 =	sld [smem:$0x3FA9]  }
0x31: {  	[smem:$0x3FB2] =	sst s10  }
0x32: {  	s10 =	sld [smem:$0x3FB0];
	_ =	sdelay $0x3  }
0x33: {  	p0 =	seq.s32 s10, $0x1;
	s10 =	sld [smem:$0x3FB2];
	_ =	sdelay $0x3  }
0x34: {  	[smem:$0x3FB2] =	sst s10  }
0x35: {  	s10 =	sld [smem:$0x3FB1];
	_ =	sdelay $0x3  }
0x36: {  	p1 =	seq.s32 s10, $0x1;
	s10 =	sld [smem:$0x3FB2];
	_ =	sdelay $0x3  }
0x37: {  	[smem:$0x3FB2] =	sst s10  }
0x38: {  	s10 =	sld [smem:$0x3FB3]  }
0x39: {  	_ = 	snop;
	(pc) =	sbr.ind lr, $3  }
0x3a: {  	_ = 	snop  }
0x3b: {  	_ = 	snop  }
0x3c: {  	p2 =	seq.s32 s10, $0x1;
	s10 =	sld [smem:$0x3FB2]  }
0x3d: {  	_ =	shalt  }
0x3e: {  	_ =	shalt  }
0x3f: {  	_ =	shalt  }
0x40: {  	_ =	shalt  }
0x41: {  	_ =	shalt  }
0x42: {  	_ =	shalt  }
0x43: {  	_ =	shalt  }
0x44: {  	_ =	shalt  }
0x45: {  	_ =	shalt  }
0x46: {  	_ =	shalt  }
0x47: {  	_ =	shalt  }
0x48: {  	_ =	shalt  }
0x49: {  	_ =	shalt  }
0x4a: {  	_ =	shalt  }
0x4b: {  	_ =	shalt  }
0x4c: {  	_ =	shalt  }
0x4d: {  	_ =	shalt  }
0x4e: {  	_ =	shalt  }
0x4f: {  	_ =	shalt  }
0x50: {  	_ =	shalt  }
0x51: {  	_ =	shalt  }
0x52: {  	_ =	shalt  }
0x53: {  	_ =	shalt  }
0x54: {  	_ =	shalt  }
0x55: {  	_ =	shalt  }
0x56: {  	_ =	shalt  }
0x57: {  	_ =	shalt  }
0x58: {  	_ =	shalt  }
0x59: {  	_ =	shalt  }
0x5a: {  	_ =	shalt  }
0x5b: {  	_ =	shalt  }
0x5c: {  	_ =	shalt  }
0x5d: {  	_ =	shalt  }
0x5e: {  	_ =	shalt  }
0x5f: {  	_ =	shalt  }
0x60: {  	_ =	shalt  }
0x61: {  	_ =	shalt  }
0x62: {  	_ =	shalt  }
0x63: {  	_ =	shalt  }
0x64: {  	_ =	shalt  }
0x65: {  	_ =	shalt  }
0x66: {  	_ =	shalt  }
0x67: {  	_ =	shalt  }
0x68: {  	_ =	shalt  }
0x69: {  	_ =	shalt  }
0x6a: {  	_ =	shalt  }
0x6b: {  	_ =	shalt  }
0x6c: {  	_ =	shalt  }
0x6d: {  	_ =	shalt  }
0x6e: {  	_ =	shalt  }
0x6f: {  	_ =	shalt  }
0x70: {  	_ =	shalt  }
0x71: {  	_ =	shalt  }
0x72: {  	_ =	shalt  }
0x73: {  	_ =	shalt  }
0x74: {  	_ =	shalt  }
0x75: {  	_ =	shalt  }
0x76: {  	_ =	shalt  }
0x77: {  	_ =	shalt  }
0x78: {  	_ =	shalt  }
0x79: {  	_ =	shalt  }
0x7a: {  	_ =	shalt  }
0x7b: {  	_ =	shalt  }
0x7c: {  	_ =	shalt  }
0x7d: {  	_ =	shalt  }
0x7e: {  	_ =	shalt  }
0x7f: {  	_ =	shalt  }
0x80: {  	_ =	shalt  }
0x81: {  	_ =	shalt  }
0x82: {  	_ =	shalt  }
0x83: {  	_ =	shalt  }
0x84: {  	_ =	shalt  }
0x85: {  	_ =	shalt  }
0x86: {  	_ =	shalt  }
0x87: {  	_ =	shalt  }
.Lfunc_end0:
.L_simem_size_0:
called_computation.1_lowered:
.L_overlay_start_0:
0x88: {  	s2 =	sld [smem:$0x3FD9]  }
0x89: {  	s3 =	sld [smem:$0x3FFE];
	_ =	sdelay $0x1  }
0x8a: {  	s1 =	srdreg.scid  }
0x8b: {  	s0 =	sand.u32 $0x1, s1  }
0x8c: {  	s16 =	sshll.u32 s0, $0xA;
	s2 =	sadd.s32 s3, s2  }
0x8d: {  	s2 =	sadd.s32 s2, s16  }
0x8e: {  	[smem:$0x3FBE] =	sst s2  }
0x8f: {  	_ = 	snop  }
0x90: {  	(tm) =	ssettm $0x1  }
0x91: {  	s17 =	sld [smem:$0x3FFB];
	_ =	sdelay $0x3  }
0x92: {  	_ =	strace s17  }
0x93: {  	s2 =	sld [smem:$0x3FFC];
	_ =	sdelay $0x3  }
0x94: {  	_ =	strace s2  }
0x95: {  	s2 =	sld [smem:$0x3FFD];
	_ =	sdelay $0x3  }
0x96: {  	_ =	strace s2  }
0x97: {  	_ =	strace $0x8FFFFFFF  }
0x98: {  	s18 =	sld [smem:$0x3FDB];
	_ =	sdelay $0x1  }
0x99: {  	s19 =	simm.s32 $_scs_section_size  }
0x9a: {  	s4 =	simm.s32 $_size__tile_overlayer_lowered;
	s5 =	simm.s32 $_tile_overlayer_lowered  }
0x9b: {  	s22 =	simm.s32 $0x1BFF;
	s21 =	sshll.u32 s5, $0x1;
	s2 =	sadd.s32 s19, s18  }
0x9c: {  	s6 =	simm.s32 $0x0;
	s20 =	sshll.u32 s4, $0x1;
	s4 =	sadd.s32 s21, s2  }
0x9d: {  	[timem:s6], [sflag:s22] =	dma.local [hbm:s4], s20  }
0x9e: {  	_ =	swait.ge [sflag:s22], s20  }
0x9f: {  	s3 =	ssub.s32 $0x0, s20;
	[sflag:s22] =	ssyncset.done $0x0  }
0xa0: {  	[sflag:s22] =	ssyncadd.s32 s3;
	_ =	sdelay $0x1  }
0xa1: {  	s23 =	simm.s32 $0x1B8B  }
0xa2: {  	_ =	swait.ge [sflag:s23], $0x1  }
0xa3: {  	[sflag:s23] =	ssyncset.done $0x0  }
0xa4: {  	s25 =	simm.s32 $0x1B8E;
	s24 =	sld [smem:$0x3FFE];
	[sflag:s23] =	ssyncadd.s32 $0xFFFFFFFF  }
0xa5: {  	s26 =	simm.s32 $execute0_lowered;
	[smem:$0x3FD2] =	sst s25  }
0xa6: {  	s4 =	sshll.u32 s26, $0x1;
	_ =	strace $0x80000049;
	[dreg:$0x1] =	wrdreg $0xFFFFFFFF  }
0xa7: {  	s28 =	simm.s32 $_size_execute0_lowered;
	s2 =	sadd.s32 s2, s4;
	[dreg:$0x0] =	wrdreg $0x0  }
0xa8: {  	s4 =	sshll.u32 s28, $0x1;
	[dreg:$0x2] =	wrdreg s2  }
0xa9: {  	[dreg:$0x3] =	wrdreg s4  }
0xaa: {  	[dreg:$0x4] =	wrdreg $0xC0  }
0xab: {  	_ =	task [dreg:s6], $0x5FFFF  }
0xac: {  	[dreg:$0x1] =	wrdreg $0xFFFFFFFF  }
0xad: {  	[dreg:$0x0] =	wrdreg $0x60  }
0xae: {  	[dreg:$0x2] =	wrdreg s24  }
0xaf: {  	[dreg:$0x3] =	wrdreg $0xA8000  }
0xb0: {  	[dreg:$0x4] =	wrdreg $0x9  }
0xb1: {  	_ =	task.clear_ibuf [dreg:s6], $0x5FFFF;
	_ =	strace $0x90000049  }
0xb2: {  	s29 =	simm.s32 $0x9;
	_ =	strace $0x8000004B  }
0xb3: {  	_ =	swait.ge [sflag:s29], $0x1  }
0xb4: {  	[sflag:s29] =	ssyncadd.s32 $0xFFFFFFFF  }
0xb5: {  	_ =	strace $0x9000004B  }
0xb6: {  	_ =	sfence  }
0xb7: {  	s30 =	sld [smem:$0x0];
	_ =	sdelay $0x2  }
0xb8: {  	s31 =	sshll.u32 s1, $0xD;
	s1 =	sshrl.u32 s1, $0x2  }
0xb9: {  	s3 =	sand.u32 $0x4000, s31;
	s1 =	sadd.s32 s1, s30  }
0xba: {  	s0 =	sor.u32 s3, s0;
	s1 =	sshll.u32 s1, $0x11  }
0xbb: {  	s0 =	sor.u32 s1, s0  }
0xbc: {  	s0 =	sadd.s32 $0x8F2B, s0  }
0xbd: {  	[sflag:s0] =	ssyncadd.remote.s32 $0x1  }
0xbe: {  	_ =	sfence.sel $0xFFFF  }
0xbf: {  	[dreg:$0x0] =	wrdreg $0xFFFFFFFF;
	(pc) =	sbr.abs _section_cstart, $3  }
0xc0: {  	[dreg:$0x1] =	wrdreg $0xFFFFFFFF  }
0xc1: {  	_ =	task.clear_ibuf [dreg:s6], $0x2FFFF;
	_ =	strace $0x9FFFFFFF  }
0xc2: {  	(tm) =	ssettm $0x7FFFFFFF  }
0xc3: {  	_ =	shalt  }
tec
execute0_lowered:
.L_overlay_start_1:
0x0: {  	(tag) =	ssettag $0x1  }
0x1: {  	s8 =	rddreg [dreg:$0x0]  }
0x2: {  	s1 =	rddreg [dreg:$0x1];
	s2 =	srdreg.scid  }
0x3: {  	s3 =	simm.s32 $0x0;
	s0 =	stileid.u32;
	s14 =	simm.s32 $0x5  }
0x4: {  	s15 =	simm.s32 $0x1;
	s17 =	simm.s32 $0x2;
	s18 =	simm.s32 $0x80  }
0x5: {  	s19 =	simm.s32 $0x2000;
	s9 =	sand.u32 $0x1, s2;
	s6 =	smul.u32 $0x14000, s0  }
0x6: {  	s20 =	simm.s32 $0x4;
	s21 =	simm.s32 $0x6000;
	s5 =	smul.u32 $0x140000, s9  }
0x7: {  	[smem:$0x7FF] =	sst s3;
	s4 =	sadd.s32 $0x16600, s8;
	s7 =	sshll.u32 s9, $0x4  }
0x8: {  	s10 =	smul.u32 $0x50000, s0;
	s7 =	sor.u32 s0, s7;
	s6 =	sadd.s32 s6, s5  }
0x9: {  	s31 =	ssub.s32 $0x2, s9;
	s11 =	sshrl.u32 s6, $0x3;
	s6 =	smul.u32 $0x2800, s7  }
.Ltmp0:
0xa: {  	_ =	strace $0x8000004A;
	s9 =	sshrl.u32 s31, $0x1;
	(pc) =	sbr.rel .LBB2_1-.Ltmp0, $4  }
0xb: {  	s10 =	sshrl.u32 s10, $0x2;
	s5 =	sadd.s32 $0xC600, s8;
	s13 =	ssub.s32 s31, s9  }
0xc: {  	s7 =	sadd.s32 $0x2600, s8;
	s11 =	sadd.s32 s11, s8;
	s12 =	sshrl.u32 s6, $0x3  }
0xd: {  	s8 =	sadd.s32 s10, s1;
	s11 =	sadd.s32 $0x3D800, s11;
	s9 =	sadd.s32 s5, s12  }
0xe: {  	v0 =	vimm.f32 $0.0e+00;
	s10 =	sadd.s32 s7, s12;
	s12 =	smax.u32 s13, $0x1;
	s13 =	simm.s32 $0xA000  }
.LBB2_8:
0xf: {  	s0 =	stileid.u32;
	s3 =	sadd.s32 $0x1, s3  }
0x10: {  	[bflag:$0x0] =	sbarrier.arrive $0xFFFF;
	s0 =	sshll.u32 s0, $0x6;
	p0 =	sne.s32 s3, s12  }
.Ltmp1:
0x11: {  	s2 =	sshrl.u32 s8, $0x3;
	s0 =	sor.u32 $0x1C05, s0;
	(pc) =	sbr.rel @!p0 .LBB2_9-.Ltmp1, $4  }
0x12: {  	[hbm:s11], [sflag:s0] =	dma.local [spmem:s2], $0x2800  }
0x13: {  	_ =	swait.ge [sflag:s14], $0x2800  }
0x14: {  	[sflag:s14] =	ssyncset.done $0x0  }
0x15: {  	[sflag:s14] =	ssyncadd.s32 $0xFFFFD800  }
.LBB2_1:
0x16: {  	[tilespmem:$0xA000] =	vst v0  }
0x17: {  	[tilespmem:$0xA010] =	vst v0  }
0x18: {  	[tilespmem:$0xA020] =	vst v0  }
0x19: {  	[tilespmem:$0xA030] =	vst v0  }
0x1a: {  	[tilespmem:$0xA040] =	vst v0  }
0x1b: {  	[tilespmem:$0xA050] =	vst v0  }
0x1c: {  	[tilespmem:$0xA060] =	vst v0  }
0x1d: {  	[tilespmem:$0xA070] =	vst v0  }
0x1e: {  	[tilespmem:$0xA080] =	vst v0  }
0x1f: {  	[tilespmem:$0xA090] =	vst v0  }
0x20: {  	[tilespmem:$0xA0A0] =	vst v0  }
0x21: {  	[tilespmem:$0xA0B0] =	vst v0  }
0x22: {  	[tilespmem:$0xA0C0] =	vst v0  }
0x23: {  	[tilespmem:$0xA0D0] =	vst v0  }
0x24: {  	[tilespmem:$0xA0E0] =	vst v0  }
0x25: {  	[tilespmem:$0xA0F0] =	vst v0  }
0x26: {  	[tilespmem:$0xA100] =	vst v0  }
0x27: {  	[tilespmem:$0xA110] =	vst v0  }
0x28: {  	[tilespmem:$0xA120] =	vst v0  }
0x29: {  	[tilespmem:$0xA130] =	vst v0  }
0x2a: {  	[tilespmem:$0xA140] =	vst v0  }
0x2b: {  	[tilespmem:$0xA150] =	vst v0  }
0x2c: {  	[tilespmem:$0xA160] =	vst v0  }
0x2d: {  	[tilespmem:$0xA170] =	vst v0  }
0x2e: {  	[tilespmem:$0xA180] =	vst v0  }
0x2f: {  	[tilespmem:$0xA190] =	vst v0  }
0x30: {  	[tilespmem:$0xA1A0] =	vst v0  }
0x31: {  	[tilespmem:$0xA1B0] =	vst v0  }
0x32: {  	[tilespmem:$0xA1C0] =	vst v0  }
0x33: {  	[tilespmem:$0xA1D0] =	vst v0  }
0x34: {  	[tilespmem:$0xA1E0] =	vst v0  }
0x35: {  	[tilespmem:$0xA1F0] =	vst v0  }
0x36: {  	[tilespmem:$0xA200] =	vst v0  }
0x37: {  	[tilespmem:$0xA210] =	vst v0  }
0x38: {  	[tilespmem:$0xA220] =	vst v0  }
0x39: {  	[tilespmem:$0xA230] =	vst v0  }
0x3a: {  	[tilespmem:$0xA240] =	vst v0  }
0x3b: {  	[tilespmem:$0xA250] =	vst v0  }
0x3c: {  	[tilespmem:$0xA260] =	vst v0  }
0x3d: {  	[tilespmem:$0xA270] =	vst v0  }
0x3e: {  	[tilespmem:$0xA280] =	vst v0  }
0x3f: {  	[tilespmem:$0xA290] =	vst v0  }
0x40: {  	[tilespmem:$0xA2A0] =	vst v0  }
0x41: {  	[tilespmem:$0xA2B0] =	vst v0  }
0x42: {  	[tilespmem:$0xA2C0] =	vst v0  }
0x43: {  	[tilespmem:$0xA2D0] =	vst v0  }
0x44: {  	[tilespmem:$0xA2E0] =	vst v0  }
0x45: {  	[tilespmem:$0xA2F0] =	vst v0  }
0x46: {  	[tilespmem:$0xA300] =	vst v0  }
0x47: {  	[tilespmem:$0xA310] =	vst v0  }
0x48: {  	[tilespmem:$0xA320] =	vst v0  }
0x49: {  	[tilespmem:$0xA330] =	vst v0  }
0x4a: {  	[tilespmem:$0xA340] =	vst v0  }
0x4b: {  	[tilespmem:$0xA350] =	vst v0  }
0x4c: {  	[tilespmem:$0xA360] =	vst v0  }
0x4d: {  	[tilespmem:$0xA370] =	vst v0  }
0x4e: {  	[tilespmem:$0xA380] =	vst v0  }
0x4f: {  	[tilespmem:$0xA390] =	vst v0  }
0x50: {  	[tilespmem:$0xA3A0] =	vst v0  }
0x51: {  	[tilespmem:$0xA3B0] =	vst v0  }
0x52: {  	[tilespmem:$0xA3C0] =	vst v0  }
0x53: {  	[tilespmem:$0xA3D0] =	vst v0  }
0x54: {  	[tilespmem:$0xA3E0] =	vst v0  }
0x55: {  	[tilespmem:$0xA3F0] =	vst v0  }
0x56: {  	[tilespmem:$0xA400] =	vst v0  }
0x57: {  	[tilespmem:$0xA410] =	vst v0  }
0x58: {  	[tilespmem:$0xA420] =	vst v0  }
0x59: {  	[tilespmem:$0xA430] =	vst v0  }
0x5a: {  	[tilespmem:$0xA440] =	vst v0  }
0x5b: {  	[tilespmem:$0xA450] =	vst v0  }
0x5c: {  	[tilespmem:$0xA460] =	vst v0  }
0x5d: {  	[tilespmem:$0xA470] =	vst v0  }
0x5e: {  	[tilespmem:$0xA480] =	vst v0  }
0x5f: {  	[tilespmem:$0xA490] =	vst v0  }
0x60: {  	[tilespmem:$0xA4A0] =	vst v0  }
0x61: {  	[tilespmem:$0xA4B0] =	vst v0  }
0x62: {  	[tilespmem:$0xA4C0] =	vst v0  }
0x63: {  	[tilespmem:$0xA4D0] =	vst v0  }
0x64: {  	[tilespmem:$0xA4E0] =	vst v0  }
0x65: {  	[tilespmem:$0xA4F0] =	vst v0  }
0x66: {  	[tilespmem:$0xA500] =	vst v0  }
0x67: {  	[tilespmem:$0xA510] =	vst v0  }
0x68: {  	[tilespmem:$0xA520] =	vst v0  }
0x69: {  	[tilespmem:$0xA530] =	vst v0  }
0x6a: {  	[tilespmem:$0xA540] =	vst v0  }
0x6b: {  	[tilespmem:$0xA550] =	vst v0  }
0x6c: {  	[tilespmem:$0xA560] =	vst v0  }
0x6d: {  	[tilespmem:$0xA570] =	vst v0  }
0x6e: {  	[tilespmem:$0xA580] =	vst v0  }
0x6f: {  	[tilespmem:$0xA590] =	vst v0  }
0x70: {  	[tilespmem:$0xA5A0] =	vst v0  }
0x71: {  	[tilespmem:$0xA5B0] =	vst v0  }
0x72: {  	[tilespmem:$0xA5C0] =	vst v0  }
0x73: {  	[tilespmem:$0xA5D0] =	vst v0  }
0x74: {  	[tilespmem:$0xA5E0] =	vst v0  }
0x75: {  	[tilespmem:$0xA5F0] =	vst v0  }
0x76: {  	[tilespmem:$0xA600] =	vst v0  }
0x77: {  	[tilespmem:$0xA610] =	vst v0  }
0x78: {  	[tilespmem:$0xA620] =	vst v0  }
0x79: {  	[tilespmem:$0xA630] =	vst v0  }
0x7a: {  	[tilespmem:$0xA640] =	vst v0  }
0x7b: {  	[tilespmem:$0xA650] =	vst v0  }
0x7c: {  	[tilespmem:$0xA660] =	vst v0  }
0x7d: {  	[tilespmem:$0xA670] =	vst v0  }
0x7e: {  	[tilespmem:$0xA680] =	vst v0  }
0x7f: {  	[tilespmem:$0xA690] =	vst v0  }
0x80: {  	[tilespmem:$0xA6A0] =	vst v0  }
0x81: {  	[tilespmem:$0xA6B0] =	vst v0  }
0x82: {  	[tilespmem:$0xA6C0] =	vst v0  }
0x83: {  	[tilespmem:$0xA6D0] =	vst v0  }
0x84: {  	[tilespmem:$0xA6E0] =	vst v0  }
0x85: {  	[tilespmem:$0xA6F0] =	vst v0  }
0x86: {  	[tilespmem:$0xA700] =	vst v0  }
0x87: {  	[tilespmem:$0xA710] =	vst v0  }
0x88: {  	[tilespmem:$0xA720] =	vst v0  }
0x89: {  	[tilespmem:$0xA730] =	vst v0  }
0x8a: {  	[tilespmem:$0xA740] =	vst v0  }
0x8b: {  	[tilespmem:$0xA750] =	vst v0  }
0x8c: {  	[tilespmem:$0xA760] =	vst v0  }
0x8d: {  	[tilespmem:$0xA770] =	vst v0  }
0x8e: {  	[tilespmem:$0xA780] =	vst v0  }
0x8f: {  	[tilespmem:$0xA790] =	vst v0  }
0x90: {  	[tilespmem:$0xA7A0] =	vst v0  }
0x91: {  	[tilespmem:$0xA7B0] =	vst v0  }
0x92: {  	[tilespmem:$0xA7C0] =	vst v0  }
0x93: {  	[tilespmem:$0xA7D0] =	vst v0  }
0x94: {  	[tilespmem:$0xA7E0] =	vst v0  }
0x95: {  	[tilespmem:$0xA7F0] =	vst v0;
	s22 =	sadd.s32 $0x0, s8  }
0x96: {  	[spmem:s22] =	stream.linear.scatter [tilespmem:s13], [sflag:$0x5], $0x800, $0x38;
	[tilespmem:$0x1E800] =	vst v63  }
0x97: {  	s22 =	simm.s32 $0x2000;
	_ =	swait.ge [sflag:s14], $0x800  }
.LBB2_2:
0x98: {  	s23 =	sshra.s32 s22, $0x2;
	[sflag:s14] =	ssyncset.done $0x0;
	p0 =	sne.s32 s22, $0x4E000  }
.Ltmp2:
0x99: {  	s23 =	sadd.s32 s23, s8;
	[sflag:s14] =	ssyncadd.s32 $0xFFFFF800;
	(pc) =	sbr.rel @p0 .LBB2_2-.Ltmp2, $3  }
0x9a: {  	[spmem:s23] =	stream.linear.scatter [tilespmem:s13], [sflag:$0x5], $0x800, $0x38;
	[tilespmem:$0x1E800] =	vst v63  }
0x9b: {  	s22 =	sadd.s32 $0x2000, s22;
	_ =	sdelay $0x1  }
0x9c: {  	_ =	swait.ge [sflag:s14], $0x800  }
0x9d: {  	[sflag:s14] =	ssyncset.done $0x0  }
0x9e: {  	s22 =	simm.s32 $0x0;
	[sflag:s14] =	ssyncadd.s32 $0xFFFFF800  }
0x9f: {  	[tilespmem:s22], [sflag:$0x1] =	stream.linear.gather [hbm4b:s9+s22], $0x800, $0x38;
	[tilespmem:$0x1E800] =	vst v63  }
0xa0: {  	_ =	swait.ge [sflag:s15], $0x800  }
0xa1: {  	[sflag:s15] =	ssyncset.done $0x0  }
0xa2: {  	s0 =	simm.s32 $0x1000;
	[sflag:s15] =	ssyncadd.s32 $0xFFFFF800  }
0xa3: {  	[tilespmem:s0], [sflag:$0x2] =	stream.linear.gather [hbm4b:s10+s22], $0x800, $0x38;
	[tilespmem:$0x1E800] =	vst v63  }
0xa4: {  	_ =	swait.ge [sflag:s17], $0x800  }
0xa5: {  	[sflag:s17] =	ssyncset.done $0x0  }
0xa6: {  	[sflag:s17] =	ssyncadd.s32 $0xFFFFF800  }
0xa7: {  	s23 =	simm.s32 $0x0;
	[bflag:$0x0] =	sbarrier.arrive $0xFFFF  }
.LBB2_4:
0xa8: {  	s24 =	smov.u32 s23  }
0xa9: {  	s23 =	sadd.s32 $0x1, s23;
	p0 =	seq.s32 s24, $0x4  }
0xaa: {  	s25 =	sshll.u32 @!p0 s23, $0xB  }
0xab: {  	s24 =	sshll.u32 @!p0 s24, $0xB;
	s25 =	sadd.s32 @!p0 s6, s25  }
0xac: {  	s2 =	sand.u32 $0x1, s22;
	s24 =	sand.u32 @!p0 $0x800, s24;
	s25 =	sshrl.u32 @!p0 s25, $0x3  }
0xad: {  	s29 =	simm.s32 @!p0 $0x0;
	s26 =	sxor.u32 @!p0 $0x800, s24;
	s28 =	sadd.s32 @!p0 s5, s25  }
0xae: {  	[tilespmem:s26], [sflag:$0x1] =	stream.linear.gather @!p0 [hbm4b:s28+s29], $0x800, $0x38;
	[tilespmem:$0x1E800] =	vst v63  }
0xaf: {  	s16 =	sxor.u32 $0x1, s2;
	s25 =	sadd.s32 @!p0 s7, s25;
	s26 =	sxor.u32 @!p0 $0x1800, s24  }
0xb0: {  	[tilespmem:s26], [sflag:$0x2] =	stream.linear.gather @!p0 [hbm4b:s25+s29], $0x800, $0x38;
	[tilespmem:$0x1E800] =	vst v63  }
0xb1: {  	s31 =	sadd.s32 $0x3, s2;
	s24 =	simm.s32 @p0 $0x0;
	s29 =	sshll.u32 s16, $0xE  }
0xb2: {  	[tilespmem:s19], [sflag:$0x3] =	stream.indirect.gather [hbm4b:s4+s18], $0x80, s24, s18, $0xb8;
	[tilespmem:$0x1E800] =	vst v63  }
0xb3: {  	s28 =	sadd.s32 $0x80, s24;
	s26 =	sadd.s32 $0x3, s16;
	s29 =	sor.u32 $0x2000, s29  }
0xb4: {  	[tilespmem:s29], [sflag:s26] =	stream.indirect.gather [hbm4b:s4+s18], $0x80, s28, s18, $0xb8;
	[tilespmem:$0x1E800] =	vst v63  }
0xb5: {  	s30 =	simm.s32 $0x2;
	s0 =	sor.u32 $0x1000, s24;
	_ =	swait.ge [sflag:s31], $0x4000  }
0xb6: {  	s25 =	sshll.u32 s2, $0xE;
	s29 =	simm.s32 $0x1;
	[sflag:s31] =	ssyncset.done $0x0  }
0xb7: {  	s25 =	sor.u32 $0x2000, s25;
	s29 =	sand.u32 $0x1, s29;
	[sflag:s31] =	ssyncadd.s32 $0xFFFFC000  }
0xb8: {  	[spmem:s1] =	stream.indirect.scatter.add.f32 [tilespmem:s25], [sflag:$0x5], $0x80, s0, s18, $0xb8;
	[tilespmem:$0x1E800] =	vst v63  }
0xb9: {  	s26 =	sadd.s32 $0x80, s28;
	s28 =	sshll.u32 s29, $0xE;
	_ =	swait.ge [sflag:s14], $0x4000  }
0xba: {  	s31 =	sxor.u32 $0x1, s29;
	s25 =	sadd.s32 $0x80, s0;
	[sflag:s14] =	ssyncset.done $0x0  }
.LBB2_5:
0xbb: {  	s0 =	sshll.u32 s31, $0xE  }
0xbc: {  	[sflag:s14] =	ssyncadd.s32 $0xFFFFC000;
	s16 =	smov.u32 s30;
	s2 =	sadd.s32 $0x1, s30  }
0xbd: {  	s31 =	sadd.s32 $0x3, s31;
	s29 =	sadd.s32 $0x3, s29;
	s0 =	sor.u32 $0x2000, s0  }
0xbe: {  	[tilespmem:s0], [sflag:s31] =	stream.indirect.gather [hbm4b:s4+s18], $0x80, s26, s18, $0xb8;
	[tilespmem:$0x1E800] =	vst v63  }
0xbf: {  	p1 =	sne.s32 s30, $0xE;
	_ =	swait.ge [sflag:s29], $0x4000  }
.Ltmp3:
0xc0: {  	s30 =	smov.u32 s2;
	[sflag:s29] =	ssyncset.done $0x0;
	(pc) =	sbr.rel @p1 .LBB2_5-.Ltmp3, $4  }
0xc1: {  	s0 =	sor.u32 $0x2000, s28;
	s26 =	sadd.s32 $0x80, s26;
	[sflag:s29] =	ssyncadd.s32 $0xFFFFC000  }
0xc2: {  	[spmem:s1] =	stream.indirect.scatter.add.f32 [tilespmem:s0], [sflag:$0x5], $0x80, s25, s18, $0xb8;
	[tilespmem:$0x1E800] =	vst v63  }
0xc3: {  	s29 =	sand.u32 $0x1, s16;
	s25 =	sadd.s32 $0x80, s25;
	_ =	swait.ge [sflag:s14], $0x4000  }
0xc4: {  	s31 =	sxor.u32 $0x1, s29;
	s28 =	sshll.u32 s29, $0xE;
	[sflag:s14] =	ssyncset.done $0x0  }
0xc5: {  	s0 =	sshll.u32 s31, $0xE;
	[sflag:s14] =	ssyncadd.s32 $0xFFFFC000  }
0xc6: {  	s2 =	sadd.s32 $0x3, s31;
	s16 =	sadd.s32 $0x3, s29;
	s0 =	sor.u32 $0x2000, s0  }
0xc7: {  	[tilespmem:s0], [sflag:s2] =	stream.indirect.gather [hbm4b:s4+s18], $0x80, s26, s18, $0xb8;
	[tilespmem:$0x1E800] =	vst v63  }
0xc8: {  	_ =	swait.ge [sflag:s16], $0x4000  }
0xc9: {  	[sflag:s16] =	ssyncset.done $0x0  }
0xca: {  	s30 =	sor.u32 $0x2000, s28;
	[sflag:s16] =	ssyncadd.s32 $0xFFFFC000  }
0xcb: {  	[spmem:s1] =	stream.indirect.scatter.add.f32 [tilespmem:s30], [sflag:$0x5], $0x80, s25, s18, $0xb8;
	[tilespmem:$0x1E800] =	vst v63  }
0xcc: {  	_ =	swait.ge [sflag:s14], $0x4000  }
0xcd: {  	[sflag:s14] =	ssyncset.done $0x0  }
0xce: {  	[sflag:s14] =	ssyncadd.s32 $0xFFFFC000  }
0xcf: {  	_ =	swait.ge [sflag:s20], $0x4000  }
0xd0: {  	[sflag:s20] =	ssyncset.done $0x0  }
.Ltmp4:
0xd1: {  	s31 =	sadd.s32 $0x1780, s24;
	[sflag:s20] =	ssyncadd.s32 $0xFFFFC000;
	(pc) =	sbr.rel @p0 .LBB2_8-.Ltmp4, $4  }
0xd2: {  	[spmem:s1] =	stream.indirect.scatter.add.f32 [tilespmem:s21], [sflag:$0x5], $0x80, s31, s18, $0xb8;
	[tilespmem:$0x1E800] =	vst v63  }
0xd3: {  	_ =	swait.ge [sflag:s14], $0x4000  }
0xd4: {  	[sflag:s14] =	ssyncset.done $0x0  }
0xd5: {  	[sflag:s14] =	ssyncadd.s32 $0xFFFFC000  }
0xd6: {  	_ =	swait.ge [sflag:s15], $0x800  }
.Ltmp5:
0xd7: {  	[sflag:s15] =	ssyncset.done $0x0;
	(pc) =	sbr.rel .LBB2_4-.Ltmp5, $4  }
0xd8: {  	[sflag:s15] =	ssyncadd.s32 $0xFFFFF800  }
0xd9: {  	_ =	swait.ge [sflag:s17], $0x800  }
0xda: {  	[sflag:s17] =	ssyncset.done $0x0  }
0xdb: {  	[sflag:s17] =	ssyncadd.s32 $0xFFFFF800  }
.LBB2_9:
0xdc: {  	_ =	sfence.sel $0x180000  }
0xdd: {  	[bflag:$0x0] =	sbarrier.arrive $0xFFFF  }
0xde: {  	_ =	strace $0x9000004A  }
0xdf: {  	s0 =	stileid.u32;
	[bflag:$0x2] =	sbarrier.arrive $0xFFFF  }
0xe0: {  	p0 =	sne.s32 s0, $0x0;
	s0 =	rddreg [dreg:$0x2]  }
0xe1: {  	s0 =	sadd.s32 @!p0 $0x100000, s0  }
0xe2: {  	[sflag:s0] =	ssyncadd.tile.s32 @!p0 $0x1;
	_ =	shalt  }
.Lfunc_end2:
_tile_overlayer_lowered:
.L_overlay_start_2:
0xe3: {  	(tag) =	ssettag $0x2  }
0xe4: {  	s0 =	rddreg [dreg:$0x0];
	s2 =	stileid.u32  }
0xe5: {  	s1 =	rddreg [dreg:$0x1];
	p0 =	sne.s32 s2, $0x0  }
0xe6: {  	s3 =	rddreg [dreg:$0x2];
	[bflag:$0x3] =	sbarrier.arrive $0xFFFF;
	s2 =	simm.s32 @!p0 $0x1C05  }
0xe7: {  	[timem:s3], [sflag:s2] =	dma.local @!p0 [hbm:s0], s1  }
0xe8: {  	s0 =	simm.s32 @!p0 $0x5  }
0xe9: {  	_ =	swait.ge @!p0 [sflag:s0], s1  }
0xea: {  	s1 =	ssub.s32 @!p0 $0x0, s1;
	[sflag:s0] =	ssyncset.done @!p0 $0x0  }
0xeb: {  	[sflag:s0] =	ssyncadd.s32 @!p0 s1  }
0xec: {  	[bflag:$0x3] =	sbarrier.arrive $0xFFFF  }
0xed: {  	_ =	shalt  }

</sc_bundles>
